<compile_context>
chip_gen: v7x
topology: tpu7x:2x2x1
jax: 0.10.2.dev20260603
libtpu: 0.0.44.dev20260713+nightly
codegen_flags: <defaults>
</compile_context>

<pallas_src>
import functools

import jax
import jax.numpy as jnp
from jax import lax
from jax.experimental import pallas as pl
from jax.experimental.pallas import tpu as pltpu
from jax.experimental.pallas import tpu_sc as plsc

HIDDEN = 128
BATCH = 16384
LCTX = 50

NUM_CORES = 2
NUM_SUBCORES = 16
NUM_WORKERS = NUM_CORES * NUM_SUBCORES
BPW = BATCH // NUM_WORKERS
BLK = 128
NBLK = BPW // BLK
NBUF = 2
NROW = 2 * LCTX
NGRP = 7
ROWS_PAD = NGRP * 16
DOTW = 128

_sc_mesh = plsc.VectorSubcoreMesh(core_axis_name="c", subcore_axis_name="s")


@functools.partial(
    pl.kernel,
    mesh=_sc_mesh,
    out_type=jax.ShapeDtypeStruct((BATCH, DOTW), jnp.float32),
    scratch_types=[
        pltpu.VMEM((BLK, LCTX), jnp.int32),
        pltpu.VMEM((BLK, LCTX), jnp.int32),
        pltpu.VMEM((BLK,), jnp.int32),
        pltpu.VMEM((BLK, HIDDEN), jnp.float32),
        [pltpu.VMEM((ROWS_PAD, HIDDEN), jnp.float32) for _ in range(NBUF)],
        pltpu.VMEM((BLK, DOTW), jnp.float32),
        [pltpu.SemaphoreType.DMA for _ in range(NBUF)],
        pltpu.SemaphoreType.DMA,
    ],
    compiler_params=pltpu.CompilerParams(needs_layout_passes=False),
)
def _sc_dots(in_ids, pos_ids, neg_ids, in_tab, out_tab, dots_hbm,
             pos_idx_v, neg_idx_v, in_idx_v, in_rows_v, rows_bufs,
             dots_v, sems, sem_misc):
    cid = lax.axis_index("c")
    sid = lax.axis_index("s")
    wid = sid * NUM_CORES + cid
    lane = lax.iota(jnp.int32, 16)

    def issue(b, rows_ref, sem):
        pltpu.async_copy(
            out_tab.at[pos_idx_v.at[b]], rows_ref.at[pl.ds(0, LCTX)], sem)
        pltpu.async_copy(
            out_tab.at[neg_idx_v.at[b]], rows_ref.at[pl.ds(LCTX, LCTX)], sem)

    def drain(b, rows_ref, sem):
        pltpu.make_async_copy(
            out_tab.at[pos_idx_v.at[b]], rows_ref.at[pl.ds(0, LCTX)],
            sem).wait()
        pltpu.make_async_copy(
            out_tab.at[neg_idx_v.at[b]], rows_ref.at[pl.ds(LCTX, LCTX)],
            sem).wait()

    def _tree_sum(vals):
        while len(vals) > 1:
            vals = [vals[i] + vals[i + 1] for i in range(0, len(vals) - 1, 2)] \
                + ([vals[-1]] if len(vals) % 2 else [])
        return vals[0]

    def compute(b, rows_ref):
        in_vecs = [in_rows_v[b, 16 * c:16 * (c + 1)] for c in range(8)]

        @plsc.parallel_loop(0, NGRP, 1, unroll=2)
        def grp_body(g):
            dvec = jnp.zeros((16,), jnp.float32)
            for l in range(16):
                r = g * 16 + l
                prods = [rows_ref[r, 16 * c:16 * (c + 1)] * in_vecs[c]
                         for c in range(8)]
                dvec = jnp.where(lane == l, jnp.sum(_tree_sum(prods)), dvec)
            dots_v[b, pl.ds(g * 16, 16)] = dvec

    def blk_body(blk, carry):
        b0 = wid * BPW + blk * BLK
        pltpu.sync_copy(pos_ids.at[pl.ds(b0, BLK)], pos_idx_v)
        pltpu.sync_copy(neg_ids.at[pl.ds(b0, BLK)], neg_idx_v)
        pltpu.sync_copy(in_ids.at[pl.ds(b0, BLK)], in_idx_v)

        for k in range(NBUF - 1):
            issue(k, rows_bufs[k], sems[k])
        pltpu.async_copy(in_tab.at[in_idx_v], in_rows_v, sem_misc).wait()

        def ring_body(i, carry2):
            for k in range(NBUF):
                b = NBUF * i + k

                @pl.when(b + NBUF - 1 < BLK)
                def _():
                    issue(b + NBUF - 1, rows_bufs[(k + NBUF - 1) % NBUF],
                          sems[(k + NBUF - 1) % NBUF])

                drain(b, rows_bufs[k], sems[k])
                compute(b, rows_bufs[k])
            return carry2

        lax.fori_loop(0, BLK // NBUF, ring_body, 0)
        pltpu.sync_copy(dots_v, dots_hbm.at[pl.ds(b0, BLK)])
        return carry

    lax.fori_loop(0, NBLK, blk_body, 0)


TC_ROWS = 2048


def _tc_loss_kernel(dots_ref, out_ref):
    i = pl.program_id(0)
    x = dots_ref[...]
    col = lax.broadcasted_iota(jnp.int32, x.shape, 1)
    t = jnp.log1p(jnp.exp(-jnp.abs(x)))
    ls_pos = jnp.minimum(x, 0.0) - t
    ls_neg = jnp.minimum(-x, 0.0) - t
    contrib = jnp.where(col < LCTX, ls_pos,
                        jnp.where(col < 2 * LCTX, ls_neg, 0.0))
    psum = jnp.sum(contrib)

    @pl.when(i == 0)
    def _init():
        out_ref[0, 0] = 0.0

    out_ref[0, 0] += psum

    @pl.when(i == pl.num_programs(0) - 1)
    def _fin():
        out_ref[0, 0] = out_ref[0, 0] * (-1.0 / (BATCH * LCTX))


def kernel(in_ids, pos_ids, neg_ids, in_table, out_table):
    dots = _sc_dots(in_ids.astype(jnp.int32), pos_ids.astype(jnp.int32),
                    neg_ids.astype(jnp.int32), in_table, out_table)
    loss = pl.pallas_call(
        _tc_loss_kernel,
        grid=(BATCH // TC_ROWS,),
        in_specs=[pl.BlockSpec((TC_ROWS, DOTW), lambda i: (i, 0))],
        out_specs=pl.BlockSpec((1, 1), lambda i: (0, 0),
                               memory_space=pltpu.SMEM),
        out_shape=jax.ShapeDtypeStruct((1, 1), jnp.float32),
    )(dots)
    return loss[0, 0]

# --- scband reference (transcript-rebuilt; emitter-appended) ---
"""Pipeline reference for scband-skip-gram-42657615184017 (READ-ONLY COPY).

The authoritative reference and input builder live on the scoring server;
editing this copy changes nothing except your own understanding.
"""

import jax, jax.numpy as jnp
import numpy as np

VOCAB = 100000
HIDDEN = 128
B = 16384
L = 50

def setup_inputs(seed: int = 0) -> dict:
    key = jax.random.key(seed)
    k1, k2, k3, k4, k5 = jax.random.split(key, 5)
    in_ids = jax.random.randint(k1, (B,), 0, VOCAB, dtype=jnp.int64 if jax.config.jax_enable_x64 else jnp.int32)
    pos_ids = jax.random.randint(k2, (B, L), 0, VOCAB, dtype=jnp.int64 if jax.config.jax_enable_x64 else jnp.int32)
    neg_ids = jax.random.randint(k3, (B, L), 0, VOCAB, dtype=jnp.int64 if jax.config.jax_enable_x64 else jnp.int32)
    in_table = jax.random.normal(k4, (VOCAB, HIDDEN), dtype=jnp.float32)
    out_table = jax.random.normal(k5, (VOCAB, HIDDEN), dtype=jnp.float32)
    return {"in_ids": in_ids, "pos_ids": pos_ids, "neg_ids": neg_ids,
            "in_table": in_table, "out_table": out_table}

def reference(in_ids, pos_ids, neg_ids, in_table, out_table):
    # in_embedding lookup: [B, H]
    in_embed = jnp.take(in_table, in_ids, axis=0)
    # out_embedding lookups: [B, L, H]
    pos_embed = jnp.take(out_table, pos_ids, axis=0)
    neg_embed = jnp.take(out_table, neg_ids, axis=0)
    # bmm(pos_embed [B,L,H], in_embed [B,H,1]) -> [B,L]
    pos_dot = jnp.einsum('blh,bh->bl', pos_embed, in_embed)
    neg_dot = -jnp.einsum('blh,bh->bl', neg_embed, in_embed)
    log_pos = jax.nn.log_sigmoid(pos_dot)
    log_neg = jax.nn.log_sigmoid(neg_dot)
    return -(log_pos + log_neg).mean()

if __name__ == "__main__":
    import jax
    _d = setup_inputs()
    print(jax.jit(kernel)(*tuple(_d.values())))

</pallas_src>

<mosaic_0001>
#map = affine_map<(d0, d1) -> (0)>
#map1 = affine_map<(d0, d1) -> (0, 0)>
module attributes {stable_mosaic.version = 14 : i64} {
  func.func @_sc_dots(%arg0: i32, %arg1: i32, %arg2: memref<16384xi32, #tpu.memory_space<hbm>>, %arg3: memref<16384x50xi32, #tpu.memory_space<hbm>>, %arg4: memref<16384x50xi32, #tpu.memory_space<hbm>>, %arg5: memref<100000x128xf32, #tpu.memory_space<hbm>>, %arg6: memref<100000x128xf32, #tpu.memory_space<hbm>>, %arg7: memref<16384x128xf32, #tpu.memory_space<hbm>>, %arg8: memref<128x50xi32, #tpu.memory_space<vmem>>, %arg9: memref<128x50xi32, #tpu.memory_space<vmem>>, %arg10: memref<128xi32, #tpu.memory_space<vmem>>, %arg11: memref<128x128xf32, #tpu.memory_space<vmem>>, %arg12: memref<112x128xf32, #tpu.memory_space<vmem>>, %arg13: memref<112x128xf32, #tpu.memory_space<vmem>>, %arg14: memref<128x128xf32, #tpu.memory_space<vmem>>, %arg15: memref<!tpu.dma_semaphore, #tpu.memory_space<semaphore_mem>>, %arg16: memref<!tpu.dma_semaphore, #tpu.memory_space<semaphore_mem>>, %arg17: memref<!tpu.dma_semaphore, #tpu.memory_space<semaphore_mem>>) attributes {dimension_semantics = [#tpu.dimension_semantics<core_parallel>, #tpu.dimension_semantics<subcore_parallel>], iteration_bounds = array<i64: 2, 16>, scalar_prefetch = 0 : i64, scratch_operands = 10 : i64, tpu.core_type = #tpu.core_type<sc_vector_subcore>, window_params = [{transform_indices = #map}, {transform_indices = #map1}, {transform_indices = #map1}, {transform_indices = #map1}, {transform_indices = #map1}, {transform_indices = #map1}]} {
    %mul3A = arith.constant 2 : i32
    %mul3A_0 = arith.muli %arg1, %mul3A : i32
    %add3A = arith.addi %mul3A_0, %arg0 : i32
    %iota3A = tpu.iota {dimensions = array<i32: 0>} : vector<16xi32>
    %scan3A = arith.constant 0 : i32
    %scan3A_1 = arith.constant 0 : i32
    %scan3A_2 = arith.constant 4 : i32
    %scan3A_3 = arith.addi %scan3A_1, %scan3A_2 : i32
    %scan3A_4 = arith.constant 1 : i32
    scf.for %scan3A_6 = %scan3A_1 to %scan3A_3 step %scan3A_4  : i32 {
      %mul3A_7 = arith.constant 512 : i32
      %mul3A_8 = arith.muli %add3A, %mul3A_7 : i32
      %mul3A_9 = arith.constant 128 : i32
      %mul3A_10 = arith.muli %scan3A_6, %mul3A_9 : i32
      %add3A_11 = arith.addi %mul3A_8, %mul3A_10 : i32
      "tpu.region"() ({
        %run_scoped3A = tpu.sem_alloc : memref<!tpu.dma_semaphore, #tpu.memory_space<semaphore_mem>>
        %dma_start3A_42 = arith.constant 0 : i32
        %dma_start3A_43 = tpu.memref_slice %arg3[%add3A_11, %dma_start3A_42] : memref<16384x50xi32, #tpu.memory_space<hbm>> -> memref<128x50xi32, #tpu.memory_space<hbm>>
        %dma_start3A_44 = arith.constant 0 : i32
        %dma_start3A_45 = tpu.memref_slice %arg3[%add3A_11, %dma_start3A_44] : memref<16384x50xi32, #tpu.memory_space<hbm>> -> memref<128x50xi32, #tpu.memory_space<hbm>>
        tpu.enqueue_dma source(%dma_start3A_45 : memref<128x50xi32, #tpu.memory_space<hbm>>) target(%arg8 : memref<128x50xi32, #tpu.memory_space<vmem>>) target_semaphore(%run_scoped3A : memref<!tpu.dma_semaphore, #tpu.memory_space<semaphore_mem>>)
        %dma_wait3A_46 = arith.constant 0 : i32
        %dma_wait3A_47 = tpu.memref_slice %arg3[%add3A_11, %dma_wait3A_46] : memref<16384x50xi32, #tpu.memory_space<hbm>> -> memref<128x50xi32, #tpu.memory_space<hbm>>
        %dma_wait3A_48 = arith.constant 0 : i32
        %dma_wait3A_49 = tpu.memref_slice %arg3[%add3A_11, %dma_wait3A_48] : memref<16384x50xi32, #tpu.memory_space<hbm>> -> memref<128x50xi32, #tpu.memory_space<hbm>>
        tpu.wait_dma2 semaphore(%run_scoped3A : memref<!tpu.dma_semaphore, #tpu.memory_space<semaphore_mem>>) src(%dma_wait3A_49 : memref<128x50xi32, #tpu.memory_space<hbm>>) dst(%arg8 : memref<128x50xi32, #tpu.memory_space<vmem>>)
        tpu.yield
      }) : () -> ()
      "tpu.region"() ({
        %run_scoped3A = tpu.sem_alloc : memref<!tpu.dma_semaphore, #tpu.memory_space<semaphore_mem>>
        %dma_start3A_42 = arith.constant 0 : i32
        %dma_start3A_43 = tpu.memref_slice %arg4[%add3A_11, %dma_start3A_42] : memref<16384x50xi32, #tpu.memory_space<hbm>> -> memref<128x50xi32, #tpu.memory_space<hbm>>
        %dma_start3A_44 = arith.constant 0 : i32
        %dma_start3A_45 = tpu.memref_slice %arg4[%add3A_11, %dma_start3A_44] : memref<16384x50xi32, #tpu.memory_space<hbm>> -> memref<128x50xi32, #tpu.memory_space<hbm>>
        tpu.enqueue_dma source(%dma_start3A_45 : memref<128x50xi32, #tpu.memory_space<hbm>>) target(%arg9 : memref<128x50xi32, #tpu.memory_space<vmem>>) target_semaphore(%run_scoped3A : memref<!tpu.dma_semaphore, #tpu.memory_space<semaphore_mem>>)
        %dma_wait3A_46 = arith.constant 0 : i32
        %dma_wait3A_47 = tpu.memref_slice %arg4[%add3A_11, %dma_wait3A_46] : memref<16384x50xi32, #tpu.memory_space<hbm>> -> memref<128x50xi32, #tpu.memory_space<hbm>>
        %dma_wait3A_48 = arith.constant 0 : i32
        %dma_wait3A_49 = tpu.memref_slice %arg4[%add3A_11, %dma_wait3A_48] : memref<16384x50xi32, #tpu.memory_space<hbm>> -> memref<128x50xi32, #tpu.memory_space<hbm>>
        tpu.wait_dma2 semaphore(%run_scoped3A : memref<!tpu.dma_semaphore, #tpu.memory_space<semaphore_mem>>) src(%dma_wait3A_49 : memref<128x50xi32, #tpu.memory_space<hbm>>) dst(%arg9 : memref<128x50xi32, #tpu.memory_space<vmem>>)
        tpu.yield
      }) : () -> ()
      "tpu.region"() ({
        %run_scoped3A = tpu.sem_alloc : memref<!tpu.dma_semaphore, #tpu.memory_space<semaphore_mem>>
        %dma_start3A_42 = tpu.memref_slice %arg2[%add3A_11] : memref<16384xi32, #tpu.memory_space<hbm>> -> memref<128xi32, #tpu.memory_space<hbm>>
        %dma_start3A_43 = tpu.memref_slice %arg2[%add3A_11] : memref<16384xi32, #tpu.memory_space<hbm>> -> memref<128xi32, #tpu.memory_space<hbm>>
        tpu.enqueue_dma source(%dma_start3A_43 : memref<128xi32, #tpu.memory_space<hbm>>) target(%arg10 : memref<128xi32, #tpu.memory_space<vmem>>) target_semaphore(%run_scoped3A : memref<!tpu.dma_semaphore, #tpu.memory_space<semaphore_mem>>)
        %dma_wait3A_44 = tpu.memref_slice %arg2[%add3A_11] : memref<16384xi32, #tpu.memory_space<hbm>> -> memref<128xi32, #tpu.memory_space<hbm>>
        %dma_wait3A_45 = tpu.memref_slice %arg2[%add3A_11] : memref<16384xi32, #tpu.memory_space<hbm>> -> memref<128xi32, #tpu.memory_space<hbm>>
        tpu.wait_dma2 semaphore(%run_scoped3A : memref<!tpu.dma_semaphore, #tpu.memory_space<semaphore_mem>>) src(%dma_wait3A_45 : memref<128xi32, #tpu.memory_space<hbm>>) dst(%arg10 : memref<128xi32, #tpu.memory_space<vmem>>)
        tpu.yield
      }) : () -> ()
      %dma_start3A = arith.constant 0 : i32
      %dma_start3A_12 = arith.constant 0 : i32
      %dma_start3A_13 = arith.constant 0 : i32
      %dma_start3A_14 = tpu.memref_slice %arg12[%dma_start3A_12, %dma_start3A_13] : memref<112x128xf32, #tpu.memory_space<vmem>> -> memref<50x128xf32, #tpu.memory_space<vmem>>
      %dma_start3A_15 = arith.constant 0 : i32
      %dma_start3A_16 = tpu.memref_slice %arg8[%dma_start3A, %dma_start3A_15] : memref<128x50xi32, #tpu.memory_space<vmem>> -> memref<1x50xi32, #tpu.memory_space<vmem>>
      %dma_start3A_17 = tpu.memref_squeeze %dma_start3A_16 : memref<1x50xi32, #tpu.memory_space<vmem>> -> memref<50xi32, #tpu.memory_space<vmem>>
      %dma_start3A_18 = arith.constant 0 : i32
      %dma_start3A_19 = arith.constant 0 : i32
      %dma_start3A_20 = tpu.memref_slice %arg6[%dma_start3A_18, %dma_start3A_19] : memref<100000x128xf32, #tpu.memory_space<hbm>> -> memref<100000x128xf32, #tpu.memory_space<hbm>>
      tpu.enqueue_indirect_dma source(%dma_start3A_20 : memref<100000x128xf32, #tpu.memory_space<hbm>>) target(%dma_start3A_14 : memref<50x128xf32, #tpu.memory_space<vmem>>) offsets(%dma_start3A_17 : memref<50xi32, #tpu.memory_space<vmem>>) semaphore(%arg15 : memref<!tpu.dma_semaphore, #tpu.memory_space<semaphore_mem>>)
      %dma_start3A_21 = arith.constant 0 : i32
      %dma_start3A_22 = arith.constant 50 : i32
      %dma_start3A_23 = arith.constant 0 : i32
      %dma_start3A_24 = tpu.memref_slice %arg12[%dma_start3A_22, %dma_start3A_23] : memref<112x128xf32, #tpu.memory_space<vmem>> -> memref<50x128xf32, #tpu.memory_space<vmem>>
      %dma_start3A_25 = arith.constant 0 : i32
      %dma_start3A_26 = tpu.memref_slice %arg9[%dma_start3A_21, %dma_start3A_25] : memref<128x50xi32, #tpu.memory_space<vmem>> -> memref<1x50xi32, #tpu.memory_space<vmem>>
      %dma_start3A_27 = tpu.memref_squeeze %dma_start3A_26 : memref<1x50xi32, #tpu.memory_space<vmem>> -> memref<50xi32, #tpu.memory_space<vmem>>
      %dma_start3A_28 = arith.constant 0 : i32
      %dma_start3A_29 = arith.constant 0 : i32
      %dma_start3A_30 = tpu.memref_slice %arg6[%dma_start3A_28, %dma_start3A_29] : memref<100000x128xf32, #tpu.memory_space<hbm>> -> memref<100000x128xf32, #tpu.memory_space<hbm>>
      tpu.enqueue_indirect_dma source(%dma_start3A_30 : memref<100000x128xf32, #tpu.memory_space<hbm>>) target(%dma_start3A_24 : memref<50x128xf32, #tpu.memory_space<vmem>>) offsets(%dma_start3A_27 : memref<50xi32, #tpu.memory_space<vmem>>) semaphore(%arg15 : memref<!tpu.dma_semaphore, #tpu.memory_space<semaphore_mem>>)
      %dma_start3A_31 = arith.constant 0 : i32
      %dma_start3A_32 = arith.constant 0 : i32
      %dma_start3A_33 = tpu.memref_slice %arg5[%dma_start3A_31, %dma_start3A_32] : memref<100000x128xf32, #tpu.memory_space<hbm>> -> memref<100000x128xf32, #tpu.memory_space<hbm>>
      tpu.enqueue_indirect_dma source(%dma_start3A_33 : memref<100000x128xf32, #tpu.memory_space<hbm>>) target(%arg11 : memref<128x128xf32, #tpu.memory_space<vmem>>) offsets(%arg10 : memref<128xi32, #tpu.memory_space<vmem>>) semaphore(%arg17 : memref<!tpu.dma_semaphore, #tpu.memory_space<semaphore_mem>>)
      %dma_wait3A = arith.constant 0 : i32
      %dma_wait3A_34 = arith.constant 0 : i32
      %dma_wait3A_35 = tpu.memref_slice %arg5[%dma_wait3A, %dma_wait3A_34] : memref<100000x128xf32, #tpu.memory_space<hbm>> -> memref<100000x128xf32, #tpu.memory_space<hbm>>
      tpu.wait_indirect_dma semaphore(%arg17 : memref<!tpu.dma_semaphore, #tpu.memory_space<semaphore_mem>>) src(%dma_wait3A_35 : memref<100000x128xf32, #tpu.memory_space<hbm>>) dst(%arg11 : memref<128x128xf32, #tpu.memory_space<vmem>>)
      %scan3A_36 = arith.constant 0 : i32
      %scan3A_37 = arith.constant 0 : i32
      %scan3A_38 = arith.constant 64 : i32
      %scan3A_39 = arith.addi %scan3A_37, %scan3A_38 : i32
      %scan3A_40 = arith.constant 1 : i32
      scf.for %scan3A_42 = %scan3A_37 to %scan3A_39 step %scan3A_40  : i32 {
        %mul3A_43 = arith.constant 2 : i32
        %mul3A_44 = arith.muli %mul3A_43, %scan3A_42 : i32
        %add3A_45 = arith.constant 0 : i32
        %add3A_46 = arith.addi %mul3A_44, %add3A_45 : i32
        %add3A_47 = arith.constant 2 : i32
        %add3A_48 = arith.addi %add3A_46, %add3A_47 : i32
        %sub3A = arith.constant 1 : i32
        %sub3A_49 = arith.subi %add3A_48, %sub3A : i32
        %lt3A = arith.constant 128 : i32
        %lt3A_50 = arith.cmpi slt, %sub3A_49, %lt3A : i32
        %convert_element_type3A = arith.extui %lt3A_50 : i1 to i32
        %cond3A = arith.constant 0 : i32
        %cond3A_51 = arith.cmpi ne, %convert_element_type3A, %cond3A : i32
        scf.if %cond3A_51 {
          %add3A_153 = arith.constant 2 : i32
          %add3A_154 = arith.addi %add3A_46, %add3A_153 : i32
          %sub3A_155 = arith.constant 1 : i32
          %sub3A_156 = arith.subi %add3A_154, %sub3A_155 : i32
          %dma_start3A_157 = arith.constant 0 : i32
          %dma_start3A_158 = arith.constant 0 : i32
          %dma_start3A_159 = tpu.memref_slice %arg13[%dma_start3A_157, %dma_start3A_158] : memref<112x128xf32, #tpu.memory_space<vmem>> -> memref<50x128xf32, #tpu.memory_space<vmem>>
          %dma_start3A_160 = arith.constant 0 : i32
          %dma_start3A_161 = tpu.memref_slice %arg8[%sub3A_156, %dma_start3A_160] : memref<128x50xi32, #tpu.memory_space<vmem>> -> memref<1x50xi32, #tpu.memory_space<vmem>>
          %dma_start3A_162 = tpu.memref_squeeze %dma_start3A_161 : memref<1x50xi32, #tpu.memory_space<vmem>> -> memref<50xi32, #tpu.memory_space<vmem>>
          %dma_start3A_163 = arith.constant 0 : i32
          %dma_start3A_164 = arith.constant 0 : i32
          %dma_start3A_165 = tpu.memref_slice %arg6[%dma_start3A_163, %dma_start3A_164] : memref<100000x128xf32, #tpu.memory_space<hbm>> -> memref<100000x128xf32, #tpu.memory_space<hbm>>
          tpu.enqueue_indirect_dma source(%dma_start3A_165 : memref<100000x128xf32, #tpu.memory_space<hbm>>) target(%dma_start3A_159 : memref<50x128xf32, #tpu.memory_space<vmem>>) offsets(%dma_start3A_162 : memref<50xi32, #tpu.memory_space<vmem>>) semaphore(%arg16 : memref<!tpu.dma_semaphore, #tpu.memory_space<semaphore_mem>>)
          %dma_start3A_166 = arith.constant 50 : i32
          %dma_start3A_167 = arith.constant 0 : i32
          %dma_start3A_168 = tpu.memref_slice %arg13[%dma_start3A_166, %dma_start3A_167] : memref<112x128xf32, #tpu.memory_space<vmem>> -> memref<50x128xf32, #tpu.memory_space<vmem>>
          %dma_start3A_169 = arith.constant 0 : i32
          %dma_start3A_170 = tpu.memref_slice %arg9[%sub3A_156, %dma_start3A_169] : memref<128x50xi32, #tpu.memory_space<vmem>> -> memref<1x50xi32, #tpu.memory_space<vmem>>
          %dma_start3A_171 = tpu.memref_squeeze %dma_start3A_170 : memref<1x50xi32, #tpu.memory_space<vmem>> -> memref<50xi32, #tpu.memory_space<vmem>>
          %dma_start3A_172 = arith.constant 0 : i32
          %dma_start3A_173 = arith.constant 0 : i32
          %dma_start3A_174 = tpu.memref_slice %arg6[%dma_start3A_172, %dma_start3A_173] : memref<100000x128xf32, #tpu.memory_space<hbm>> -> memref<100000x128xf32, #tpu.memory_space<hbm>>
          tpu.enqueue_indirect_dma source(%dma_start3A_174 : memref<100000x128xf32, #tpu.memory_space<hbm>>) target(%dma_start3A_168 : memref<50x128xf32, #tpu.memory_space<vmem>>) offsets(%dma_start3A_171 : memref<50xi32, #tpu.memory_space<vmem>>) semaphore(%arg16 : memref<!tpu.dma_semaphore, #tpu.memory_space<semaphore_mem>>)
        } else {
        }
        %dma_wait3A_52 = arith.constant 0 : i32
        %dma_wait3A_53 = arith.constant 0 : i32
        %dma_wait3A_54 = tpu.memref_slice %arg12[%dma_wait3A_52, %dma_wait3A_53] : memref<112x128xf32, #tpu.memory_space<vmem>> -> memref<50x128xf32, #tpu.memory_space<vmem>>
        %dma_wait3A_55 = arith.constant 0 : i32
        %dma_wait3A_56 = tpu.memref_slice %arg8[%add3A_46, %dma_wait3A_55] : memref<128x50xi32, #tpu.memory_space<vmem>> -> memref<1x50xi32, #tpu.memory_space<vmem>>
        %dma_wait3A_57 = tpu.memref_squeeze %dma_wait3A_56 : memref<1x50xi32, #tpu.memory_space<vmem>> -> memref<50xi32, #tpu.memory_space<vmem>>
        %dma_wait3A_58 = arith.constant 0 : i32
        %dma_wait3A_59 = arith.constant 0 : i32
        %dma_wait3A_60 = tpu.memref_slice %arg6[%dma_wait3A_58, %dma_wait3A_59] : memref<100000x128xf32, #tpu.memory_space<hbm>> -> memref<100000x128xf32, #tpu.memory_space<hbm>>
        tpu.wait_indirect_dma semaphore(%arg15 : memref<!tpu.dma_semaphore, #tpu.memory_space<semaphore_mem>>) src(%dma_wait3A_60 : memref<100000x128xf32, #tpu.memory_space<hbm>>) dst(%dma_wait3A_54 : memref<50x128xf32, #tpu.memory_space<vmem>>)
        %dma_wait3A_61 = arith.constant 50 : i32
        %dma_wait3A_62 = arith.constant 0 : i32
        %dma_wait3A_63 = tpu.memref_slice %arg12[%dma_wait3A_61, %dma_wait3A_62] : memref<112x128xf32, #tpu.memory_space<vmem>> -> memref<50x128xf32, #tpu.memory_space<vmem>>
        %dma_wait3A_64 = arith.constant 0 : i32
        %dma_wait3A_65 = tpu.memref_slice %arg9[%add3A_46, %dma_wait3A_64] : memref<128x50xi32, #tpu.memory_space<vmem>> -> memref<1x50xi32, #tpu.memory_space<vmem>>
        %dma_wait3A_66 = tpu.memref_squeeze %dma_wait3A_65 : memref<1x50xi32, #tpu.memory_space<vmem>> -> memref<50xi32, #tpu.memory_space<vmem>>
        %dma_wait3A_67 = arith.constant 0 : i32
        %dma_wait3A_68 = arith.constant 0 : i32
        %dma_wait3A_69 = tpu.memref_slice %arg6[%dma_wait3A_67, %dma_wait3A_68] : memref<100000x128xf32, #tpu.memory_space<hbm>> -> memref<100000x128xf32, #tpu.memory_space<hbm>>
        tpu.wait_indirect_dma semaphore(%arg15 : memref<!tpu.dma_semaphore, #tpu.memory_space<semaphore_mem>>) src(%dma_wait3A_69 : memref<100000x128xf32, #tpu.memory_space<hbm>>) dst(%dma_wait3A_63 : memref<50x128xf32, #tpu.memory_space<vmem>>)
        %get3A = arith.index_cast %add3A_46 : i32 to index
        %get3A_70 = arith.constant 0 : index
        %get3A_71 = tpu.vector_load %arg11[%get3A, %get3A_70] {strides = array<i32>} : memref<128x128xf32, #tpu.memory_space<vmem>>, vector<16xf32>,
        %get3A_72 = arith.index_cast %add3A_46 : i32 to index
        %get3A_73 = arith.constant 16 : index
        %get3A_74 = tpu.vector_load %arg11[%get3A_72, %get3A_73] {strides = array<i32>} : memref<128x128xf32, #tpu.memory_space<vmem>>, vector<16xf32>,
        %get3A_75 = arith.index_cast %add3A_46 : i32 to index
        %get3A_76 = arith.constant 32 : index
        %get3A_77 = tpu.vector_load %arg11[%get3A_75, %get3A_76] {strides = array<i32>} : memref<128x128xf32, #tpu.memory_space<vmem>>, vector<16xf32>,
        %get3A_78 = arith.index_cast %add3A_46 : i32 to index
        %get3A_79 = arith.constant 48 : index
        %get3A_80 = tpu.vector_load %arg11[%get3A_78, %get3A_79] {strides = array<i32>} : memref<128x128xf32, #tpu.memory_space<vmem>>, vector<16xf32>,
        %get3A_81 = arith.index_cast %add3A_46 : i32 to index
        %get3A_82 = arith.constant 64 : index
        %get3A_83 = tpu.vector_load %arg11[%get3A_81, %get3A_82] {strides = array<i32>} : memref<128x128xf32, #tpu.memory_space<vmem>>, vector<16xf32>,
        %get3A_84 = arith.index_cast %add3A_46 : i32 to index
        %get3A_85 = arith.constant 80 : index
        %get3A_86 = tpu.vector_load %arg11[%get3A_84, %get3A_85] {strides = array<i32>} : memref<128x128xf32, #tpu.memory_space<vmem>>, vector<16xf32>,
        %get3A_87 = arith.index_cast %add3A_46 : i32 to index
        %get3A_88 = arith.constant 96 : index
        %get3A_89 = tpu.vector_load %arg11[%get3A_87, %get3A_88] {strides = array<i32>} : memref<128x128xf32, #tpu.memory_space<vmem>>, vector<16xf32>,
        %get3A_90 = arith.index_cast %add3A_46 : i32 to index
        %get3A_91 = arith.constant 112 : index
        %get3A_92 = tpu.vector_load %arg11[%get3A_90, %get3A_91] {strides = array<i32>} : memref<128x128xf32, #tpu.memory_space<vmem>>, vector<16xf32>,
        %parallel_loop3A = arith.constant 0 : i32
        %parallel_loop3A_93 = arith.constant 7 : i32
        %parallel_loop3A_94 = arith.constant 1 : i32
        scf.for %parallel_loop3A_153 = %parallel_loop3A to %parallel_loop3A_93 step %parallel_loop3A_94  : i32 {
          %parallel_loop3A_154 = arith.constant 0.000000e+00 : f32
          %parallel_loop3A_155 = vector.broadcast %parallel_loop3A_154 : f32 to vector<16xf32>
          %parallel_loop3A_156 = arith.constant 16 : i32
          %parallel_loop3A_157 = arith.muli %parallel_loop3A_153, %parallel_loop3A_156 : i32
          %parallel_loop3A_158 = arith.constant 0 : i32
          %parallel_loop3A_159 = arith.addi %parallel_loop3A_157, %parallel_loop3A_158 : i32
          %parallel_loop3A_160 = arith.index_cast %parallel_loop3A_159 : i32 to index
          %parallel_loop3A_161 = arith.constant 0 : index
          %parallel_loop3A_162 = tpu.vector_load %arg12[%parallel_loop3A_160, %parallel_loop3A_161] {strides = array<i32>} : memref<112x128xf32, #tpu.memory_space<vmem>>, vector<16xf32>,
          %parallel_loop3A_163 = arith.mulf %parallel_loop3A_162, %get3A_71 : vector<16xf32>
          %parallel_loop3A_164 = arith.index_cast %parallel_loop3A_159 : i32 to index
          %parallel_loop3A_165 = arith.constant 16 : index
          %parallel_loop3A_166 = tpu.vector_load %arg12[%parallel_loop3A_164, %parallel_loop3A_165] {strides = array<i32>} : memref<112x128xf32, #tpu.memory_space<vmem>>, vector<16xf32>,
          %parallel_loop3A_167 = arith.mulf %parallel_loop3A_166, %get3A_74 : vector<16xf32>
          %parallel_loop3A_168 = arith.index_cast %parallel_loop3A_159 : i32 to index
          %parallel_loop3A_169 = arith.constant 32 : index
          %parallel_loop3A_170 = tpu.vector_load %arg12[%parallel_loop3A_168, %parallel_loop3A_169] {strides = array<i32>} : memref<112x128xf32, #tpu.memory_space<vmem>>, vector<16xf32>,
          %parallel_loop3A_171 = arith.mulf %parallel_loop3A_170, %get3A_77 : vector<16xf32>
          %parallel_loop3A_172 = arith.index_cast %parallel_loop3A_159 : i32 to index
          %parallel_loop3A_173 = arith.constant 48 : index
          %parallel_loop3A_174 = tpu.vector_load %arg12[%parallel_loop3A_172, %parallel_loop3A_173] {strides = array<i32>} : memref<112x128xf32, #tpu.memory_space<vmem>>, vector<16xf32>,
          %parallel_loop3A_175 = arith.mulf %parallel_loop3A_174, %get3A_80 : vector<16xf32>
          %parallel_loop3A_176 = arith.index_cast %parallel_loop3A_159 : i32 to index
          %parallel_loop3A_177 = arith.constant 64 : index
          %parallel_loop3A_178 = tpu.vector_load %arg12[%parallel_loop3A_176, %parallel_loop3A_177] {strides = array<i32>} : memref<112x128xf32, #tpu.memory_space<vmem>>, vector<16xf32>,
          %parallel_loop3A_179 = arith.mulf %parallel_loop3A_178, %get3A_83 : vector<16xf32>
          %parallel_loop3A_180 = arith.index_cast %parallel_loop3A_159 : i32 to index
          %parallel_loop3A_181 = arith.constant 80 : index
          %parallel_loop3A_182 = tpu.vector_load %arg12[%parallel_loop3A_180, %parallel_loop3A_181] {strides = array<i32>} : memref<112x128xf32, #tpu.memory_space<vmem>>, vector<16xf32>,
          %parallel_loop3A_183 = arith.mulf %parallel_loop3A_182, %get3A_86 : vector<16xf32>
          %parallel_loop3A_184 = arith.index_cast %parallel_loop3A_159 : i32 to index
          %parallel_loop3A_185 = arith.constant 96 : index
          %parallel_loop3A_186 = tpu.vector_load %arg12[%parallel_loop3A_184, %parallel_loop3A_185] {strides = array<i32>} : memref<112x128xf32, #tpu.memory_space<vmem>>, vector<16xf32>,
          %parallel_loop3A_187 = arith.mulf %parallel_loop3A_186, %get3A_89 : vector<16xf32>
          %parallel_loop3A_188 = arith.index_cast %parallel_loop3A_159 : i32 to index
          %parallel_loop3A_189 = arith.constant 112 : index
          %parallel_loop3A_190 = tpu.vector_load %arg12[%parallel_loop3A_188, %parallel_loop3A_189] {strides = array<i32>} : memref<112x128xf32, #tpu.memory_space<vmem>>, vector<16xf32>,
          %parallel_loop3A_191 = arith.mulf %parallel_loop3A_190, %get3A_92 : vector<16xf32>
          %parallel_loop3A_192 = arith.constant 0 : i32
          %parallel_loop3A_193 = vector.broadcast %parallel_loop3A_192 : i32 to vector<16xi32>
          %parallel_loop3A_194 = arith.cmpi eq, %iota3A, %parallel_loop3A_193 : vector<16xi32>
          %parallel_loop3A_195 = arith.addf %parallel_loop3A_163, %parallel_loop3A_167 : vector<16xf32>
          %parallel_loop3A_196 = arith.addf %parallel_loop3A_171, %parallel_loop3A_175 : vector<16xf32>
          %parallel_loop3A_197 = arith.addf %parallel_loop3A_179, %parallel_loop3A_183 : vector<16xf32>
          %parallel_loop3A_198 = arith.addf %parallel_loop3A_187, %parallel_loop3A_191 : vector<16xf32>
          %parallel_loop3A_199 = arith.addf %parallel_loop3A_195, %parallel_loop3A_196 : vector<16xf32>
          %parallel_loop3A_200 = arith.addf %parallel_loop3A_197, %parallel_loop3A_198 : vector<16xf32>
          %parallel_loop3A_201 = arith.addf %parallel_loop3A_199, %parallel_loop3A_200 : vector<16xf32>
          %parallel_loop3A_202 = arith.constant true
          %parallel_loop3A_203 = vector.broadcast %parallel_loop3A_202 : i1 to vector<16xi1>
          %parallel_loop3A_204 = tpu.scan <sum>, %parallel_loop3A_201 masked %parallel_loop3A_203 : vector<16xf32>, vector<16xi1> -> vector<16xf32>
          %parallel_loop3A_205 = vector.extract %parallel_loop3A_204[15] : f32 from vector<16xf32>
          %parallel_loop3A_206 = vector.broadcast %parallel_loop3A_205 : f32 to vector<16xf32>
          %parallel_loop3A_207 = arith.select %parallel_loop3A_194, %parallel_loop3A_206, %parallel_loop3A_155 : vector<16xi1>, vector<16xf32>
          %parallel_loop3A_208 = arith.constant 16 : i32
          %parallel_loop3A_209 = arith.muli %parallel_loop3A_153, %parallel_loop3A_208 : i32
          %parallel_loop3A_210 = arith.constant 1 : i32
          %parallel_loop3A_211 = arith.addi %parallel_loop3A_209, %parallel_loop3A_210 : i32
          %parallel_loop3A_212 = arith.index_cast %parallel_loop3A_211 : i32 to index
          %parallel_loop3A_213 = arith.constant 0 : index
          %parallel_loop3A_214 = tpu.vector_load %arg12[%parallel_loop3A_212, %parallel_loop3A_213] {strides = array<i32>} : memref<112x128xf32, #tpu.memory_space<vmem>>, vector<16xf32>,
          %parallel_loop3A_215 = arith.mulf %parallel_loop3A_214, %get3A_71 : vector<16xf32>
          %parallel_loop3A_216 = arith.index_cast %parallel_loop3A_211 : i32 to index
          %parallel_loop3A_217 = arith.constant 16 : index
          %parallel_loop3A_218 = tpu.vector_load %arg12[%parallel_loop3A_216, %parallel_loop3A_217] {strides = array<i32>} : memref<112x128xf32, #tpu.memory_space<vmem>>, vector<16xf32>,
          %parallel_loop3A_219 = arith.mulf %parallel_loop3A_218, %get3A_74 : vector<16xf32>
          %parallel_loop3A_220 = arith.index_cast %parallel_loop3A_211 : i32 to index
          %parallel_loop3A_221 = arith.constant 32 : index
          %parallel_loop3A_222 = tpu.vector_load %arg12[%parallel_loop3A_220, %parallel_loop3A_221] {strides = array<i32>} : memref<112x128xf32, #tpu.memory_space<vmem>>, vector<16xf32>,
          %parallel_loop3A_223 = arith.mulf %parallel_loop3A_222, %get3A_77 : vector<16xf32>
          %parallel_loop3A_224 = arith.index_cast %parallel_loop3A_211 : i32 to index
          %parallel_loop3A_225 = arith.constant 48 : index
          %parallel_loop3A_226 = tpu.vector_load %arg12[%parallel_loop3A_224, %parallel_loop3A_225] {strides = array<i32>} : memref<112x128xf32, #tpu.memory_space<vmem>>, vector<16xf32>,
          %parallel_loop3A_227 = arith.mulf %parallel_loop3A_226, %get3A_80 : vector<16xf32>
          %parallel_loop3A_228 = arith.index_cast %parallel_loop3A_211 : i32 to index
          %parallel_loop3A_229 = arith.constant 64 : index
          %parallel_loop3A_230 = tpu.vector_load %arg12[%parallel_loop3A_228, %parallel_loop3A_229] {strides = array<i32>} : memref<112x128xf32, #tpu.memory_space<vmem>>, vector<16xf32>,
          %parallel_loop3A_231 = arith.mulf %parallel_loop3A_230, %get3A_83 : vector<16xf32>
          %parallel_loop3A_232 = arith.index_cast %parallel_loop3A_211 : i32 to index
          %parallel_loop3A_233 = arith.constant 80 : index
          %parallel_loop3A_234 = tpu.vector_load %arg12[%parallel_loop3A_232, %parallel_loop3A_233] {strides = array<i32>} : memref<112x128xf32, #tpu.memory_space<vmem>>, vector<16xf32>,
          %parallel_loop3A_235 = arith.mulf %parallel_loop3A_234, %get3A_86 : vector<16xf32>
          %parallel_loop3A_236 = arith.index_cast %parallel_loop3A_211 : i32 to index
          %parallel_loop3A_237 = arith.constant 96 : index
          %parallel_loop3A_238 = tpu.vector_load %arg12[%parallel_loop3A_236, %parallel_loop3A_237] {strides = array<i32>} : memref<112x128xf32, #tpu.memory_space<vmem>>, vector<16xf32>,
          %parallel_loop3A_239 = arith.mulf %parallel_loop3A_238, %get3A_89 : vector<16xf32>
          %parallel_loop3A_240 = arith.index_cast %parallel_loop3A_211 : i32 to index
          %parallel_loop3A_241 = arith.constant 112 : index
          %parallel_loop3A_242 = tpu.vector_load %arg12[%parallel_loop3A_240, %parallel_loop3A_241] {strides = array<i32>} : memref<112x128xf32, #tpu.memory_space<vmem>>, vector<16xf32>,
          %parallel_loop3A_243 = arith.mulf %parallel_loop3A_242, %get3A_92 : vector<16xf32>
          %parallel_loop3A_244 = arith.constant 1 : i32
          %parallel_loop3A_245 = vector.broadcast %parallel_loop3A_244 : i32 to vector<16xi32>
          %parallel_loop3A_246 = arith.cmpi eq, %iota3A, %parallel_loop3A_245 : vector<16xi32>
          %parallel_loop3A_247 = arith.addf %parallel_loop3A_215, %parallel_loop3A_219 : vector<16xf32>
          %parallel_loop3A_248 = arith.addf %parallel_loop3A_223, %parallel_loop3A_227 : vector<16xf32>
          %parallel_loop3A_249 = arith.addf %parallel_loop3A_231, %parallel_loop3A_235 : vector<16xf32>
          %parallel_loop3A_250 = arith.addf %parallel_loop3A_239, %parallel_loop3A_243 : vector<16xf32>
          %parallel_loop3A_251 = arith.addf %parallel_loop3A_247, %parallel_loop3A_248 : vector<16xf32>
          %parallel_loop3A_252 = arith.addf %parallel_loop3A_249, %parallel_loop3A_250 : vector<16xf32>
          %parallel_loop3A_253 = arith.addf %parallel_loop3A_251, %parallel_loop3A_252 : vector<16xf32>
          %parallel_loop3A_254 = arith.constant true
          %parallel_loop3A_255 = vector.broadcast %parallel_loop3A_254 : i1 to vector<16xi1>
          %parallel_loop3A_256 = tpu.scan <sum>, %parallel_loop3A_253 masked %parallel_loop3A_255 : vector<16xf32>, vector<16xi1> -> vector<16xf32>
          %parallel_loop3A_257 = vector.extract %parallel_loop3A_256[15] : f32 from vector<16xf32>
          %parallel_loop3A_258 = vector.broadcast %parallel_loop3A_257 : f32 to vector<16xf32>
          %parallel_loop3A_259 = arith.select %parallel_loop3A_246, %parallel_loop3A_258, %parallel_loop3A_207 : vector<16xi1>, vector<16xf32>
          %parallel_loop3A_260 = arith.constant 16 : i32
          %parallel_loop3A_261 = arith.muli %parallel_loop3A_153, %parallel_loop3A_260 : i32
          %parallel_loop3A_262 = arith.constant 2 : i32
          %parallel_loop3A_263 = arith.addi %parallel_loop3A_261, %parallel_loop3A_262 : i32
          %parallel_loop3A_264 = arith.index_cast %parallel_loop3A_263 : i32 to index
          %parallel_loop3A_265 = arith.constant 0 : index
          %parallel_loop3A_266 = tpu.vector_load %arg12[%parallel_loop3A_264, %parallel_loop3A_265] {strides = array<i32>} : memref<112x128xf32, #tpu.memory_space<vmem>>, vector<16xf32>,
          %parallel_loop3A_267 = arith.mulf %parallel_loop3A_266, %get3A_71 : vector<16xf32>
          %parallel_loop3A_268 = arith.index_cast %parallel_loop3A_263 : i32 to index
          %parallel_loop3A_269 = arith.constant 16 : index
          %parallel_loop3A_270 = tpu.vector_load %arg12[%parallel_loop3A_268, %parallel_loop3A_269] {strides = array<i32>} : memref<112x128xf32, #tpu.memory_space<vmem>>, vector<16xf32>,
          %parallel_loop3A_271 = arith.mulf %parallel_loop3A_270, %get3A_74 : vector<16xf32>
          %parallel_loop3A_272 = arith.index_cast %parallel_loop3A_263 : i32 to index
          %parallel_loop3A_273 = arith.constant 32 : index
          %parallel_loop3A_274 = tpu.vector_load %arg12[%parallel_loop3A_272, %parallel_loop3A_273] {strides = array<i32>} : memref<112x128xf32, #tpu.memory_space<vmem>>, vector<16xf32>,
          %parallel_loop3A_275 = arith.mulf %parallel_loop3A_274, %get3A_77 : vector<16xf32>
          %parallel_loop3A_276 = arith.index_cast %parallel_loop3A_263 : i32 to index
          %parallel_loop3A_277 = arith.constant 48 : index
          %parallel_loop3A_278 = tpu.vector_load %arg12[%parallel_loop3A_276, %parallel_loop3A_277] {strides = array<i32>} : memref<112x128xf32, #tpu.memory_space<vmem>>, vector<16xf32>,
          %parallel_loop3A_279 = arith.mulf %parallel_loop3A_278, %get3A_80 : vector<16xf32>
          %parallel_loop3A_280 = arith.index_cast %parallel_loop3A_263 : i32 to index
          %parallel_loop3A_281 = arith.constant 64 : index
          %parallel_loop3A_282 = tpu.vector_load %arg12[%parallel_loop3A_280, %parallel_loop3A_281] {strides = array<i32>} : memref<112x128xf32, #tpu.memory_space<vmem>>, vector<16xf32>,
          %parallel_loop3A_283 = arith.mulf %parallel_loop3A_282, %get3A_83 : vector<16xf32>
          %parallel_loop3A_284 = arith.index_cast %parallel_loop3A_263 : i32 to index
          %parallel_loop3A_285 = arith.constant 80 : index
          %parallel_loop3A_286 = tpu.vector_load %arg12[%parallel_loop3A_284, %parallel_loop3A_285] {strides = array<i32>} : memref<112x128xf32, #tpu.memory_space<vmem>>, vector<16xf32>,
          %parallel_loop3A_287 = arith.mulf %parallel_loop3A_286, %get3A_86 : vector<16xf32>
          %parallel_loop3A_288 = arith.index_cast %parallel_loop3A_263 : i32 to index
          %parallel_loop3A_289 = arith.constant 96 : index
          %parallel_loop3A_290 = tpu.vector_load %arg12[%parallel_loop3A_288, %parallel_loop3A_289] {strides = array<i32>} : memref<112x128xf32, #tpu.memory_space<vmem>>, vector<16xf32>,
          %parallel_loop3A_291 = arith.mulf %parallel_loop3A_290, %get3A_89 : vector<16xf32>
          %parallel_loop3A_292 = arith.index_cast %parallel_loop3A_263 : i32 to index
          %parallel_loop3A_293 = arith.constant 112 : index
          %parallel_loop3A_294 = tpu.vector_load %arg12[%parallel_loop3A_292, %parallel_loop3A_293] {strides = array<i32>} : memref<112x128xf32, #tpu.memory_space<vmem>>, vector<16xf32>,
          %parallel_loop3A_295 = arith.mulf %parallel_loop3A_294, %get3A_92 : vector<16xf32>
          %parallel_loop3A_296 = arith.constant 2 : i32
          %parallel_loop3A_297 = vector.broadcast %parallel_loop3A_296 : i32 to vector<16xi32>
          %parallel_loop3A_298 = arith.cmpi eq, %iota3A, %parallel_loop3A_297 : vector<16xi32>
          %parallel_loop3A_299 = arith.addf %parallel_loop3A_267, %parallel_loop3A_271 : vector<16xf32>
          %parallel_loop3A_300 = arith.addf %parallel_loop3A_275, %parallel_loop3A_279 : vector<16xf32>
          %parallel_loop3A_301 = arith.addf %parallel_loop3A_283, %parallel_loop3A_287 : vector<16xf32>
          %parallel_loop3A_302 = arith.addf %parallel_loop3A_291, %parallel_loop3A_295 : vector<16xf32>
          %parallel_loop3A_303 = arith.addf %parallel_loop3A_299, %parallel_loop3A_300 : vector<16xf32>
          %parallel_loop3A_304 = arith.addf %parallel_loop3A_301, %parallel_loop3A_302 : vector<16xf32>
          %parallel_loop3A_305 = arith.addf %parallel_loop3A_303, %parallel_loop3A_304 : vector<16xf32>
          %parallel_loop3A_306 = arith.constant true
          %parallel_loop3A_307 = vector.broadcast %parallel_loop3A_306 : i1 to vector<16xi1>
          %parallel_loop3A_308 = tpu.scan <sum>, %parallel_loop3A_305 masked %parallel_loop3A_307 : vector<16xf32>, vector<16xi1> -> vector<16xf32>
          %parallel_loop3A_309 = vector.extract %parallel_loop3A_308[15] : f32 from vector<16xf32>
          %parallel_loop3A_310 = vector.broadcast %parallel_loop3A_309 : f32 to vector<16xf32>
          %parallel_loop3A_311 = arith.select %parallel_loop3A_298, %parallel_loop3A_310, %parallel_loop3A_259 : vector<16xi1>, vector<16xf32>
          %parallel_loop3A_312 = arith.constant 16 : i32
          %parallel_loop3A_313 = arith.muli %parallel_loop3A_153, %parallel_loop3A_312 : i32
          %parallel_loop3A_314 = arith.constant 3 : i32
          %parallel_loop3A_315 = arith.addi %parallel_loop3A_313, %parallel_loop3A_314 : i32
          %parallel_loop3A_316 = arith.index_cast %parallel_loop3A_315 : i32 to index
          %parallel_loop3A_317 = arith.constant 0 : index
          %parallel_loop3A_318 = tpu.vector_load %arg12[%parallel_loop3A_316, %parallel_loop3A_317] {strides = array<i32>} : memref<112x128xf32, #tpu.memory_space<vmem>>, vector<16xf32>,
          %parallel_loop3A_319 = arith.mulf %parallel_loop3A_318, %get3A_71 : vector<16xf32>
          %parallel_loop3A_320 = arith.index_cast %parallel_loop3A_315 : i32 to index
          %parallel_loop3A_321 = arith.constant 16 : index
          %parallel_loop3A_322 = tpu.vector_load %arg12[%parallel_loop3A_320, %parallel_loop3A_321] {strides = array<i32>} : memref<112x128xf32, #tpu.memory_space<vmem>>, vector<16xf32>,
          %parallel_loop3A_323 = arith.mulf %parallel_loop3A_322, %get3A_74 : vector<16xf32>
          %parallel_loop3A_324 = arith.index_cast %parallel_loop3A_315 : i32 to index
          %parallel_loop3A_325 = arith.constant 32 : index
          %parallel_loop3A_326 = tpu.vector_load %arg12[%parallel_loop3A_324, %parallel_loop3A_325] {strides = array<i32>} : memref<112x128xf32, #tpu.memory_space<vmem>>, vector<16xf32>,
          %parallel_loop3A_327 = arith.mulf %parallel_loop3A_326, %get3A_77 : vector<16xf32>
          %parallel_loop3A_328 = arith.index_cast %parallel_loop3A_315 : i32 to index
          %parallel_loop3A_329 = arith.constant 48 : index
          %parallel_loop3A_330 = tpu.vector_load %arg12[%parallel_loop3A_328, %parallel_loop3A_329] {strides = array<i32>} : memref<112x128xf32, #tpu.memory_space<vmem>>, vector<16xf32>,
          %parallel_loop3A_331 = arith.mulf %parallel_loop3A_330, %get3A_80 : vector<16xf32>
          %parallel_loop3A_332 = arith.index_cast %parallel_loop3A_315 : i32 to index
          %parallel_loop3A_333 = arith.constant 64 : index
          %parallel_loop3A_334 = tpu.vector_load %arg12[%parallel_loop3A_332, %parallel_loop3A_333] {strides = array<i32>} : memref<112x128xf32, #tpu.memory_space<vmem>>, vector<16xf32>,
          %parallel_loop3A_335 = arith.mulf %parallel_loop3A_334, %get3A_83 : vector<16xf32>
          %parallel_loop3A_336 = arith.index_cast %parallel_loop3A_315 : i32 to index
          %parallel_loop3A_337 = arith.constant 80 : index
          %parallel_loop3A_338 = tpu.vector_load %arg12[%parallel_loop3A_336, %parallel_loop3A_337] {strides = array<i32>} : memref<112x128xf32, #tpu.memory_space<vmem>>, vector<16xf32>,
          %parallel_loop3A_339 = arith.mulf %parallel_loop3A_338, %get3A_86 : vector<16xf32>
          %parallel_loop3A_340 = arith.index_cast %parallel_loop3A_315 : i32 to index
          %parallel_loop3A_341 = arith.constant 96 : index
          %parallel_loop3A_342 = tpu.vector_load %arg12[%parallel_loop3A_340, %parallel_loop3A_341] {strides = array<i32>} : memref<112x128xf32, #tpu.memory_space<vmem>>, vector<16xf32>,
          %parallel_loop3A_343 = arith.mulf %parallel_loop3A_342, %get3A_89 : vector<16xf32>
          %parallel_loop3A_344 = arith.index_cast %parallel_loop3A_315 : i32 to index
          %parallel_loop3A_345 = arith.constant 112 : index
          %parallel_loop3A_346 = tpu.vector_load %arg12[%parallel_loop3A_344, %parallel_loop3A_345] {strides = array<i32>} : memref<112x128xf32, #tpu.memory_space<vmem>>, vector<16xf32>,
          %parallel_loop3A_347 = arith.mulf %parallel_loop3A_346, %get3A_92 : vector<16xf32>
          %parallel_loop3A_348 = arith.constant 3 : i32
          %parallel_loop3A_349 = vector.broadcast %parallel_loop3A_348 : i32 to vector<16xi32>
          %parallel_loop3A_350 = arith.cmpi eq, %iota3A, %parallel_loop3A_349 : vector<16xi32>
          %parallel_loop3A_351 = arith.addf %parallel_loop3A_319, %parallel_loop3A_323 : vector<16xf32>
          %parallel_loop3A_352 = arith.addf %parallel_loop3A_327, %parallel_loop3A_331 : vector<16xf32>
          %parallel_loop3A_353 = arith.addf %parallel_loop3A_335, %parallel_loop3A_339 : vector<16xf32>
          %parallel_loop3A_354 = arith.addf %parallel_loop3A_343, %parallel_loop3A_347 : vector<16xf32>
          %parallel_loop3A_355 = arith.addf %parallel_loop3A_351, %parallel_loop3A_352 : vector<16xf32>
          %parallel_loop3A_356 = arith.addf %parallel_loop3A_353, %parallel_loop3A_354 : vector<16xf32>
          %parallel_loop3A_357 = arith.addf %parallel_loop3A_355, %parallel_loop3A_356 : vector<16xf32>
          %parallel_loop3A_358 = arith.constant true
          %parallel_loop3A_359 = vector.broadcast %parallel_loop3A_358 : i1 to vector<16xi1>
          %parallel_loop3A_360 = tpu.scan <sum>, %parallel_loop3A_357 masked %parallel_loop3A_359 : vector<16xf32>, vector<16xi1> -> vector<16xf32>
          %parallel_loop3A_361 = vector.extract %parallel_loop3A_360[15] : f32 from vector<16xf32>
          %parallel_loop3A_362 = vector.broadcast %parallel_loop3A_361 : f32 to vector<16xf32>
          %parallel_loop3A_363 = arith.select %parallel_loop3A_350, %parallel_loop3A_362, %parallel_loop3A_311 : vector<16xi1>, vector<16xf32>
          %parallel_loop3A_364 = arith.constant 16 : i32
          %parallel_loop3A_365 = arith.muli %parallel_loop3A_153, %parallel_loop3A_364 : i32
          %parallel_loop3A_366 = arith.constant 4 : i32
          %parallel_loop3A_367 = arith.addi %parallel_loop3A_365, %parallel_loop3A_366 : i32
          %parallel_loop3A_368 = arith.index_cast %parallel_loop3A_367 : i32 to index
          %parallel_loop3A_369 = arith.constant 0 : index
          %parallel_loop3A_370 = tpu.vector_load %arg12[%parallel_loop3A_368, %parallel_loop3A_369] {strides = array<i32>} : memref<112x128xf32, #tpu.memory_space<vmem>>, vector<16xf32>,
          %parallel_loop3A_371 = arith.mulf %parallel_loop3A_370, %get3A_71 : vector<16xf32>
          %parallel_loop3A_372 = arith.index_cast %parallel_loop3A_367 : i32 to index
          %parallel_loop3A_373 = arith.constant 16 : index
          %parallel_loop3A_374 = tpu.vector_load %arg12[%parallel_loop3A_372, %parallel_loop3A_373] {strides = array<i32>} : memref<112x128xf32, #tpu.memory_space<vmem>>, vector<16xf32>,
          %parallel_loop3A_375 = arith.mulf %parallel_loop3A_374, %get3A_74 : vector<16xf32>
          %parallel_loop3A_376 = arith.index_cast %parallel_loop3A_367 : i32 to index
          %parallel_loop3A_377 = arith.constant 32 : index
          %parallel_loop3A_378 = tpu.vector_load %arg12[%parallel_loop3A_376, %parallel_loop3A_377] {strides = array<i32>} : memref<112x128xf32, #tpu.memory_space<vmem>>, vector<16xf32>,
          %parallel_loop3A_379 = arith.mulf %parallel_loop3A_378, %get3A_77 : vector<16xf32>
          %parallel_loop3A_380 = arith.index_cast %parallel_loop3A_367 : i32 to index
          %parallel_loop3A_381 = arith.constant 48 : index
          %parallel_loop3A_382 = tpu.vector_load %arg12[%parallel_loop3A_380, %parallel_loop3A_381] {strides = array<i32>} : memref<112x128xf32, #tpu.memory_space<vmem>>, vector<16xf32>,
          %parallel_loop3A_383 = arith.mulf %parallel_loop3A_382, %get3A_80 : vector<16xf32>
          %parallel_loop3A_384 = arith.index_cast %parallel_loop3A_367 : i32 to index
          %parallel_loop3A_385 = arith.constant 64 : index
          %parallel_loop3A_386 = tpu.vector_load %arg12[%parallel_loop3A_384, %parallel_loop3A_385] {strides = array<i32>} : memref<112x128xf32, #tpu.memory_space<vmem>>, vector<16xf32>,
          %parallel_loop3A_387 = arith.mulf %parallel_loop3A_386, %get3A_83 : vector<16xf32>
          %parallel_loop3A_388 = arith.index_cast %parallel_loop3A_367 : i32 to index
          %parallel_loop3A_389 = arith.constant 80 : index
          %parallel_loop3A_390 = tpu.vector_load %arg12[%parallel_loop3A_388, %parallel_loop3A_389] {strides = array<i32>} : memref<112x128xf32, #tpu.memory_space<vmem>>, vector<16xf32>,
          %parallel_loop3A_391 = arith.mulf %parallel_loop3A_390, %get3A_86 : vector<16xf32>
          %parallel_loop3A_392 = arith.index_cast %parallel_loop3A_367 : i32 to index
          %parallel_loop3A_393 = arith.constant 96 : index
          %parallel_loop3A_394 = tpu.vector_load %arg12[%parallel_loop3A_392, %parallel_loop3A_393] {strides = array<i32>} : memref<112x128xf32, #tpu.memory_space<vmem>>, vector<16xf32>,
          %parallel_loop3A_395 = arith.mulf %parallel_loop3A_394, %get3A_89 : vector<16xf32>
          %parallel_loop3A_396 = arith.index_cast %parallel_loop3A_367 : i32 to index
          %parallel_loop3A_397 = arith.constant 112 : index
          %parallel_loop3A_398 = tpu.vector_load %arg12[%parallel_loop3A_396, %parallel_loop3A_397] {strides = array<i32>} : memref<112x128xf32, #tpu.memory_space<vmem>>, vector<16xf32>,
          %parallel_loop3A_399 = arith.mulf %parallel_loop3A_398, %get3A_92 : vector<16xf32>
          %parallel_loop3A_400 = arith.constant 4 : i32
          %parallel_loop3A_401 = vector.broadcast %parallel_loop3A_400 : i32 to vector<16xi32>
          %parallel_loop3A_402 = arith.cmpi eq, %iota3A, %parallel_loop3A_401 : vector<16xi32>
          %parallel_loop3A_403 = arith.addf %parallel_loop3A_371, %parallel_loop3A_375 : vector<16xf32>
          %parallel_loop3A_404 = arith.addf %parallel_loop3A_379, %parallel_loop3A_383 : vector<16xf32>
          %parallel_loop3A_405 = arith.addf %parallel_loop3A_387, %parallel_loop3A_391 : vector<16xf32>
          %parallel_loop3A_406 = arith.addf %parallel_loop3A_395, %parallel_loop3A_399 : vector<16xf32>
          %parallel_loop3A_407 = arith.addf %parallel_loop3A_403, %parallel_loop3A_404 : vector<16xf32>
          %parallel_loop3A_408 = arith.addf %parallel_loop3A_405, %parallel_loop3A_406 : vector<16xf32>
          %parallel_loop3A_409 = arith.addf %parallel_loop3A_407, %parallel_loop3A_408 : vector<16xf32>
          %parallel_loop3A_410 = arith.constant true
          %parallel_loop3A_411 = vector.broadcast %parallel_loop3A_410 : i1 to vector<16xi1>
          %parallel_loop3A_412 = tpu.scan <sum>, %parallel_loop3A_409 masked %parallel_loop3A_411 : vector<16xf32>, vector<16xi1> -> vector<16xf32>
          %parallel_loop3A_413 = vector.extract %parallel_loop3A_412[15] : f32 from vector<16xf32>
          %parallel_loop3A_414 = vector.broadcast %parallel_loop3A_413 : f32 to vector<16xf32>
          %parallel_loop3A_415 = arith.select %parallel_loop3A_402, %parallel_loop3A_414, %parallel_loop3A_363 : vector<16xi1>, vector<16xf32>
          %parallel_loop3A_416 = arith.constant 16 : i32
          %parallel_loop3A_417 = arith.muli %parallel_loop3A_153, %parallel_loop3A_416 : i32
          %parallel_loop3A_418 = arith.constant 5 : i32
          %parallel_loop3A_419 = arith.addi %parallel_loop3A_417, %parallel_loop3A_418 : i32
          %parallel_loop3A_420 = arith.index_cast %parallel_loop3A_419 : i32 to index
          %parallel_loop3A_421 = arith.constant 0 : index
          %parallel_loop3A_422 = tpu.vector_load %arg12[%parallel_loop3A_420, %parallel_loop3A_421] {strides = array<i32>} : memref<112x128xf32, #tpu.memory_space<vmem>>, vector<16xf32>,
          %parallel_loop3A_423 = arith.mulf %parallel_loop3A_422, %get3A_71 : vector<16xf32>
          %parallel_loop3A_424 = arith.index_cast %parallel_loop3A_419 : i32 to index
          %parallel_loop3A_425 = arith.constant 16 : index
          %parallel_loop3A_426 = tpu.vector_load %arg12[%parallel_loop3A_424, %parallel_loop3A_425] {strides = array<i32>} : memref<112x128xf32, #tpu.memory_space<vmem>>, vector<16xf32>,
          %parallel_loop3A_427 = arith.mulf %parallel_loop3A_426, %get3A_74 : vector<16xf32>
          %parallel_loop3A_428 = arith.index_cast %parallel_loop3A_419 : i32 to index
          %parallel_loop3A_429 = arith.constant 32 : index
          %parallel_loop3A_430 = tpu.vector_load %arg12[%parallel_loop3A_428, %parallel_loop3A_429] {strides = array<i32>} : memref<112x128xf32, #tpu.memory_space<vmem>>, vector<16xf32>,
          %parallel_loop3A_431 = arith.mulf %parallel_loop3A_430, %get3A_77 : vector<16xf32>
          %parallel_loop3A_432 = arith.index_cast %parallel_loop3A_419 : i32 to index
          %parallel_loop3A_433 = arith.constant 48 : index
          %parallel_loop3A_434 = tpu.vector_load %arg12[%parallel_loop3A_432, %parallel_loop3A_433] {strides = array<i32>} : memref<112x128xf32, #tpu.memory_space<vmem>>, vector<16xf32>,
          %parallel_loop3A_435 = arith.mulf %parallel_loop3A_434, %get3A_80 : vector<16xf32>
          %parallel_loop3A_436 = arith.index_cast %parallel_loop3A_419 : i32 to index
          %parallel_loop3A_437 = arith.constant 64 : index
          %parallel_loop3A_438 = tpu.vector_load %arg12[%parallel_loop3A_436, %parallel_loop3A_437] {strides = array<i32>} : memref<112x128xf32, #tpu.memory_space<vmem>>, vector<16xf32>,
          %parallel_loop3A_439 = arith.mulf %parallel_loop3A_438, %get3A_83 : vector<16xf32>
          %parallel_loop3A_440 = arith.index_cast %parallel_loop3A_419 : i32 to index
          %parallel_loop3A_441 = arith.constant 80 : index
          %parallel_loop3A_442 = tpu.vector_load %arg12[%parallel_loop3A_440, %parallel_loop3A_441] {strides = array<i32>} : memref<112x128xf32, #tpu.memory_space<vmem>>, vector<16xf32>,
          %parallel_loop3A_443 = arith.mulf %parallel_loop3A_442, %get3A_86 : vector<16xf32>
          %parallel_loop3A_444 = arith.index_cast %parallel_loop3A_419 : i32 to index
          %parallel_loop3A_445 = arith.constant 96 : index
          %parallel_loop3A_446 = tpu.vector_load %arg12[%parallel_loop3A_444, %parallel_loop3A_445] {strides = array<i32>} : memref<112x128xf32, #tpu.memory_space<vmem>>, vector<16xf32>,
          %parallel_loop3A_447 = arith.mulf %parallel_loop3A_446, %get3A_89 : vector<16xf32>
          %parallel_loop3A_448 = arith.index_cast %parallel_loop3A_419 : i32 to index
          %parallel_loop3A_449 = arith.constant 112 : index
          %parallel_loop3A_450 = tpu.vector_load %arg12[%parallel_loop3A_448, %parallel_loop3A_449] {strides = array<i32>} : memref<112x128xf32, #tpu.memory_space<vmem>>, vector<16xf32>,
          %parallel_loop3A_451 = arith.mulf %parallel_loop3A_450, %get3A_92 : vector<16xf32>
          %parallel_loop3A_452 = arith.constant 5 : i32
          %parallel_loop3A_453 = vector.broadcast %parallel_loop3A_452 : i32 to vector<16xi32>
          %parallel_loop3A_454 = arith.cmpi eq, %iota3A, %parallel_loop3A_453 : vector<16xi32>
          %parallel_loop3A_455 = arith.addf %parallel_loop3A_423, %parallel_loop3A_427 : vector<16xf32>
          %parallel_loop3A_456 = arith.addf %parallel_loop3A_431, %parallel_loop3A_435 : vector<16xf32>
          %parallel_loop3A_457 = arith.addf %parallel_loop3A_439, %parallel_loop3A_443 : vector<16xf32>
          %parallel_loop3A_458 = arith.addf %parallel_loop3A_447, %parallel_loop3A_451 : vector<16xf32>
          %parallel_loop3A_459 = arith.addf %parallel_loop3A_455, %parallel_loop3A_456 : vector<16xf32>
          %parallel_loop3A_460 = arith.addf %parallel_loop3A_457, %parallel_loop3A_458 : vector<16xf32>
          %parallel_loop3A_461 = arith.addf %parallel_loop3A_459, %parallel_loop3A_460 : vector<16xf32>
          %parallel_loop3A_462 = arith.constant true
          %parallel_loop3A_463 = vector.broadcast %parallel_loop3A_462 : i1 to vector<16xi1>
          %parallel_loop3A_464 = tpu.scan <sum>, %parallel_loop3A_461 masked %parallel_loop3A_463 : vector<16xf32>, vector<16xi1> -> vector<16xf32>
          %parallel_loop3A_465 = vector.extract %parallel_loop3A_464[15] : f32 from vector<16xf32>
          %parallel_loop3A_466 = vector.broadcast %parallel_loop3A_465 : f32 to vector<16xf32>
          %parallel_loop3A_467 = arith.select %parallel_loop3A_454, %parallel_loop3A_466, %parallel_loop3A_415 : vector<16xi1>, vector<16xf32>
          %parallel_loop3A_468 = arith.constant 16 : i32
          %parallel_loop3A_469 = arith.muli %parallel_loop3A_153, %parallel_loop3A_468 : i32
          %parallel_loop3A_470 = arith.constant 6 : i32
          %parallel_loop3A_471 = arith.addi %parallel_loop3A_469, %parallel_loop3A_470 : i32
          %parallel_loop3A_472 = arith.index_cast %parallel_loop3A_471 : i32 to index
          %parallel_loop3A_473 = arith.constant 0 : index
          %parallel_loop3A_474 = tpu.vector_load %arg12[%parallel_loop3A_472, %parallel_loop3A_473] {strides = array<i32>} : memref<112x128xf32, #tpu.memory_space<vmem>>, vector<16xf32>,
          %parallel_loop3A_475 = arith.mulf %parallel_loop3A_474, %get3A_71 : vector<16xf32>
          %parallel_loop3A_476 = arith.index_cast %parallel_loop3A_471 : i32 to index
          %parallel_loop3A_477 = arith.constant 16 : index
          %parallel_loop3A_478 = tpu.vector_load %arg12[%parallel_loop3A_476, %parallel_loop3A_477] {strides = array<i32>} : memref<112x128xf32, #tpu.memory_space<vmem>>, vector<16xf32>,
          %parallel_loop3A_479 = arith.mulf %parallel_loop3A_478, %get3A_74 : vector<16xf32>
          %parallel_loop3A_480 = arith.index_cast %parallel_loop3A_471 : i32 to index
          %parallel_loop3A_481 = arith.constant 32 : index
          %parallel_loop3A_482 = tpu.vector_load %arg12[%parallel_loop3A_480, %parallel_loop3A_481] {strides = array<i32>} : memref<112x128xf32, #tpu.memory_space<vmem>>, vector<16xf32>,
          %parallel_loop3A_483 = arith.mulf %parallel_loop3A_482, %get3A_77 : vector<16xf32>
          %parallel_loop3A_484 = arith.index_cast %parallel_loop3A_471 : i32 to index
          %parallel_loop3A_485 = arith.constant 48 : index
          %parallel_loop3A_486 = tpu.vector_load %arg12[%parallel_loop3A_484, %parallel_loop3A_485] {strides = array<i32>} : memref<112x128xf32, #tpu.memory_space<vmem>>, vector<16xf32>,
          %parallel_loop3A_487 = arith.mulf %parallel_loop3A_486, %get3A_80 : vector<16xf32>
          %parallel_loop3A_488 = arith.index_cast %parallel_loop3A_471 : i32 to index
          %parallel_loop3A_489 = arith.constant 64 : index
          %parallel_loop3A_490 = tpu.vector_load %arg12[%parallel_loop3A_488, %parallel_loop3A_489] {strides = array<i32>} : memref<112x128xf32, #tpu.memory_space<vmem>>, vector<16xf32>,
          %parallel_loop3A_491 = arith.mulf %parallel_loop3A_490, %get3A_83 : vector<16xf32>
          %parallel_loop3A_492 = arith.index_cast %parallel_loop3A_471 : i32 to index
          %parallel_loop3A_493 = arith.constant 80 : index
          %parallel_loop3A_494 = tpu.vector_load %arg12[%parallel_loop3A_492, %parallel_loop3A_493] {strides = array<i32>} : memref<112x128xf32, #tpu.memory_space<vmem>>, vector<16xf32>,
          %parallel_loop3A_495 = arith.mulf %parallel_loop3A_494, %get3A_86 : vector<16xf32>
          %parallel_loop3A_496 = arith.index_cast %parallel_loop3A_471 : i32 to index
          %parallel_loop3A_497 = arith.constant 96 : index
          %parallel_loop3A_498 = tpu.vector_load %arg12[%parallel_loop3A_496, %parallel_loop3A_497] {strides = array<i32>} : memref<112x128xf32, #tpu.memory_space<vmem>>, vector<16xf32>,
          %parallel_loop3A_499 = arith.mulf %parallel_loop3A_498, %get3A_89 : vector<16xf32>
          %parallel_loop3A_500 = arith.index_cast %parallel_loop3A_471 : i32 to index
          %parallel_loop3A_501 = arith.constant 112 : index
          %parallel_loop3A_502 = tpu.vector_load %arg12[%parallel_loop3A_500, %parallel_loop3A_501] {strides = array<i32>} : memref<112x128xf32, #tpu.memory_space<vmem>>, vector<16xf32>,
          %parallel_loop3A_503 = arith.mulf %parallel_loop3A_502, %get3A_92 : vector<16xf32>
          %parallel_loop3A_504 = arith.constant 6 : i32
          %parallel_loop3A_505 = vector.broadcast %parallel_loop3A_504 : i32 to vector<16xi32>
          %parallel_loop3A_506 = arith.cmpi eq, %iota3A, %parallel_loop3A_505 : vector<16xi32>
          %parallel_loop3A_507 = arith.addf %parallel_loop3A_475, %parallel_loop3A_479 : vector<16xf32>
          %parallel_loop3A_508 = arith.addf %parallel_loop3A_483, %parallel_loop3A_487 : vector<16xf32>
          %parallel_loop3A_509 = arith.addf %parallel_loop3A_491, %parallel_loop3A_495 : vector<16xf32>
          %parallel_loop3A_510 = arith.addf %parallel_loop3A_499, %parallel_loop3A_503 : vector<16xf32>
          %parallel_loop3A_511 = arith.addf %parallel_loop3A_507, %parallel_loop3A_508 : vector<16xf32>
          %parallel_loop3A_512 = arith.addf %parallel_loop3A_509, %parallel_loop3A_510 : vector<16xf32>
          %parallel_loop3A_513 = arith.addf %parallel_loop3A_511, %parallel_loop3A_512 : vector<16xf32>
          %parallel_loop3A_514 = arith.constant true
          %parallel_loop3A_515 = vector.broadcast %parallel_loop3A_514 : i1 to vector<16xi1>
          %parallel_loop3A_516 = tpu.scan <sum>, %parallel_loop3A_513 masked %parallel_loop3A_515 : vector<16xf32>, vector<16xi1> -> vector<16xf32>
          %parallel_loop3A_517 = vector.extract %parallel_loop3A_516[15] : f32 from vector<16xf32>
          %parallel_loop3A_518 = vector.broadcast %parallel_loop3A_517 : f32 to vector<16xf32>
          %parallel_loop3A_519 = arith.select %parallel_loop3A_506, %parallel_loop3A_518, %parallel_loop3A_467 : vector<16xi1>, vector<16xf32>
          %parallel_loop3A_520 = arith.constant 16 : i32
          %parallel_loop3A_521 = arith.muli %parallel_loop3A_153, %parallel_loop3A_520 : i32
          %parallel_loop3A_522 = arith.constant 7 : i32
          %parallel_loop3A_523 = arith.addi %parallel_loop3A_521, %parallel_loop3A_522 : i32
          %parallel_loop3A_524 = arith.index_cast %parallel_loop3A_523 : i32 to index
          %parallel_loop3A_525 = arith.constant 0 : index
          %parallel_loop3A_526 = tpu.vector_load %arg12[%parallel_loop3A_524, %parallel_loop3A_525] {strides = array<i32>} : memref<112x128xf32, #tpu.memory_space<vmem>>, vector<16xf32>,
          %parallel_loop3A_527 = arith.mulf %parallel_loop3A_526, %get3A_71 : vector<16xf32>
          %parallel_loop3A_528 = arith.index_cast %parallel_loop3A_523 : i32 to index
          %parallel_loop3A_529 = arith.constant 16 : index
          %parallel_loop3A_530 = tpu.vector_load %arg12[%parallel_loop3A_528, %parallel_loop3A_529] {strides = array<i32>} : memref<112x128xf32, #tpu.memory_space<vmem>>, vector<16xf32>,
          %parallel_loop3A_531 = arith.mulf %parallel_loop3A_530, %get3A_74 : vector<16xf32>
          %parallel_loop3A_532 = arith.index_cast %parallel_loop3A_523 : i32 to index
          %parallel_loop3A_533 = arith.constant 32 : index
          %parallel_loop3A_534 = tpu.vector_load %arg12[%parallel_loop3A_532, %parallel_loop3A_533] {strides = array<i32>} : memref<112x128xf32, #tpu.memory_space<vmem>>, vector<16xf32>,
          %parallel_loop3A_535 = arith.mulf %parallel_loop3A_534, %get3A_77 : vector<16xf32>
          %parallel_loop3A_536 = arith.index_cast %parallel_loop3A_523 : i32 to index
          %parallel_loop3A_537 = arith.constant 48 : index
          %parallel_loop3A_538 = tpu.vector_load %arg12[%parallel_loop3A_536, %parallel_loop3A_537] {strides = array<i32>} : memref<112x128xf32, #tpu.memory_space<vmem>>, vector<16xf32>,
          %parallel_loop3A_539 = arith.mulf %parallel_loop3A_538, %get3A_80 : vector<16xf32>
          %parallel_loop3A_540 = arith.index_cast %parallel_loop3A_523 : i32 to index
          %parallel_loop3A_541 = arith.constant 64 : index
          %parallel_loop3A_542 = tpu.vector_load %arg12[%parallel_loop3A_540, %parallel_loop3A_541] {strides = array<i32>} : memref<112x128xf32, #tpu.memory_space<vmem>>, vector<16xf32>,
          %parallel_loop3A_543 = arith.mulf %parallel_loop3A_542, %get3A_83 : vector<16xf32>
          %parallel_loop3A_544 = arith.index_cast %parallel_loop3A_523 : i32 to index
          %parallel_loop3A_545 = arith.constant 80 : index
          %parallel_loop3A_546 = tpu.vector_load %arg12[%parallel_loop3A_544, %parallel_loop3A_545] {strides = array<i32>} : memref<112x128xf32, #tpu.memory_space<vmem>>, vector<16xf32>,
          %parallel_loop3A_547 = arith.mulf %parallel_loop3A_546, %get3A_86 : vector<16xf32>
          %parallel_loop3A_548 = arith.index_cast %parallel_loop3A_523 : i32 to index
          %parallel_loop3A_549 = arith.constant 96 : index
          %parallel_loop3A_550 = tpu.vector_load %arg12[%parallel_loop3A_548, %parallel_loop3A_549] {strides = array<i32>} : memref<112x128xf32, #tpu.memory_space<vmem>>, vector<16xf32>,
          %parallel_loop3A_551 = arith.mulf %parallel_loop3A_550, %get3A_89 : vector<16xf32>
          %parallel_loop3A_552 = arith.index_cast %parallel_loop3A_523 : i32 to index
          %parallel_loop3A_553 = arith.constant 112 : index
          %parallel_loop3A_554 = tpu.vector_load %arg12[%parallel_loop3A_552, %parallel_loop3A_553] {strides = array<i32>} : memref<112x128xf32, #tpu.memory_space<vmem>>, vector<16xf32>,
          %parallel_loop3A_555 = arith.mulf %parallel_loop3A_554, %get3A_92 : vector<16xf32>
          %parallel_loop3A_556 = arith.constant 7 : i32
          %parallel_loop3A_557 = vector.broadcast %parallel_loop3A_556 : i32 to vector<16xi32>
          %parallel_loop3A_558 = arith.cmpi eq, %iota3A, %parallel_loop3A_557 : vector<16xi32>
          %parallel_loop3A_559 = arith.addf %parallel_loop3A_527, %parallel_loop3A_531 : vector<16xf32>
          %parallel_loop3A_560 = arith.addf %parallel_loop3A_535, %parallel_loop3A_539 : vector<16xf32>
          %parallel_loop3A_561 = arith.addf %parallel_loop3A_543, %parallel_loop3A_547 : vector<16xf32>
          %parallel_loop3A_562 = arith.addf %parallel_loop3A_551, %parallel_loop3A_555 : vector<16xf32>
          %parallel_loop3A_563 = arith.addf %parallel_loop3A_559, %parallel_loop3A_560 : vector<16xf32>
          %parallel_loop3A_564 = arith.addf %parallel_loop3A_561, %parallel_loop3A_562 : vector<16xf32>
          %parallel_loop3A_565 = arith.addf %parallel_loop3A_563, %parallel_loop3A_564 : vector<16xf32>
          %parallel_loop3A_566 = arith.constant true
          %parallel_loop3A_567 = vector.broadcast %parallel_loop3A_566 : i1 to vector<16xi1>
          %parallel_loop3A_568 = tpu.scan <sum>, %parallel_loop3A_565 masked %parallel_loop3A_567 : vector<16xf32>, vector<16xi1> -> vector<16xf32>
          %parallel_loop3A_569 = vector.extract %parallel_loop3A_568[15] : f32 from vector<16xf32>
          %parallel_loop3A_570 = vector.broadcast %parallel_loop3A_569 : f32 to vector<16xf32>
          %parallel_loop3A_571 = arith.select %parallel_loop3A_558, %parallel_loop3A_570, %parallel_loop3A_519 : vector<16xi1>, vector<16xf32>
          %parallel_loop3A_572 = arith.constant 16 : i32
          %parallel_loop3A_573 = arith.muli %parallel_loop3A_153, %parallel_loop3A_572 : i32
          %parallel_loop3A_574 = arith.constant 8 : i32
          %parallel_loop3A_575 = arith.addi %parallel_loop3A_573, %parallel_loop3A_574 : i32
          %parallel_loop3A_576 = arith.index_cast %parallel_loop3A_575 : i32 to index
          %parallel_loop3A_577 = arith.constant 0 : index
          %parallel_loop3A_578 = tpu.vector_load %arg12[%parallel_loop3A_576, %parallel_loop3A_577] {strides = array<i32>} : memref<112x128xf32, #tpu.memory_space<vmem>>, vector<16xf32>,
          %parallel_loop3A_579 = arith.mulf %parallel_loop3A_578, %get3A_71 : vector<16xf32>
          %parallel_loop3A_580 = arith.index_cast %parallel_loop3A_575 : i32 to index
          %parallel_loop3A_581 = arith.constant 16 : index
          %parallel_loop3A_582 = tpu.vector_load %arg12[%parallel_loop3A_580, %parallel_loop3A_581] {strides = array<i32>} : memref<112x128xf32, #tpu.memory_space<vmem>>, vector<16xf32>,
          %parallel_loop3A_583 = arith.mulf %parallel_loop3A_582, %get3A_74 : vector<16xf32>
          %parallel_loop3A_584 = arith.index_cast %parallel_loop3A_575 : i32 to index
          %parallel_loop3A_585 = arith.constant 32 : index
          %parallel_loop3A_586 = tpu.vector_load %arg12[%parallel_loop3A_584, %parallel_loop3A_585] {strides = array<i32>} : memref<112x128xf32, #tpu.memory_space<vmem>>, vector<16xf32>,
          %parallel_loop3A_587 = arith.mulf %parallel_loop3A_586, %get3A_77 : vector<16xf32>
          %parallel_loop3A_588 = arith.index_cast %parallel_loop3A_575 : i32 to index
          %parallel_loop3A_589 = arith.constant 48 : index
          %parallel_loop3A_590 = tpu.vector_load %arg12[%parallel_loop3A_588, %parallel_loop3A_589] {strides = array<i32>} : memref<112x128xf32, #tpu.memory_space<vmem>>, vector<16xf32>,
          %parallel_loop3A_591 = arith.mulf %parallel_loop3A_590, %get3A_80 : vector<16xf32>
          %parallel_loop3A_592 = arith.index_cast %parallel_loop3A_575 : i32 to index
          %parallel_loop3A_593 = arith.constant 64 : index
          %parallel_loop3A_594 = tpu.vector_load %arg12[%parallel_loop3A_592, %parallel_loop3A_593] {strides = array<i32>} : memref<112x128xf32, #tpu.memory_space<vmem>>, vector<16xf32>,
          %parallel_loop3A_595 = arith.mulf %parallel_loop3A_594, %get3A_83 : vector<16xf32>
          %parallel_loop3A_596 = arith.index_cast %parallel_loop3A_575 : i32 to index
          %parallel_loop3A_597 = arith.constant 80 : index
          %parallel_loop3A_598 = tpu.vector_load %arg12[%parallel_loop3A_596, %parallel_loop3A_597] {strides = array<i32>} : memref<112x128xf32, #tpu.memory_space<vmem>>, vector<16xf32>,
          %parallel_loop3A_599 = arith.mulf %parallel_loop3A_598, %get3A_86 : vector<16xf32>
          %parallel_loop3A_600 = arith.index_cast %parallel_loop3A_575 : i32 to index
          %parallel_loop3A_601 = arith.constant 96 : index
          %parallel_loop3A_602 = tpu.vector_load %arg12[%parallel_loop3A_600, %parallel_loop3A_601] {strides = array<i32>} : memref<112x128xf32, #tpu.memory_space<vmem>>, vector<16xf32>,
          %parallel_loop3A_603 = arith.mulf %parallel_loop3A_602, %get3A_89 : vector<16xf32>
          %parallel_loop3A_604 = arith.index_cast %parallel_loop3A_575 : i32 to index
          %parallel_loop3A_605 = arith.constant 112 : index
          %parallel_loop3A_606 = tpu.vector_load %arg12[%parallel_loop3A_604, %parallel_loop3A_605] {strides = array<i32>} : memref<112x128xf32, #tpu.memory_space<vmem>>, vector<16xf32>,
          %parallel_loop3A_607 = arith.mulf %parallel_loop3A_606, %get3A_92 : vector<16xf32>
          %parallel_loop3A_608 = arith.constant 8 : i32
          %parallel_loop3A_609 = vector.broadcast %parallel_loop3A_608 : i32 to vector<16xi32>
          %parallel_loop3A_610 = arith.cmpi eq, %iota3A, %parallel_loop3A_609 : vector<16xi32>
          %parallel_loop3A_611 = arith.addf %parallel_loop3A_579, %parallel_loop3A_583 : vector<16xf32>
          %parallel_loop3A_612 = arith.addf %parallel_loop3A_587, %parallel_loop3A_591 : vector<16xf32>
          %parallel_loop3A_613 = arith.addf %parallel_loop3A_595, %parallel_loop3A_599 : vector<16xf32>
          %parallel_loop3A_614 = arith.addf %parallel_loop3A_603, %parallel_loop3A_607 : vector<16xf32>
          %parallel_loop3A_615 = arith.addf %parallel_loop3A_611, %parallel_loop3A_612 : vector<16xf32>
          %parallel_loop3A_616 = arith.addf %parallel_loop3A_613, %parallel_loop3A_614 : vector<16xf32>
          %parallel_loop3A_617 = arith.addf %parallel_loop3A_615, %parallel_loop3A_616 : vector<16xf32>
          %parallel_loop3A_618 = arith.constant true
          %parallel_loop3A_619 = vector.broadcast %parallel_loop3A_618 : i1 to vector<16xi1>
          %parallel_loop3A_620 = tpu.scan <sum>, %parallel_loop3A_617 masked %parallel_loop3A_619 : vector<16xf32>, vector<16xi1> -> vector<16xf32>
          %parallel_loop3A_621 = vector.extract %parallel_loop3A_620[15] : f32 from vector<16xf32>
          %parallel_loop3A_622 = vector.broadcast %parallel_loop3A_621 : f32 to vector<16xf32>
          %parallel_loop3A_623 = arith.select %parallel_loop3A_610, %parallel_loop3A_622, %parallel_loop3A_571 : vector<16xi1>, vector<16xf32>
          %parallel_loop3A_624 = arith.constant 16 : i32
          %parallel_loop3A_625 = arith.muli %parallel_loop3A_153, %parallel_loop3A_624 : i32
          %parallel_loop3A_626 = arith.constant 9 : i32
          %parallel_loop3A_627 = arith.addi %parallel_loop3A_625, %parallel_loop3A_626 : i32
          %parallel_loop3A_628 = arith.index_cast %parallel_loop3A_627 : i32 to index
          %parallel_loop3A_629 = arith.constant 0 : index
          %parallel_loop3A_630 = tpu.vector_load %arg12[%parallel_loop3A_628, %parallel_loop3A_629] {strides = array<i32>} : memref<112x128xf32, #tpu.memory_space<vmem>>, vector<16xf32>,
          %parallel_loop3A_631 = arith.mulf %parallel_loop3A_630, %get3A_71 : vector<16xf32>
          %parallel_loop3A_632 = arith.index_cast %parallel_loop3A_627 : i32 to index
          %parallel_loop3A_633 = arith.constant 16 : index
          %parallel_loop3A_634 = tpu.vector_load %arg12[%parallel_loop3A_632, %parallel_loop3A_633] {strides = array<i32>} : memref<112x128xf32, #tpu.memory_space<vmem>>, vector<16xf32>,
          %parallel_loop3A_635 = arith.mulf %parallel_loop3A_634, %get3A_74 : vector<16xf32>
          %parallel_loop3A_636 = arith.index_cast %parallel_loop3A_627 : i32 to index
          %parallel_loop3A_637 = arith.constant 32 : index
          %parallel_loop3A_638 = tpu.vector_load %arg12[%parallel_loop3A_636, %parallel_loop3A_637] {strides = array<i32>} : memref<112x128xf32, #tpu.memory_space<vmem>>, vector<16xf32>,
          %parallel_loop3A_639 = arith.mulf %parallel_loop3A_638, %get3A_77 : vector<16xf32>
          %parallel_loop3A_640 = arith.index_cast %parallel_loop3A_627 : i32 to index
          %parallel_loop3A_641 = arith.constant 48 : index
          %parallel_loop3A_642 = tpu.vector_load %arg12[%parallel_loop3A_640, %parallel_loop3A_641] {strides = array<i32>} : memref<112x128xf32, #tpu.memory_space<vmem>>, vector<16xf32>,
          %parallel_loop3A_643 = arith.mulf %parallel_loop3A_642, %get3A_80 : vector<16xf32>
          %parallel_loop3A_644 = arith.index_cast %parallel_loop3A_627 : i32 to index
          %parallel_loop3A_645 = arith.constant 64 : index
          %parallel_loop3A_646 = tpu.vector_load %arg12[%parallel_loop3A_644, %parallel_loop3A_645] {strides = array<i32>} : memref<112x128xf32, #tpu.memory_space<vmem>>, vector<16xf32>,
          %parallel_loop3A_647 = arith.mulf %parallel_loop3A_646, %get3A_83 : vector<16xf32>
          %parallel_loop3A_648 = arith.index_cast %parallel_loop3A_627 : i32 to index
          %parallel_loop3A_649 = arith.constant 80 : index
          %parallel_loop3A_650 = tpu.vector_load %arg12[%parallel_loop3A_648, %parallel_loop3A_649] {strides = array<i32>} : memref<112x128xf32, #tpu.memory_space<vmem>>, vector<16xf32>,
          %parallel_loop3A_651 = arith.mulf %parallel_loop3A_650, %get3A_86 : vector<16xf32>
          %parallel_loop3A_652 = arith.index_cast %parallel_loop3A_627 : i32 to index
          %parallel_loop3A_653 = arith.constant 96 : index
          %parallel_loop3A_654 = tpu.vector_load %arg12[%parallel_loop3A_652, %parallel_loop3A_653] {strides = array<i32>} : memref<112x128xf32, #tpu.memory_space<vmem>>, vector<16xf32>,
          %parallel_loop3A_655 = arith.mulf %parallel_loop3A_654, %get3A_89 : vector<16xf32>
          %parallel_loop3A_656 = arith.index_cast %parallel_loop3A_627 : i32 to index
          %parallel_loop3A_657 = arith.constant 112 : index
          %parallel_loop3A_658 = tpu.vector_load %arg12[%parallel_loop3A_656, %parallel_loop3A_657] {strides = array<i32>} : memref<112x128xf32, #tpu.memory_space<vmem>>, vector<16xf32>,
          %parallel_loop3A_659 = arith.mulf %parallel_loop3A_658, %get3A_92 : vector<16xf32>
          %parallel_loop3A_660 = arith.constant 9 : i32
          %parallel_loop3A_661 = vector.broadcast %parallel_loop3A_660 : i32 to vector<16xi32>
          %parallel_loop3A_662 = arith.cmpi eq, %iota3A, %parallel_loop3A_661 : vector<16xi32>
          %parallel_loop3A_663 = arith.addf %parallel_loop3A_631, %parallel_loop3A_635 : vector<16xf32>
          %parallel_loop3A_664 = arith.addf %parallel_loop3A_639, %parallel_loop3A_643 : vector<16xf32>
          %parallel_loop3A_665 = arith.addf %parallel_loop3A_647, %parallel_loop3A_651 : vector<16xf32>
          %parallel_loop3A_666 = arith.addf %parallel_loop3A_655, %parallel_loop3A_659 : vector<16xf32>
          %parallel_loop3A_667 = arith.addf %parallel_loop3A_663, %parallel_loop3A_664 : vector<16xf32>
          %parallel_loop3A_668 = arith.addf %parallel_loop3A_665, %parallel_loop3A_666 : vector<16xf32>
          %parallel_loop3A_669 = arith.addf %parallel_loop3A_667, %parallel_loop3A_668 : vector<16xf32>
          %parallel_loop3A_670 = arith.constant true
          %parallel_loop3A_671 = vector.broadcast %parallel_loop3A_670 : i1 to vector<16xi1>
          %parallel_loop3A_672 = tpu.scan <sum>, %parallel_loop3A_669 masked %parallel_loop3A_671 : vector<16xf32>, vector<16xi1> -> vector<16xf32>
          %parallel_loop3A_673 = vector.extract %parallel_loop3A_672[15] : f32 from vector<16xf32>
          %parallel_loop3A_674 = vector.broadcast %parallel_loop3A_673 : f32 to vector<16xf32>
          %parallel_loop3A_675 = arith.select %parallel_loop3A_662, %parallel_loop3A_674, %parallel_loop3A_623 : vector<16xi1>, vector<16xf32>
          %parallel_loop3A_676 = arith.constant 16 : i32
          %parallel_loop3A_677 = arith.muli %parallel_loop3A_153, %parallel_loop3A_676 : i32
          %parallel_loop3A_678 = arith.constant 10 : i32
          %parallel_loop3A_679 = arith.addi %parallel_loop3A_677, %parallel_loop3A_678 : i32
          %parallel_loop3A_680 = arith.index_cast %parallel_loop3A_679 : i32 to index
          %parallel_loop3A_681 = arith.constant 0 : index
          %parallel_loop3A_682 = tpu.vector_load %arg12[%parallel_loop3A_680, %parallel_loop3A_681] {strides = array<i32>} : memref<112x128xf32, #tpu.memory_space<vmem>>, vector<16xf32>,
          %parallel_loop3A_683 = arith.mulf %parallel_loop3A_682, %get3A_71 : vector<16xf32>
          %parallel_loop3A_684 = arith.index_cast %parallel_loop3A_679 : i32 to index
          %parallel_loop3A_685 = arith.constant 16 : index
          %parallel_loop3A_686 = tpu.vector_load %arg12[%parallel_loop3A_684, %parallel_loop3A_685] {strides = array<i32>} : memref<112x128xf32, #tpu.memory_space<vmem>>, vector<16xf32>,
          %parallel_loop3A_687 = arith.mulf %parallel_loop3A_686, %get3A_74 : vector<16xf32>
          %parallel_loop3A_688 = arith.index_cast %parallel_loop3A_679 : i32 to index
          %parallel_loop3A_689 = arith.constant 32 : index
          %parallel_loop3A_690 = tpu.vector_load %arg12[%parallel_loop3A_688, %parallel_loop3A_689] {strides = array<i32>} : memref<112x128xf32, #tpu.memory_space<vmem>>, vector<16xf32>,
          %parallel_loop3A_691 = arith.mulf %parallel_loop3A_690, %get3A_77 : vector<16xf32>
          %parallel_loop3A_692 = arith.index_cast %parallel_loop3A_679 : i32 to index
          %parallel_loop3A_693 = arith.constant 48 : index
          %parallel_loop3A_694 = tpu.vector_load %arg12[%parallel_loop3A_692, %parallel_loop3A_693] {strides = array<i32>} : memref<112x128xf32, #tpu.memory_space<vmem>>, vector<16xf32>,
          %parallel_loop3A_695 = arith.mulf %parallel_loop3A_694, %get3A_80 : vector<16xf32>
          %parallel_loop3A_696 = arith.index_cast %parallel_loop3A_679 : i32 to index
          %parallel_loop3A_697 = arith.constant 64 : index
          %parallel_loop3A_698 = tpu.vector_load %arg12[%parallel_loop3A_696, %parallel_loop3A_697] {strides = array<i32>} : memref<112x128xf32, #tpu.memory_space<vmem>>, vector<16xf32>,
          %parallel_loop3A_699 = arith.mulf %parallel_loop3A_698, %get3A_83 : vector<16xf32>
          %parallel_loop3A_700 = arith.index_cast %parallel_loop3A_679 : i32 to index
          %parallel_loop3A_701 = arith.constant 80 : index
          %parallel_loop3A_702 = tpu.vector_load %arg12[%parallel_loop3A_700, %parallel_loop3A_701] {strides = array<i32>} : memref<112x128xf32, #tpu.memory_space<vmem>>, vector<16xf32>,
          %parallel_loop3A_703 = arith.mulf %parallel_loop3A_702, %get3A_86 : vector<16xf32>
          %parallel_loop3A_704 = arith.index_cast %parallel_loop3A_679 : i32 to index
          %parallel_loop3A_705 = arith.constant 96 : index
          %parallel_loop3A_706 = tpu.vector_load %arg12[%parallel_loop3A_704, %parallel_loop3A_705] {strides = array<i32>} : memref<112x128xf32, #tpu.memory_space<vmem>>, vector<16xf32>,
          %parallel_loop3A_707 = arith.mulf %parallel_loop3A_706, %get3A_89 : vector<16xf32>
          %parallel_loop3A_708 = arith.index_cast %parallel_loop3A_679 : i32 to index
          %parallel_loop3A_709 = arith.constant 112 : index
          %parallel_loop3A_710 = tpu.vector_load %arg12[%parallel_loop3A_708, %parallel_loop3A_709] {strides = array<i32>} : memref<112x128xf32, #tpu.memory_space<vmem>>, vector<16xf32>,
          %parallel_loop3A_711 = arith.mulf %parallel_loop3A_710, %get3A_92 : vector<16xf32>
          %parallel_loop3A_712 = arith.constant 10 : i32
          %parallel_loop3A_713 = vector.broadcast %parallel_loop3A_712 : i32 to vector<16xi32>
          %parallel_loop3A_714 = arith.cmpi eq, %iota3A, %parallel_loop3A_713 : vector<16xi32>
          %parallel_loop3A_715 = arith.addf %parallel_loop3A_683, %parallel_loop3A_687 : vector<16xf32>
          %parallel_loop3A_716 = arith.addf %parallel_loop3A_691, %parallel_loop3A_695 : vector<16xf32>
          %parallel_loop3A_717 = arith.addf %parallel_loop3A_699, %parallel_loop3A_703 : vector<16xf32>
          %parallel_loop3A_718 = arith.addf %parallel_loop3A_707, %parallel_loop3A_711 : vector<16xf32>
          %parallel_loop3A_719 = arith.addf %parallel_loop3A_715, %parallel_loop3A_716 : vector<16xf32>
          %parallel_loop3A_720 = arith.addf %parallel_loop3A_717, %parallel_loop3A_718 : vector<16xf32>
          %parallel_loop3A_721 = arith.addf %parallel_loop3A_719, %parallel_loop3A_720 : vector<16xf32>
          %parallel_loop3A_722 = arith.constant true
          %parallel_loop3A_723 = vector.broadcast %parallel_loop3A_722 : i1 to vector<16xi1>
          %parallel_loop3A_724 = tpu.scan <sum>, %parallel_loop3A_721 masked %parallel_loop3A_723 : vector<16xf32>, vector<16xi1> -> vector<16xf32>
          %parallel_loop3A_725 = vector.extract %parallel_loop3A_724[15] : f32 from vector<16xf32>
          %parallel_loop3A_726 = vector.broadcast %parallel_loop3A_725 : f32 to vector<16xf32>
          %parallel_loop3A_727 = arith.select %parallel_loop3A_714, %parallel_loop3A_726, %parallel_loop3A_675 : vector<16xi1>, vector<16xf32>
          %parallel_loop3A_728 = arith.constant 16 : i32
          %parallel_loop3A_729 = arith.muli %parallel_loop3A_153, %parallel_loop3A_728 : i32
          %parallel_loop3A_730 = arith.constant 11 : i32
          %parallel_loop3A_731 = arith.addi %parallel_loop3A_729, %parallel_loop3A_730 : i32
          %parallel_loop3A_732 = arith.index_cast %parallel_loop3A_731 : i32 to index
          %parallel_loop3A_733 = arith.constant 0 : index
          %parallel_loop3A_734 = tpu.vector_load %arg12[%parallel_loop3A_732, %parallel_loop3A_733] {strides = array<i32>} : memref<112x128xf32, #tpu.memory_space<vmem>>, vector<16xf32>,
          %parallel_loop3A_735 = arith.mulf %parallel_loop3A_734, %get3A_71 : vector<16xf32>
          %parallel_loop3A_736 = arith.index_cast %parallel_loop3A_731 : i32 to index
          %parallel_loop3A_737 = arith.constant 16 : index
          %parallel_loop3A_738 = tpu.vector_load %arg12[%parallel_loop3A_736, %parallel_loop3A_737] {strides = array<i32>} : memref<112x128xf32, #tpu.memory_space<vmem>>, vector<16xf32>,
          %parallel_loop3A_739 = arith.mulf %parallel_loop3A_738, %get3A_74 : vector<16xf32>
          %parallel_loop3A_740 = arith.index_cast %parallel_loop3A_731 : i32 to index
          %parallel_loop3A_741 = arith.constant 32 : index
          %parallel_loop3A_742 = tpu.vector_load %arg12[%parallel_loop3A_740, %parallel_loop3A_741] {strides = array<i32>} : memref<112x128xf32, #tpu.memory_space<vmem>>, vector<16xf32>,
          %parallel_loop3A_743 = arith.mulf %parallel_loop3A_742, %get3A_77 : vector<16xf32>
          %parallel_loop3A_744 = arith.index_cast %parallel_loop3A_731 : i32 to index
          %parallel_loop3A_745 = arith.constant 48 : index
          %parallel_loop3A_746 = tpu.vector_load %arg12[%parallel_loop3A_744, %parallel_loop3A_745] {strides = array<i32>} : memref<112x128xf32, #tpu.memory_space<vmem>>, vector<16xf32>,
          %parallel_loop3A_747 = arith.mulf %parallel_loop3A_746, %get3A_80 : vector<16xf32>
          %parallel_loop3A_748 = arith.index_cast %parallel_loop3A_731 : i32 to index
          %parallel_loop3A_749 = arith.constant 64 : index
          %parallel_loop3A_750 = tpu.vector_load %arg12[%parallel_loop3A_748, %parallel_loop3A_749] {strides = array<i32>} : memref<112x128xf32, #tpu.memory_space<vmem>>, vector<16xf32>,
          %parallel_loop3A_751 = arith.mulf %parallel_loop3A_750, %get3A_83 : vector<16xf32>
          %parallel_loop3A_752 = arith.index_cast %parallel_loop3A_731 : i32 to index
          %parallel_loop3A_753 = arith.constant 80 : index
          %parallel_loop3A_754 = tpu.vector_load %arg12[%parallel_loop3A_752, %parallel_loop3A_753] {strides = array<i32>} : memref<112x128xf32, #tpu.memory_space<vmem>>, vector<16xf32>,
          %parallel_loop3A_755 = arith.mulf %parallel_loop3A_754, %get3A_86 : vector<16xf32>
          %parallel_loop3A_756 = arith.index_cast %parallel_loop3A_731 : i32 to index
          %parallel_loop3A_757 = arith.constant 96 : index
          %parallel_loop3A_758 = tpu.vector_load %arg12[%parallel_loop3A_756, %parallel_loop3A_757] {strides = array<i32>} : memref<112x128xf32, #tpu.memory_space<vmem>>, vector<16xf32>,
          %parallel_loop3A_759 = arith.mulf %parallel_loop3A_758, %get3A_89 : vector<16xf32>
          %parallel_loop3A_760 = arith.index_cast %parallel_loop3A_731 : i32 to index
          %parallel_loop3A_761 = arith.constant 112 : index
          %parallel_loop3A_762 = tpu.vector_load %arg12[%parallel_loop3A_760, %parallel_loop3A_761] {strides = array<i32>} : memref<112x128xf32, #tpu.memory_space<vmem>>, vector<16xf32>,
          %parallel_loop3A_763 = arith.mulf %parallel_loop3A_762, %get3A_92 : vector<16xf32>
          %parallel_loop3A_764 = arith.constant 11 : i32
          %parallel_loop3A_765 = vector.broadcast %parallel_loop3A_764 : i32 to vector<16xi32>
          %parallel_loop3A_766 = arith.cmpi eq, %iota3A, %parallel_loop3A_765 : vector<16xi32>
          %parallel_loop3A_767 = arith.addf %parallel_loop3A_735, %parallel_loop3A_739 : vector<16xf32>
          %parallel_loop3A_768 = arith.addf %parallel_loop3A_743, %parallel_loop3A_747 : vector<16xf32>
          %parallel_loop3A_769 = arith.addf %parallel_loop3A_751, %parallel_loop3A_755 : vector<16xf32>
          %parallel_loop3A_770 = arith.addf %parallel_loop3A_759, %parallel_loop3A_763 : vector<16xf32>
          %parallel_loop3A_771 = arith.addf %parallel_loop3A_767, %parallel_loop3A_768 : vector<16xf32>
          %parallel_loop3A_772 = arith.addf %parallel_loop3A_769, %parallel_loop3A_770 : vector<16xf32>
          %parallel_loop3A_773 = arith.addf %parallel_loop3A_771, %parallel_loop3A_772 : vector<16xf32>
          %parallel_loop3A_774 = arith.constant true
          %parallel_loop3A_775 = vector.broadcast %parallel_loop3A_774 : i1 to vector<16xi1>
          %parallel_loop3A_776 = tpu.scan <sum>, %parallel_loop3A_773 masked %parallel_loop3A_775 : vector<16xf32>, vector<16xi1> -> vector<16xf32>
          %parallel_loop3A_777 = vector.extract %parallel_loop3A_776[15] : f32 from vector<16xf32>
          %parallel_loop3A_778 = vector.broadcast %parallel_loop3A_777 : f32 to vector<16xf32>
          %parallel_loop3A_779 = arith.select %parallel_loop3A_766, %parallel_loop3A_778, %parallel_loop3A_727 : vector<16xi1>, vector<16xf32>
          %parallel_loop3A_780 = arith.constant 16 : i32
          %parallel_loop3A_781 = arith.muli %parallel_loop3A_153, %parallel_loop3A_780 : i32
          %parallel_loop3A_782 = arith.constant 12 : i32
          %parallel_loop3A_783 = arith.addi %parallel_loop3A_781, %parallel_loop3A_782 : i32
          %parallel_loop3A_784 = arith.index_cast %parallel_loop3A_783 : i32 to index
          %parallel_loop3A_785 = arith.constant 0 : index
          %parallel_loop3A_786 = tpu.vector_load %arg12[%parallel_loop3A_784, %parallel_loop3A_785] {strides = array<i32>} : memref<112x128xf32, #tpu.memory_space<vmem>>, vector<16xf32>,
          %parallel_loop3A_787 = arith.mulf %parallel_loop3A_786, %get3A_71 : vector<16xf32>
          %parallel_loop3A_788 = arith.index_cast %parallel_loop3A_783 : i32 to index
          %parallel_loop3A_789 = arith.constant 16 : index
          %parallel_loop3A_790 = tpu.vector_load %arg12[%parallel_loop3A_788, %parallel_loop3A_789] {strides = array<i32>} : memref<112x128xf32, #tpu.memory_space<vmem>>, vector<16xf32>,
          %parallel_loop3A_791 = arith.mulf %parallel_loop3A_790, %get3A_74 : vector<16xf32>
          %parallel_loop3A_792 = arith.index_cast %parallel_loop3A_783 : i32 to index
          %parallel_loop3A_793 = arith.constant 32 : index
          %parallel_loop3A_794 = tpu.vector_load %arg12[%parallel_loop3A_792, %parallel_loop3A_793] {strides = array<i32>} : memref<112x128xf32, #tpu.memory_space<vmem>>, vector<16xf32>,
          %parallel_loop3A_795 = arith.mulf %parallel_loop3A_794, %get3A_77 : vector<16xf32>
          %parallel_loop3A_796 = arith.index_cast %parallel_loop3A_783 : i32 to index
          %parallel_loop3A_797 = arith.constant 48 : index
          %parallel_loop3A_798 = tpu.vector_load %arg12[%parallel_loop3A_796, %parallel_loop3A_797] {strides = array<i32>} : memref<112x128xf32, #tpu.memory_space<vmem>>, vector<16xf32>,
          %parallel_loop3A_799 = arith.mulf %parallel_loop3A_798, %get3A_80 : vector<16xf32>
          %parallel_loop3A_800 = arith.index_cast %parallel_loop3A_783 : i32 to index
          %parallel_loop3A_801 = arith.constant 64 : index
          %parallel_loop3A_802 = tpu.vector_load %arg12[%parallel_loop3A_800, %parallel_loop3A_801] {strides = array<i32>} : memref<112x128xf32, #tpu.memory_space<vmem>>, vector<16xf32>,
          %parallel_loop3A_803 = arith.mulf %parallel_loop3A_802, %get3A_83 : vector<16xf32>
          %parallel_loop3A_804 = arith.index_cast %parallel_loop3A_783 : i32 to index
          %parallel_loop3A_805 = arith.constant 80 : index
          %parallel_loop3A_806 = tpu.vector_load %arg12[%parallel_loop3A_804, %parallel_loop3A_805] {strides = array<i32>} : memref<112x128xf32, #tpu.memory_space<vmem>>, vector<16xf32>,
          %parallel_loop3A_807 = arith.mulf %parallel_loop3A_806, %get3A_86 : vector<16xf32>
          %parallel_loop3A_808 = arith.index_cast %parallel_loop3A_783 : i32 to index
          %parallel_loop3A_809 = arith.constant 96 : index
          %parallel_loop3A_810 = tpu.vector_load %arg12[%parallel_loop3A_808, %parallel_loop3A_809] {strides = array<i32>} : memref<112x128xf32, #tpu.memory_space<vmem>>, vector<16xf32>,
          %parallel_loop3A_811 = arith.mulf %parallel_loop3A_810, %get3A_89 : vector<16xf32>
          %parallel_loop3A_812 = arith.index_cast %parallel_loop3A_783 : i32 to index
          %parallel_loop3A_813 = arith.constant 112 : index
          %parallel_loop3A_814 = tpu.vector_load %arg12[%parallel_loop3A_812, %parallel_loop3A_813] {strides = array<i32>} : memref<112x128xf32, #tpu.memory_space<vmem>>, vector<16xf32>,
          %parallel_loop3A_815 = arith.mulf %parallel_loop3A_814, %get3A_92 : vector<16xf32>
          %parallel_loop3A_816 = arith.constant 12 : i32
          %parallel_loop3A_817 = vector.broadcast %parallel_loop3A_816 : i32 to vector<16xi32>
          %parallel_loop3A_818 = arith.cmpi eq, %iota3A, %parallel_loop3A_817 : vector<16xi32>
          %parallel_loop3A_819 = arith.addf %parallel_loop3A_787, %parallel_loop3A_791 : vector<16xf32>
          %parallel_loop3A_820 = arith.addf %parallel_loop3A_795, %parallel_loop3A_799 : vector<16xf32>
          %parallel_loop3A_821 = arith.addf %parallel_loop3A_803, %parallel_loop3A_807 : vector<16xf32>
          %parallel_loop3A_822 = arith.addf %parallel_loop3A_811, %parallel_loop3A_815 : vector<16xf32>
          %parallel_loop3A_823 = arith.addf %parallel_loop3A_819, %parallel_loop3A_820 : vector<16xf32>
          %parallel_loop3A_824 = arith.addf %parallel_loop3A_821, %parallel_loop3A_822 : vector<16xf32>
          %parallel_loop3A_825 = arith.addf %parallel_loop3A_823, %parallel_loop3A_824 : vector<16xf32>
          %parallel_loop3A_826 = arith.constant true
          %parallel_loop3A_827 = vector.broadcast %parallel_loop3A_826 : i1 to vector<16xi1>
          %parallel_loop3A_828 = tpu.scan <sum>, %parallel_loop3A_825 masked %parallel_loop3A_827 : vector<16xf32>, vector<16xi1> -> vector<16xf32>
          %parallel_loop3A_829 = vector.extract %parallel_loop3A_828[15] : f32 from vector<16xf32>
          %parallel_loop3A_830 = vector.broadcast %parallel_loop3A_829 : f32 to vector<16xf32>
          %parallel_loop3A_831 = arith.select %parallel_loop3A_818, %parallel_loop3A_830, %parallel_loop3A_779 : vector<16xi1>, vector<16xf32>
          %parallel_loop3A_832 = arith.constant 16 : i32
          %parallel_loop3A_833 = arith.muli %parallel_loop3A_153, %parallel_loop3A_832 : i32
          %parallel_loop3A_834 = arith.constant 13 : i32
          %parallel_loop3A_835 = arith.addi %parallel_loop3A_833, %parallel_loop3A_834 : i32
          %parallel_loop3A_836 = arith.index_cast %parallel_loop3A_835 : i32 to index
          %parallel_loop3A_837 = arith.constant 0 : index
          %parallel_loop3A_838 = tpu.vector_load %arg12[%parallel_loop3A_836, %parallel_loop3A_837] {strides = array<i32>} : memref<112x128xf32, #tpu.memory_space<vmem>>, vector<16xf32>,
          %parallel_loop3A_839 = arith.mulf %parallel_loop3A_838, %get3A_71 : vector<16xf32>
          %parallel_loop3A_840 = arith.index_cast %parallel_loop3A_835 : i32 to index
          %parallel_loop3A_841 = arith.constant 16 : index
          %parallel_loop3A_842 = tpu.vector_load %arg12[%parallel_loop3A_840, %parallel_loop3A_841] {strides = array<i32>} : memref<112x128xf32, #tpu.memory_space<vmem>>, vector<16xf32>,
          %parallel_loop3A_843 = arith.mulf %parallel_loop3A_842, %get3A_74 : vector<16xf32>
          %parallel_loop3A_844 = arith.index_cast %parallel_loop3A_835 : i32 to index
          %parallel_loop3A_845 = arith.constant 32 : index
          %parallel_loop3A_846 = tpu.vector_load %arg12[%parallel_loop3A_844, %parallel_loop3A_845] {strides = array<i32>} : memref<112x128xf32, #tpu.memory_space<vmem>>, vector<16xf32>,
          %parallel_loop3A_847 = arith.mulf %parallel_loop3A_846, %get3A_77 : vector<16xf32>
          %parallel_loop3A_848 = arith.index_cast %parallel_loop3A_835 : i32 to index
          %parallel_loop3A_849 = arith.constant 48 : index
          %parallel_loop3A_850 = tpu.vector_load %arg12[%parallel_loop3A_848, %parallel_loop3A_849] {strides = array<i32>} : memref<112x128xf32, #tpu.memory_space<vmem>>, vector<16xf32>,
          %parallel_loop3A_851 = arith.mulf %parallel_loop3A_850, %get3A_80 : vector<16xf32>
          %parallel_loop3A_852 = arith.index_cast %parallel_loop3A_835 : i32 to index
          %parallel_loop3A_853 = arith.constant 64 : index
          %parallel_loop3A_854 = tpu.vector_load %arg12[%parallel_loop3A_852, %parallel_loop3A_853] {strides = array<i32>} : memref<112x128xf32, #tpu.memory_space<vmem>>, vector<16xf32>,
          %parallel_loop3A_855 = arith.mulf %parallel_loop3A_854, %get3A_83 : vector<16xf32>
          %parallel_loop3A_856 = arith.index_cast %parallel_loop3A_835 : i32 to index
          %parallel_loop3A_857 = arith.constant 80 : index
          %parallel_loop3A_858 = tpu.vector_load %arg12[%parallel_loop3A_856, %parallel_loop3A_857] {strides = array<i32>} : memref<112x128xf32, #tpu.memory_space<vmem>>, vector<16xf32>,
          %parallel_loop3A_859 = arith.mulf %parallel_loop3A_858, %get3A_86 : vector<16xf32>
          %parallel_loop3A_860 = arith.index_cast %parallel_loop3A_835 : i32 to index
          %parallel_loop3A_861 = arith.constant 96 : index
          %parallel_loop3A_862 = tpu.vector_load %arg12[%parallel_loop3A_860, %parallel_loop3A_861] {strides = array<i32>} : memref<112x128xf32, #tpu.memory_space<vmem>>, vector<16xf32>,
          %parallel_loop3A_863 = arith.mulf %parallel_loop3A_862, %get3A_89 : vector<16xf32>
          %parallel_loop3A_864 = arith.index_cast %parallel_loop3A_835 : i32 to index
          %parallel_loop3A_865 = arith.constant 112 : index
          %parallel_loop3A_866 = tpu.vector_load %arg12[%parallel_loop3A_864, %parallel_loop3A_865] {strides = array<i32>} : memref<112x128xf32, #tpu.memory_space<vmem>>, vector<16xf32>,
          %parallel_loop3A_867 = arith.mulf %parallel_loop3A_866, %get3A_92 : vector<16xf32>
          %parallel_loop3A_868 = arith.constant 13 : i32
          %parallel_loop3A_869 = vector.broadcast %parallel_loop3A_868 : i32 to vector<16xi32>
          %parallel_loop3A_870 = arith.cmpi eq, %iota3A, %parallel_loop3A_869 : vector<16xi32>
          %parallel_loop3A_871 = arith.addf %parallel_loop3A_839, %parallel_loop3A_843 : vector<16xf32>
          %parallel_loop3A_872 = arith.addf %parallel_loop3A_847, %parallel_loop3A_851 : vector<16xf32>
          %parallel_loop3A_873 = arith.addf %parallel_loop3A_855, %parallel_loop3A_859 : vector<16xf32>
          %parallel_loop3A_874 = arith.addf %parallel_loop3A_863, %parallel_loop3A_867 : vector<16xf32>
          %parallel_loop3A_875 = arith.addf %parallel_loop3A_871, %parallel_loop3A_872 : vector<16xf32>
          %parallel_loop3A_876 = arith.addf %parallel_loop3A_873, %parallel_loop3A_874 : vector<16xf32>
          %parallel_loop3A_877 = arith.addf %parallel_loop3A_875, %parallel_loop3A_876 : vector<16xf32>
          %parallel_loop3A_878 = arith.constant true
          %parallel_loop3A_879 = vector.broadcast %parallel_loop3A_878 : i1 to vector<16xi1>
          %parallel_loop3A_880 = tpu.scan <sum>, %parallel_loop3A_877 masked %parallel_loop3A_879 : vector<16xf32>, vector<16xi1> -> vector<16xf32>
          %parallel_loop3A_881 = vector.extract %parallel_loop3A_880[15] : f32 from vector<16xf32>
          %parallel_loop3A_882 = vector.broadcast %parallel_loop3A_881 : f32 to vector<16xf32>
          %parallel_loop3A_883 = arith.select %parallel_loop3A_870, %parallel_loop3A_882, %parallel_loop3A_831 : vector<16xi1>, vector<16xf32>
          %parallel_loop3A_884 = arith.constant 16 : i32
          %parallel_loop3A_885 = arith.muli %parallel_loop3A_153, %parallel_loop3A_884 : i32
          %parallel_loop3A_886 = arith.constant 14 : i32
          %parallel_loop3A_887 = arith.addi %parallel_loop3A_885, %parallel_loop3A_886 : i32
          %parallel_loop3A_888 = arith.index_cast %parallel_loop3A_887 : i32 to index
          %parallel_loop3A_889 = arith.constant 0 : index
          %parallel_loop3A_890 = tpu.vector_load %arg12[%parallel_loop3A_888, %parallel_loop3A_889] {strides = array<i32>} : memref<112x128xf32, #tpu.memory_space<vmem>>, vector<16xf32>,
          %parallel_loop3A_891 = arith.mulf %parallel_loop3A_890, %get3A_71 : vector<16xf32>
          %parallel_loop3A_892 = arith.index_cast %parallel_loop3A_887 : i32 to index
          %parallel_loop3A_893 = arith.constant 16 : index
          %parallel_loop3A_894 = tpu.vector_load %arg12[%parallel_loop3A_892, %parallel_loop3A_893] {strides = array<i32>} : memref<112x128xf32, #tpu.memory_space<vmem>>, vector<16xf32>,
          %parallel_loop3A_895 = arith.mulf %parallel_loop3A_894, %get3A_74 : vector<16xf32>
          %parallel_loop3A_896 = arith.index_cast %parallel_loop3A_887 : i32 to index
          %parallel_loop3A_897 = arith.constant 32 : index
          %parallel_loop3A_898 = tpu.vector_load %arg12[%parallel_loop3A_896, %parallel_loop3A_897] {strides = array<i32>} : memref<112x128xf32, #tpu.memory_space<vmem>>, vector<16xf32>,
          %parallel_loop3A_899 = arith.mulf %parallel_loop3A_898, %get3A_77 : vector<16xf32>
          %parallel_loop3A_900 = arith.index_cast %parallel_loop3A_887 : i32 to index
          %parallel_loop3A_901 = arith.constant 48 : index
          %parallel_loop3A_902 = tpu.vector_load %arg12[%parallel_loop3A_900, %parallel_loop3A_901] {strides = array<i32>} : memref<112x128xf32, #tpu.memory_space<vmem>>, vector<16xf32>,
          %parallel_loop3A_903 = arith.mulf %parallel_loop3A_902, %get3A_80 : vector<16xf32>
          %parallel_loop3A_904 = arith.index_cast %parallel_loop3A_887 : i32 to index
          %parallel_loop3A_905 = arith.constant 64 : index
          %parallel_loop3A_906 = tpu.vector_load %arg12[%parallel_loop3A_904, %parallel_loop3A_905] {strides = array<i32>} : memref<112x128xf32, #tpu.memory_space<vmem>>, vector<16xf32>,
          %parallel_loop3A_907 = arith.mulf %parallel_loop3A_906, %get3A_83 : vector<16xf32>
          %parallel_loop3A_908 = arith.index_cast %parallel_loop3A_887 : i32 to index
          %parallel_loop3A_909 = arith.constant 80 : index
          %parallel_loop3A_910 = tpu.vector_load %arg12[%parallel_loop3A_908, %parallel_loop3A_909] {strides = array<i32>} : memref<112x128xf32, #tpu.memory_space<vmem>>, vector<16xf32>,
          %parallel_loop3A_911 = arith.mulf %parallel_loop3A_910, %get3A_86 : vector<16xf32>
          %parallel_loop3A_912 = arith.index_cast %parallel_loop3A_887 : i32 to index
          %parallel_loop3A_913 = arith.constant 96 : index
          %parallel_loop3A_914 = tpu.vector_load %arg12[%parallel_loop3A_912, %parallel_loop3A_913] {strides = array<i32>} : memref<112x128xf32, #tpu.memory_space<vmem>>, vector<16xf32>,
          %parallel_loop3A_915 = arith.mulf %parallel_loop3A_914, %get3A_89 : vector<16xf32>
          %parallel_loop3A_916 = arith.index_cast %parallel_loop3A_887 : i32 to index
          %parallel_loop3A_917 = arith.constant 112 : index
          %parallel_loop3A_918 = tpu.vector_load %arg12[%parallel_loop3A_916, %parallel_loop3A_917] {strides = array<i32>} : memref<112x128xf32, #tpu.memory_space<vmem>>, vector<16xf32>,
          %parallel_loop3A_919 = arith.mulf %parallel_loop3A_918, %get3A_92 : vector<16xf32>
          %parallel_loop3A_920 = arith.constant 14 : i32
          %parallel_loop3A_921 = vector.broadcast %parallel_loop3A_920 : i32 to vector<16xi32>
          %parallel_loop3A_922 = arith.cmpi eq, %iota3A, %parallel_loop3A_921 : vector<16xi32>
          %parallel_loop3A_923 = arith.addf %parallel_loop3A_891, %parallel_loop3A_895 : vector<16xf32>
          %parallel_loop3A_924 = arith.addf %parallel_loop3A_899, %parallel_loop3A_903 : vector<16xf32>
          %parallel_loop3A_925 = arith.addf %parallel_loop3A_907, %parallel_loop3A_911 : vector<16xf32>
          %parallel_loop3A_926 = arith.addf %parallel_loop3A_915, %parallel_loop3A_919 : vector<16xf32>
          %parallel_loop3A_927 = arith.addf %parallel_loop3A_923, %parallel_loop3A_924 : vector<16xf32>
          %parallel_loop3A_928 = arith.addf %parallel_loop3A_925, %parallel_loop3A_926 : vector<16xf32>
          %parallel_loop3A_929 = arith.addf %parallel_loop3A_927, %parallel_loop3A_928 : vector<16xf32>
          %parallel_loop3A_930 = arith.constant true
          %parallel_loop3A_931 = vector.broadcast %parallel_loop3A_930 : i1 to vector<16xi1>
          %parallel_loop3A_932 = tpu.scan <sum>, %parallel_loop3A_929 masked %parallel_loop3A_931 : vector<16xf32>, vector<16xi1> -> vector<16xf32>
          %parallel_loop3A_933 = vector.extract %parallel_loop3A_932[15] : f32 from vector<16xf32>
          %parallel_loop3A_934 = vector.broadcast %parallel_loop3A_933 : f32 to vector<16xf32>
          %parallel_loop3A_935 = arith.select %parallel_loop3A_922, %parallel_loop3A_934, %parallel_loop3A_883 : vector<16xi1>, vector<16xf32>
          %parallel_loop3A_936 = arith.constant 16 : i32
          %parallel_loop3A_937 = arith.muli %parallel_loop3A_153, %parallel_loop3A_936 : i32
          %parallel_loop3A_938 = arith.constant 15 : i32
          %parallel_loop3A_939 = arith.addi %parallel_loop3A_937, %parallel_loop3A_938 : i32
          %parallel_loop3A_940 = arith.index_cast %parallel_loop3A_939 : i32 to index
          %parallel_loop3A_941 = arith.constant 0 : index
          %parallel_loop3A_942 = tpu.vector_load %arg12[%parallel_loop3A_940, %parallel_loop3A_941] {strides = array<i32>} : memref<112x128xf32, #tpu.memory_space<vmem>>, vector<16xf32>,
          %parallel_loop3A_943 = arith.mulf %parallel_loop3A_942, %get3A_71 : vector<16xf32>
          %parallel_loop3A_944 = arith.index_cast %parallel_loop3A_939 : i32 to index
          %parallel_loop3A_945 = arith.constant 16 : index
          %parallel_loop3A_946 = tpu.vector_load %arg12[%parallel_loop3A_944, %parallel_loop3A_945] {strides = array<i32>} : memref<112x128xf32, #tpu.memory_space<vmem>>, vector<16xf32>,
          %parallel_loop3A_947 = arith.mulf %parallel_loop3A_946, %get3A_74 : vector<16xf32>
          %parallel_loop3A_948 = arith.index_cast %parallel_loop3A_939 : i32 to index
          %parallel_loop3A_949 = arith.constant 32 : index
          %parallel_loop3A_950 = tpu.vector_load %arg12[%parallel_loop3A_948, %parallel_loop3A_949] {strides = array<i32>} : memref<112x128xf32, #tpu.memory_space<vmem>>, vector<16xf32>,
          %parallel_loop3A_951 = arith.mulf %parallel_loop3A_950, %get3A_77 : vector<16xf32>
          %parallel_loop3A_952 = arith.index_cast %parallel_loop3A_939 : i32 to index
          %parallel_loop3A_953 = arith.constant 48 : index
          %parallel_loop3A_954 = tpu.vector_load %arg12[%parallel_loop3A_952, %parallel_loop3A_953] {strides = array<i32>} : memref<112x128xf32, #tpu.memory_space<vmem>>, vector<16xf32>,
          %parallel_loop3A_955 = arith.mulf %parallel_loop3A_954, %get3A_80 : vector<16xf32>
          %parallel_loop3A_956 = arith.index_cast %parallel_loop3A_939 : i32 to index
          %parallel_loop3A_957 = arith.constant 64 : index
          %parallel_loop3A_958 = tpu.vector_load %arg12[%parallel_loop3A_956, %parallel_loop3A_957] {strides = array<i32>} : memref<112x128xf32, #tpu.memory_space<vmem>>, vector<16xf32>,
          %parallel_loop3A_959 = arith.mulf %parallel_loop3A_958, %get3A_83 : vector<16xf32>
          %parallel_loop3A_960 = arith.index_cast %parallel_loop3A_939 : i32 to index
          %parallel_loop3A_961 = arith.constant 80 : index
          %parallel_loop3A_962 = tpu.vector_load %arg12[%parallel_loop3A_960, %parallel_loop3A_961] {strides = array<i32>} : memref<112x128xf32, #tpu.memory_space<vmem>>, vector<16xf32>,
          %parallel_loop3A_963 = arith.mulf %parallel_loop3A_962, %get3A_86 : vector<16xf32>
          %parallel_loop3A_964 = arith.index_cast %parallel_loop3A_939 : i32 to index
          %parallel_loop3A_965 = arith.constant 96 : index
          %parallel_loop3A_966 = tpu.vector_load %arg12[%parallel_loop3A_964, %parallel_loop3A_965] {strides = array<i32>} : memref<112x128xf32, #tpu.memory_space<vmem>>, vector<16xf32>,
          %parallel_loop3A_967 = arith.mulf %parallel_loop3A_966, %get3A_89 : vector<16xf32>
          %parallel_loop3A_968 = arith.index_cast %parallel_loop3A_939 : i32 to index
          %parallel_loop3A_969 = arith.constant 112 : index
          %parallel_loop3A_970 = tpu.vector_load %arg12[%parallel_loop3A_968, %parallel_loop3A_969] {strides = array<i32>} : memref<112x128xf32, #tpu.memory_space<vmem>>, vector<16xf32>,
          %parallel_loop3A_971 = arith.mulf %parallel_loop3A_970, %get3A_92 : vector<16xf32>
          %parallel_loop3A_972 = arith.constant 15 : i32
          %parallel_loop3A_973 = vector.broadcast %parallel_loop3A_972 : i32 to vector<16xi32>
          %parallel_loop3A_974 = arith.cmpi eq, %iota3A, %parallel_loop3A_973 : vector<16xi32>
          %parallel_loop3A_975 = arith.addf %parallel_loop3A_943, %parallel_loop3A_947 : vector<16xf32>
          %parallel_loop3A_976 = arith.addf %parallel_loop3A_951, %parallel_loop3A_955 : vector<16xf32>
          %parallel_loop3A_977 = arith.addf %parallel_loop3A_959, %parallel_loop3A_963 : vector<16xf32>
          %parallel_loop3A_978 = arith.addf %parallel_loop3A_967, %parallel_loop3A_971 : vector<16xf32>
          %parallel_loop3A_979 = arith.addf %parallel_loop3A_975, %parallel_loop3A_976 : vector<16xf32>
          %parallel_loop3A_980 = arith.addf %parallel_loop3A_977, %parallel_loop3A_978 : vector<16xf32>
          %parallel_loop3A_981 = arith.addf %parallel_loop3A_979, %parallel_loop3A_980 : vector<16xf32>
          %parallel_loop3A_982 = arith.constant true
          %parallel_loop3A_983 = vector.broadcast %parallel_loop3A_982 : i1 to vector<16xi1>
          %parallel_loop3A_984 = tpu.scan <sum>, %parallel_loop3A_981 masked %parallel_loop3A_983 : vector<16xf32>, vector<16xi1> -> vector<16xf32>
          %parallel_loop3A_985 = vector.extract %parallel_loop3A_984[15] : f32 from vector<16xf32>
          %parallel_loop3A_986 = vector.broadcast %parallel_loop3A_985 : f32 to vector<16xf32>
          %parallel_loop3A_987 = arith.select %parallel_loop3A_974, %parallel_loop3A_986, %parallel_loop3A_935 : vector<16xi1>, vector<16xf32>
          %parallel_loop3A_988 = arith.constant 16 : i32
          %parallel_loop3A_989 = arith.muli %parallel_loop3A_153, %parallel_loop3A_988 : i32
          %parallel_loop3A_990 = arith.index_cast %add3A_46 : i32 to index
          %parallel_loop3A_991 = arith.index_cast %parallel_loop3A_989 : i32 to index
          %parallel_loop3A_992 = tpu.vector_load %arg14[%parallel_loop3A_990, %parallel_loop3A_991] {strides = array<i32>} : memref<128x128xf32, #tpu.memory_space<vmem>>, vector<16xf32>,
          tpu.vector_store %arg14[%parallel_loop3A_990, %parallel_loop3A_991], %parallel_loop3A_987 {strides = array<i32>} : memref<128x128xf32, #tpu.memory_space<vmem>>, vector<16xf32>,
        } {sc.loop_unroll_factor = 2 : i64, sc.parallel_access}
        %mul3A_95 = arith.constant 2 : i32
        %mul3A_96 = arith.muli %mul3A_95, %scan3A_42 : i32
        %add3A_97 = arith.constant 1 : i32
        %add3A_98 = arith.addi %mul3A_96, %add3A_97 : i32
        %add3A_99 = arith.constant 2 : i32
        %add3A_100 = arith.addi %add3A_98, %add3A_99 : i32
        %sub3A_101 = arith.constant 1 : i32
        %sub3A_102 = arith.subi %add3A_100, %sub3A_101 : i32
        %lt3A_103 = arith.constant 128 : i32
        %lt3A_104 = arith.cmpi slt, %sub3A_102, %lt3A_103 : i32
        %convert_element_type3A_105 = arith.extui %lt3A_104 : i1 to i32
        %cond3A_106 = arith.constant 0 : i32
        %cond3A_107 = arith.cmpi ne, %convert_element_type3A_105, %cond3A_106 : i32
        scf.if %cond3A_107 {
          %add3A_153 = arith.constant 2 : i32
          %add3A_154 = arith.addi %add3A_98, %add3A_153 : i32
          %sub3A_155 = arith.constant 1 : i32
          %sub3A_156 = arith.subi %add3A_154, %sub3A_155 : i32
          %dma_start3A_157 = arith.constant 0 : i32
          %dma_start3A_158 = arith.constant 0 : i32
          %dma_start3A_159 = tpu.memref_slice %arg12[%dma_start3A_157, %dma_start3A_158] : memref<112x128xf32, #tpu.memory_space<vmem>> -> memref<50x128xf32, #tpu.memory_space<vmem>>
          %dma_start3A_160 = arith.constant 0 : i32
          %dma_start3A_161 = tpu.memref_slice %arg8[%sub3A_156, %dma_start3A_160] : memref<128x50xi32, #tpu.memory_space<vmem>> -> memref<1x50xi32, #tpu.memory_space<vmem>>
          %dma_start3A_162 = tpu.memref_squeeze %dma_start3A_161 : memref<1x50xi32, #tpu.memory_space<vmem>> -> memref<50xi32, #tpu.memory_space<vmem>>
          %dma_start3A_163 = arith.constant 0 : i32
          %dma_start3A_164 = arith.constant 0 : i32
          %dma_start3A_165 = tpu.memref_slice %arg6[%dma_start3A_163, %dma_start3A_164] : memref<100000x128xf32, #tpu.memory_space<hbm>> -> memref<100000x128xf32, #tpu.memory_space<hbm>>
          tpu.enqueue_indirect_dma source(%dma_start3A_165 : memref<100000x128xf32, #tpu.memory_space<hbm>>) target(%dma_start3A_159 : memref<50x128xf32, #tpu.memory_space<vmem>>) offsets(%dma_start3A_162 : memref<50xi32, #tpu.memory_space<vmem>>) semaphore(%arg15 : memref<!tpu.dma_semaphore, #tpu.memory_space<semaphore_mem>>)
          %dma_start3A_166 = arith.constant 50 : i32
          %dma_start3A_167 = arith.constant 0 : i32
          %dma_start3A_168 = tpu.memref_slice %arg12[%dma_start3A_166, %dma_start3A_167] : memref<112x128xf32, #tpu.memory_space<vmem>> -> memref<50x128xf32, #tpu.memory_space<vmem>>
          %dma_start3A_169 = arith.constant 0 : i32
          %dma_start3A_170 = tpu.memref_slice %arg9[%sub3A_156, %dma_start3A_169] : memref<128x50xi32, #tpu.memory_space<vmem>> -> memref<1x50xi32, #tpu.memory_space<vmem>>
          %dma_start3A_171 = tpu.memref_squeeze %dma_start3A_170 : memref<1x50xi32, #tpu.memory_space<vmem>> -> memref<50xi32, #tpu.memory_space<vmem>>
          %dma_start3A_172 = arith.constant 0 : i32
          %dma_start3A_173 = arith.constant 0 : i32
          %dma_start3A_174 = tpu.memref_slice %arg6[%dma_start3A_172, %dma_start3A_173] : memref<100000x128xf32, #tpu.memory_space<hbm>> -> memref<100000x128xf32, #tpu.memory_space<hbm>>
          tpu.enqueue_indirect_dma source(%dma_start3A_174 : memref<100000x128xf32, #tpu.memory_space<hbm>>) target(%dma_start3A_168 : memref<50x128xf32, #tpu.memory_space<vmem>>) offsets(%dma_start3A_171 : memref<50xi32, #tpu.memory_space<vmem>>) semaphore(%arg15 : memref<!tpu.dma_semaphore, #tpu.memory_space<semaphore_mem>>)
        } else {
        }
        %dma_wait3A_108 = arith.constant 0 : i32
        %dma_wait3A_109 = arith.constant 0 : i32
        %dma_wait3A_110 = tpu.memref_slice %arg13[%dma_wait3A_108, %dma_wait3A_109] : memref<112x128xf32, #tpu.memory_space<vmem>> -> memref<50x128xf32, #tpu.memory_space<vmem>>
        %dma_wait3A_111 = arith.constant 0 : i32
        %dma_wait3A_112 = tpu.memref_slice %arg8[%add3A_98, %dma_wait3A_111] : memref<128x50xi32, #tpu.memory_space<vmem>> -> memref<1x50xi32, #tpu.memory_space<vmem>>
        %dma_wait3A_113 = tpu.memref_squeeze %dma_wait3A_112 : memref<1x50xi32, #tpu.memory_space<vmem>> -> memref<50xi32, #tpu.memory_space<vmem>>
        %dma_wait3A_114 = arith.constant 0 : i32
        %dma_wait3A_115 = arith.constant 0 : i32
        %dma_wait3A_116 = tpu.memref_slice %arg6[%dma_wait3A_114, %dma_wait3A_115] : memref<100000x128xf32, #tpu.memory_space<hbm>> -> memref<100000x128xf32, #tpu.memory_space<hbm>>
        tpu.wait_indirect_dma semaphore(%arg16 : memref<!tpu.dma_semaphore, #tpu.memory_space<semaphore_mem>>) src(%dma_wait3A_116 : memref<100000x128xf32, #tpu.memory_space<hbm>>) dst(%dma_wait3A_110 : memref<50x128xf32, #tpu.memory_space<vmem>>)
        %dma_wait3A_117 = arith.constant 50 : i32
        %dma_wait3A_118 = arith.constant 0 : i32
        %dma_wait3A_119 = tpu.memref_slice %arg13[%dma_wait3A_117, %dma_wait3A_118] : memref<112x128xf32, #tpu.memory_space<vmem>> -> memref<50x128xf32, #tpu.memory_space<vmem>>
        %dma_wait3A_120 = arith.constant 0 : i32
        %dma_wait3A_121 = tpu.memref_slice %arg9[%add3A_98, %dma_wait3A_120] : memref<128x50xi32, #tpu.memory_space<vmem>> -> memref<1x50xi32, #tpu.memory_space<vmem>>
        %dma_wait3A_122 = tpu.memref_squeeze %dma_wait3A_121 : memref<1x50xi32, #tpu.memory_space<vmem>> -> memref<50xi32, #tpu.memory_space<vmem>>
        %dma_wait3A_123 = arith.constant 0 : i32
        %dma_wait3A_124 = arith.constant 0 : i32
        %dma_wait3A_125 = tpu.memref_slice %arg6[%dma_wait3A_123, %dma_wait3A_124] : memref<100000x128xf32, #tpu.memory_space<hbm>> -> memref<100000x128xf32, #tpu.memory_space<hbm>>
        tpu.wait_indirect_dma semaphore(%arg16 : memref<!tpu.dma_semaphore, #tpu.memory_space<semaphore_mem>>) src(%dma_wait3A_125 : memref<100000x128xf32, #tpu.memory_space<hbm>>) dst(%dma_wait3A_119 : memref<50x128xf32, #tpu.memory_space<vmem>>)
        %get3A_126 = arith.index_cast %add3A_98 : i32 to index
        %get3A_127 = arith.constant 0 : index
        %get3A_128 = tpu.vector_load %arg11[%get3A_126, %get3A_127] {strides = array<i32>} : memref<128x128xf32, #tpu.memory_space<vmem>>, vector<16xf32>,
        %get3A_129 = arith.index_cast %add3A_98 : i32 to index
        %get3A_130 = arith.constant 16 : index
        %get3A_131 = tpu.vector_load %arg11[%get3A_129, %get3A_130] {strides = array<i32>} : memref<128x128xf32, #tpu.memory_space<vmem>>, vector<16xf32>,
        %get3A_132 = arith.index_cast %add3A_98 : i32 to index
        %get3A_133 = arith.constant 32 : index
        %get3A_134 = tpu.vector_load %arg11[%get3A_132, %get3A_133] {strides = array<i32>} : memref<128x128xf32, #tpu.memory_space<vmem>>, vector<16xf32>,
        %get3A_135 = arith.index_cast %add3A_98 : i32 to index
        %get3A_136 = arith.constant 48 : index
        %get3A_137 = tpu.vector_load %arg11[%get3A_135, %get3A_136] {strides = array<i32>} : memref<128x128xf32, #tpu.memory_space<vmem>>, vector<16xf32>,
        %get3A_138 = arith.index_cast %add3A_98 : i32 to index
        %get3A_139 = arith.constant 64 : index
        %get3A_140 = tpu.vector_load %arg11[%get3A_138, %get3A_139] {strides = array<i32>} : memref<128x128xf32, #tpu.memory_space<vmem>>, vector<16xf32>,
        %get3A_141 = arith.index_cast %add3A_98 : i32 to index
        %get3A_142 = arith.constant 80 : index
        %get3A_143 = tpu.vector_load %arg11[%get3A_141, %get3A_142] {strides = array<i32>} : memref<128x128xf32, #tpu.memory_space<vmem>>, vector<16xf32>,
        %get3A_144 = arith.index_cast %add3A_98 : i32 to index
        %get3A_145 = arith.constant 96 : index
        %get3A_146 = tpu.vector_load %arg11[%get3A_144, %get3A_145] {strides = array<i32>} : memref<128x128xf32, #tpu.memory_space<vmem>>, vector<16xf32>,
        %get3A_147 = arith.index_cast %add3A_98 : i32 to index
        %get3A_148 = arith.constant 112 : index
        %get3A_149 = tpu.vector_load %arg11[%get3A_147, %get3A_148] {strides = array<i32>} : memref<128x128xf32, #tpu.memory_space<vmem>>, vector<16xf32>,
        %parallel_loop3A_150 = arith.constant 0 : i32
        %parallel_loop3A_151 = arith.constant 7 : i32
        %parallel_loop3A_152 = arith.constant 1 : i32
        scf.for %parallel_loop3A_153 = %parallel_loop3A_150 to %parallel_loop3A_151 step %parallel_loop3A_152  : i32 {
          %parallel_loop3A_154 = arith.constant 0.000000e+00 : f32
          %parallel_loop3A_155 = vector.broadcast %parallel_loop3A_154 : f32 to vector<16xf32>
          %parallel_loop3A_156 = arith.constant 16 : i32
          %parallel_loop3A_157 = arith.muli %parallel_loop3A_153, %parallel_loop3A_156 : i32
          %parallel_loop3A_158 = arith.constant 0 : i32
          %parallel_loop3A_159 = arith.addi %parallel_loop3A_157, %parallel_loop3A_158 : i32
          %parallel_loop3A_160 = arith.index_cast %parallel_loop3A_159 : i32 to index
          %parallel_loop3A_161 = arith.constant 0 : index
          %parallel_loop3A_162 = tpu.vector_load %arg13[%parallel_loop3A_160, %parallel_loop3A_161] {strides = array<i32>} : memref<112x128xf32, #tpu.memory_space<vmem>>, vector<16xf32>,
          %parallel_loop3A_163 = arith.mulf %parallel_loop3A_162, %get3A_128 : vector<16xf32>
          %parallel_loop3A_164 = arith.index_cast %parallel_loop3A_159 : i32 to index
          %parallel_loop3A_165 = arith.constant 16 : index
          %parallel_loop3A_166 = tpu.vector_load %arg13[%parallel_loop3A_164, %parallel_loop3A_165] {strides = array<i32>} : memref<112x128xf32, #tpu.memory_space<vmem>>, vector<16xf32>,
          %parallel_loop3A_167 = arith.mulf %parallel_loop3A_166, %get3A_131 : vector<16xf32>
          %parallel_loop3A_168 = arith.index_cast %parallel_loop3A_159 : i32 to index
          %parallel_loop3A_169 = arith.constant 32 : index
          %parallel_loop3A_170 = tpu.vector_load %arg13[%parallel_loop3A_168, %parallel_loop3A_169] {strides = array<i32>} : memref<112x128xf32, #tpu.memory_space<vmem>>, vector<16xf32>,
          %parallel_loop3A_171 = arith.mulf %parallel_loop3A_170, %get3A_134 : vector<16xf32>
          %parallel_loop3A_172 = arith.index_cast %parallel_loop3A_159 : i32 to index
          %parallel_loop3A_173 = arith.constant 48 : index
          %parallel_loop3A_174 = tpu.vector_load %arg13[%parallel_loop3A_172, %parallel_loop3A_173] {strides = array<i32>} : memref<112x128xf32, #tpu.memory_space<vmem>>, vector<16xf32>,
          %parallel_loop3A_175 = arith.mulf %parallel_loop3A_174, %get3A_137 : vector<16xf32>
          %parallel_loop3A_176 = arith.index_cast %parallel_loop3A_159 : i32 to index
          %parallel_loop3A_177 = arith.constant 64 : index
          %parallel_loop3A_178 = tpu.vector_load %arg13[%parallel_loop3A_176, %parallel_loop3A_177] {strides = array<i32>} : memref<112x128xf32, #tpu.memory_space<vmem>>, vector<16xf32>,
          %parallel_loop3A_179 = arith.mulf %parallel_loop3A_178, %get3A_140 : vector<16xf32>
          %parallel_loop3A_180 = arith.index_cast %parallel_loop3A_159 : i32 to index
          %parallel_loop3A_181 = arith.constant 80 : index
          %parallel_loop3A_182 = tpu.vector_load %arg13[%parallel_loop3A_180, %parallel_loop3A_181] {strides = array<i32>} : memref<112x128xf32, #tpu.memory_space<vmem>>, vector<16xf32>,
          %parallel_loop3A_183 = arith.mulf %parallel_loop3A_182, %get3A_143 : vector<16xf32>
          %parallel_loop3A_184 = arith.index_cast %parallel_loop3A_159 : i32 to index
          %parallel_loop3A_185 = arith.constant 96 : index
          %parallel_loop3A_186 = tpu.vector_load %arg13[%parallel_loop3A_184, %parallel_loop3A_185] {strides = array<i32>} : memref<112x128xf32, #tpu.memory_space<vmem>>, vector<16xf32>,
          %parallel_loop3A_187 = arith.mulf %parallel_loop3A_186, %get3A_146 : vector<16xf32>
          %parallel_loop3A_188 = arith.index_cast %parallel_loop3A_159 : i32 to index
          %parallel_loop3A_189 = arith.constant 112 : index
          %parallel_loop3A_190 = tpu.vector_load %arg13[%parallel_loop3A_188, %parallel_loop3A_189] {strides = array<i32>} : memref<112x128xf32, #tpu.memory_space<vmem>>, vector<16xf32>,
          %parallel_loop3A_191 = arith.mulf %parallel_loop3A_190, %get3A_149 : vector<16xf32>
          %parallel_loop3A_192 = arith.constant 0 : i32
          %parallel_loop3A_193 = vector.broadcast %parallel_loop3A_192 : i32 to vector<16xi32>
          %parallel_loop3A_194 = arith.cmpi eq, %iota3A, %parallel_loop3A_193 : vector<16xi32>
          %parallel_loop3A_195 = arith.addf %parallel_loop3A_163, %parallel_loop3A_167 : vector<16xf32>
          %parallel_loop3A_196 = arith.addf %parallel_loop3A_171, %parallel_loop3A_175 : vector<16xf32>
          %parallel_loop3A_197 = arith.addf %parallel_loop3A_179, %parallel_loop3A_183 : vector<16xf32>
          %parallel_loop3A_198 = arith.addf %parallel_loop3A_187, %parallel_loop3A_191 : vector<16xf32>
          %parallel_loop3A_199 = arith.addf %parallel_loop3A_195, %parallel_loop3A_196 : vector<16xf32>
          %parallel_loop3A_200 = arith.addf %parallel_loop3A_197, %parallel_loop3A_198 : vector<16xf32>
          %parallel_loop3A_201 = arith.addf %parallel_loop3A_199, %parallel_loop3A_200 : vector<16xf32>
          %parallel_loop3A_202 = arith.constant true
          %parallel_loop3A_203 = vector.broadcast %parallel_loop3A_202 : i1 to vector<16xi1>
          %parallel_loop3A_204 = tpu.scan <sum>, %parallel_loop3A_201 masked %parallel_loop3A_203 : vector<16xf32>, vector<16xi1> -> vector<16xf32>
          %parallel_loop3A_205 = vector.extract %parallel_loop3A_204[15] : f32 from vector<16xf32>
          %parallel_loop3A_206 = vector.broadcast %parallel_loop3A_205 : f32 to vector<16xf32>
          %parallel_loop3A_207 = arith.select %parallel_loop3A_194, %parallel_loop3A_206, %parallel_loop3A_155 : vector<16xi1>, vector<16xf32>
          %parallel_loop3A_208 = arith.constant 16 : i32
          %parallel_loop3A_209 = arith.muli %parallel_loop3A_153, %parallel_loop3A_208 : i32
          %parallel_loop3A_210 = arith.constant 1 : i32
          %parallel_loop3A_211 = arith.addi %parallel_loop3A_209, %parallel_loop3A_210 : i32
          %parallel_loop3A_212 = arith.index_cast %parallel_loop3A_211 : i32 to index
          %parallel_loop3A_213 = arith.constant 0 : index
          %parallel_loop3A_214 = tpu.vector_load %arg13[%parallel_loop3A_212, %parallel_loop3A_213] {strides = array<i32>} : memref<112x128xf32, #tpu.memory_space<vmem>>, vector<16xf32>,
          %parallel_loop3A_215 = arith.mulf %parallel_loop3A_214, %get3A_128 : vector<16xf32>
          %parallel_loop3A_216 = arith.index_cast %parallel_loop3A_211 : i32 to index
          %parallel_loop3A_217 = arith.constant 16 : index
          %parallel_loop3A_218 = tpu.vector_load %arg13[%parallel_loop3A_216, %parallel_loop3A_217] {strides = array<i32>} : memref<112x128xf32, #tpu.memory_space<vmem>>, vector<16xf32>,
          %parallel_loop3A_219 = arith.mulf %parallel_loop3A_218, %get3A_131 : vector<16xf32>
          %parallel_loop3A_220 = arith.index_cast %parallel_loop3A_211 : i32 to index
          %parallel_loop3A_221 = arith.constant 32 : index
          %parallel_loop3A_222 = tpu.vector_load %arg13[%parallel_loop3A_220, %parallel_loop3A_221] {strides = array<i32>} : memref<112x128xf32, #tpu.memory_space<vmem>>, vector<16xf32>,
          %parallel_loop3A_223 = arith.mulf %parallel_loop3A_222, %get3A_134 : vector<16xf32>
          %parallel_loop3A_224 = arith.index_cast %parallel_loop3A_211 : i32 to index
          %parallel_loop3A_225 = arith.constant 48 : index
          %parallel_loop3A_226 = tpu.vector_load %arg13[%parallel_loop3A_224, %parallel_loop3A_225] {strides = array<i32>} : memref<112x128xf32, #tpu.memory_space<vmem>>, vector<16xf32>,
          %parallel_loop3A_227 = arith.mulf %parallel_loop3A_226, %get3A_137 : vector<16xf32>
          %parallel_loop3A_228 = arith.index_cast %parallel_loop3A_211 : i32 to index
          %parallel_loop3A_229 = arith.constant 64 : index
          %parallel_loop3A_230 = tpu.vector_load %arg13[%parallel_loop3A_228, %parallel_loop3A_229] {strides = array<i32>} : memref<112x128xf32, #tpu.memory_space<vmem>>, vector<16xf32>,
          %parallel_loop3A_231 = arith.mulf %parallel_loop3A_230, %get3A_140 : vector<16xf32>
          %parallel_loop3A_232 = arith.index_cast %parallel_loop3A_211 : i32 to index
          %parallel_loop3A_233 = arith.constant 80 : index
          %parallel_loop3A_234 = tpu.vector_load %arg13[%parallel_loop3A_232, %parallel_loop3A_233] {strides = array<i32>} : memref<112x128xf32, #tpu.memory_space<vmem>>, vector<16xf32>,
          %parallel_loop3A_235 = arith.mulf %parallel_loop3A_234, %get3A_143 : vector<16xf32>
          %parallel_loop3A_236 = arith.index_cast %parallel_loop3A_211 : i32 to index
          %parallel_loop3A_237 = arith.constant 96 : index
          %parallel_loop3A_238 = tpu.vector_load %arg13[%parallel_loop3A_236, %parallel_loop3A_237] {strides = array<i32>} : memref<112x128xf32, #tpu.memory_space<vmem>>, vector<16xf32>,
          %parallel_loop3A_239 = arith.mulf %parallel_loop3A_238, %get3A_146 : vector<16xf32>
          %parallel_loop3A_240 = arith.index_cast %parallel_loop3A_211 : i32 to index
          %parallel_loop3A_241 = arith.constant 112 : index
          %parallel_loop3A_242 = tpu.vector_load %arg13[%parallel_loop3A_240, %parallel_loop3A_241] {strides = array<i32>} : memref<112x128xf32, #tpu.memory_space<vmem>>, vector<16xf32>,
          %parallel_loop3A_243 = arith.mulf %parallel_loop3A_242, %get3A_149 : vector<16xf32>
          %parallel_loop3A_244 = arith.constant 1 : i32
          %parallel_loop3A_245 = vector.broadcast %parallel_loop3A_244 : i32 to vector<16xi32>
          %parallel_loop3A_246 = arith.cmpi eq, %iota3A, %parallel_loop3A_245 : vector<16xi32>
          %parallel_loop3A_247 = arith.addf %parallel_loop3A_215, %parallel_loop3A_219 : vector<16xf32>
          %parallel_loop3A_248 = arith.addf %parallel_loop3A_223, %parallel_loop3A_227 : vector<16xf32>
          %parallel_loop3A_249 = arith.addf %parallel_loop3A_231, %parallel_loop3A_235 : vector<16xf32>
          %parallel_loop3A_250 = arith.addf %parallel_loop3A_239, %parallel_loop3A_243 : vector<16xf32>
          %parallel_loop3A_251 = arith.addf %parallel_loop3A_247, %parallel_loop3A_248 : vector<16xf32>
          %parallel_loop3A_252 = arith.addf %parallel_loop3A_249, %parallel_loop3A_250 : vector<16xf32>
          %parallel_loop3A_253 = arith.addf %parallel_loop3A_251, %parallel_loop3A_252 : vector<16xf32>
          %parallel_loop3A_254 = arith.constant true
          %parallel_loop3A_255 = vector.broadcast %parallel_loop3A_254 : i1 to vector<16xi1>
          %parallel_loop3A_256 = tpu.scan <sum>, %parallel_loop3A_253 masked %parallel_loop3A_255 : vector<16xf32>, vector<16xi1> -> vector<16xf32>
          %parallel_loop3A_257 = vector.extract %parallel_loop3A_256[15] : f32 from vector<16xf32>
          %parallel_loop3A_258 = vector.broadcast %parallel_loop3A_257 : f32 to vector<16xf32>
          %parallel_loop3A_259 = arith.select %parallel_loop3A_246, %parallel_loop3A_258, %parallel_loop3A_207 : vector<16xi1>, vector<16xf32>
          %parallel_loop3A_260 = arith.constant 16 : i32
          %parallel_loop3A_261 = arith.muli %parallel_loop3A_153, %parallel_loop3A_260 : i32
          %parallel_loop3A_262 = arith.constant 2 : i32
          %parallel_loop3A_263 = arith.addi %parallel_loop3A_261, %parallel_loop3A_262 : i32
          %parallel_loop3A_264 = arith.index_cast %parallel_loop3A_263 : i32 to index
          %parallel_loop3A_265 = arith.constant 0 : index
          %parallel_loop3A_266 = tpu.vector_load %arg13[%parallel_loop3A_264, %parallel_loop3A_265] {strides = array<i32>} : memref<112x128xf32, #tpu.memory_space<vmem>>, vector<16xf32>,
          %parallel_loop3A_267 = arith.mulf %parallel_loop3A_266, %get3A_128 : vector<16xf32>
          %parallel_loop3A_268 = arith.index_cast %parallel_loop3A_263 : i32 to index
          %parallel_loop3A_269 = arith.constant 16 : index
          %parallel_loop3A_270 = tpu.vector_load %arg13[%parallel_loop3A_268, %parallel_loop3A_269] {strides = array<i32>} : memref<112x128xf32, #tpu.memory_space<vmem>>, vector<16xf32>,
          %parallel_loop3A_271 = arith.mulf %parallel_loop3A_270, %get3A_131 : vector<16xf32>
          %parallel_loop3A_272 = arith.index_cast %parallel_loop3A_263 : i32 to index
          %parallel_loop3A_273 = arith.constant 32 : index
          %parallel_loop3A_274 = tpu.vector_load %arg13[%parallel_loop3A_272, %parallel_loop3A_273] {strides = array<i32>} : memref<112x128xf32, #tpu.memory_space<vmem>>, vector<16xf32>,
          %parallel_loop3A_275 = arith.mulf %parallel_loop3A_274, %get3A_134 : vector<16xf32>
          %parallel_loop3A_276 = arith.index_cast %parallel_loop3A_263 : i32 to index
          %parallel_loop3A_277 = arith.constant 48 : index
          %parallel_loop3A_278 = tpu.vector_load %arg13[%parallel_loop3A_276, %parallel_loop3A_277] {strides = array<i32>} : memref<112x128xf32, #tpu.memory_space<vmem>>, vector<16xf32>,
          %parallel_loop3A_279 = arith.mulf %parallel_loop3A_278, %get3A_137 : vector<16xf32>
          %parallel_loop3A_280 = arith.index_cast %parallel_loop3A_263 : i32 to index
          %parallel_loop3A_281 = arith.constant 64 : index
          %parallel_loop3A_282 = tpu.vector_load %arg13[%parallel_loop3A_280, %parallel_loop3A_281] {strides = array<i32>} : memref<112x128xf32, #tpu.memory_space<vmem>>, vector<16xf32>,
          %parallel_loop3A_283 = arith.mulf %parallel_loop3A_282, %get3A_140 : vector<16xf32>
          %parallel_loop3A_284 = arith.index_cast %parallel_loop3A_263 : i32 to index
          %parallel_loop3A_285 = arith.constant 80 : index
          %parallel_loop3A_286 = tpu.vector_load %arg13[%parallel_loop3A_284, %parallel_loop3A_285] {strides = array<i32>} : memref<112x128xf32, #tpu.memory_space<vmem>>, vector<16xf32>,
          %parallel_loop3A_287 = arith.mulf %parallel_loop3A_286, %get3A_143 : vector<16xf32>
          %parallel_loop3A_288 = arith.index_cast %parallel_loop3A_263 : i32 to index
          %parallel_loop3A_289 = arith.constant 96 : index
          %parallel_loop3A_290 = tpu.vector_load %arg13[%parallel_loop3A_288, %parallel_loop3A_289] {strides = array<i32>} : memref<112x128xf32, #tpu.memory_space<vmem>>, vector<16xf32>,
          %parallel_loop3A_291 = arith.mulf %parallel_loop3A_290, %get3A_146 : vector<16xf32>
          %parallel_loop3A_292 = arith.index_cast %parallel_loop3A_263 : i32 to index
          %parallel_loop3A_293 = arith.constant 112 : index
          %parallel_loop3A_294 = tpu.vector_load %arg13[%parallel_loop3A_292, %parallel_loop3A_293] {strides = array<i32>} : memref<112x128xf32, #tpu.memory_space<vmem>>, vector<16xf32>,
          %parallel_loop3A_295 = arith.mulf %parallel_loop3A_294, %get3A_149 : vector<16xf32>
          %parallel_loop3A_296 = arith.constant 2 : i32
          %parallel_loop3A_297 = vector.broadcast %parallel_loop3A_296 : i32 to vector<16xi32>
          %parallel_loop3A_298 = arith.cmpi eq, %iota3A, %parallel_loop3A_297 : vector<16xi32>
          %parallel_loop3A_299 = arith.addf %parallel_loop3A_267, %parallel_loop3A_271 : vector<16xf32>
          %parallel_loop3A_300 = arith.addf %parallel_loop3A_275, %parallel_loop3A_279 : vector<16xf32>
          %parallel_loop3A_301 = arith.addf %parallel_loop3A_283, %parallel_loop3A_287 : vector<16xf32>
          %parallel_loop3A_302 = arith.addf %parallel_loop3A_291, %parallel_loop3A_295 : vector<16xf32>
          %parallel_loop3A_303 = arith.addf %parallel_loop3A_299, %parallel_loop3A_300 : vector<16xf32>
          %parallel_loop3A_304 = arith.addf %parallel_loop3A_301, %parallel_loop3A_302 : vector<16xf32>
          %parallel_loop3A_305 = arith.addf %parallel_loop3A_303, %parallel_loop3A_304 : vector<16xf32>
          %parallel_loop3A_306 = arith.constant true
          %parallel_loop3A_307 = vector.broadcast %parallel_loop3A_306 : i1 to vector<16xi1>
          %parallel_loop3A_308 = tpu.scan <sum>, %parallel_loop3A_305 masked %parallel_loop3A_307 : vector<16xf32>, vector<16xi1> -> vector<16xf32>
          %parallel_loop3A_309 = vector.extract %parallel_loop3A_308[15] : f32 from vector<16xf32>
          %parallel_loop3A_310 = vector.broadcast %parallel_loop3A_309 : f32 to vector<16xf32>
          %parallel_loop3A_311 = arith.select %parallel_loop3A_298, %parallel_loop3A_310, %parallel_loop3A_259 : vector<16xi1>, vector<16xf32>
          %parallel_loop3A_312 = arith.constant 16 : i32
          %parallel_loop3A_313 = arith.muli %parallel_loop3A_153, %parallel_loop3A_312 : i32
          %parallel_loop3A_314 = arith.constant 3 : i32
          %parallel_loop3A_315 = arith.addi %parallel_loop3A_313, %parallel_loop3A_314 : i32
          %parallel_loop3A_316 = arith.index_cast %parallel_loop3A_315 : i32 to index
          %parallel_loop3A_317 = arith.constant 0 : index
          %parallel_loop3A_318 = tpu.vector_load %arg13[%parallel_loop3A_316, %parallel_loop3A_317] {strides = array<i32>} : memref<112x128xf32, #tpu.memory_space<vmem>>, vector<16xf32>,
          %parallel_loop3A_319 = arith.mulf %parallel_loop3A_318, %get3A_128 : vector<16xf32>
          %parallel_loop3A_320 = arith.index_cast %parallel_loop3A_315 : i32 to index
          %parallel_loop3A_321 = arith.constant 16 : index
          %parallel_loop3A_322 = tpu.vector_load %arg13[%parallel_loop3A_320, %parallel_loop3A_321] {strides = array<i32>} : memref<112x128xf32, #tpu.memory_space<vmem>>, vector<16xf32>,
          %parallel_loop3A_323 = arith.mulf %parallel_loop3A_322, %get3A_131 : vector<16xf32>
          %parallel_loop3A_324 = arith.index_cast %parallel_loop3A_315 : i32 to index
          %parallel_loop3A_325 = arith.constant 32 : index
          %parallel_loop3A_326 = tpu.vector_load %arg13[%parallel_loop3A_324, %parallel_loop3A_325] {strides = array<i32>} : memref<112x128xf32, #tpu.memory_space<vmem>>, vector<16xf32>,
          %parallel_loop3A_327 = arith.mulf %parallel_loop3A_326, %get3A_134 : vector<16xf32>
          %parallel_loop3A_328 = arith.index_cast %parallel_loop3A_315 : i32 to index
          %parallel_loop3A_329 = arith.constant 48 : index
          %parallel_loop3A_330 = tpu.vector_load %arg13[%parallel_loop3A_328, %parallel_loop3A_329] {strides = array<i32>} : memref<112x128xf32, #tpu.memory_space<vmem>>, vector<16xf32>,
          %parallel_loop3A_331 = arith.mulf %parallel_loop3A_330, %get3A_137 : vector<16xf32>
          %parallel_loop3A_332 = arith.index_cast %parallel_loop3A_315 : i32 to index
          %parallel_loop3A_333 = arith.constant 64 : index
          %parallel_loop3A_334 = tpu.vector_load %arg13[%parallel_loop3A_332, %parallel_loop3A_333] {strides = array<i32>} : memref<112x128xf32, #tpu.memory_space<vmem>>, vector<16xf32>,
          %parallel_loop3A_335 = arith.mulf %parallel_loop3A_334, %get3A_140 : vector<16xf32>
          %parallel_loop3A_336 = arith.index_cast %parallel_loop3A_315 : i32 to index
          %parallel_loop3A_337 = arith.constant 80 : index
          %parallel_loop3A_338 = tpu.vector_load %arg13[%parallel_loop3A_336, %parallel_loop3A_337] {strides = array<i32>} : memref<112x128xf32, #tpu.memory_space<vmem>>, vector<16xf32>,
          %parallel_loop3A_339 = arith.mulf %parallel_loop3A_338, %get3A_143 : vector<16xf32>
          %parallel_loop3A_340 = arith.index_cast %parallel_loop3A_315 : i32 to index
          %parallel_loop3A_341 = arith.constant 96 : index
          %parallel_loop3A_342 = tpu.vector_load %arg13[%parallel_loop3A_340, %parallel_loop3A_341] {strides = array<i32>} : memref<112x128xf32, #tpu.memory_space<vmem>>, vector<16xf32>,
          %parallel_loop3A_343 = arith.mulf %parallel_loop3A_342, %get3A_146 : vector<16xf32>
          %parallel_loop3A_344 = arith.index_cast %parallel_loop3A_315 : i32 to index
          %parallel_loop3A_345 = arith.constant 112 : index
          %parallel_loop3A_346 = tpu.vector_load %arg13[%parallel_loop3A_344, %parallel_loop3A_345] {strides = array<i32>} : memref<112x128xf32, #tpu.memory_space<vmem>>, vector<16xf32>,
          %parallel_loop3A_347 = arith.mulf %parallel_loop3A_346, %get3A_149 : vector<16xf32>
          %parallel_loop3A_348 = arith.constant 3 : i32
          %parallel_loop3A_349 = vector.broadcast %parallel_loop3A_348 : i32 to vector<16xi32>
          %parallel_loop3A_350 = arith.cmpi eq, %iota3A, %parallel_loop3A_349 : vector<16xi32>
          %parallel_loop3A_351 = arith.addf %parallel_loop3A_319, %parallel_loop3A_323 : vector<16xf32>
          %parallel_loop3A_352 = arith.addf %parallel_loop3A_327, %parallel_loop3A_331 : vector<16xf32>
          %parallel_loop3A_353 = arith.addf %parallel_loop3A_335, %parallel_loop3A_339 : vector<16xf32>
          %parallel_loop3A_354 = arith.addf %parallel_loop3A_343, %parallel_loop3A_347 : vector<16xf32>
          %parallel_loop3A_355 = arith.addf %parallel_loop3A_351, %parallel_loop3A_352 : vector<16xf32>
          %parallel_loop3A_356 = arith.addf %parallel_loop3A_353, %parallel_loop3A_354 : vector<16xf32>
          %parallel_loop3A_357 = arith.addf %parallel_loop3A_355, %parallel_loop3A_356 : vector<16xf32>
          %parallel_loop3A_358 = arith.constant true
          %parallel_loop3A_359 = vector.broadcast %parallel_loop3A_358 : i1 to vector<16xi1>
          %parallel_loop3A_360 = tpu.scan <sum>, %parallel_loop3A_357 masked %parallel_loop3A_359 : vector<16xf32>, vector<16xi1> -> vector<16xf32>
          %parallel_loop3A_361 = vector.extract %parallel_loop3A_360[15] : f32 from vector<16xf32>
          %parallel_loop3A_362 = vector.broadcast %parallel_loop3A_361 : f32 to vector<16xf32>
          %parallel_loop3A_363 = arith.select %parallel_loop3A_350, %parallel_loop3A_362, %parallel_loop3A_311 : vector<16xi1>, vector<16xf32>
          %parallel_loop3A_364 = arith.constant 16 : i32
          %parallel_loop3A_365 = arith.muli %parallel_loop3A_153, %parallel_loop3A_364 : i32
          %parallel_loop3A_366 = arith.constant 4 : i32
          %parallel_loop3A_367 = arith.addi %parallel_loop3A_365, %parallel_loop3A_366 : i32
          %parallel_loop3A_368 = arith.index_cast %parallel_loop3A_367 : i32 to index
          %parallel_loop3A_369 = arith.constant 0 : index
          %parallel_loop3A_370 = tpu.vector_load %arg13[%parallel_loop3A_368, %parallel_loop3A_369] {strides = array<i32>} : memref<112x128xf32, #tpu.memory_space<vmem>>, vector<16xf32>,
          %parallel_loop3A_371 = arith.mulf %parallel_loop3A_370, %get3A_128 : vector<16xf32>
          %parallel_loop3A_372 = arith.index_cast %parallel_loop3A_367 : i32 to index
          %parallel_loop3A_373 = arith.constant 16 : index
          %parallel_loop3A_374 = tpu.vector_load %arg13[%parallel_loop3A_372, %parallel_loop3A_373] {strides = array<i32>} : memref<112x128xf32, #tpu.memory_space<vmem>>, vector<16xf32>,
          %parallel_loop3A_375 = arith.mulf %parallel_loop3A_374, %get3A_131 : vector<16xf32>
          %parallel_loop3A_376 = arith.index_cast %parallel_loop3A_367 : i32 to index
          %parallel_loop3A_377 = arith.constant 32 : index
          %parallel_loop3A_378 = tpu.vector_load %arg13[%parallel_loop3A_376, %parallel_loop3A_377] {strides = array<i32>} : memref<112x128xf32, #tpu.memory_space<vmem>>, vector<16xf32>,
          %parallel_loop3A_379 = arith.mulf %parallel_loop3A_378, %get3A_134 : vector<16xf32>
          %parallel_loop3A_380 = arith.index_cast %parallel_loop3A_367 : i32 to index
          %parallel_loop3A_381 = arith.constant 48 : index
          %parallel_loop3A_382 = tpu.vector_load %arg13[%parallel_loop3A_380, %parallel_loop3A_381] {strides = array<i32>} : memref<112x128xf32, #tpu.memory_space<vmem>>, vector<16xf32>,
          %parallel_loop3A_383 = arith.mulf %parallel_loop3A_382, %get3A_137 : vector<16xf32>
          %parallel_loop3A_384 = arith.index_cast %parallel_loop3A_367 : i32 to index
          %parallel_loop3A_385 = arith.constant 64 : index
          %parallel_loop3A_386 = tpu.vector_load %arg13[%parallel_loop3A_384, %parallel_loop3A_385] {strides = array<i32>} : memref<112x128xf32, #tpu.memory_space<vmem>>, vector<16xf32>,
          %parallel_loop3A_387 = arith.mulf %parallel_loop3A_386, %get3A_140 : vector<16xf32>
          %parallel_loop3A_388 = arith.index_cast %parallel_loop3A_367 : i32 to index
          %parallel_loop3A_389 = arith.constant 80 : index
          %parallel_loop3A_390 = tpu.vector_load %arg13[%parallel_loop3A_388, %parallel_loop3A_389] {strides = array<i32>} : memref<112x128xf32, #tpu.memory_space<vmem>>, vector<16xf32>,
          %parallel_loop3A_391 = arith.mulf %parallel_loop3A_390, %get3A_143 : vector<16xf32>
          %parallel_loop3A_392 = arith.index_cast %parallel_loop3A_367 : i32 to index
          %parallel_loop3A_393 = arith.constant 96 : index
          %parallel_loop3A_394 = tpu.vector_load %arg13[%parallel_loop3A_392, %parallel_loop3A_393] {strides = array<i32>} : memref<112x128xf32, #tpu.memory_space<vmem>>, vector<16xf32>,
          %parallel_loop3A_395 = arith.mulf %parallel_loop3A_394, %get3A_146 : vector<16xf32>
          %parallel_loop3A_396 = arith.index_cast %parallel_loop3A_367 : i32 to index
          %parallel_loop3A_397 = arith.constant 112 : index
          %parallel_loop3A_398 = tpu.vector_load %arg13[%parallel_loop3A_396, %parallel_loop3A_397] {strides = array<i32>} : memref<112x128xf32, #tpu.memory_space<vmem>>, vector<16xf32>,
          %parallel_loop3A_399 = arith.mulf %parallel_loop3A_398, %get3A_149 : vector<16xf32>
          %parallel_loop3A_400 = arith.constant 4 : i32
          %parallel_loop3A_401 = vector.broadcast %parallel_loop3A_400 : i32 to vector<16xi32>
          %parallel_loop3A_402 = arith.cmpi eq, %iota3A, %parallel_loop3A_401 : vector<16xi32>
          %parallel_loop3A_403 = arith.addf %parallel_loop3A_371, %parallel_loop3A_375 : vector<16xf32>
          %parallel_loop3A_404 = arith.addf %parallel_loop3A_379, %parallel_loop3A_383 : vector<16xf32>
          %parallel_loop3A_405 = arith.addf %parallel_loop3A_387, %parallel_loop3A_391 : vector<16xf32>
          %parallel_loop3A_406 = arith.addf %parallel_loop3A_395, %parallel_loop3A_399 : vector<16xf32>
          %parallel_loop3A_407 = arith.addf %parallel_loop3A_403, %parallel_loop3A_404 : vector<16xf32>
          %parallel_loop3A_408 = arith.addf %parallel_loop3A_405, %parallel_loop3A_406 : vector<16xf32>
          %parallel_loop3A_409 = arith.addf %parallel_loop3A_407, %parallel_loop3A_408 : vector<16xf32>
          %parallel_loop3A_410 = arith.constant true
          %parallel_loop3A_411 = vector.broadcast %parallel_loop3A_410 : i1 to vector<16xi1>
          %parallel_loop3A_412 = tpu.scan <sum>, %parallel_loop3A_409 masked %parallel_loop3A_411 : vector<16xf32>, vector<16xi1> -> vector<16xf32>
          %parallel_loop3A_413 = vector.extract %parallel_loop3A_412[15] : f32 from vector<16xf32>
          %parallel_loop3A_414 = vector.broadcast %parallel_loop3A_413 : f32 to vector<16xf32>
          %parallel_loop3A_415 = arith.select %parallel_loop3A_402, %parallel_loop3A_414, %parallel_loop3A_363 : vector<16xi1>, vector<16xf32>
          %parallel_loop3A_416 = arith.constant 16 : i32
          %parallel_loop3A_417 = arith.muli %parallel_loop3A_153, %parallel_loop3A_416 : i32
          %parallel_loop3A_418 = arith.constant 5 : i32
          %parallel_loop3A_419 = arith.addi %parallel_loop3A_417, %parallel_loop3A_418 : i32
          %parallel_loop3A_420 = arith.index_cast %parallel_loop3A_419 : i32 to index
          %parallel_loop3A_421 = arith.constant 0 : index
          %parallel_loop3A_422 = tpu.vector_load %arg13[%parallel_loop3A_420, %parallel_loop3A_421] {strides = array<i32>} : memref<112x128xf32, #tpu.memory_space<vmem>>, vector<16xf32>,
          %parallel_loop3A_423 = arith.mulf %parallel_loop3A_422, %get3A_128 : vector<16xf32>
          %parallel_loop3A_424 = arith.index_cast %parallel_loop3A_419 : i32 to index
          %parallel_loop3A_425 = arith.constant 16 : index
          %parallel_loop3A_426 = tpu.vector_load %arg13[%parallel_loop3A_424, %parallel_loop3A_425] {strides = array<i32>} : memref<112x128xf32, #tpu.memory_space<vmem>>, vector<16xf32>,
          %parallel_loop3A_427 = arith.mulf %parallel_loop3A_426, %get3A_131 : vector<16xf32>
          %parallel_loop3A_428 = arith.index_cast %parallel_loop3A_419 : i32 to index
          %parallel_loop3A_429 = arith.constant 32 : index
          %parallel_loop3A_430 = tpu.vector_load %arg13[%parallel_loop3A_428, %parallel_loop3A_429] {strides = array<i32>} : memref<112x128xf32, #tpu.memory_space<vmem>>, vector<16xf32>,
          %parallel_loop3A_431 = arith.mulf %parallel_loop3A_430, %get3A_134 : vector<16xf32>
          %parallel_loop3A_432 = arith.index_cast %parallel_loop3A_419 : i32 to index
          %parallel_loop3A_433 = arith.constant 48 : index
          %parallel_loop3A_434 = tpu.vector_load %arg13[%parallel_loop3A_432, %parallel_loop3A_433] {strides = array<i32>} : memref<112x128xf32, #tpu.memory_space<vmem>>, vector<16xf32>,
          %parallel_loop3A_435 = arith.mulf %parallel_loop3A_434, %get3A_137 : vector<16xf32>
          %parallel_loop3A_436 = arith.index_cast %parallel_loop3A_419 : i32 to index
          %parallel_loop3A_437 = arith.constant 64 : index
          %parallel_loop3A_438 = tpu.vector_load %arg13[%parallel_loop3A_436, %parallel_loop3A_437] {strides = array<i32>} : memref<112x128xf32, #tpu.memory_space<vmem>>, vector<16xf32>,
          %parallel_loop3A_439 = arith.mulf %parallel_loop3A_438, %get3A_140 : vector<16xf32>
          %parallel_loop3A_440 = arith.index_cast %parallel_loop3A_419 : i32 to index
          %parallel_loop3A_441 = arith.constant 80 : index
          %parallel_loop3A_442 = tpu.vector_load %arg13[%parallel_loop3A_440, %parallel_loop3A_441] {strides = array<i32>} : memref<112x128xf32, #tpu.memory_space<vmem>>, vector<16xf32>,
          %parallel_loop3A_443 = arith.mulf %parallel_loop3A_442, %get3A_143 : vector<16xf32>
          %parallel_loop3A_444 = arith.index_cast %parallel_loop3A_419 : i32 to index
          %parallel_loop3A_445 = arith.constant 96 : index
          %parallel_loop3A_446 = tpu.vector_load %arg13[%parallel_loop3A_444, %parallel_loop3A_445] {strides = array<i32>} : memref<112x128xf32, #tpu.memory_space<vmem>>, vector<16xf32>,
          %parallel_loop3A_447 = arith.mulf %parallel_loop3A_446, %get3A_146 : vector<16xf32>
          %parallel_loop3A_448 = arith.index_cast %parallel_loop3A_419 : i32 to index
          %parallel_loop3A_449 = arith.constant 112 : index
          %parallel_loop3A_450 = tpu.vector_load %arg13[%parallel_loop3A_448, %parallel_loop3A_449] {strides = array<i32>} : memref<112x128xf32, #tpu.memory_space<vmem>>, vector<16xf32>,
          %parallel_loop3A_451 = arith.mulf %parallel_loop3A_450, %get3A_149 : vector<16xf32>
          %parallel_loop3A_452 = arith.constant 5 : i32
          %parallel_loop3A_453 = vector.broadcast %parallel_loop3A_452 : i32 to vector<16xi32>
          %parallel_loop3A_454 = arith.cmpi eq, %iota3A, %parallel_loop3A_453 : vector<16xi32>
          %parallel_loop3A_455 = arith.addf %parallel_loop3A_423, %parallel_loop3A_427 : vector<16xf32>
          %parallel_loop3A_456 = arith.addf %parallel_loop3A_431, %parallel_loop3A_435 : vector<16xf32>
          %parallel_loop3A_457 = arith.addf %parallel_loop3A_439, %parallel_loop3A_443 : vector<16xf32>
          %parallel_loop3A_458 = arith.addf %parallel_loop3A_447, %parallel_loop3A_451 : vector<16xf32>
          %parallel_loop3A_459 = arith.addf %parallel_loop3A_455, %parallel_loop3A_456 : vector<16xf32>
          %parallel_loop3A_460 = arith.addf %parallel_loop3A_457, %parallel_loop3A_458 : vector<16xf32>
          %parallel_loop3A_461 = arith.addf %parallel_loop3A_459, %parallel_loop3A_460 : vector<16xf32>
          %parallel_loop3A_462 = arith.constant true
          %parallel_loop3A_463 = vector.broadcast %parallel_loop3A_462 : i1 to vector<16xi1>
          %parallel_loop3A_464 = tpu.scan <sum>, %parallel_loop3A_461 masked %parallel_loop3A_463 : vector<16xf32>, vector<16xi1> -> vector<16xf32>
          %parallel_loop3A_465 = vector.extract %parallel_loop3A_464[15] : f32 from vector<16xf32>
          %parallel_loop3A_466 = vector.broadcast %parallel_loop3A_465 : f32 to vector<16xf32>
          %parallel_loop3A_467 = arith.select %parallel_loop3A_454, %parallel_loop3A_466, %parallel_loop3A_415 : vector<16xi1>, vector<16xf32>
          %parallel_loop3A_468 = arith.constant 16 : i32
          %parallel_loop3A_469 = arith.muli %parallel_loop3A_153, %parallel_loop3A_468 : i32
          %parallel_loop3A_470 = arith.constant 6 : i32
          %parallel_loop3A_471 = arith.addi %parallel_loop3A_469, %parallel_loop3A_470 : i32
          %parallel_loop3A_472 = arith.index_cast %parallel_loop3A_471 : i32 to index
          %parallel_loop3A_473 = arith.constant 0 : index
          %parallel_loop3A_474 = tpu.vector_load %arg13[%parallel_loop3A_472, %parallel_loop3A_473] {strides = array<i32>} : memref<112x128xf32, #tpu.memory_space<vmem>>, vector<16xf32>,
          %parallel_loop3A_475 = arith.mulf %parallel_loop3A_474, %get3A_128 : vector<16xf32>
          %parallel_loop3A_476 = arith.index_cast %parallel_loop3A_471 : i32 to index
          %parallel_loop3A_477 = arith.constant 16 : index
          %parallel_loop3A_478 = tpu.vector_load %arg13[%parallel_loop3A_476, %parallel_loop3A_477] {strides = array<i32>} : memref<112x128xf32, #tpu.memory_space<vmem>>, vector<16xf32>,
          %parallel_loop3A_479 = arith.mulf %parallel_loop3A_478, %get3A_131 : vector<16xf32>
          %parallel_loop3A_480 = arith.index_cast %parallel_loop3A_471 : i32 to index
          %parallel_loop3A_481 = arith.constant 32 : index
          %parallel_loop3A_482 = tpu.vector_load %arg13[%parallel_loop3A_480, %parallel_loop3A_481] {strides = array<i32>} : memref<112x128xf32, #tpu.memory_space<vmem>>, vector<16xf32>,
          %parallel_loop3A_483 = arith.mulf %parallel_loop3A_482, %get3A_134 : vector<16xf32>
          %parallel_loop3A_484 = arith.index_cast %parallel_loop3A_471 : i32 to index
          %parallel_loop3A_485 = arith.constant 48 : index
          %parallel_loop3A_486 = tpu.vector_load %arg13[%parallel_loop3A_484, %parallel_loop3A_485] {strides = array<i32>} : memref<112x128xf32, #tpu.memory_space<vmem>>, vector<16xf32>,
          %parallel_loop3A_487 = arith.mulf %parallel_loop3A_486, %get3A_137 : vector<16xf32>
          %parallel_loop3A_488 = arith.index_cast %parallel_loop3A_471 : i32 to index
          %parallel_loop3A_489 = arith.constant 64 : index
          %parallel_loop3A_490 = tpu.vector_load %arg13[%parallel_loop3A_488, %parallel_loop3A_489] {strides = array<i32>} : memref<112x128xf32, #tpu.memory_space<vmem>>, vector<16xf32>,
          %parallel_loop3A_491 = arith.mulf %parallel_loop3A_490, %get3A_140 : vector<16xf32>
          %parallel_loop3A_492 = arith.index_cast %parallel_loop3A_471 : i32 to index
          %parallel_loop3A_493 = arith.constant 80 : index
          %parallel_loop3A_494 = tpu.vector_load %arg13[%parallel_loop3A_492, %parallel_loop3A_493] {strides = array<i32>} : memref<112x128xf32, #tpu.memory_space<vmem>>, vector<16xf32>,
          %parallel_loop3A_495 = arith.mulf %parallel_loop3A_494, %get3A_143 : vector<16xf32>
          %parallel_loop3A_496 = arith.index_cast %parallel_loop3A_471 : i32 to index
          %parallel_loop3A_497 = arith.constant 96 : index
          %parallel_loop3A_498 = tpu.vector_load %arg13[%parallel_loop3A_496, %parallel_loop3A_497] {strides = array<i32>} : memref<112x128xf32, #tpu.memory_space<vmem>>, vector<16xf32>,
          %parallel_loop3A_499 = arith.mulf %parallel_loop3A_498, %get3A_146 : vector<16xf32>
          %parallel_loop3A_500 = arith.index_cast %parallel_loop3A_471 : i32 to index
          %parallel_loop3A_501 = arith.constant 112 : index
          %parallel_loop3A_502 = tpu.vector_load %arg13[%parallel_loop3A_500, %parallel_loop3A_501] {strides = array<i32>} : memref<112x128xf32, #tpu.memory_space<vmem>>, vector<16xf32>,
          %parallel_loop3A_503 = arith.mulf %parallel_loop3A_502, %get3A_149 : vector<16xf32>
          %parallel_loop3A_504 = arith.constant 6 : i32
          %parallel_loop3A_505 = vector.broadcast %parallel_loop3A_504 : i32 to vector<16xi32>
          %parallel_loop3A_506 = arith.cmpi eq, %iota3A, %parallel_loop3A_505 : vector<16xi32>
          %parallel_loop3A_507 = arith.addf %parallel_loop3A_475, %parallel_loop3A_479 : vector<16xf32>
          %parallel_loop3A_508 = arith.addf %parallel_loop3A_483, %parallel_loop3A_487 : vector<16xf32>
          %parallel_loop3A_509 = arith.addf %parallel_loop3A_491, %parallel_loop3A_495 : vector<16xf32>
          %parallel_loop3A_510 = arith.addf %parallel_loop3A_499, %parallel_loop3A_503 : vector<16xf32>
          %parallel_loop3A_511 = arith.addf %parallel_loop3A_507, %parallel_loop3A_508 : vector<16xf32>
          %parallel_loop3A_512 = arith.addf %parallel_loop3A_509, %parallel_loop3A_510 : vector<16xf32>
          %parallel_loop3A_513 = arith.addf %parallel_loop3A_511, %parallel_loop3A_512 : vector<16xf32>
          %parallel_loop3A_514 = arith.constant true
          %parallel_loop3A_515 = vector.broadcast %parallel_loop3A_514 : i1 to vector<16xi1>
          %parallel_loop3A_516 = tpu.scan <sum>, %parallel_loop3A_513 masked %parallel_loop3A_515 : vector<16xf32>, vector<16xi1> -> vector<16xf32>
          %parallel_loop3A_517 = vector.extract %parallel_loop3A_516[15] : f32 from vector<16xf32>
          %parallel_loop3A_518 = vector.broadcast %parallel_loop3A_517 : f32 to vector<16xf32>
          %parallel_loop3A_519 = arith.select %parallel_loop3A_506, %parallel_loop3A_518, %parallel_loop3A_467 : vector<16xi1>, vector<16xf32>
          %parallel_loop3A_520 = arith.constant 16 : i32
          %parallel_loop3A_521 = arith.muli %parallel_loop3A_153, %parallel_loop3A_520 : i32
          %parallel_loop3A_522 = arith.constant 7 : i32
          %parallel_loop3A_523 = arith.addi %parallel_loop3A_521, %parallel_loop3A_522 : i32
          %parallel_loop3A_524 = arith.index_cast %parallel_loop3A_523 : i32 to index
          %parallel_loop3A_525 = arith.constant 0 : index
          %parallel_loop3A_526 = tpu.vector_load %arg13[%parallel_loop3A_524, %parallel_loop3A_525] {strides = array<i32>} : memref<112x128xf32, #tpu.memory_space<vmem>>, vector<16xf32>,
          %parallel_loop3A_527 = arith.mulf %parallel_loop3A_526, %get3A_128 : vector<16xf32>
          %parallel_loop3A_528 = arith.index_cast %parallel_loop3A_523 : i32 to index
          %parallel_loop3A_529 = arith.constant 16 : index
          %parallel_loop3A_530 = tpu.vector_load %arg13[%parallel_loop3A_528, %parallel_loop3A_529] {strides = array<i32>} : memref<112x128xf32, #tpu.memory_space<vmem>>, vector<16xf32>,
          %parallel_loop3A_531 = arith.mulf %parallel_loop3A_530, %get3A_131 : vector<16xf32>
          %parallel_loop3A_532 = arith.index_cast %parallel_loop3A_523 : i32 to index
          %parallel_loop3A_533 = arith.constant 32 : index
          %parallel_loop3A_534 = tpu.vector_load %arg13[%parallel_loop3A_532, %parallel_loop3A_533] {strides = array<i32>} : memref<112x128xf32, #tpu.memory_space<vmem>>, vector<16xf32>,
          %parallel_loop3A_535 = arith.mulf %parallel_loop3A_534, %get3A_134 : vector<16xf32>
          %parallel_loop3A_536 = arith.index_cast %parallel_loop3A_523 : i32 to index
          %parallel_loop3A_537 = arith.constant 48 : index
          %parallel_loop3A_538 = tpu.vector_load %arg13[%parallel_loop3A_536, %parallel_loop3A_537] {strides = array<i32>} : memref<112x128xf32, #tpu.memory_space<vmem>>, vector<16xf32>,
          %parallel_loop3A_539 = arith.mulf %parallel_loop3A_538, %get3A_137 : vector<16xf32>
          %parallel_loop3A_540 = arith.index_cast %parallel_loop3A_523 : i32 to index
          %parallel_loop3A_541 = arith.constant 64 : index
          %parallel_loop3A_542 = tpu.vector_load %arg13[%parallel_loop3A_540, %parallel_loop3A_541] {strides = array<i32>} : memref<112x128xf32, #tpu.memory_space<vmem>>, vector<16xf32>,
          %parallel_loop3A_543 = arith.mulf %parallel_loop3A_542, %get3A_140 : vector<16xf32>
          %parallel_loop3A_544 = arith.index_cast %parallel_loop3A_523 : i32 to index
          %parallel_loop3A_545 = arith.constant 80 : index
          %parallel_loop3A_546 = tpu.vector_load %arg13[%parallel_loop3A_544, %parallel_loop3A_545] {strides = array<i32>} : memref<112x128xf32, #tpu.memory_space<vmem>>, vector<16xf32>,
          %parallel_loop3A_547 = arith.mulf %parallel_loop3A_546, %get3A_143 : vector<16xf32>
          %parallel_loop3A_548 = arith.index_cast %parallel_loop3A_523 : i32 to index
          %parallel_loop3A_549 = arith.constant 96 : index
          %parallel_loop3A_550 = tpu.vector_load %arg13[%parallel_loop3A_548, %parallel_loop3A_549] {strides = array<i32>} : memref<112x128xf32, #tpu.memory_space<vmem>>, vector<16xf32>,
          %parallel_loop3A_551 = arith.mulf %parallel_loop3A_550, %get3A_146 : vector<16xf32>
          %parallel_loop3A_552 = arith.index_cast %parallel_loop3A_523 : i32 to index
          %parallel_loop3A_553 = arith.constant 112 : index
          %parallel_loop3A_554 = tpu.vector_load %arg13[%parallel_loop3A_552, %parallel_loop3A_553] {strides = array<i32>} : memref<112x128xf32, #tpu.memory_space<vmem>>, vector<16xf32>,
          %parallel_loop3A_555 = arith.mulf %parallel_loop3A_554, %get3A_149 : vector<16xf32>
          %parallel_loop3A_556 = arith.constant 7 : i32
          %parallel_loop3A_557 = vector.broadcast %parallel_loop3A_556 : i32 to vector<16xi32>
          %parallel_loop3A_558 = arith.cmpi eq, %iota3A, %parallel_loop3A_557 : vector<16xi32>
          %parallel_loop3A_559 = arith.addf %parallel_loop3A_527, %parallel_loop3A_531 : vector<16xf32>
          %parallel_loop3A_560 = arith.addf %parallel_loop3A_535, %parallel_loop3A_539 : vector<16xf32>
          %parallel_loop3A_561 = arith.addf %parallel_loop3A_543, %parallel_loop3A_547 : vector<16xf32>
          %parallel_loop3A_562 = arith.addf %parallel_loop3A_551, %parallel_loop3A_555 : vector<16xf32>
          %parallel_loop3A_563 = arith.addf %parallel_loop3A_559, %parallel_loop3A_560 : vector<16xf32>
          %parallel_loop3A_564 = arith.addf %parallel_loop3A_561, %parallel_loop3A_562 : vector<16xf32>
          %parallel_loop3A_565 = arith.addf %parallel_loop3A_563, %parallel_loop3A_564 : vector<16xf32>
          %parallel_loop3A_566 = arith.constant true
          %parallel_loop3A_567 = vector.broadcast %parallel_loop3A_566 : i1 to vector<16xi1>
          %parallel_loop3A_568 = tpu.scan <sum>, %parallel_loop3A_565 masked %parallel_loop3A_567 : vector<16xf32>, vector<16xi1> -> vector<16xf32>
          %parallel_loop3A_569 = vector.extract %parallel_loop3A_568[15] : f32 from vector<16xf32>
          %parallel_loop3A_570 = vector.broadcast %parallel_loop3A_569 : f32 to vector<16xf32>
          %parallel_loop3A_571 = arith.select %parallel_loop3A_558, %parallel_loop3A_570, %parallel_loop3A_519 : vector<16xi1>, vector<16xf32>
          %parallel_loop3A_572 = arith.constant 16 : i32
          %parallel_loop3A_573 = arith.muli %parallel_loop3A_153, %parallel_loop3A_572 : i32
          %parallel_loop3A_574 = arith.constant 8 : i32
          %parallel_loop3A_575 = arith.addi %parallel_loop3A_573, %parallel_loop3A_574 : i32
          %parallel_loop3A_576 = arith.index_cast %parallel_loop3A_575 : i32 to index
          %parallel_loop3A_577 = arith.constant 0 : index
          %parallel_loop3A_578 = tpu.vector_load %arg13[%parallel_loop3A_576, %parallel_loop3A_577] {strides = array<i32>} : memref<112x128xf32, #tpu.memory_space<vmem>>, vector<16xf32>,
          %parallel_loop3A_579 = arith.mulf %parallel_loop3A_578, %get3A_128 : vector<16xf32>
          %parallel_loop3A_580 = arith.index_cast %parallel_loop3A_575 : i32 to index
          %parallel_loop3A_581 = arith.constant 16 : index
          %parallel_loop3A_582 = tpu.vector_load %arg13[%parallel_loop3A_580, %parallel_loop3A_581] {strides = array<i32>} : memref<112x128xf32, #tpu.memory_space<vmem>>, vector<16xf32>,
          %parallel_loop3A_583 = arith.mulf %parallel_loop3A_582, %get3A_131 : vector<16xf32>
          %parallel_loop3A_584 = arith.index_cast %parallel_loop3A_575 : i32 to index
          %parallel_loop3A_585 = arith.constant 32 : index
          %parallel_loop3A_586 = tpu.vector_load %arg13[%parallel_loop3A_584, %parallel_loop3A_585] {strides = array<i32>} : memref<112x128xf32, #tpu.memory_space<vmem>>, vector<16xf32>,
          %parallel_loop3A_587 = arith.mulf %parallel_loop3A_586, %get3A_134 : vector<16xf32>
          %parallel_loop3A_588 = arith.index_cast %parallel_loop3A_575 : i32 to index
          %parallel_loop3A_589 = arith.constant 48 : index
          %parallel_loop3A_590 = tpu.vector_load %arg13[%parallel_loop3A_588, %parallel_loop3A_589] {strides = array<i32>} : memref<112x128xf32, #tpu.memory_space<vmem>>, vector<16xf32>,
          %parallel_loop3A_591 = arith.mulf %parallel_loop3A_590, %get3A_137 : vector<16xf32>
          %parallel_loop3A_592 = arith.index_cast %parallel_loop3A_575 : i32 to index
          %parallel_loop3A_593 = arith.constant 64 : index
          %parallel_loop3A_594 = tpu.vector_load %arg13[%parallel_loop3A_592, %parallel_loop3A_593] {strides = array<i32>} : memref<112x128xf32, #tpu.memory_space<vmem>>, vector<16xf32>,
          %parallel_loop3A_595 = arith.mulf %parallel_loop3A_594, %get3A_140 : vector<16xf32>
          %parallel_loop3A_596 = arith.index_cast %parallel_loop3A_575 : i32 to index
          %parallel_loop3A_597 = arith.constant 80 : index
          %parallel_loop3A_598 = tpu.vector_load %arg13[%parallel_loop3A_596, %parallel_loop3A_597] {strides = array<i32>} : memref<112x128xf32, #tpu.memory_space<vmem>>, vector<16xf32>,
          %parallel_loop3A_599 = arith.mulf %parallel_loop3A_598, %get3A_143 : vector<16xf32>
          %parallel_loop3A_600 = arith.index_cast %parallel_loop3A_575 : i32 to index
          %parallel_loop3A_601 = arith.constant 96 : index
          %parallel_loop3A_602 = tpu.vector_load %arg13[%parallel_loop3A_600, %parallel_loop3A_601] {strides = array<i32>} : memref<112x128xf32, #tpu.memory_space<vmem>>, vector<16xf32>,
          %parallel_loop3A_603 = arith.mulf %parallel_loop3A_602, %get3A_146 : vector<16xf32>
          %parallel_loop3A_604 = arith.index_cast %parallel_loop3A_575 : i32 to index
          %parallel_loop3A_605 = arith.constant 112 : index
          %parallel_loop3A_606 = tpu.vector_load %arg13[%parallel_loop3A_604, %parallel_loop3A_605] {strides = array<i32>} : memref<112x128xf32, #tpu.memory_space<vmem>>, vector<16xf32>,
          %parallel_loop3A_607 = arith.mulf %parallel_loop3A_606, %get3A_149 : vector<16xf32>
          %parallel_loop3A_608 = arith.constant 8 : i32
          %parallel_loop3A_609 = vector.broadcast %parallel_loop3A_608 : i32 to vector<16xi32>
          %parallel_loop3A_610 = arith.cmpi eq, %iota3A, %parallel_loop3A_609 : vector<16xi32>
          %parallel_loop3A_611 = arith.addf %parallel_loop3A_579, %parallel_loop3A_583 : vector<16xf32>
          %parallel_loop3A_612 = arith.addf %parallel_loop3A_587, %parallel_loop3A_591 : vector<16xf32>
          %parallel_loop3A_613 = arith.addf %parallel_loop3A_595, %parallel_loop3A_599 : vector<16xf32>
          %parallel_loop3A_614 = arith.addf %parallel_loop3A_603, %parallel_loop3A_607 : vector<16xf32>
          %parallel_loop3A_615 = arith.addf %parallel_loop3A_611, %parallel_loop3A_612 : vector<16xf32>
          %parallel_loop3A_616 = arith.addf %parallel_loop3A_613, %parallel_loop3A_614 : vector<16xf32>
          %parallel_loop3A_617 = arith.addf %parallel_loop3A_615, %parallel_loop3A_616 : vector<16xf32>
          %parallel_loop3A_618 = arith.constant true
          %parallel_loop3A_619 = vector.broadcast %parallel_loop3A_618 : i1 to vector<16xi1>
          %parallel_loop3A_620 = tpu.scan <sum>, %parallel_loop3A_617 masked %parallel_loop3A_619 : vector<16xf32>, vector<16xi1> -> vector<16xf32>
          %parallel_loop3A_621 = vector.extract %parallel_loop3A_620[15] : f32 from vector<16xf32>
          %parallel_loop3A_622 = vector.broadcast %parallel_loop3A_621 : f32 to vector<16xf32>
          %parallel_loop3A_623 = arith.select %parallel_loop3A_610, %parallel_loop3A_622, %parallel_loop3A_571 : vector<16xi1>, vector<16xf32>
          %parallel_loop3A_624 = arith.constant 16 : i32
          %parallel_loop3A_625 = arith.muli %parallel_loop3A_153, %parallel_loop3A_624 : i32
          %parallel_loop3A_626 = arith.constant 9 : i32
          %parallel_loop3A_627 = arith.addi %parallel_loop3A_625, %parallel_loop3A_626 : i32
          %parallel_loop3A_628 = arith.index_cast %parallel_loop3A_627 : i32 to index
          %parallel_loop3A_629 = arith.constant 0 : index
          %parallel_loop3A_630 = tpu.vector_load %arg13[%parallel_loop3A_628, %parallel_loop3A_629] {strides = array<i32>} : memref<112x128xf32, #tpu.memory_space<vmem>>, vector<16xf32>,
          %parallel_loop3A_631 = arith.mulf %parallel_loop3A_630, %get3A_128 : vector<16xf32>
          %parallel_loop3A_632 = arith.index_cast %parallel_loop3A_627 : i32 to index
          %parallel_loop3A_633 = arith.constant 16 : index
          %parallel_loop3A_634 = tpu.vector_load %arg13[%parallel_loop3A_632, %parallel_loop3A_633] {strides = array<i32>} : memref<112x128xf32, #tpu.memory_space<vmem>>, vector<16xf32>,
          %parallel_loop3A_635 = arith.mulf %parallel_loop3A_634, %get3A_131 : vector<16xf32>
          %parallel_loop3A_636 = arith.index_cast %parallel_loop3A_627 : i32 to index
          %parallel_loop3A_637 = arith.constant 32 : index
          %parallel_loop3A_638 = tpu.vector_load %arg13[%parallel_loop3A_636, %parallel_loop3A_637] {strides = array<i32>} : memref<112x128xf32, #tpu.memory_space<vmem>>, vector<16xf32>,
          %parallel_loop3A_639 = arith.mulf %parallel_loop3A_638, %get3A_134 : vector<16xf32>
          %parallel_loop3A_640 = arith.index_cast %parallel_loop3A_627 : i32 to index
          %parallel_loop3A_641 = arith.constant 48 : index
          %parallel_loop3A_642 = tpu.vector_load %arg13[%parallel_loop3A_640, %parallel_loop3A_641] {strides = array<i32>} : memref<112x128xf32, #tpu.memory_space<vmem>>, vector<16xf32>,
          %parallel_loop3A_643 = arith.mulf %parallel_loop3A_642, %get3A_137 : vector<16xf32>
          %parallel_loop3A_644 = arith.index_cast %parallel_loop3A_627 : i32 to index
          %parallel_loop3A_645 = arith.constant 64 : index
          %parallel_loop3A_646 = tpu.vector_load %arg13[%parallel_loop3A_644, %parallel_loop3A_645] {strides = array<i32>} : memref<112x128xf32, #tpu.memory_space<vmem>>, vector<16xf32>,
          %parallel_loop3A_647 = arith.mulf %parallel_loop3A_646, %get3A_140 : vector<16xf32>
          %parallel_loop3A_648 = arith.index_cast %parallel_loop3A_627 : i32 to index
          %parallel_loop3A_649 = arith.constant 80 : index
          %parallel_loop3A_650 = tpu.vector_load %arg13[%parallel_loop3A_648, %parallel_loop3A_649] {strides = array<i32>} : memref<112x128xf32, #tpu.memory_space<vmem>>, vector<16xf32>,
          %parallel_loop3A_651 = arith.mulf %parallel_loop3A_650, %get3A_143 : vector<16xf32>
          %parallel_loop3A_652 = arith.index_cast %parallel_loop3A_627 : i32 to index
          %parallel_loop3A_653 = arith.constant 96 : index
          %parallel_loop3A_654 = tpu.vector_load %arg13[%parallel_loop3A_652, %parallel_loop3A_653] {strides = array<i32>} : memref<112x128xf32, #tpu.memory_space<vmem>>, vector<16xf32>,
          %parallel_loop3A_655 = arith.mulf %parallel_loop3A_654, %get3A_146 : vector<16xf32>
          %parallel_loop3A_656 = arith.index_cast %parallel_loop3A_627 : i32 to index
          %parallel_loop3A_657 = arith.constant 112 : index
          %parallel_loop3A_658 = tpu.vector_load %arg13[%parallel_loop3A_656, %parallel_loop3A_657] {strides = array<i32>} : memref<112x128xf32, #tpu.memory_space<vmem>>, vector<16xf32>,
          %parallel_loop3A_659 = arith.mulf %parallel_loop3A_658, %get3A_149 : vector<16xf32>
          %parallel_loop3A_660 = arith.constant 9 : i32
          %parallel_loop3A_661 = vector.broadcast %parallel_loop3A_660 : i32 to vector<16xi32>
          %parallel_loop3A_662 = arith.cmpi eq, %iota3A, %parallel_loop3A_661 : vector<16xi32>
          %parallel_loop3A_663 = arith.addf %parallel_loop3A_631, %parallel_loop3A_635 : vector<16xf32>
          %parallel_loop3A_664 = arith.addf %parallel_loop3A_639, %parallel_loop3A_643 : vector<16xf32>
          %parallel_loop3A_665 = arith.addf %parallel_loop3A_647, %parallel_loop3A_651 : vector<16xf32>
          %parallel_loop3A_666 = arith.addf %parallel_loop3A_655, %parallel_loop3A_659 : vector<16xf32>
          %parallel_loop3A_667 = arith.addf %parallel_loop3A_663, %parallel_loop3A_664 : vector<16xf32>
          %parallel_loop3A_668 = arith.addf %parallel_loop3A_665, %parallel_loop3A_666 : vector<16xf32>
          %parallel_loop3A_669 = arith.addf %parallel_loop3A_667, %parallel_loop3A_668 : vector<16xf32>
          %parallel_loop3A_670 = arith.constant true
          %parallel_loop3A_671 = vector.broadcast %parallel_loop3A_670 : i1 to vector<16xi1>
          %parallel_loop3A_672 = tpu.scan <sum>, %parallel_loop3A_669 masked %parallel_loop3A_671 : vector<16xf32>, vector<16xi1> -> vector<16xf32>
          %parallel_loop3A_673 = vector.extract %parallel_loop3A_672[15] : f32 from vector<16xf32>
          %parallel_loop3A_674 = vector.broadcast %parallel_loop3A_673 : f32 to vector<16xf32>
          %parallel_loop3A_675 = arith.select %parallel_loop3A_662, %parallel_loop3A_674, %parallel_loop3A_623 : vector<16xi1>, vector<16xf32>
          %parallel_loop3A_676 = arith.constant 16 : i32
          %parallel_loop3A_677 = arith.muli %parallel_loop3A_153, %parallel_loop3A_676 : i32
          %parallel_loop3A_678 = arith.constant 10 : i32
          %parallel_loop3A_679 = arith.addi %parallel_loop3A_677, %parallel_loop3A_678 : i32
          %parallel_loop3A_680 = arith.index_cast %parallel_loop3A_679 : i32 to index
          %parallel_loop3A_681 = arith.constant 0 : index
          %parallel_loop3A_682 = tpu.vector_load %arg13[%parallel_loop3A_680, %parallel_loop3A_681] {strides = array<i32>} : memref<112x128xf32, #tpu.memory_space<vmem>>, vector<16xf32>,
          %parallel_loop3A_683 = arith.mulf %parallel_loop3A_682, %get3A_128 : vector<16xf32>
          %parallel_loop3A_684 = arith.index_cast %parallel_loop3A_679 : i32 to index
          %parallel_loop3A_685 = arith.constant 16 : index
          %parallel_loop3A_686 = tpu.vector_load %arg13[%parallel_loop3A_684, %parallel_loop3A_685] {strides = array<i32>} : memref<112x128xf32, #tpu.memory_space<vmem>>, vector<16xf32>,
          %parallel_loop3A_687 = arith.mulf %parallel_loop3A_686, %get3A_131 : vector<16xf32>
          %parallel_loop3A_688 = arith.index_cast %parallel_loop3A_679 : i32 to index
          %parallel_loop3A_689 = arith.constant 32 : index
          %parallel_loop3A_690 = tpu.vector_load %arg13[%parallel_loop3A_688, %parallel_loop3A_689] {strides = array<i32>} : memref<112x128xf32, #tpu.memory_space<vmem>>, vector<16xf32>,
          %parallel_loop3A_691 = arith.mulf %parallel_loop3A_690, %get3A_134 : vector<16xf32>
          %parallel_loop3A_692 = arith.index_cast %parallel_loop3A_679 : i32 to index
          %parallel_loop3A_693 = arith.constant 48 : index
          %parallel_loop3A_694 = tpu.vector_load %arg13[%parallel_loop3A_692, %parallel_loop3A_693] {strides = array<i32>} : memref<112x128xf32, #tpu.memory_space<vmem>>, vector<16xf32>,
          %parallel_loop3A_695 = arith.mulf %parallel_loop3A_694, %get3A_137 : vector<16xf32>
          %parallel_loop3A_696 = arith.index_cast %parallel_loop3A_679 : i32 to index
          %parallel_loop3A_697 = arith.constant 64 : index
          %parallel_loop3A_698 = tpu.vector_load %arg13[%parallel_loop3A_696, %parallel_loop3A_697] {strides = array<i32>} : memref<112x128xf32, #tpu.memory_space<vmem>>, vector<16xf32>,
          %parallel_loop3A_699 = arith.mulf %parallel_loop3A_698, %get3A_140 : vector<16xf32>
          %parallel_loop3A_700 = arith.index_cast %parallel_loop3A_679 : i32 to index
          %parallel_loop3A_701 = arith.constant 80 : index
          %parallel_loop3A_702 = tpu.vector_load %arg13[%parallel_loop3A_700, %parallel_loop3A_701] {strides = array<i32>} : memref<112x128xf32, #tpu.memory_space<vmem>>, vector<16xf32>,
          %parallel_loop3A_703 = arith.mulf %parallel_loop3A_702, %get3A_143 : vector<16xf32>
          %parallel_loop3A_704 = arith.index_cast %parallel_loop3A_679 : i32 to index
          %parallel_loop3A_705 = arith.constant 96 : index
          %parallel_loop3A_706 = tpu.vector_load %arg13[%parallel_loop3A_704, %parallel_loop3A_705] {strides = array<i32>} : memref<112x128xf32, #tpu.memory_space<vmem>>, vector<16xf32>,
          %parallel_loop3A_707 = arith.mulf %parallel_loop3A_706, %get3A_146 : vector<16xf32>
          %parallel_loop3A_708 = arith.index_cast %parallel_loop3A_679 : i32 to index
          %parallel_loop3A_709 = arith.constant 112 : index
          %parallel_loop3A_710 = tpu.vector_load %arg13[%parallel_loop3A_708, %parallel_loop3A_709] {strides = array<i32>} : memref<112x128xf32, #tpu.memory_space<vmem>>, vector<16xf32>,
          %parallel_loop3A_711 = arith.mulf %parallel_loop3A_710, %get3A_149 : vector<16xf32>
          %parallel_loop3A_712 = arith.constant 10 : i32
          %parallel_loop3A_713 = vector.broadcast %parallel_loop3A_712 : i32 to vector<16xi32>
          %parallel_loop3A_714 = arith.cmpi eq, %iota3A, %parallel_loop3A_713 : vector<16xi32>
          %parallel_loop3A_715 = arith.addf %parallel_loop3A_683, %parallel_loop3A_687 : vector<16xf32>
          %parallel_loop3A_716 = arith.addf %parallel_loop3A_691, %parallel_loop3A_695 : vector<16xf32>
          %parallel_loop3A_717 = arith.addf %parallel_loop3A_699, %parallel_loop3A_703 : vector<16xf32>
          %parallel_loop3A_718 = arith.addf %parallel_loop3A_707, %parallel_loop3A_711 : vector<16xf32>
          %parallel_loop3A_719 = arith.addf %parallel_loop3A_715, %parallel_loop3A_716 : vector<16xf32>
          %parallel_loop3A_720 = arith.addf %parallel_loop3A_717, %parallel_loop3A_718 : vector<16xf32>
          %parallel_loop3A_721 = arith.addf %parallel_loop3A_719, %parallel_loop3A_720 : vector<16xf32>
          %parallel_loop3A_722 = arith.constant true
          %parallel_loop3A_723 = vector.broadcast %parallel_loop3A_722 : i1 to vector<16xi1>
          %parallel_loop3A_724 = tpu.scan <sum>, %parallel_loop3A_721 masked %parallel_loop3A_723 : vector<16xf32>, vector<16xi1> -> vector<16xf32>
          %parallel_loop3A_725 = vector.extract %parallel_loop3A_724[15] : f32 from vector<16xf32>
          %parallel_loop3A_726 = vector.broadcast %parallel_loop3A_725 : f32 to vector<16xf32>
          %parallel_loop3A_727 = arith.select %parallel_loop3A_714, %parallel_loop3A_726, %parallel_loop3A_675 : vector<16xi1>, vector<16xf32>
          %parallel_loop3A_728 = arith.constant 16 : i32
          %parallel_loop3A_729 = arith.muli %parallel_loop3A_153, %parallel_loop3A_728 : i32
          %parallel_loop3A_730 = arith.constant 11 : i32
          %parallel_loop3A_731 = arith.addi %parallel_loop3A_729, %parallel_loop3A_730 : i32
          %parallel_loop3A_732 = arith.index_cast %parallel_loop3A_731 : i32 to index
          %parallel_loop3A_733 = arith.constant 0 : index
          %parallel_loop3A_734 = tpu.vector_load %arg13[%parallel_loop3A_732, %parallel_loop3A_733] {strides = array<i32>} : memref<112x128xf32, #tpu.memory_space<vmem>>, vector<16xf32>,
          %parallel_loop3A_735 = arith.mulf %parallel_loop3A_734, %get3A_128 : vector<16xf32>
          %parallel_loop3A_736 = arith.index_cast %parallel_loop3A_731 : i32 to index
          %parallel_loop3A_737 = arith.constant 16 : index
          %parallel_loop3A_738 = tpu.vector_load %arg13[%parallel_loop3A_736, %parallel_loop3A_737] {strides = array<i32>} : memref<112x128xf32, #tpu.memory_space<vmem>>, vector<16xf32>,
          %parallel_loop3A_739 = arith.mulf %parallel_loop3A_738, %get3A_131 : vector<16xf32>
          %parallel_loop3A_740 = arith.index_cast %parallel_loop3A_731 : i32 to index
          %parallel_loop3A_741 = arith.constant 32 : index
          %parallel_loop3A_742 = tpu.vector_load %arg13[%parallel_loop3A_740, %parallel_loop3A_741] {strides = array<i32>} : memref<112x128xf32, #tpu.memory_space<vmem>>, vector<16xf32>,
          %parallel_loop3A_743 = arith.mulf %parallel_loop3A_742, %get3A_134 : vector<16xf32>
          %parallel_loop3A_744 = arith.index_cast %parallel_loop3A_731 : i32 to index
          %parallel_loop3A_745 = arith.constant 48 : index
          %parallel_loop3A_746 = tpu.vector_load %arg13[%parallel_loop3A_744, %parallel_loop3A_745] {strides = array<i32>} : memref<112x128xf32, #tpu.memory_space<vmem>>, vector<16xf32>,
          %parallel_loop3A_747 = arith.mulf %parallel_loop3A_746, %get3A_137 : vector<16xf32>
          %parallel_loop3A_748 = arith.index_cast %parallel_loop3A_731 : i32 to index
          %parallel_loop3A_749 = arith.constant 64 : index
          %parallel_loop3A_750 = tpu.vector_load %arg13[%parallel_loop3A_748, %parallel_loop3A_749] {strides = array<i32>} : memref<112x128xf32, #tpu.memory_space<vmem>>, vector<16xf32>,
          %parallel_loop3A_751 = arith.mulf %parallel_loop3A_750, %get3A_140 : vector<16xf32>
          %parallel_loop3A_752 = arith.index_cast %parallel_loop3A_731 : i32 to index
          %parallel_loop3A_753 = arith.constant 80 : index
          %parallel_loop3A_754 = tpu.vector_load %arg13[%parallel_loop3A_752, %parallel_loop3A_753] {strides = array<i32>} : memref<112x128xf32, #tpu.memory_space<vmem>>, vector<16xf32>,
          %parallel_loop3A_755 = arith.mulf %parallel_loop3A_754, %get3A_143 : vector<16xf32>
          %parallel_loop3A_756 = arith.index_cast %parallel_loop3A_731 : i32 to index
          %parallel_loop3A_757 = arith.constant 96 : index
          %parallel_loop3A_758 = tpu.vector_load %arg13[%parallel_loop3A_756, %parallel_loop3A_757] {strides = array<i32>} : memref<112x128xf32, #tpu.memory_space<vmem>>, vector<16xf32>,
          %parallel_loop3A_759 = arith.mulf %parallel_loop3A_758, %get3A_146 : vector<16xf32>
          %parallel_loop3A_760 = arith.index_cast %parallel_loop3A_731 : i32 to index
          %parallel_loop3A_761 = arith.constant 112 : index
          %parallel_loop3A_762 = tpu.vector_load %arg13[%parallel_loop3A_760, %parallel_loop3A_761] {strides = array<i32>} : memref<112x128xf32, #tpu.memory_space<vmem>>, vector<16xf32>,
          %parallel_loop3A_763 = arith.mulf %parallel_loop3A_762, %get3A_149 : vector<16xf32>
          %parallel_loop3A_764 = arith.constant 11 : i32
          %parallel_loop3A_765 = vector.broadcast %parallel_loop3A_764 : i32 to vector<16xi32>
          %parallel_loop3A_766 = arith.cmpi eq, %iota3A, %parallel_loop3A_765 : vector<16xi32>
          %parallel_loop3A_767 = arith.addf %parallel_loop3A_735, %parallel_loop3A_739 : vector<16xf32>
          %parallel_loop3A_768 = arith.addf %parallel_loop3A_743, %parallel_loop3A_747 : vector<16xf32>
          %parallel_loop3A_769 = arith.addf %parallel_loop3A_751, %parallel_loop3A_755 : vector<16xf32>
          %parallel_loop3A_770 = arith.addf %parallel_loop3A_759, %parallel_loop3A_763 : vector<16xf32>
          %parallel_loop3A_771 = arith.addf %parallel_loop3A_767, %parallel_loop3A_768 : vector<16xf32>
          %parallel_loop3A_772 = arith.addf %parallel_loop3A_769, %parallel_loop3A_770 : vector<16xf32>
          %parallel_loop3A_773 = arith.addf %parallel_loop3A_771, %parallel_loop3A_772 : vector<16xf32>
          %parallel_loop3A_774 = arith.constant true
          %parallel_loop3A_775 = vector.broadcast %parallel_loop3A_774 : i1 to vector<16xi1>
          %parallel_loop3A_776 = tpu.scan <sum>, %parallel_loop3A_773 masked %parallel_loop3A_775 : vector<16xf32>, vector<16xi1> -> vector<16xf32>
          %parallel_loop3A_777 = vector.extract %parallel_loop3A_776[15] : f32 from vector<16xf32>
          %parallel_loop3A_778 = vector.broadcast %parallel_loop3A_777 : f32 to vector<16xf32>
          %parallel_loop3A_779 = arith.select %parallel_loop3A_766, %parallel_loop3A_778, %parallel_loop3A_727 : vector<16xi1>, vector<16xf32>
          %parallel_loop3A_780 = arith.constant 16 : i32
          %parallel_loop3A_781 = arith.muli %parallel_loop3A_153, %parallel_loop3A_780 : i32
          %parallel_loop3A_782 = arith.constant 12 : i32
          %parallel_loop3A_783 = arith.addi %parallel_loop3A_781, %parallel_loop3A_782 : i32
          %parallel_loop3A_784 = arith.index_cast %parallel_loop3A_783 : i32 to index
          %parallel_loop3A_785 = arith.constant 0 : index
          %parallel_loop3A_786 = tpu.vector_load %arg13[%parallel_loop3A_784, %parallel_loop3A_785] {strides = array<i32>} : memref<112x128xf32, #tpu.memory_space<vmem>>, vector<16xf32>,
          %parallel_loop3A_787 = arith.mulf %parallel_loop3A_786, %get3A_128 : vector<16xf32>
          %parallel_loop3A_788 = arith.index_cast %parallel_loop3A_783 : i32 to index
          %parallel_loop3A_789 = arith.constant 16 : index
          %parallel_loop3A_790 = tpu.vector_load %arg13[%parallel_loop3A_788, %parallel_loop3A_789] {strides = array<i32>} : memref<112x128xf32, #tpu.memory_space<vmem>>, vector<16xf32>,
          %parallel_loop3A_791 = arith.mulf %parallel_loop3A_790, %get3A_131 : vector<16xf32>
          %parallel_loop3A_792 = arith.index_cast %parallel_loop3A_783 : i32 to index
          %parallel_loop3A_793 = arith.constant 32 : index
          %parallel_loop3A_794 = tpu.vector_load %arg13[%parallel_loop3A_792, %parallel_loop3A_793] {strides = array<i32>} : memref<112x128xf32, #tpu.memory_space<vmem>>, vector<16xf32>,
          %parallel_loop3A_795 = arith.mulf %parallel_loop3A_794, %get3A_134 : vector<16xf32>
          %parallel_loop3A_796 = arith.index_cast %parallel_loop3A_783 : i32 to index
          %parallel_loop3A_797 = arith.constant 48 : index
          %parallel_loop3A_798 = tpu.vector_load %arg13[%parallel_loop3A_796, %parallel_loop3A_797] {strides = array<i32>} : memref<112x128xf32, #tpu.memory_space<vmem>>, vector<16xf32>,
          %parallel_loop3A_799 = arith.mulf %parallel_loop3A_798, %get3A_137 : vector<16xf32>
          %parallel_loop3A_800 = arith.index_cast %parallel_loop3A_783 : i32 to index
          %parallel_loop3A_801 = arith.constant 64 : index
          %parallel_loop3A_802 = tpu.vector_load %arg13[%parallel_loop3A_800, %parallel_loop3A_801] {strides = array<i32>} : memref<112x128xf32, #tpu.memory_space<vmem>>, vector<16xf32>,
          %parallel_loop3A_803 = arith.mulf %parallel_loop3A_802, %get3A_140 : vector<16xf32>
          %parallel_loop3A_804 = arith.index_cast %parallel_loop3A_783 : i32 to index
          %parallel_loop3A_805 = arith.constant 80 : index
          %parallel_loop3A_806 = tpu.vector_load %arg13[%parallel_loop3A_804, %parallel_loop3A_805] {strides = array<i32>} : memref<112x128xf32, #tpu.memory_space<vmem>>, vector<16xf32>,
          %parallel_loop3A_807 = arith.mulf %parallel_loop3A_806, %get3A_143 : vector<16xf32>
          %parallel_loop3A_808 = arith.index_cast %parallel_loop3A_783 : i32 to index
          %parallel_loop3A_809 = arith.constant 96 : index
          %parallel_loop3A_810 = tpu.vector_load %arg13[%parallel_loop3A_808, %parallel_loop3A_809] {strides = array<i32>} : memref<112x128xf32, #tpu.memory_space<vmem>>, vector<16xf32>,
          %parallel_loop3A_811 = arith.mulf %parallel_loop3A_810, %get3A_146 : vector<16xf32>
          %parallel_loop3A_812 = arith.index_cast %parallel_loop3A_783 : i32 to index
          %parallel_loop3A_813 = arith.constant 112 : index
          %parallel_loop3A_814 = tpu.vector_load %arg13[%parallel_loop3A_812, %parallel_loop3A_813] {strides = array<i32>} : memref<112x128xf32, #tpu.memory_space<vmem>>, vector<16xf32>,
          %parallel_loop3A_815 = arith.mulf %parallel_loop3A_814, %get3A_149 : vector<16xf32>
          %parallel_loop3A_816 = arith.constant 12 : i32
          %parallel_loop3A_817 = vector.broadcast %parallel_loop3A_816 : i32 to vector<16xi32>
          %parallel_loop3A_818 = arith.cmpi eq, %iota3A, %parallel_loop3A_817 : vector<16xi32>
          %parallel_loop3A_819 = arith.addf %parallel_loop3A_787, %parallel_loop3A_791 : vector<16xf32>
          %parallel_loop3A_820 = arith.addf %parallel_loop3A_795, %parallel_loop3A_799 : vector<16xf32>
          %parallel_loop3A_821 = arith.addf %parallel_loop3A_803, %parallel_loop3A_807 : vector<16xf32>
          %parallel_loop3A_822 = arith.addf %parallel_loop3A_811, %parallel_loop3A_815 : vector<16xf32>
          %parallel_loop3A_823 = arith.addf %parallel_loop3A_819, %parallel_loop3A_820 : vector<16xf32>
          %parallel_loop3A_824 = arith.addf %parallel_loop3A_821, %parallel_loop3A_822 : vector<16xf32>
          %parallel_loop3A_825 = arith.addf %parallel_loop3A_823, %parallel_loop3A_824 : vector<16xf32>
          %parallel_loop3A_826 = arith.constant true
          %parallel_loop3A_827 = vector.broadcast %parallel_loop3A_826 : i1 to vector<16xi1>
          %parallel_loop3A_828 = tpu.scan <sum>, %parallel_loop3A_825 masked %parallel_loop3A_827 : vector<16xf32>, vector<16xi1> -> vector<16xf32>
          %parallel_loop3A_829 = vector.extract %parallel_loop3A_828[15] : f32 from vector<16xf32>
          %parallel_loop3A_830 = vector.broadcast %parallel_loop3A_829 : f32 to vector<16xf32>
          %parallel_loop3A_831 = arith.select %parallel_loop3A_818, %parallel_loop3A_830, %parallel_loop3A_779 : vector<16xi1>, vector<16xf32>
          %parallel_loop3A_832 = arith.constant 16 : i32
          %parallel_loop3A_833 = arith.muli %parallel_loop3A_153, %parallel_loop3A_832 : i32
          %parallel_loop3A_834 = arith.constant 13 : i32
          %parallel_loop3A_835 = arith.addi %parallel_loop3A_833, %parallel_loop3A_834 : i32
          %parallel_loop3A_836 = arith.index_cast %parallel_loop3A_835 : i32 to index
          %parallel_loop3A_837 = arith.constant 0 : index
          %parallel_loop3A_838 = tpu.vector_load %arg13[%parallel_loop3A_836, %parallel_loop3A_837] {strides = array<i32>} : memref<112x128xf32, #tpu.memory_space<vmem>>, vector<16xf32>,
          %parallel_loop3A_839 = arith.mulf %parallel_loop3A_838, %get3A_128 : vector<16xf32>
          %parallel_loop3A_840 = arith.index_cast %parallel_loop3A_835 : i32 to index
          %parallel_loop3A_841 = arith.constant 16 : index
          %parallel_loop3A_842 = tpu.vector_load %arg13[%parallel_loop3A_840, %parallel_loop3A_841] {strides = array<i32>} : memref<112x128xf32, #tpu.memory_space<vmem>>, vector<16xf32>,
          %parallel_loop3A_843 = arith.mulf %parallel_loop3A_842, %get3A_131 : vector<16xf32>
          %parallel_loop3A_844 = arith.index_cast %parallel_loop3A_835 : i32 to index
          %parallel_loop3A_845 = arith.constant 32 : index
          %parallel_loop3A_846 = tpu.vector_load %arg13[%parallel_loop3A_844, %parallel_loop3A_845] {strides = array<i32>} : memref<112x128xf32, #tpu.memory_space<vmem>>, vector<16xf32>,
          %parallel_loop3A_847 = arith.mulf %parallel_loop3A_846, %get3A_134 : vector<16xf32>
          %parallel_loop3A_848 = arith.index_cast %parallel_loop3A_835 : i32 to index
          %parallel_loop3A_849 = arith.constant 48 : index
          %parallel_loop3A_850 = tpu.vector_load %arg13[%parallel_loop3A_848, %parallel_loop3A_849] {strides = array<i32>} : memref<112x128xf32, #tpu.memory_space<vmem>>, vector<16xf32>,
          %parallel_loop3A_851 = arith.mulf %parallel_loop3A_850, %get3A_137 : vector<16xf32>
          %parallel_loop3A_852 = arith.index_cast %parallel_loop3A_835 : i32 to index
          %parallel_loop3A_853 = arith.constant 64 : index
          %parallel_loop3A_854 = tpu.vector_load %arg13[%parallel_loop3A_852, %parallel_loop3A_853] {strides = array<i32>} : memref<112x128xf32, #tpu.memory_space<vmem>>, vector<16xf32>,
          %parallel_loop3A_855 = arith.mulf %parallel_loop3A_854, %get3A_140 : vector<16xf32>
          %parallel_loop3A_856 = arith.index_cast %parallel_loop3A_835 : i32 to index
          %parallel_loop3A_857 = arith.constant 80 : index
          %parallel_loop3A_858 = tpu.vector_load %arg13[%parallel_loop3A_856, %parallel_loop3A_857] {strides = array<i32>} : memref<112x128xf32, #tpu.memory_space<vmem>>, vector<16xf32>,
          %parallel_loop3A_859 = arith.mulf %parallel_loop3A_858, %get3A_143 : vector<16xf32>
          %parallel_loop3A_860 = arith.index_cast %parallel_loop3A_835 : i32 to index
          %parallel_loop3A_861 = arith.constant 96 : index
          %parallel_loop3A_862 = tpu.vector_load %arg13[%parallel_loop3A_860, %parallel_loop3A_861] {strides = array<i32>} : memref<112x128xf32, #tpu.memory_space<vmem>>, vector<16xf32>,
          %parallel_loop3A_863 = arith.mulf %parallel_loop3A_862, %get3A_146 : vector<16xf32>
          %parallel_loop3A_864 = arith.index_cast %parallel_loop3A_835 : i32 to index
          %parallel_loop3A_865 = arith.constant 112 : index
          %parallel_loop3A_866 = tpu.vector_load %arg13[%parallel_loop3A_864, %parallel_loop3A_865] {strides = array<i32>} : memref<112x128xf32, #tpu.memory_space<vmem>>, vector<16xf32>,
          %parallel_loop3A_867 = arith.mulf %parallel_loop3A_866, %get3A_149 : vector<16xf32>
          %parallel_loop3A_868 = arith.constant 13 : i32
          %parallel_loop3A_869 = vector.broadcast %parallel_loop3A_868 : i32 to vector<16xi32>
          %parallel_loop3A_870 = arith.cmpi eq, %iota3A, %parallel_loop3A_869 : vector<16xi32>
          %parallel_loop3A_871 = arith.addf %parallel_loop3A_839, %parallel_loop3A_843 : vector<16xf32>
          %parallel_loop3A_872 = arith.addf %parallel_loop3A_847, %parallel_loop3A_851 : vector<16xf32>
          %parallel_loop3A_873 = arith.addf %parallel_loop3A_855, %parallel_loop3A_859 : vector<16xf32>
          %parallel_loop3A_874 = arith.addf %parallel_loop3A_863, %parallel_loop3A_867 : vector<16xf32>
          %parallel_loop3A_875 = arith.addf %parallel_loop3A_871, %parallel_loop3A_872 : vector<16xf32>
          %parallel_loop3A_876 = arith.addf %parallel_loop3A_873, %parallel_loop3A_874 : vector<16xf32>
          %parallel_loop3A_877 = arith.addf %parallel_loop3A_875, %parallel_loop3A_876 : vector<16xf32>
          %parallel_loop3A_878 = arith.constant true
          %parallel_loop3A_879 = vector.broadcast %parallel_loop3A_878 : i1 to vector<16xi1>
          %parallel_loop3A_880 = tpu.scan <sum>, %parallel_loop3A_877 masked %parallel_loop3A_879 : vector<16xf32>, vector<16xi1> -> vector<16xf32>
          %parallel_loop3A_881 = vector.extract %parallel_loop3A_880[15] : f32 from vector<16xf32>
          %parallel_loop3A_882 = vector.broadcast %parallel_loop3A_881 : f32 to vector<16xf32>
          %parallel_loop3A_883 = arith.select %parallel_loop3A_870, %parallel_loop3A_882, %parallel_loop3A_831 : vector<16xi1>, vector<16xf32>
          %parallel_loop3A_884 = arith.constant 16 : i32
          %parallel_loop3A_885 = arith.muli %parallel_loop3A_153, %parallel_loop3A_884 : i32
          %parallel_loop3A_886 = arith.constant 14 : i32
          %parallel_loop3A_887 = arith.addi %parallel_loop3A_885, %parallel_loop3A_886 : i32
          %parallel_loop3A_888 = arith.index_cast %parallel_loop3A_887 : i32 to index
          %parallel_loop3A_889 = arith.constant 0 : index
          %parallel_loop3A_890 = tpu.vector_load %arg13[%parallel_loop3A_888, %parallel_loop3A_889] {strides = array<i32>} : memref<112x128xf32, #tpu.memory_space<vmem>>, vector<16xf32>,
          %parallel_loop3A_891 = arith.mulf %parallel_loop3A_890, %get3A_128 : vector<16xf32>
          %parallel_loop3A_892 = arith.index_cast %parallel_loop3A_887 : i32 to index
          %parallel_loop3A_893 = arith.constant 16 : index
          %parallel_loop3A_894 = tpu.vector_load %arg13[%parallel_loop3A_892, %parallel_loop3A_893] {strides = array<i32>} : memref<112x128xf32, #tpu.memory_space<vmem>>, vector<16xf32>,
          %parallel_loop3A_895 = arith.mulf %parallel_loop3A_894, %get3A_131 : vector<16xf32>
          %parallel_loop3A_896 = arith.index_cast %parallel_loop3A_887 : i32 to index
          %parallel_loop3A_897 = arith.constant 32 : index
          %parallel_loop3A_898 = tpu.vector_load %arg13[%parallel_loop3A_896, %parallel_loop3A_897] {strides = array<i32>} : memref<112x128xf32, #tpu.memory_space<vmem>>, vector<16xf32>,
          %parallel_loop3A_899 = arith.mulf %parallel_loop3A_898, %get3A_134 : vector<16xf32>
          %parallel_loop3A_900 = arith.index_cast %parallel_loop3A_887 : i32 to index
          %parallel_loop3A_901 = arith.constant 48 : index
          %parallel_loop3A_902 = tpu.vector_load %arg13[%parallel_loop3A_900, %parallel_loop3A_901] {strides = array<i32>} : memref<112x128xf32, #tpu.memory_space<vmem>>, vector<16xf32>,
          %parallel_loop3A_903 = arith.mulf %parallel_loop3A_902, %get3A_137 : vector<16xf32>
          %parallel_loop3A_904 = arith.index_cast %parallel_loop3A_887 : i32 to index
          %parallel_loop3A_905 = arith.constant 64 : index
          %parallel_loop3A_906 = tpu.vector_load %arg13[%parallel_loop3A_904, %parallel_loop3A_905] {strides = array<i32>} : memref<112x128xf32, #tpu.memory_space<vmem>>, vector<16xf32>,
          %parallel_loop3A_907 = arith.mulf %parallel_loop3A_906, %get3A_140 : vector<16xf32>
          %parallel_loop3A_908 = arith.index_cast %parallel_loop3A_887 : i32 to index
          %parallel_loop3A_909 = arith.constant 80 : index
          %parallel_loop3A_910 = tpu.vector_load %arg13[%parallel_loop3A_908, %parallel_loop3A_909] {strides = array<i32>} : memref<112x128xf32, #tpu.memory_space<vmem>>, vector<16xf32>,
          %parallel_loop3A_911 = arith.mulf %parallel_loop3A_910, %get3A_143 : vector<16xf32>
          %parallel_loop3A_912 = arith.index_cast %parallel_loop3A_887 : i32 to index
          %parallel_loop3A_913 = arith.constant 96 : index
          %parallel_loop3A_914 = tpu.vector_load %arg13[%parallel_loop3A_912, %parallel_loop3A_913] {strides = array<i32>} : memref<112x128xf32, #tpu.memory_space<vmem>>, vector<16xf32>,
          %parallel_loop3A_915 = arith.mulf %parallel_loop3A_914, %get3A_146 : vector<16xf32>
          %parallel_loop3A_916 = arith.index_cast %parallel_loop3A_887 : i32 to index
          %parallel_loop3A_917 = arith.constant 112 : index
          %parallel_loop3A_918 = tpu.vector_load %arg13[%parallel_loop3A_916, %parallel_loop3A_917] {strides = array<i32>} : memref<112x128xf32, #tpu.memory_space<vmem>>, vector<16xf32>,
          %parallel_loop3A_919 = arith.mulf %parallel_loop3A_918, %get3A_149 : vector<16xf32>
          %parallel_loop3A_920 = arith.constant 14 : i32
          %parallel_loop3A_921 = vector.broadcast %parallel_loop3A_920 : i32 to vector<16xi32>
          %parallel_loop3A_922 = arith.cmpi eq, %iota3A, %parallel_loop3A_921 : vector<16xi32>
          %parallel_loop3A_923 = arith.addf %parallel_loop3A_891, %parallel_loop3A_895 : vector<16xf32>
          %parallel_loop3A_924 = arith.addf %parallel_loop3A_899, %parallel_loop3A_903 : vector<16xf32>
          %parallel_loop3A_925 = arith.addf %parallel_loop3A_907, %parallel_loop3A_911 : vector<16xf32>
          %parallel_loop3A_926 = arith.addf %parallel_loop3A_915, %parallel_loop3A_919 : vector<16xf32>
          %parallel_loop3A_927 = arith.addf %parallel_loop3A_923, %parallel_loop3A_924 : vector<16xf32>
          %parallel_loop3A_928 = arith.addf %parallel_loop3A_925, %parallel_loop3A_926 : vector<16xf32>
          %parallel_loop3A_929 = arith.addf %parallel_loop3A_927, %parallel_loop3A_928 : vector<16xf32>
          %parallel_loop3A_930 = arith.constant true
          %parallel_loop3A_931 = vector.broadcast %parallel_loop3A_930 : i1 to vector<16xi1>
          %parallel_loop3A_932 = tpu.scan <sum>, %parallel_loop3A_929 masked %parallel_loop3A_931 : vector<16xf32>, vector<16xi1> -> vector<16xf32>
          %parallel_loop3A_933 = vector.extract %parallel_loop3A_932[15] : f32 from vector<16xf32>
          %parallel_loop3A_934 = vector.broadcast %parallel_loop3A_933 : f32 to vector<16xf32>
          %parallel_loop3A_935 = arith.select %parallel_loop3A_922, %parallel_loop3A_934, %parallel_loop3A_883 : vector<16xi1>, vector<16xf32>
          %parallel_loop3A_936 = arith.constant 16 : i32
          %parallel_loop3A_937 = arith.muli %parallel_loop3A_153, %parallel_loop3A_936 : i32
          %parallel_loop3A_938 = arith.constant 15 : i32
          %parallel_loop3A_939 = arith.addi %parallel_loop3A_937, %parallel_loop3A_938 : i32
          %parallel_loop3A_940 = arith.index_cast %parallel_loop3A_939 : i32 to index
          %parallel_loop3A_941 = arith.constant 0 : index
          %parallel_loop3A_942 = tpu.vector_load %arg13[%parallel_loop3A_940, %parallel_loop3A_941] {strides = array<i32>} : memref<112x128xf32, #tpu.memory_space<vmem>>, vector<16xf32>,
          %parallel_loop3A_943 = arith.mulf %parallel_loop3A_942, %get3A_128 : vector<16xf32>
          %parallel_loop3A_944 = arith.index_cast %parallel_loop3A_939 : i32 to index
          %parallel_loop3A_945 = arith.constant 16 : index
          %parallel_loop3A_946 = tpu.vector_load %arg13[%parallel_loop3A_944, %parallel_loop3A_945] {strides = array<i32>} : memref<112x128xf32, #tpu.memory_space<vmem>>, vector<16xf32>,
          %parallel_loop3A_947 = arith.mulf %parallel_loop3A_946, %get3A_131 : vector<16xf32>
          %parallel_loop3A_948 = arith.index_cast %parallel_loop3A_939 : i32 to index
          %parallel_loop3A_949 = arith.constant 32 : index
          %parallel_loop3A_950 = tpu.vector_load %arg13[%parallel_loop3A_948, %parallel_loop3A_949] {strides = array<i32>} : memref<112x128xf32, #tpu.memory_space<vmem>>, vector<16xf32>,
          %parallel_loop3A_951 = arith.mulf %parallel_loop3A_950, %get3A_134 : vector<16xf32>
          %parallel_loop3A_952 = arith.index_cast %parallel_loop3A_939 : i32 to index
          %parallel_loop3A_953 = arith.constant 48 : index
          %parallel_loop3A_954 = tpu.vector_load %arg13[%parallel_loop3A_952, %parallel_loop3A_953] {strides = array<i32>} : memref<112x128xf32, #tpu.memory_space<vmem>>, vector<16xf32>,
          %parallel_loop3A_955 = arith.mulf %parallel_loop3A_954, %get3A_137 : vector<16xf32>
          %parallel_loop3A_956 = arith.index_cast %parallel_loop3A_939 : i32 to index
          %parallel_loop3A_957 = arith.constant 64 : index
          %parallel_loop3A_958 = tpu.vector_load %arg13[%parallel_loop3A_956, %parallel_loop3A_957] {strides = array<i32>} : memref<112x128xf32, #tpu.memory_space<vmem>>, vector<16xf32>,
          %parallel_loop3A_959 = arith.mulf %parallel_loop3A_958, %get3A_140 : vector<16xf32>
          %parallel_loop3A_960 = arith.index_cast %parallel_loop3A_939 : i32 to index
          %parallel_loop3A_961 = arith.constant 80 : index
          %parallel_loop3A_962 = tpu.vector_load %arg13[%parallel_loop3A_960, %parallel_loop3A_961] {strides = array<i32>} : memref<112x128xf32, #tpu.memory_space<vmem>>, vector<16xf32>,
          %parallel_loop3A_963 = arith.mulf %parallel_loop3A_962, %get3A_143 : vector<16xf32>
          %parallel_loop3A_964 = arith.index_cast %parallel_loop3A_939 : i32 to index
          %parallel_loop3A_965 = arith.constant 96 : index
          %parallel_loop3A_966 = tpu.vector_load %arg13[%parallel_loop3A_964, %parallel_loop3A_965] {strides = array<i32>} : memref<112x128xf32, #tpu.memory_space<vmem>>, vector<16xf32>,
          %parallel_loop3A_967 = arith.mulf %parallel_loop3A_966, %get3A_146 : vector<16xf32>
          %parallel_loop3A_968 = arith.index_cast %parallel_loop3A_939 : i32 to index
          %parallel_loop3A_969 = arith.constant 112 : index
          %parallel_loop3A_970 = tpu.vector_load %arg13[%parallel_loop3A_968, %parallel_loop3A_969] {strides = array<i32>} : memref<112x128xf32, #tpu.memory_space<vmem>>, vector<16xf32>,
          %parallel_loop3A_971 = arith.mulf %parallel_loop3A_970, %get3A_149 : vector<16xf32>
          %parallel_loop3A_972 = arith.constant 15 : i32
          %parallel_loop3A_973 = vector.broadcast %parallel_loop3A_972 : i32 to vector<16xi32>
          %parallel_loop3A_974 = arith.cmpi eq, %iota3A, %parallel_loop3A_973 : vector<16xi32>
          %parallel_loop3A_975 = arith.addf %parallel_loop3A_943, %parallel_loop3A_947 : vector<16xf32>
          %parallel_loop3A_976 = arith.addf %parallel_loop3A_951, %parallel_loop3A_955 : vector<16xf32>
          %parallel_loop3A_977 = arith.addf %parallel_loop3A_959, %parallel_loop3A_963 : vector<16xf32>
          %parallel_loop3A_978 = arith.addf %parallel_loop3A_967, %parallel_loop3A_971 : vector<16xf32>
          %parallel_loop3A_979 = arith.addf %parallel_loop3A_975, %parallel_loop3A_976 : vector<16xf32>
          %parallel_loop3A_980 = arith.addf %parallel_loop3A_977, %parallel_loop3A_978 : vector<16xf32>
          %parallel_loop3A_981 = arith.addf %parallel_loop3A_979, %parallel_loop3A_980 : vector<16xf32>
          %parallel_loop3A_982 = arith.constant true
          %parallel_loop3A_983 = vector.broadcast %parallel_loop3A_982 : i1 to vector<16xi1>
          %parallel_loop3A_984 = tpu.scan <sum>, %parallel_loop3A_981 masked %parallel_loop3A_983 : vector<16xf32>, vector<16xi1> -> vector<16xf32>
          %parallel_loop3A_985 = vector.extract %parallel_loop3A_984[15] : f32 from vector<16xf32>
          %parallel_loop3A_986 = vector.broadcast %parallel_loop3A_985 : f32 to vector<16xf32>
          %parallel_loop3A_987 = arith.select %parallel_loop3A_974, %parallel_loop3A_986, %parallel_loop3A_935 : vector<16xi1>, vector<16xf32>
          %parallel_loop3A_988 = arith.constant 16 : i32
          %parallel_loop3A_989 = arith.muli %parallel_loop3A_153, %parallel_loop3A_988 : i32
          %parallel_loop3A_990 = arith.index_cast %add3A_98 : i32 to index
          %parallel_loop3A_991 = arith.index_cast %parallel_loop3A_989 : i32 to index
          %parallel_loop3A_992 = tpu.vector_load %arg14[%parallel_loop3A_990, %parallel_loop3A_991] {strides = array<i32>} : memref<128x128xf32, #tpu.memory_space<vmem>>, vector<16xf32>,
          tpu.vector_store %arg14[%parallel_loop3A_990, %parallel_loop3A_991], %parallel_loop3A_987 {strides = array<i32>} : memref<128x128xf32, #tpu.memory_space<vmem>>, vector<16xf32>,
        } {sc.loop_unroll_factor = 2 : i64, sc.parallel_access}
      }
      %scan3A_41 = arith.constant 64 : i32
      "tpu.region"() ({
        %run_scoped3A = tpu.sem_alloc : memref<!tpu.dma_semaphore, #tpu.memory_space<semaphore_mem>>
        %dma_start3A_42 = arith.constant 0 : i32
        %dma_start3A_43 = tpu.memref_slice %arg7[%add3A_11, %dma_start3A_42] : memref<16384x128xf32, #tpu.memory_space<hbm>> -> memref<128x128xf32, #tpu.memory_space<hbm>>
        %dma_start3A_44 = arith.constant 0 : i32
        %dma_start3A_45 = tpu.memref_slice %arg7[%add3A_11, %dma_start3A_44] : memref<16384x128xf32, #tpu.memory_space<hbm>> -> memref<128x128xf32, #tpu.memory_space<hbm>>
        tpu.enqueue_dma source(%arg14 : memref<128x128xf32, #tpu.memory_space<vmem>>) target(%dma_start3A_45 : memref<128x128xf32, #tpu.memory_space<hbm>>) target_semaphore(%run_scoped3A : memref<!tpu.dma_semaphore, #tpu.memory_space<semaphore_mem>>)
        %dma_wait3A_46 = arith.constant 0 : i32
        %dma_wait3A_47 = tpu.memref_slice %arg7[%add3A_11, %dma_wait3A_46] : memref<16384x128xf32, #tpu.memory_space<hbm>> -> memref<128x128xf32, #tpu.memory_space<hbm>>
        %dma_wait3A_48 = arith.constant 0 : i32
        %dma_wait3A_49 = tpu.memref_slice %arg7[%add3A_11, %dma_wait3A_48] : memref<16384x128xf32, #tpu.memory_space<hbm>> -> memref<128x128xf32, #tpu.memory_space<hbm>>
        tpu.wait_dma2 semaphore(%run_scoped3A : memref<!tpu.dma_semaphore, #tpu.memory_space<semaphore_mem>>) src(%arg14 : memref<128x128xf32, #tpu.memory_space<vmem>>) dst(%dma_wait3A_49 : memref<128x128xf32, #tpu.memory_space<hbm>>)
        tpu.yield
      }) : () -> ()
    }
    %scan3A_5 = arith.constant 4 : i32
    return
  }
}

module attributes {stable_mosaic.version = 14 : i64} {
  func.func @_tc_loss_kernel(%arg0: i32, %arg1: memref<2048x128xf32, #tpu.memory_space<vmem>>, %arg2: memref<1x1xf32, #tpu.memory_space<smem>>) attributes {dimension_semantics = [#tpu.dimension_semantics<arbitrary>], iteration_bounds = array<i64: 8>, scalar_prefetch = 0 : i64, scratch_operands = 0 : i64, tpu.core_type = #tpu.core_type<tc>, window_params = [{transform_indices = @transform_0, window_bounds = array<i64: 2048, 128>}, {transform_indices = @transform_1, window_bounds = array<i64: 1, 1>}]} {
    %get3A = arith.constant 0 : index
    %get3A_0 = arith.constant 0 : index
    %get3A_1 = vector.load %arg1[%get3A, %get3A_0] : memref<2048x128xf32, #tpu.memory_space<vmem>>, vector<2048x128xf32>
    %iota3A = tpu.iota {dimensions = array<i32: 1>} : vector<2048x128xi32>
    %abs3A = math.absf %get3A_1 : vector<2048x128xf32>
    %neg3A = arith.constant 0.000000e+00 : f32
    %neg3A_2 = vector.broadcast %neg3A : f32 to vector<2048x128xf32>
    %neg3A_3 = arith.subf %neg3A_2, %abs3A : vector<2048x128xf32>
    %exp3A = math.exp %neg3A_3 : vector<2048x128xf32>
    %log1p3A = math.log1p %exp3A : vector<2048x128xf32>
    %min3A = arith.constant 0.000000e+00 : f32
    %min3A_4 = vector.broadcast %min3A : f32 to vector<2048x128xf32>
    %min3A_5 = arith.minimumf %get3A_1, %min3A_4 : vector<2048x128xf32>
    %sub3A = arith.subf %min3A_5, %log1p3A : vector<2048x128xf32>
    %neg3A_6 = arith.constant 0.000000e+00 : f32
    %neg3A_7 = vector.broadcast %neg3A_6 : f32 to vector<2048x128xf32>
    %neg3A_8 = arith.subf %neg3A_7, %get3A_1 : vector<2048x128xf32>
    %min3A_9 = arith.constant 0.000000e+00 : f32
    %min3A_10 = vector.broadcast %min3A_9 : f32 to vector<2048x128xf32>
    %min3A_11 = arith.minimumf %neg3A_8, %min3A_10 : vector<2048x128xf32>
    %sub3A_12 = arith.subf %min3A_11, %log1p3A : vector<2048x128xf32>
    %lt3A = arith.constant 50 : i32
    %lt3A_13 = vector.broadcast %lt3A : i32 to vector<2048x128xi32>
    %lt3A_14 = arith.cmpi slt, %iota3A, %lt3A_13 : vector<2048x128xi32>
    %lt3A_15 = arith.constant 100 : i32
    %lt3A_16 = vector.broadcast %lt3A_15 : i32 to vector<2048x128xi32>
    %lt3A_17 = arith.cmpi slt, %iota3A, %lt3A_16 : vector<2048x128xi32>
    %jit3A = arith.constant 0.000000e+00 : f32
    %broadcast_in_dim3A = vector.broadcast %jit3A : f32 to vector<2048x128xf32>
    %select_n3A = arith.select %lt3A_17, %sub3A_12, %broadcast_in_dim3A : vector<2048x128xi1>, vector<2048x128xf32>
    %select_n3A_18 = arith.select %lt3A_14, %sub3A, %select_n3A : vector<2048x128xi1>, vector<2048x128xf32>
    %reduce_sum3A = vector.shape_cast %select_n3A_18 : vector<2048x128xf32> to vector<1x2048x128xf32>
    %reduce_sum3A_19 = arith.constant dense<0.000000e+00> : vector<1xf32>
    %reduce_sum3A_20 = vector.multi_reduction <add>, %reduce_sum3A, %reduce_sum3A_19 [1, 2] : vector<1x2048x128xf32> to vector<1xf32>
    %reduce_sum3A_21 = vector.shape_cast %reduce_sum3A_20 : vector<1xf32> to vector<1x1x1xf32>
    %reduce_sum3A_22 = vector.extract %reduce_sum3A_21[0, 0, 0] : f32 from vector<1x1x1xf32>
    %eq3A = arith.constant 0 : i32
    %eq3A_23 = arith.cmpi eq, %arg0, %eq3A : i32
    %convert_element_type3A = arith.extui %eq3A_23 : i1 to i32
    %cond3A = arith.constant 0 : i32
    %cond3A_24 = arith.cmpi ne, %convert_element_type3A, %cond3A : i32
    scf.if %cond3A_24 {
      %swap3A_35 = arith.constant 0.000000e+00 : f32
      %swap3A_36 = arith.constant 0 : index
      %swap3A_37 = arith.constant 0 : index
      %swap3A_38 = memref.load %arg2[%swap3A_36, %swap3A_37] : memref<1x1xf32, #tpu.memory_space<smem>>
      memref.store %swap3A_35, %arg2[%swap3A_36, %swap3A_37] : memref<1x1xf32, #tpu.memory_space<smem>>
    } else {
    }
    %get3A_25 = arith.constant 0 : index
    %get3A_26 = arith.constant 0 : index
    %get3A_27 = memref.load %arg2[%get3A_25, %get3A_26] : memref<1x1xf32, #tpu.memory_space<smem>>
    %add3A = arith.addf %get3A_27, %reduce_sum3A_22 : f32
    %swap3A = arith.constant 0 : index
    %swap3A_28 = arith.constant 0 : index
    %swap3A_29 = memref.load %arg2[%swap3A, %swap3A_28] : memref<1x1xf32, #tpu.memory_space<smem>>
    memref.store %add3A, %arg2[%swap3A, %swap3A_28] : memref<1x1xf32, #tpu.memory_space<smem>>
    %eq3A_30 = arith.constant 7 : i32
    %eq3A_31 = arith.cmpi eq, %arg0, %eq3A_30 : i32
    %convert_element_type3A_32 = arith.extui %eq3A_31 : i1 to i32
    %cond3A_33 = arith.constant 0 : i32
    %cond3A_34 = arith.cmpi ne, %convert_element_type3A_32, %cond3A_33 : i32
    scf.if %cond3A_34 {
      %get3A_35 = arith.constant 0 : index
      %get3A_36 = arith.constant 0 : index
      %get3A_37 = memref.load %arg2[%get3A_35, %get3A_36] : memref<1x1xf32, #tpu.memory_space<smem>>
      %mul3A = arith.constant -1.2207031E-6 : f32
      %mul3A_38 = arith.mulf %get3A_37, %mul3A : f32
      %swap3A_39 = arith.constant 0 : index
      %swap3A_40 = arith.constant 0 : index
      %swap3A_41 = memref.load %arg2[%swap3A_39, %swap3A_40] : memref<1x1xf32, #tpu.memory_space<smem>>
      memref.store %mul3A_38, %arg2[%swap3A_39, %swap3A_40] : memref<1x1xf32, #tpu.memory_space<smem>>
    } else {
    }
    return
  }
  func.func @transform_0(%arg0: i32) -> (i32, i32) {
    %c0_i32 = arith.constant 0 : i32
    %c0_i32_0 = arith.constant 0 : i32
    return %arg0, %c0_i32 : i32, i32
  }
  func.func @transform_1(%arg0: i32) -> (i32, i32) {
    %c0_i32 = arith.constant 0 : i32
    %c0_i32_0 = arith.constant 0 : i32
    %c0_i32_1 = arith.constant 0 : i32
    return %c0_i32, %c0_i32_0 : i32, i32
  }
}

</mosaic_0001>

<sc_bundles>
// kernel: kernel.4.cloned.1.call-start
scs
__scs_entry_jumppad:
0x0: {  	(pc) =	sbr.rel $0x88, $3  }
0x1: {  	(tag) =	ssettag $0x0;
	lr =	simm.s32 $0x1  }
0x2: {  	[smem:$0x3F9C] =	sst lr;
	_ =	strace $0xD0000000  }
0x3: {  	_ = 	snop  }
0x4: {  	_ = 	snop  }
0x5: {  	_ = 	snop  }
0x6: {  	_ = 	snop  }
0x7: {  	_ = 	snop  }
__scs_overlays_trampoline_lowered:
0x8: {  	[smem:$0x3FAB] =	sst s0  }
0x9: {  	[smem:$0x3FAC] =	sst s1  }
0xa: {  	[smem:$0x3FAD] =	sst s2  }
0xb: {  	[smem:$0x3FAE] =	sst s3  }
0xc: {  	[smem:$0x3FAF] =	sst s4  }
0xd: {  	[smem:$0x3FB0] =	sst s5  }
0xe: {  	[smem:$0x3FB1] =	sst s6  }
0xf: {  	[smem:$0x3FB2] =	sst s7  }
0x10: {  	[smem:$0x3FB3] =	sst s8  }
0x11: {  	[smem:$0x3FB4] =	sst s9;
	s0 =	simm.s32 @!p0 $0x0  }
0x12: {  	s1 =	sld [smem:$0x3F9A];
	s0 =	simm.s32 @p0 $0x1  }
0x13: {  	[smem:$0x3FB5] =	sst s0;
	s0 =	simm.s32 @!p1 $0x0  }
0x14: {  	s2 =	sld [smem:$0x3F99];
	s0 =	simm.s32 @p1 $0x1  }
0x15: {  	[smem:$0x3FB6] =	sst s0;
	s0 =	simm.s32 @!p2 $0x0  }
0x16: {  	s3 =	sld [smem:$0x3FDB];
	s0 =	simm.s32 @p2 $0x1  }
0x17: {  	s4 =	simm.s32 $0x1BF5;
	[smem:$0x3FB8] =	sst s0  }
0x18: {  	s0 =	sld [smem:$0x3F9B];
	_ =	swait.ge [sflag:s4], $0x0  }
0x19: {  	s7 =	sld [smem:$0x3F9C]  }
0x1a: {  	s8 =	sadd.s32 $0xFFFFE003, lr  }
0x1b: {  	s9 =	sadd.s32 $0xFFFFFEF7, lr;
	s5 =	simm.s32 $0xFFFFFFFF;
	p2 =	slt.u32 s8, $0xFFFFF086  }
0x1c: {  	p1 =	slt.u32 s9, $0xF7A;
	s5 =	simm.s32 @!p2 $0x0  }
0x1d: {  	s5 =	simm.s32 @p1 $0x1;
	p0 =	seq.s32 s7, s2  }
0x1e: {  	s7 =	smul.u32 @!p0 $0xF7A, s2;
	p2 =	seq.s32 @!p0 s5, $0x0  }
0x1f: {  	s9 =	smul.u32 $0xF7A, s1;
	s8 =	simm.s32 @!p0 $0x1BF5;
	p2 =	por !p2, p0  }
0x20: {  	[sflag:s8] =	ssyncset.s32 @!p0 $0xFFFFF086;
	s6 =	sadd.s32 @!p0 s3, s7;
	s7 =	simm.s32 @!p0 $0x108  }
0x21: {  	s3 =	sadd.s32 s3, s9;
	s6 =	sadd.s32 @!p0 $0x88, s6;
	s7 =	simm.s32 @p2 $0x1082  }
0x22: {  	[simem:s7], [sflag:s8] =	dma.local @!p0 [hbm:s6], $0xF7A  }
0x23: {  	s9 =	sor.u32 $0xD0000000, s2;
	s6 =	simm.s32 $0x108;
	_ =	swait.ge @!p0 [sflag:s8], $0x0  }
0x24: {  	s3 =	sadd.s32 $0x88, s3;
	s6 =	simm.s32 @!p1 $0x1082;
	[sflag:s4] =	ssyncset.s32 $0xFFFFF086  }
0x25: {  	[simem:s6], [sflag:s4] =	dma.local [hbm:s3], $0xF7A  }
0x26: {  	[smem:$0x3F9C] =	sst s1;
	(tag) =	ssettag s2;
	_ =	strace s9  }
0x27: {  	s1 =	sld [smem:$0x3FAC]  }
0x28: {  	s2 =	sld [smem:$0x3FAD]  }
0x29: {  	s4 =	sld [smem:$0x3FAF]  }
0x2a: {  	p0 =	seq.s32 s5, $0x0;
	s5 =	sld [smem:$0x3FB0]  }
0x2b: {  	s6 =	sld [smem:$0x3FB1]  }
0x2c: {  	s7 =	sld [smem:$0x3FB2]  }
0x2d: {  	s3 =	simm.s32 $0x108;
	s8 =	sld [smem:$0x3FB3]  }
0x2e: {  	s3 =	simm.s32 @!p0 $0x1082;
	s9 =	sld [smem:$0x3FB4]  }
0x2f: {  	lr =	sadd.s32 s0, s3;
	s0 =	sld [smem:$0x3FAB]  }
0x30: {  	s3 =	sld [smem:$0x3FAE]  }
0x31: {  	[smem:$0x3FB7] =	sst s10  }
0x32: {  	s10 =	sld [smem:$0x3FB5];
	_ =	sdelay $0x3  }
0x33: {  	p0 =	seq.s32 s10, $0x1;
	s10 =	sld [smem:$0x3FB7];
	_ =	sdelay $0x3  }
0x34: {  	[smem:$0x3FB7] =	sst s10  }
0x35: {  	s10 =	sld [smem:$0x3FB6];
	_ =	sdelay $0x3  }
0x36: {  	p1 =	seq.s32 s10, $0x1;
	s10 =	sld [smem:$0x3FB7];
	_ =	sdelay $0x3  }
0x37: {  	[smem:$0x3FB7] =	sst s10  }
0x38: {  	s10 =	sld [smem:$0x3FB8]  }
0x39: {  	_ = 	snop;
	(pc) =	sbr.ind lr, $3  }
0x3a: {  	_ = 	snop  }
0x3b: {  	_ = 	snop  }
0x3c: {  	p2 =	seq.s32 s10, $0x1;
	s10 =	sld [smem:$0x3FB7]  }
0x3d: {  	_ =	shalt  }
0x3e: {  	_ =	shalt  }
0x3f: {  	_ =	shalt  }
0x40: {  	_ =	shalt  }
0x41: {  	_ =	shalt  }
0x42: {  	_ =	shalt  }
0x43: {  	_ =	shalt  }
0x44: {  	_ =	shalt  }
0x45: {  	_ =	shalt  }
0x46: {  	_ =	shalt  }
0x47: {  	_ =	shalt  }
0x48: {  	_ =	shalt  }
0x49: {  	_ =	shalt  }
0x4a: {  	_ =	shalt  }
0x4b: {  	_ =	shalt  }
0x4c: {  	_ =	shalt  }
0x4d: {  	_ =	shalt  }
0x4e: {  	_ =	shalt  }
0x4f: {  	_ =	shalt  }
0x50: {  	_ =	shalt  }
0x51: {  	_ =	shalt  }
0x52: {  	_ =	shalt  }
0x53: {  	_ =	shalt  }
0x54: {  	_ =	shalt  }
0x55: {  	_ =	shalt  }
0x56: {  	_ =	shalt  }
0x57: {  	_ =	shalt  }
0x58: {  	_ =	shalt  }
0x59: {  	_ =	shalt  }
0x5a: {  	_ =	shalt  }
0x5b: {  	_ =	shalt  }
0x5c: {  	_ =	shalt  }
0x5d: {  	_ =	shalt  }
0x5e: {  	_ =	shalt  }
0x5f: {  	_ =	shalt  }
0x60: {  	_ =	shalt  }
0x61: {  	_ =	shalt  }
0x62: {  	_ =	shalt  }
0x63: {  	_ =	shalt  }
0x64: {  	_ =	shalt  }
0x65: {  	_ =	shalt  }
0x66: {  	_ =	shalt  }
0x67: {  	_ =	shalt  }
0x68: {  	_ =	shalt  }
0x69: {  	_ =	shalt  }
0x6a: {  	_ =	shalt  }
0x6b: {  	_ =	shalt  }
0x6c: {  	_ =	shalt  }
0x6d: {  	_ =	shalt  }
0x6e: {  	_ =	shalt  }
0x6f: {  	_ =	shalt  }
0x70: {  	_ =	shalt  }
0x71: {  	_ =	shalt  }
0x72: {  	_ =	shalt  }
0x73: {  	_ =	shalt  }
0x74: {  	_ =	shalt  }
0x75: {  	_ =	shalt  }
0x76: {  	_ =	shalt  }
0x77: {  	_ =	shalt  }
0x78: {  	_ =	shalt  }
0x79: {  	_ =	shalt  }
0x7a: {  	_ =	shalt  }
0x7b: {  	_ =	shalt  }
0x7c: {  	_ =	shalt  }
0x7d: {  	_ =	shalt  }
0x7e: {  	_ =	shalt  }
0x7f: {  	_ =	shalt  }
0x80: {  	_ =	shalt  }
0x81: {  	_ =	shalt  }
0x82: {  	_ =	shalt  }
0x83: {  	_ =	shalt  }
0x84: {  	_ =	shalt  }
0x85: {  	_ =	shalt  }
0x86: {  	_ =	shalt  }
0x87: {  	_ =	shalt  }
.Lfunc_end0:
.L_simem_size_0:
called_computation_lowered:
.L_overlay_start_0:
0x88: {  	s2 =	sld [smem:$0x3FD9]  }
0x89: {  	s3 =	sld [smem:$0x3FFE];
	_ =	sdelay $0x1  }
0x8a: {  	s1 =	srdreg.scid  }
0x8b: {  	s0 =	sand.u32 $0x1, s1  }
0x8c: {  	s17 =	sshll.u32 s0, $0xA;
	s2 =	sadd.s32 s3, s2  }
0x8d: {  	s2 =	sadd.s32 s2, s17  }
0x8e: {  	[smem:$0x3FC3] =	sst s2  }
0x8f: {  	_ = 	snop  }
0x90: {  	s2 =	sld [smem:$0x3FC9]  }
0x91: {  	s18 =	sld [smem:$0x3FC6]  }
0x92: {  	s4 =	sld [smem:$0x3FC5];
	(tm) =	ssettm $0x1  }
0x93: {  	s5 =	sld [smem:$0x3FFB];
	_ =	sdelay $0x3  }
0x94: {  	_ =	strace s5  }
0x95: {  	s5 =	sld [smem:$0x3FFC];
	_ =	sdelay $0x3  }
0x96: {  	_ =	strace s5  }
0x97: {  	s5 =	sld [smem:$0x3FFD];
	_ =	sdelay $0x3  }
0x98: {  	_ =	strace s5  }
0x99: {  	_ =	strace $0x8FFFFFFF  }
0x9a: {  	s19 =	sld [smem:$0x3FDB];
	_ =	sdelay $0x1  }
0x9b: {  	s6 =	simm.s32 $_scs_section_size  }
0x9c: {  	s7 =	simm.s32 $_size__tile_overlayer_lowered;
	s8 =	simm.s32 $_tile_overlayer_lowered  }
0x9d: {  	s22 =	simm.s32 $0x1BFF;
	s21 =	sshll.u32 s8, $0x1;
	s5 =	sadd.s32 s6, s19  }
0x9e: {  	s9 =	simm.s32 $0x0;
	s20 =	sshll.u32 s7, $0x1;
	s7 =	sadd.s32 s21, s5  }
0x9f: {  	[timem:s9], [sflag:s22] =	dma.local [hbm:s7], s20  }
0xa0: {  	_ =	swait.ge [sflag:s22], s20  }
0xa1: {  	s6 =	ssub.s32 $0x0, s20;
	[sflag:s22] =	ssyncset.done $0x0  }
0xa2: {  	[sflag:s22] =	ssyncadd.s32 s6;
	_ =	sdelay $0x1  }
0xa3: {  	s23 =	simm.s32 $0x1B8B  }
0xa4: {  	_ =	swait.ge [sflag:s23], $0x1  }
0xa5: {  	[sflag:s23] =	ssyncset.done $0x0  }
0xa6: {  	s25 =	simm.s32 $0x1B8E;
	s24 =	sld [smem:$0x3FFE];
	[sflag:s23] =	ssyncadd.s32 $0xFFFFFFFF  }
0xa7: {  	s26 =	simm.s32 $execute0_lowered;
	[smem:$0x3FD2] =	sst s25  }
0xa8: {  	s7 =	sshll.u32 s26, $0x1;
	_ =	strace $0x80000046;
	[dreg:$0x1] =	wrdreg $0xFFFFFFFF  }
0xa9: {  	s28 =	simm.s32 $_size_execute0_lowered;
	s5 =	sadd.s32 s5, s7;
	[dreg:$0x0] =	wrdreg $0x0  }
0xaa: {  	s7 =	sshll.u32 s28, $0x1;
	[dreg:$0x2] =	wrdreg s5  }
0xab: {  	[dreg:$0x3] =	wrdreg s7  }
0xac: {  	[dreg:$0x4] =	wrdreg $0xC0  }
0xad: {  	_ =	task [dreg:s9], $0x5FFFF  }
0xae: {  	[dreg:$0x1] =	wrdreg $0xFFFFFFFF  }
0xaf: {  	[dreg:$0x0] =	wrdreg $0x60  }
0xb0: {  	[dreg:$0x2] =	wrdreg s2  }
0xb1: {  	[dreg:$0x3] =	wrdreg s24  }
0xb2: {  	[dreg:$0x4] =	wrdreg s18  }
0xb3: {  	[dreg:$0x5] =	wrdreg s4  }
0xb4: {  	[dreg:$0x6] =	wrdreg $0x9  }
0xb5: {  	_ =	task.clear_ibuf [dreg:s9], $0x7FFFF;
	_ =	strace $0x90000046  }
0xb6: {  	s29 =	simm.s32 $0x9;
	_ =	strace $0x80000048  }
0xb7: {  	_ =	swait.ge [sflag:s29], $0x1  }
0xb8: {  	[sflag:s29] =	ssyncadd.s32 $0xFFFFFFFF  }
0xb9: {  	_ =	strace $0x90000048  }
0xba: {  	_ =	sfence  }
0xbb: {  	s30 =	sld [smem:$0x0];
	_ =	sdelay $0x2  }
0xbc: {  	s31 =	sshll.u32 s1, $0xD;
	s1 =	sshrl.u32 s1, $0x2  }
0xbd: {  	s3 =	sand.u32 $0x4000, s31;
	s1 =	sadd.s32 s1, s30  }
0xbe: {  	s0 =	sor.u32 s3, s0;
	s1 =	sshll.u32 s1, $0x11  }
0xbf: {  	s0 =	sor.u32 s1, s0  }
0xc0: {  	s0 =	sadd.s32 $0x8F2B, s0  }
0xc1: {  	[sflag:s0] =	ssyncadd.remote.s32 $0x1  }
0xc2: {  	_ =	sfence.sel $0xFFFF  }
0xc3: {  	[dreg:$0x0] =	wrdreg $0xFFFFFFFF;
	(pc) =	sbr.abs _section_cstart, $3  }
0xc4: {  	[dreg:$0x1] =	wrdreg $0xFFFFFFFF  }
0xc5: {  	_ =	task.clear_ibuf [dreg:s9], $0x2FFFF;
	_ =	strace $0x9FFFFFFF  }
0xc6: {  	(tm) =	ssettm $0x7FFFFFFF  }
0xc7: {  	_ =	shalt  }
tec
execute0_lowered:
.L_overlay_start_1:
0x0: {  	(tag) =	ssettag $0x1  }
0x1: {  	s0 =	rddreg [dreg:$0x1]  }
0x2: {  	s3 =	rddreg [dreg:$0x3];
	s4 =	simm.s32 $0x0;
	s1 =	srdreg.scid  }
0x3: {  	s2 =	stileid.u32;
	s11 =	simm.s32 $0x4;
	s12 =	simm.s32 $0x4000  }
0x4: {  	s13 =	simm.s32 $0x8000;
	s14 =	simm.s32 $0x32;
	s15 =	simm.s32 $0xC080  }
0x5: {  	s16 =	simm.s32 $0xD980;
	s17 =	simm.s32 $0x80;
	s18 =	simm.s32 $0x8080  }
0x6: {  	s19 =	simm.s32 $0x3;
	s20 =	simm.s32 $0xF880;
	s21 =	simm.s32 $0x11180  }
0x7: {  	s22 =	simm.s32 $0x1;
	s23 =	simm.s32 $0x2;
	s1 =	sand.u32 $0x1, s1  }
0x8: {  	vm0 =	vmmov $0x1;
	vm1 =	vmmov $0x3;
	vm2 =	vmmov $0x7;
	s24 =	simm.s32 $0x13080;
	[smem:$0x7FF] =	sst s4;
	s5 =	ssub.s32 $0x2, s1  }
0x9: {  	vm3 =	vmmov $0xf;
	vm4 =	vmmov $0x1f;
	vm5 =	vmmov $0x3f;
	s6 =	sadd.s32 $0x800, s0;
	s7 =	sadd.s32 $0x40800, s0;
	s8 =	sshrl.u32 s5, $0x1  }
0xa: {  	vm6 =	vmmov $0x7f;
	vm7 =	vmmov $0xff;
	vm8 =	vmmov $0x1ff;
	s9 =	sshll.u32 s2, $0xA;
	s1 =	sshll.u32 s1, $0x9;
	s5 =	ssub.s32 s5, s8  }
0xb: {  	vm9 =	vmmov $0x3ff;
	vm10 =	vmmov $0x7ff;
	vm11 =	vmmov $0xfff;
	_ =	strace $0x80000047;
	s9 =	sor.u32 s1, s9;
	s31 =	smax.u32 s5, $0x1  }
0xc: {  	vm12 =	vmmov $0x1fff;
	vm13 =	vmmov $0x3fff;
	vm14 =	vmmov $0x7fff;
	s1 =	simm.s32 $0x0;
	s8 =	sadd.s32 $0x80800, s0;
	[dreg:$0x5] =	wrdreg s31  }
.LBB2_1:
0xd: {  	[dreg:$0x6] =	wrdreg s1;
	s26 =	simm.s32 $0x0  }
.LBB2_2:
0xe: {  	s0 =	sshll.u32 s26, $0x7  }
0xf: {  	s0 =	sadd.s32 s9, s0  }
0x10: {  	s28 =	sshll.u32 s0, $0x4  }
0x11: {  	s29 =	simm.s32 $0x0;
	s1 =	sadd.s32 s6, s28  }
0x12: {  	[tilespmem:s29], [sflag:$0x4] =	stream.linear.gather [hbm4b:s1+s29], $0x4000, $0x38;
	[tilespmem:$0x17080] =	vst v63  }
0x13: {  	_ =	swait.ge [sflag:s11], $0x4000  }
0x14: {  	[sflag:s11] =	ssyncset.done $0x0  }
0x15: {  	s25 =	sadd.s32 s7, s28;
	[sflag:s11] =	ssyncadd.s32 $0xFFFFC000  }
0x16: {  	[tilespmem:s12], [sflag:$0x4] =	stream.linear.gather [hbm4b:s25+s29], $0x4000, $0x38;
	[tilespmem:$0x17080] =	vst v63  }
0x17: {  	_ =	swait.ge [sflag:s11], $0x4000  }
0x18: {  	[sflag:s11] =	ssyncset.done $0x0  }
0x19: {  	[sflag:s11] =	ssyncadd.s32 $0xFFFFC000  }
0x1a: {  	s0 =	sshrl.u32 s0, $0x3;
	s30 =	rddreg [dreg:$0x0]  }
0x1b: {  	s0 =	sadd.s32 s30, s0  }
0x1c: {  	[tilespmem:s13], [sflag:$0x4] =	stream.linear.gather [hbm4b:s0+s29], $0x80, $0x38;
	[tilespmem:$0x17080] =	vst v63  }
0x1d: {  	_ =	swait.ge [sflag:s11], $0x80  }
0x1e: {  	[sflag:s11] =	ssyncset.done $0x0  }
0x1f: {  	[sflag:s11] =	ssyncadd.s32 $0xFFFFFF80  }
0x20: {  	[tilespmem:s15], [sflag:$0x1] =	stream.indirect.gather [hbm4b:s3+s14], $0x80, s29, s14, $0xb8;
	[tilespmem:$0x17080] =	vst v63  }
0x21: {  	_ = 	snop  }
0x22: {  	[tilespmem:s16], [sflag:$0x1] =	stream.indirect.gather [hbm4b:s3+s14], $0x80, s12, s14, $0xb8;
	[tilespmem:$0x17080] =	vst v63  }
0x23: {  	s31 =	rddreg [dreg:$0x2]  }
0x24: {  	[tilespmem:s18], [sflag:$0x3] =	stream.indirect.gather [hbm4b:s31+s17], $0x80, s13, s17, $0xb8;
	[tilespmem:$0x17080] =	vst v63  }
0x25: {  	_ =	swait.ge [sflag:s19], $0x4000  }
0x26: {  	[sflag:s19] =	ssyncset.done $0x0  }
0x27: {  	[sflag:s19] =	ssyncadd.s32 $0xFFFFC000  }
.LBB2_3:
0x28: {  	s30 =	sshll.u32 s29, $0x8  }
0x29: {  	s31 =	sor.u32 $0x80, s30  }
0x2a: {  	[tilespmem:s20], [sflag:$0x2] =	stream.indirect.gather [hbm4b:s3+s14], $0x80, s31, s14, $0xb8;
	[tilespmem:$0x17080] =	vst v63  }
0x2b: {  	s0 =	sadd.s32 $0x4080, s30  }
0x2c: {  	[tilespmem:s21], [sflag:$0x2] =	stream.indirect.gather [hbm4b:s3+s14], $0x80, s0, s14, $0xb8;
	[tilespmem:$0x17080] =	vst v63  }
0x2d: {  	_ =	swait.ge [sflag:s22], $0x1900  }
0x2e: {  	[sflag:s22] =	ssyncset.done $0x0  }
0x2f: {  	[sflag:s22] =	ssyncadd.s32 $0xFFFFE700  }
0x30: {  	_ =	swait.ge [sflag:s22], $0x1900  }
0x31: {  	[sflag:s22] =	ssyncset.done $0x0  }
0x32: {  	[sflag:s22] =	ssyncadd.s32 $0xFFFFE700  }
0x33: {  	v6 =	vld [tilespmem:s30+$0x8080]  }
0x34: {  	v7 =	vld [tilespmem:s30+$0x8090]  }
0x35: {  	v4 =	vld [tilespmem:s30+$0x80A0]  }
0x36: {  	v5 =	vld [tilespmem:s30+$0x80B0]  }
0x37: {  	v1 =	vld [tilespmem:s30+$0x80C0]  }
0x38: {  	s1 =	sadd.s32 $0x13080, s30;
	v2 =	vld [tilespmem:s30+$0x80D0]  }
0x39: {  	v0 =	vmov s1;
	v63 =	vld [tilespmem:s30+$0x80E0]  }
0x3a: {  	s5 =	simm.s32 $0x0;
	s0 =	sor.u32 $0x60, s30;
	[tilespmem:$0x1FFF0] =	vst v0;
	v3 =	vld [tilespmem:s30+$0x80F0]  }
.LBB2_4:
0x3b: {  	s2 =	sshll.u32 s5, $0xB  }
0x3c: {  	s2 =	sand.u32 $0x3FFFF800, s2  }
0x3d: {  	v38 =	vld [tilespmem:s2+$0xC080]  }
0x3e: {  	v39 =	vld [tilespmem:s2+$0xC090]  }
0x3f: {  	v42 =	vld [tilespmem:s2+$0xC0A0]  }
0x40: {  	v43 =	vld [tilespmem:s2+$0xC0B0]  }
0x41: {  	v46 =	vld [tilespmem:s2+$0xC0C0]  }
0x42: {  	v48 =	vld [tilespmem:s2+$0xC0D0]  }
0x43: {  	v50 =	vld [tilespmem:s2+$0xC0E0]  }
0x44: {  	v51 =	vld [tilespmem:s2+$0xC0F0]  }
0x45: {  	v52 =	vld [tilespmem:s2+$0xC100]  }
0x46: {  	v53 =	vld [tilespmem:s2+$0xC110]  }
0x47: {  	s25 =	sshll.u32 s5, $0x4;
	v54 =	vld [tilespmem:s2+$0xC120]  }
0x48: {  	s10 =	sor.u32 $0x10, s25;
	v55 =	vld [tilespmem:s2+$0xC130]  }
0x49: {  	s1 =	sshll.u32 s10, $0x7;
	v56 =	vld [tilespmem:s2+$0xC140]  }
0x4a: {  	v57 =	vld [tilespmem:s2+$0xC150];
	s1 =	sand.u32 $0x3FFFF800, s1  }
0x4b: {  	v0 =	vld [tilespmem:s1+$0xC080]  }
0x4c: {  	v58 =	vld [tilespmem:s2+$0xC160]  }
0x4d: {  	v60 =	vld [tilespmem:s2+$0xC180]  }
0x4e: {  	v8 =	vld [tilespmem:s2+$0xC190]  }
0x4f: {  	v9 =	vld [tilespmem:s2+$0xC1A0]  }
0x50: {  	[tilespmem:$0x1FED0] =	vst v0;
	v0 =	vld [tilespmem:s1+$0xC090]  }
0x51: {  	v10 =	vld [tilespmem:s2+$0xC1B0]  }
0x52: {  	v11 =	vld [tilespmem:s2+$0xC1C0]  }
0x53: {  	v12 =	vld [tilespmem:s2+$0xC1D0]  }
0x54: {  	v13 =	vld [tilespmem:s2+$0xC1E0]  }
0x55: {  	[tilespmem:$0x1FEE0] =	vst v0;
	v0 =	vld [tilespmem:s1+$0xC0A0]  }
0x56: {  	v14 =	vld [tilespmem:s2+$0xC1F0]  }
0x57: {  	v15 =	vld [tilespmem:s2+$0xC200]  }
0x58: {  	v16 =	vld [tilespmem:s2+$0xC210]  }
0x59: {  	v17 =	vld [tilespmem:s2+$0xC220]  }
0x5a: {  	[tilespmem:$0x1FEF0] =	vst v0;
	v0 =	vld [tilespmem:s1+$0xC0B0]  }
0x5b: {  	v18 =	vld [tilespmem:s2+$0xC230]  }
0x5c: {  	v19 =	vld [tilespmem:s2+$0xC240]  }
0x5d: {  	v20 =	vld [tilespmem:s2+$0xC250]  }
0x5e: {  	v21 =	vld [tilespmem:s2+$0xC260];
	v38 =	vmul.f32 v38, v6;
	v39 =	vmul.f32 v39, v7  }
0x5f: {  	v42 =	vmul.f32 v42, v4;
	v43 =	vmul.f32 v43, v5;
	[tilespmem:$0x1FF00] =	vst v0;
	v0 =	vld [tilespmem:s1+$0xC0C0]  }
0x60: {  	v22 =	vld [tilespmem:s2+$0xC270];
	v46 =	vmul.f32 v46, v1;
	v48 =	vmul.f32 v48, v2  }
0x61: {  	v23 =	vld [tilespmem:s2+$0xC280];
	v8 =	vmul.f32 v8, v7;
	v9 =	vmul.f32 v9, v4  }
0x62: {  	v24 =	vld [tilespmem:s2+$0xC290];
	v10 =	vmul.f32 v10, v5;
	v11 =	vmul.f32 v11, v1  }
0x63: {  	v12 =	vmul.f32 v12, v2;
	v42 =	vadd.f32 v43, v42;
	v43 =	vmul.f32 v52, v6;
	v52 =	vld [tilespmem:s2+$0xC5A0]  }
0x64: {  	v13 =	vmul.f32 v13, v63;
	v14 =	vmul.f32 v14, v3;
	[tilespmem:$0x1FF10] =	vst v0;
	v0 =	vld [tilespmem:s1+$0xC0D0]  }
0x65: {  	v25 =	vld [tilespmem:s2+$0xC2A0];
	v38 =	vadd.f32 v39, v38;
	v39 =	vmul.f32 v50, v63;
	v50 =	vmul.f32 v51, v3  }
0x66: {  	v51 =	vmul.f32 v53, v7;
	v46 =	vadd.f32 v48, v46;
	v48 =	vmul.f32 v54, v4;
	v53 =	vld [tilespmem:s2+$0xC5B0]  }
0x67: {  	v26 =	vld [tilespmem:s2+$0xC2B0];
	v9 =	vadd.f32 v10, v9;
	v10 =	vmul.f32 v15, v6;
	v11 =	vadd.f32 v12, v11  }
0x68: {  	v54 =	vadd.f32 v42, v38;
	v42 =	vmul.f32 v58, v63;
	v58 =	vld [tilespmem:s2+$0xC5E0];
	[tilespmem:$0x1FE70] =	vst v52;
	v52 =	vmul.f32 v55, v5  }
0x69: {  	v13 =	vadd.f32 v14, v13;
	v39 =	vadd.f32 v50, v39;
	v50 =	vmul.f32 v56, v1;
	[tilespmem:$0x1FF20] =	vst v0;
	v0 =	vld [tilespmem:s1+$0xC0E0]  }
0x6a: {  	v61 =	vld [tilespmem:s2+$0xC2C0];
	v43 =	vadd.f32 v51, v43;
	v51 =	vmul.f32 v16, v7;
	v48 =	vadd.f32 v52, v48  }
0x6b: {  	v27 =	vld [tilespmem:s2+$0xC2D0];
	v56 =	vmul.f32 v21, v63;
	v39 =	vadd.f32 v39, v46;
	[tilespmem:$0x1FE80] =	vst v53;
	v53 =	vmul.f32 v57, v2  }
0x6c: {  	v28 =	vld [tilespmem:s2+$0xC2E0];
	v11 =	vadd.f32 v13, v11;
	v52 =	vadd.f32 v48, v43;
	v43 =	vmul.f32 v60, v6  }
0x6d: {  	v35 =	vld [tilespmem:s2+$0xC2F0];
	v39 =	vadd.f32 v39, v54;
	v54 =	vmul.f32 v18, v5;
	[tilespmem:$0x1FEB0] =	vst v58;
	v50 =	vadd.f32 v53, v50  }
0x6e: {  	v53 =	vmul.f32 v17, v4;
	v58 =	vmul.f32 v22, v3;
	v8 =	vadd.f32 v8, v43;
	[tilespmem:$0x1FF30] =	vst v0;
	v0 =	vld [tilespmem:s1+$0xC0F0]  }
0x6f: {  	v29 =	vld [tilespmem:s2+$0xC300];
	v10 =	vadd.f32 v51, v10;
	[tilespmem:$0x1FF50] =	vst v39;
	v39 =	vmul.f32 v19, v1;
	v43 =	vmul.f32 v20, v2  }
0x70: {  	v31 =	vld [tilespmem:s2+$0xC320];
	v12 =	vadd.f32 v54, v53;
	v8 =	vadd.f32 v9, v8  }
0x71: {  	v49 =	vld [tilespmem:s2+$0xC3E0];
	v21 =	vmul.f32 v27, v2;
	v14 =	vadd.f32 v43, v39;
	v9 =	vadd.f32 v58, v56  }
0x72: {  	v41 =	vld [tilespmem:s2+$0xC380];
	v18 =	vmul.f32 v24, v7;
	v17 =	vmul.f32 v23, v6;
	v10 =	vadd.f32 v12, v10  }
0x73: {  	v22 =	vmul.f32 v28, v63;
	v9 =	vadd.f32 v9, v14;
	v8 =	vadd.f32 v11, v8;
	[tilespmem:$0x1FF40] =	vst v0;
	v0 =	vld [tilespmem:s2+$0xC3D0]  }
0x74: {  	v36 =	vld [tilespmem:s2+$0xC360];
	v23 =	vmul.f32 v35, v3;
	v19 =	vmul.f32 v26, v5  }
0x75: {  	v37 =	vld [tilespmem:s2+$0xC370];
	v20 =	vmul.f32 v61, v1;
	[tilespmem:$0x1FF70] =	vst v8;
	v8 =	vmul.f32 v25, v4;
	v9 =	vadd.f32 v9, v10  }
0x76: {  	v45 =	vld [tilespmem:s2+$0xC3A0];
	[tilespmem:$0x1FCD0] =	vst v49;
	v13 =	vadd.f32 v23, v22;
	v12 =	vadd.f32 v18, v17  }
0x77: {  	v49 =	vld [tilespmem:s2+$0xC400];
	v26 =	vmul.f32 v31, v4;
	[tilespmem:$0x1FF80] =	vst v9;
	v8 =	vadd.f32 v19, v8;
	v9 =	vadd.f32 v21, v20  }
0x78: {  	v31 =	vmul.f32 v41, v6;
	v41 =	vmul.f32 v0, v2;
	v0 =	vld [tilespmem:$0x1FCD0]  }
0x79: {  	v40 =	vld [tilespmem:s2+$0xC390];
	v8 =	vadd.f32 v8, v12;
	v13 =	vadd.f32 v13, v9  }
0x7a: {  	v47 =	vld [tilespmem:s2+$0xC3C0]  }
0x7b: {  	v62 =	vld [tilespmem:s2+$0xC3F0];
	v8 =	vadd.f32 v13, v8  }
0x7c: {  	[tilespmem:$0x1FCE0] =	vst v49;
	v49 =	vld [tilespmem:s2+$0xC410]  }
0x7d: {  	[tilespmem:$0x1FF90] =	vst v8;
	v8 =	vmul.f32 v45, v4;
	v45 =	vmul.f32 v0, v63;
	v0 =	vld [tilespmem:$0x1FCE0];
	_ =	sdelay $0x1  }
0x7e: {  	v33 =	vld [tilespmem:s2+$0xC340];
	v36 =	vmul.f32 v36, v63;
	v37 =	vmul.f32 v37, v3  }
0x7f: {  	v34 =	vld [tilespmem:s2+$0xC350];
	v24 =	vmul.f32 v29, v6  }
0x80: {  	v29 =	vadd.f32 v37, v36;
	v36 =	vmul.f32 v40, v7;
	v40 =	vmul.f32 v47, v1;
	[tilespmem:$0x1FCF0] =	vst v49;
	v49 =	vld [tilespmem:s2+$0xC420]  }
0x81: {  	v47 =	vmul.f32 v62, v3;
	v62 =	vmul.f32 v0, v6;
	v0 =	vld [tilespmem:$0x1FCF0];
	_ =	sdelay $0x2  }
0x82: {  	v33 =	vmul.f32 v33, v1;
	v35 =	vmul.f32 v34, v2  }
0x83: {  	[tilespmem:$0x1FD00] =	vst v49;
	v49 =	vld [tilespmem:s2+$0xC430]  }
0x84: {  	v27 =	vadd.f32 v35, v33;
	v33 =	vmul.f32 v0, v7;
	v0 =	vld [tilespmem:$0x1FD00];
	_ =	sdelay $0x2  }
0x85: {  	v44 =	vld [tilespmem:s2+$0xC3B0]  }
0x86: {  	[tilespmem:$0x1FD10] =	vst v49;
	v49 =	vld [tilespmem:s2+$0xC440]  }
0x87: {  	v34 =	vmul.f32 v0, v4;
	v0 =	vld [tilespmem:$0x1FD10]  }
0x88: {  	v30 =	vld [tilespmem:s2+$0xC310]  }
0x89: {  	v32 =	vld [tilespmem:s2+$0xC330];
	_ =	sdelay $0x1  }
0x8a: {  	[tilespmem:$0x1FD20] =	vst v49;
	v49 =	vld [tilespmem:s2+$0xC450]  }
0x8b: {  	v37 =	vmul.f32 v44, v5;
	v44 =	vadd.f32 v36, v31;
	v36 =	vmul.f32 v0, v5;
	v0 =	vld [tilespmem:$0x1FD20];
	_ =	sdelay $0x1  }
0x8c: {  	v32 =	vmul.f32 v32, v5;
	v25 =	vmul.f32 v30, v7;
	_ =	sdelay $0x1  }
0x8d: {  	v10 =	vadd.f32 v32, v26;
	v11 =	vadd.f32 v25, v24;
	[tilespmem:$0x1FD30] =	vst v49;
	v49 =	vld [tilespmem:s2+$0xC460]  }
0x8e: {  	v8 =	vadd.f32 v37, v8;
	v37 =	vmul.f32 v0, v1;
	v0 =	vld [tilespmem:$0x1FD30]  }
0x8f: {  	v30 =	vadd.f32 v29, v27;
	v10 =	vadd.f32 v10, v11;
	_ =	sdelay $0x1  }
0x90: {  	v10 =	vadd.f32 v30, v10  }
0x91: {  	[tilespmem:$0x1FD40] =	vst v49;
	v49 =	vld [tilespmem:s2+$0xC470]  }
0x92: {  	[tilespmem:$0x1FFA0] =	vst v10;
	v10 =	vadd.f32 v41, v40;
	v40 =	vmul.f32 v0, v2;
	v0 =	vld [tilespmem:$0x1FD40];
	_ =	sdelay $0x3  }
0x93: {  	[tilespmem:$0x1FD50] =	vst v49;
	v49 =	vld [tilespmem:s2+$0xC480]  }
0x94: {  	v41 =	vmul.f32 v0, v63;
	v0 =	vld [tilespmem:$0x1FD50];
	_ =	sdelay $0x3  }
0x95: {  	[tilespmem:$0x1FD60] =	vst v49;
	v49 =	vld [tilespmem:s2+$0xC490]  }
0x96: {  	v8 =	vadd.f32 v8, v44;
	v44 =	vmul.f32 v0, v3;
	v0 =	vld [tilespmem:$0x1FD60];
	_ =	sdelay $0x3  }
0x97: {  	[tilespmem:$0x1FD70] =	vst v49  }
0x98: {  	v13 =	vadd.f32 v33, v62;
	v62 =	vmul.f32 v0, v6;
	v0 =	vld [tilespmem:$0x1FD70]  }
0x99: {  	v24 =	vadd.f32 v47, v45;
	v49 =	vld [tilespmem:s2+$0xC4A0];
	_ =	sdelay $0x1  }
0x9a: {  	v10 =	vadd.f32 v24, v10;
	_ =	sdelay $0x1  }
0x9b: {  	v19 =	vadd.f32 v36, v34;
	v36 =	vmul.f32 v0, v7;
	v0 =	vadd.f32 v10, v8  }
0x9c: {  	[tilespmem:$0x1FD80] =	vst v49;
	v49 =	vld [tilespmem:s2+$0xC4B0]  }
0x9d: {  	[tilespmem:$0x1FFB0] =	vst v0;
	v0 =	vld [tilespmem:$0x1FD80];
	_ =	sdelay $0x3  }
0x9e: {  	[tilespmem:$0x1FD90] =	vst v49  }
0x9f: {  	v8 =	vmul.f32 v0, v4;
	v0 =	vld [tilespmem:$0x1FD90]  }
0xa0: {  	v49 =	vld [tilespmem:s2+$0xC4C0];
	v45 =	vadd.f32 v40, v37;
	v21 =	vadd.f32 v44, v41;
	_ =	sdelay $0x1  }
0xa1: {  	v13 =	vadd.f32 v19, v13;
	v47 =	vadd.f32 v21, v45;
	_ =	sdelay $0x1  }
0xa2: {  	v37 =	vmul.f32 v0, v5;
	v0 =	vadd.f32 v47, v13  }
0xa3: {  	[tilespmem:$0x1FDA0] =	vst v49;
	v49 =	vld [tilespmem:s2+$0xC4D0]  }
0xa4: {  	[tilespmem:$0x1FFC0] =	vst v0;
	v0 =	vld [tilespmem:$0x1FDA0];
	_ =	sdelay $0x3  }
0xa5: {  	[tilespmem:$0x1FDB0] =	vst v49;
	v49 =	vld [tilespmem:s2+$0xC4E0]  }
0xa6: {  	v40 =	vmul.f32 v0, v1;
	v0 =	vld [tilespmem:$0x1FDB0];
	_ =	sdelay $0x2  }
0xa7: {  	v59 =	vld [tilespmem:s2+$0xC170]  }
0xa8: {  	[tilespmem:$0x1FDC0] =	vst v49;
	v49 =	vld [tilespmem:s2+$0xC4F0]  }
0xa9: {  	v41 =	vmul.f32 v0, v2;
	v0 =	vld [tilespmem:$0x1FDC0]  }
0xaa: {  	v15 =	vld [tilespmem:s2+$0xC7A0]  }
0xab: {  	v38 =	vld [tilespmem:s2+$0xC600]  }
0xac: {  	v16 =	vld [tilespmem:s2+$0xC760]  }
0xad: {  	v59 =	vmul.f32 v59, v3;
	[tilespmem:$0x1FDD0] =	vst v49;
	v49 =	vld [tilespmem:s2+$0xC500]  }
0xae: {  	v31 =	vmul.f32 v0, v63;
	v0 =	vld [tilespmem:$0x1FDD0]  }
0xaf: {  	v59 =	vadd.f32 v59, v42;
	v42 =	vld [tilespmem:s2+$0xC5F0]  }
0xb0: {  	v46 =	vld [tilespmem:s2+$0xC610]  }
0xb1: {  	v51 =	vld [tilespmem:s2+$0xC6A0]  }
0xb2: {  	[tilespmem:$0x1FDE0] =	vst v49;
	v49 =	vld [tilespmem:s2+$0xC510]  }
0xb3: {  	v33 =	vmul.f32 v0, v3;
	v0 =	vld [tilespmem:$0x1FDE0]  }
0xb4: {  	v57 =	vld [tilespmem:s2+$0xC5C0]  }
0xb5: {  	v55 =	vld [tilespmem:s2+$0xC650]  }
0xb6: {  	v28 =	vld [tilespmem:s2+$0xC710]  }
0xb7: {  	[tilespmem:$0x1FDF0] =	vst v49;
	v49 =	vld [tilespmem:s2+$0xC520]  }
0xb8: {  	v34 =	vmul.f32 v0, v6;
	v0 =	vld [tilespmem:$0x1FDF0]  }
0xb9: {  	v48 =	vld [tilespmem:s2+$0xC620]  }
0xba: {  	v50 =	vadd.f32 v59, v50;
	v59 =	vld [tilespmem:s2+$0xC670]  }
0xbb: {  	v60 =	vld [tilespmem:s2+$0xC680]  }
0xbc: {  	[tilespmem:$0x1FE00] =	vst v49;
	v49 =	vld [tilespmem:s2+$0xC530]  }
0xbd: {  	v21 =	vadd.f32 v36, v62;
	v36 =	vmul.f32 v0, v7;
	v0 =	vld [tilespmem:$0x1FE00]  }
0xbe: {  	v53 =	vld [tilespmem:s2+$0xC690]  }
0xbf: {  	v54 =	vld [tilespmem:s2+$0xC700]  }
0xc0: {  	v35 =	vld [tilespmem:s2+$0xC780]  }
0xc1: {  	[tilespmem:$0x1FE10] =	vst v49;
	v49 =	vld [tilespmem:s2+$0xC540]  }
0xc2: {  	v32 =	vadd.f32 v37, v8;
	v37 =	vadd.f32 v41, v40;
	v40 =	vmul.f32 v0, v4;
	v0 =	vld [tilespmem:$0x1FE10]  }
0xc3: {  	v22 =	vld [tilespmem:s2+$0xC790]  }
0xc4: {  	v23 =	vld [tilespmem:s2+$0xC800]  }
0xc5: {  	[tilespmem:$0x1FE90] =	vst v57;
	v57 =	vld [tilespmem:s2+$0xC5D0]  }
0xc6: {  	[tilespmem:$0x1FE20] =	vst v49;
	v49 =	vld [tilespmem:s2+$0xC550]  }
0xc7: {  	v62 =	vmul.f32 v0, v5;
	v0 =	vld [tilespmem:$0x1FE20]  }
0xc8: {  	v50 =	vadd.f32 v50, v52;
	v52 =	vld [tilespmem:s2+$0xC640]  }
0xc9: {  	v61 =	vld [tilespmem:s2+$0xC6E0]  }
0xca: {  	v17 =	vld [tilespmem:s2+$0xC7B0]  }
0xcb: {  	v38 =	vmul.f32 v38, v6;
	[tilespmem:$0x1FE30] =	vst v49;
	v49 =	vld [tilespmem:s2+$0xC560]  }
0xcc: {  	v46 =	vmul.f32 v46, v7;
	v31 =	vadd.f32 v33, v31;
	v33 =	vmul.f32 v0, v1;
	v0 =	vld [tilespmem:$0x1FE30]  }
0xcd: {  	v18 =	vld [tilespmem:s2+$0xC7C0]  }
0xce: {  	v46 =	vadd.f32 v46, v38;
	v38 =	vld [tilespmem:s2+$0xC9D0]  }
0xcf: {  	[tilespmem:$0x1FF60] =	vst v50;
	v50 =	vld [tilespmem:s2+$0xC630]  }
0xd0: {  	[tilespmem:$0x1FE40] =	vst v49;
	v49 =	vld [tilespmem:s2+$0xC570]  }
0xd1: {  	v44 =	vmul.f32 v0, v2;
	v0 =	vld [tilespmem:$0x1FE40]  }
0xd2: {  	v56 =	vld [tilespmem:s2+$0xC6B0]  }
0xd3: {  	v58 =	vld [tilespmem:s2+$0xC6C0]  }
0xd4: {  	v39 =	vld [tilespmem:s2+$0xC6F0]  }
0xd5: {  	v43 =	vld [tilespmem:s2+$0xC720];
	[tilespmem:$0x1FE50] =	vst v49  }
0xd6: {  	v47 =	vmul.f32 v0, v63;
	v0 =	vld [tilespmem:$0x1FE50]  }
0xd7: {  	[tilespmem:$0x1FEC0] =	vst v60;
	v60 =	vld [tilespmem:s2+$0xC6D0]  }
0xd8: {  	[tilespmem:$0x1FEA0] =	vst v57;
	v57 =	vld [tilespmem:s2+$0xC660]  }
0xd9: {  	v14 =	vld [tilespmem:s2+$0xC7E0]  }
0xda: {  	v49 =	vld [tilespmem:s2+$0xC580]  }
0xdb: {  	v26 =	vld [tilespmem:s2+$0xC740];
	v0 =	vmul.f32 v0, v3  }
0xdc: {  	v27 =	vld [tilespmem:s2+$0xC810];
	v34 =	vadd.f32 v36, v34;
	v62 =	vadd.f32 v62, v40  }
0xdd: {  	v29 =	vld [tilespmem:s2+$0xC830];
	v44 =	vadd.f32 v44, v33;
	v0 =	vadd.f32 v0, v47  }
0xde: {  	v20 =	vld [tilespmem:s2+$0xC730];
	v31 =	vadd.f32 v31, v37  }
0xdf: {  	[tilespmem:$0x1FE60] =	vst v49;
	v49 =	vld [tilespmem:s2+$0xC590];
	v37 =	vadd.f32 v62, v34;
	v0 =	vadd.f32 v0, v44  }
0xe0: {  	v48 =	vmul.f32 v48, v4;
	v50 =	vmul.f32 v50, v5;
	v47 =	vld [tilespmem:$0x1FE60]  }
0xe1: {  	v25 =	vld [tilespmem:s2+$0xC7D0];
	v0 =	vadd.f32 v0, v37  }
0xe2: {  	v48 =	vadd.f32 v50, v48;
	v50 =	vld [tilespmem:s2+$0xCA00]  }
0xe3: {  	[tilespmem:$0x1FFE0] =	vst v0;
	v0 =	vld [tilespmem:$0x1FE90]  }
0xe4: {  	v15 =	vmul.f32 v15, v4;
	v42 =	vmul.f32 v42, v3;
	v12 =	vld [tilespmem:s2+$0xC750]  }
0xe5: {  	v41 =	vld [tilespmem:$0x1FE70];
	v49 =	vmul.f32 v49, v7;
	v62 =	vmul.f32 v47, v6  }
0xe6: {  	v59 =	vmul.f32 v59, v3;
	v17 =	vmul.f32 v17, v5;
	v44 =	vld [tilespmem:$0x1FE80]  }
0xe7: {  	v43 =	vmul.f32 v43, v4;
	v32 =	vadd.f32 v32, v21;
	v47 =	vadd.f32 v49, v62;
	v62 =	vld [tilespmem:$0x1FEB0]  }
0xe8: {  	v15 =	vadd.f32 v17, v15;
	v17 =	vmul.f32 v23, v6;
	v37 =	vmul.f32 v0, v1;
	v0 =	vld [tilespmem:$0x1FEA0]  }
0xe9: {  	v9 =	vld [tilespmem:s2+$0xC770];
	v26 =	vmul.f32 v26, v1;
	v23 =	vmul.f32 v27, v7;
	v31 =	vadd.f32 v31, v32  }
0xea: {  	v11 =	vld [tilespmem:s2+$0xC7F0];
	v46 =	vadd.f32 v48, v46;
	v20 =	vmul.f32 v20, v5;
	v12 =	vmul.f32 v12, v2  }
0xeb: {  	v48 =	vld [tilespmem:s2+$0xC9F0];
	v17 =	vadd.f32 v23, v17;
	v32 =	vmul.f32 v41, v4;
	[tilespmem:$0x1FFD0] =	vst v31;
	v31 =	vmul.f32 v44, v5  }
0xec: {  	v27 =	vld [tilespmem:s2+$0xCAF0];
	v20 =	vadd.f32 v20, v43;
	v26 =	vadd.f32 v12, v26;
	v62 =	vmul.f32 v62, v63  }
0xed: {  	v30 =	vld [tilespmem:s2+$0xC840];
	v41 =	vmul.f32 v57, v63;
	v31 =	vadd.f32 v31, v32;
	v0 =	vmul.f32 v0, v2  }
0xee: {  	v23 =	vld [tilespmem:s2+$0xCB30];
	v62 =	vadd.f32 v42, v62;
	v42 =	vmul.f32 v52, v1;
	v52 =	vmul.f32 v55, v2  }
0xef: {  	v14 =	vmul.f32 v14, v63;
	v43 =	vld [tilespmem:s2+$0xCAC0];
	v31 =	vadd.f32 v31, v47;
	v0 =	vadd.f32 v0, v37  }
0xf0: {  	v11 =	vmul.f32 v11, v3;
	v12 =	vld [tilespmem:s2+$0xCA90];
	v47 =	vadd.f32 v59, v41;
	v52 =	vadd.f32 v52, v42  }
0xf1: {  	v0 =	vadd.f32 v62, v0;
	v62 =	vld [tilespmem:$0x1FEC0]  }
0xf2: {  	v11 =	vadd.f32 v11, v14;
	v14 =	vld [tilespmem:s2+$0xCB40];
	v52 =	vadd.f32 v47, v52  }
0xf3: {  	v16 =	vmul.f32 v16, v63;
	v54 =	vmul.f32 v54, v6;
	v24 =	vld [tilespmem:s2+$0xC820]  }
0xf4: {  	v56 =	vmul.f32 v56, v5;
	v19 =	vld [tilespmem:s2+$0xC910];
	v41 =	vadd.f32 v52, v46;
	v46 =	vmul.f32 v58, v1  }
0xf5: {  	v36 =	vld [tilespmem:s2+$0xC950];
	v52 =	vmul.f32 v60, v2;
	v47 =	vadd.f32 v0, v31;
	v0 =	vmul.f32 v51, v4  }
0xf6: {  	v34 =	vld [tilespmem:s2+$0xC940];
	v59 =	vmul.f32 v62, v6;
	v62 =	vmul.f32 v53, v7  }
0xf7: {  	v45 =	vld [tilespmem:s2+$0xC860];
	v60 =	vmul.f32 v39, v3;
	v31 =	vmul.f32 v9, v3;
	v0 =	vadd.f32 v56, v0  }
0xf8: {  	v10 =	vld [tilespmem:s2+$0xC850];
	v56 =	vmul.f32 v28, v7;
	v58 =	vadd.f32 v62, v59;
	v59 =	vmul.f32 v61, v63  }
0xf9: {  	v13 =	vld [tilespmem:s2+$0xC900];
	v46 =	vadd.f32 v52, v46;
	v16 =	vadd.f32 v31, v16  }
0xfa: {  	v8 =	vld [tilespmem:s2+$0xC870];
	v36 =	vmul.f32 v36, v2;
	v54 =	vadd.f32 v56, v54;
	v59 =	vadd.f32 v60, v59  }
0xfb: {  	v21 =	vld [tilespmem:s2+$0xC920];
	v34 =	vmul.f32 v34, v1;
	v16 =	vadd.f32 v16, v26;
	v0 =	vadd.f32 v0, v58  }
0xfc: {  	v57 =	vld [tilespmem:s2+$0xC9C0];
	v58 =	vadd.f32 v20, v54;
	v31 =	vadd.f32 v59, v46  }
0xfd: {  	v40 =	vld [tilespmem:s2+$0xC960];
	v36 =	vadd.f32 v36, v34;
	v56 =	vmul.f32 v18, v1;
	v62 =	vmul.f32 v22, v7  }
0xfe: {  	v34 =	vld [tilespmem:s2+$0xCBF0];
	v22 =	vadd.f32 v31, v0;
	v31 =	vadd.f32 v16, v58;
	v58 =	vmul.f32 v25, v2  }
0xff: {  	v10 =	vmul.f32 v10, v2;
	v8 =	vmul.f32 v8, v3;
	v0 =	vld [tilespmem:$0x1FED0]  }
0x100: {  	v33 =	vld [tilespmem:s2+$0xC930];
	v16 =	vadd.f32 v58, v56;
	v56 =	vmul.f32 v30, v1;
	v58 =	vmul.f32 v45, v63  }
0x101: {  	v44 =	vld [tilespmem:s2+$0xC970]  }
0x102: {  	v49 =	vld [tilespmem:s2+$0xC980];
	v10 =	vadd.f32 v10, v56;
	v8 =	vadd.f32 v8, v58  }
0x103: {  	v32 =	vld [tilespmem:s2+$0xC990]  }
0x104: {  	v8 =	vadd.f32 v8, v10;
	v10 =	vmul.f32 v0, v6;
	v0 =	vld [tilespmem:$0x1FEE0]  }
0x105: {  	v55 =	vld [tilespmem:s2+$0xC9B0];
	v59 =	vmul.f32 v35, v6  }
0x106: {  	v42 =	vld [tilespmem:s2+$0xC9E0]  }
0x107: {  	v37 =	vld [tilespmem:s2+$0xC9A0];
	v26 =	vadd.f32 v62, v59;
	v59 =	vmul.f32 v24, v4;
	v62 =	vmul.f32 v29, v5  }
0x108: {  	v39 =	vld [tilespmem:s2+$0xCA30]  }
0x109: {  	v18 =	vadd.f32 v62, v59;
	v62 =	vmul.f32 v0, v7;
	v0 =	vld [tilespmem:$0x1FEF0]  }
0x10a: {  	v51 =	vld [tilespmem:s2+$0xCA10]  }
0x10b: {  	v52 =	vld [tilespmem:s2+$0xCA50]  }
0x10c: {  	v9 =	vld [tilespmem:s2+$0xCA80];
	v15 =	vadd.f32 v15, v26;
	v11 =	vadd.f32 v11, v16  }
0x10d: {  	v28 =	vld [tilespmem:s2+$0xCA40]  }
0x10e: {  	v59 =	vadd.f32 v18, v17;
	v18 =	vadd.f32 v11, v15;
	v11 =	vmul.f32 v0, v4;
	v0 =	vld [tilespmem:$0x1FF00]  }
0x10f: {  	v48 =	vmul.f32 v48, v3;
	v42 =	vmul.f32 v42, v63;
	v53 =	vld [tilespmem:s2+$0xCA20]  }
0x110: {  	v61 =	vld [tilespmem:s2+$0xCA70]  }
0x111: {  	v42 =	vadd.f32 v48, v42;
	v48 =	vmul.f32 v52, v2;
	v52 =	vld [tilespmem:s2+$0xCC70]  }
0x112: {  	v60 =	vld [tilespmem:s2+$0xCA60]  }
0x113: {  	v15 =	vmul.f32 v0, v5;
	v0 =	vld [tilespmem:$0x1FF10]  }
0x114: {  	v20 =	vld [tilespmem:s2+$0xCAA0]  }
0x115: {  	v54 =	vld [tilespmem:s2+$0xCAB0]  }
0x116: {  	v35 =	vld [tilespmem:s2+$0xCAE0]  }
0x117: {  	v28 =	vmul.f32 v28, v1;
	v46 =	vld [tilespmem:s2+$0xCB70]  }
0x118: {  	v16 =	vadd.f32 v8, v59;
	v8 =	vmul.f32 v0, v1;
	v0 =	vld [tilespmem:$0x1FF20]  }
0x119: {  	v28 =	vadd.f32 v48, v28;
	v48 =	vld [tilespmem:s2+$0xCCA0]  }
0x11a: {  	v25 =	vld [tilespmem:s2+$0xCAD0]  }
0x11b: {  	v29 =	vld [tilespmem:s2+$0xCB00]  }
0x11c: {  	v30 =	vld [tilespmem:s2+$0xCB10]  }
0x11d: {  	v56 =	vmul.f32 v0, v2;
	v0 =	vld [tilespmem:$0x1FF30]  }
0x11e: {  	v45 =	vld [tilespmem:s2+$0xCB20]  }
0x11f: {  	v26 =	vld [tilespmem:s2+$0xCB60]  }
0x120: {  	v17 =	vld [tilespmem:s2+$0xCB50]  }
0x121: {  	v27 =	vmul.f32 v27, v3;
	v35 =	vmul.f32 v35, v63;
	v58 =	vld [tilespmem:s2+$0xCB80]  }
0x122: {  	v24 =	vmul.f32 v0, v63;
	v0 =	vld [tilespmem:$0x1FF40]  }
0x123: {  	v13 =	vmul.f32 v13, v6;
	v27 =	vadd.f32 v27, v35;
	v35 =	vld [tilespmem:s2+$0xCD20]  }
0x124: {  	v10 =	vadd.f32 v62, v10;
	v62 =	vld [tilespmem:s2+$0xCB90];
	v11 =	vadd.f32 v15, v11;
	v15 =	vmul.f32 v19, v7  }
0x125: {  	v19 =	vmul.f32 v21, v4;
	v21 =	vmul.f32 v33, v5;
	v33 =	vld [tilespmem:s2+$0xCBB0]  }
0x126: {  	v10 =	vadd.f32 v11, v10;
	v11 =	vmul.f32 v40, v63;
	v40 =	vmul.f32 v44, v3;
	v44 =	vld [tilespmem:s2+$0xCBD0]  }
0x127: {  	v13 =	vadd.f32 v15, v13;
	v15 =	vld [tilespmem:s2+$0xCC00];
	v59 =	vmul.f32 v0, v3  }
0x128: {  	v11 =	vadd.f32 v40, v11;
	v40 =	vld [tilespmem:s2+$0xCC20]  }
0x129: {  	v8 =	vadd.f32 v56, v8;
	v56 =	vld [tilespmem:s2+$0xCBC0];
	v24 =	vadd.f32 v59, v24  }
0x12a: {  	v32 =	vmul.f32 v32, v7;
	v0 =	vld [tilespmem:s2+$0xCBA0];
	v59 =	vadd.f32 v21, v19  }
0x12b: {  	v9 =	vmul.f32 v9, v6;
	v21 =	vld [tilespmem:s2+$0xCBE0];
	v19 =	vadd.f32 v11, v36;
	v8 =	vadd.f32 v24, v8  }
0x12c: {  	v36 =	vld [tilespmem:s2+$0xCC10];
	v13 =	vadd.f32 v59, v13;
	v24 =	vmul.f32 v49, v6;
	v59 =	vmul.f32 v57, v1  }
0x12d: {  	v49 =	vmul.f32 v51, v7;
	v51 =	vld [tilespmem:s2+$0xCC60];
	v11 =	vadd.f32 v8, v10;
	v8 =	vmul.f32 v37, v4  }
0x12e: {  	v37 =	vmul.f32 v55, v5;
	v55 =	vmul.f32 v38, v2;
	v38 =	vld [tilespmem:s2+$0xCC30]  }
0x12f: {  	v57 =	vmul.f32 v60, v63;
	v60 =	vmul.f32 v12, v7;
	v24 =	vadd.f32 v32, v24;
	v32 =	vld [tilespmem:s2+$0xCC40]  }
0x130: {  	v10 =	vadd.f32 v19, v13;
	v19 =	vmul.f32 v53, v4;
	v53 =	vmul.f32 v43, v1;
	v43 =	vld [tilespmem:s2+$0xCD10]  }
0x131: {  	v9 =	vadd.f32 v60, v9;
	v60 =	vmul.f32 v45, v4;
	v45 =	vld [tilespmem:s2+$0xCD30]  }
0x132: {  	v39 =	vmul.f32 v39, v5;
	v8 =	vadd.f32 v37, v8;
	v37 =	vmul.f32 v50, v6;
	v50 =	vld [tilespmem:s2+$0xCC50]  }
0x133: {  	v13 =	vadd.f32 v55, v59;
	v55 =	vld [tilespmem:s2+$0xCC80]  }
0x134: {  	v23 =	vmul.f32 v23, v5;
	v59 =	vmul.f32 v61, v3;
	v19 =	vadd.f32 v39, v19;
	v39 =	vld [tilespmem:s2+$0xCC90]  }
0x135: {  	v61 =	vmul.f32 v54, v5;
	v54 =	vmul.f32 v25, v2;
	v25 =	vld [tilespmem:s2+$0xCCE0]  }
0x136: {  	v23 =	vadd.f32 v23, v60;
	v60 =	vld [tilespmem:$0x1FF70]  }
0x137: {  	v13 =	vadd.f32 v42, v13;
	v42 =	vld [tilespmem:s2+$0xCCC0]  }
0x138: {  	v37 =	vadd.f32 v49, v37;
	v49 =	vld [tilespmem:s2+$0xCCD0]  }
0x139: {  	v8 =	vadd.f32 v8, v24;
	v24 =	vadd.f32 v59, v57;
	v59 =	vmul.f32 v30, v7;
	v30 =	vld [tilespmem:s2+$0xCD00]  }
0x13a: {  	v57 =	vmul.f32 v29, v6;
	v29 =	vld [tilespmem:s2+$0xCD70]  }
0x13b: {  	v19 =	vadd.f32 v19, v37;
	v37 =	vld [tilespmem:s2+$0xCCB0]  }
0x13c: {  	v24 =	vadd.f32 v24, v28;
	v28 =	vld [tilespmem:s2+$0xCCF0]  }
0x13d: {  	v13 =	vadd.f32 v13, v8;
	v8 =	vmul.f32 v20, v4;
	v20 =	vadd.f32 v59, v57;
	v57 =	vld [tilespmem:$0x1FF60]  }
0x13e: {  	v12 =	vadd.f32 v24, v19;
	v24 =	vld [tilespmem:s2+$0xCD40]  }
0x13f: {  	v19 =	vadd.f32 v54, v53;
	v54 =	vld [tilespmem:$0x1FF50]  }
0x140: {  	v8 =	vadd.f32 v61, v8;
	v61 =	vmul.f32 v26, v63;
	v26 =	vld [tilespmem:s2+$0xCD50]  }
0x141: {  	v14 =	vmul.f32 v14, v1;
	v34 =	vmul.f32 v34, v3;
	v20 =	vadd.f32 v23, v20;
	v23 =	vld [tilespmem:s2+$0xCD60]  }
0x142: {  	v17 =	vmul.f32 v17, v2;
	v53 =	vmul.f32 v46, v3;
	v46 =	vld [tilespmem:s2+$0xCDD0]  }
0x143: {  	v21 =	vmul.f32 v21, v63;
	v8 =	vadd.f32 v8, v9;
	v59 =	vadd.f32 v27, v19;
	v27 =	vld [tilespmem:s2+$0xCDA0]  }
0x144: {  	v9 =	vadd.f32 v53, v61;
	v53 =	vmul.f32 v56, v1;
	v56 =	vmul.f32 v36, v7;
	v36 =	vld [tilespmem:s2+$0xCDB0]  }
0x145: {  	v14 =	vadd.f32 v17, v14;
	v61 =	vmul.f32 v58, v6;
	v58 =	vmul.f32 v50, v2;
	v50 =	vld [tilespmem:s2+$0xCE00]  }
0x146: {  	v32 =	vmul.f32 v32, v1;
	v19 =	vadd.f32 v59, v8;
	v8 =	vmul.f32 v33, v5;
	v33 =	vld [tilespmem:s2+$0xCD80]  }
0x147: {  	v62 =	vmul.f32 v62, v7;
	v21 =	vadd.f32 v34, v21;
	v59 =	vmul.f32 v51, v63;
	v51 =	vld [tilespmem:s2+$0xCDE0]  }
0x148: {  	v0 =	vmul.f32 v0, v4;
	v9 =	vadd.f32 v9, v14;
	v32 =	vadd.f32 v58, v32;
	v58 =	vld [tilespmem:$0x1FF90]  }
0x149: {  	v38 =	vmul.f32 v38, v5;
	v14 =	vadd.f32 v62, v61;
	(xrf2) =	vadd.scan.msk.f32 $0xffff, v54;
	v54 =	vmul.f32 v44, v2;
	v44 =	vld [tilespmem:s2+$0xCD90]  }
0x14a: {  	(xrf2) =	vadd.scan.msk.f32 $0xffff, v57;
	v17 =	vadd.f32 v9, v20;
	v0 =	vadd.f32 v8, v0;
	v57 =	vmul.f32 v40, v4;
	v40 =	vld [tilespmem:s2+$0xCDC0]  }
0x14b: {  	v8 =	vmul.f32 v15, v6;
	(xrf2) =	vadd.scan.msk.f32 $0xffff, v60;
	v9 =	vadd.f32 v54, v53;
	v60 =	vmul.f32 v52, v3;
	v52 =	vld [tilespmem:s2+$0xCE10]  }
0x14c: {  	v0 =	vadd.f32 v0, v14;
	v20 =	vadd.f32 v38, v57;
	v38 =	vld [tilespmem:s2+$0xCDF0]  }
0x14d: {  	v8 =	vadd.f32 v56, v8;
	v56 =	vld [tilespmem:$0x1FF80];
	v14 =	vadd.f32 v60, v59  }
0x14e: {  	v9 =	vadd.f32 v21, v9;
	v59 =	vmul.f32 v39, v7;
	v39 =	vld [tilespmem:s2+$0xCE30]  }
0x14f: {  	v60 =	vmul.f32 v37, v5;
	v37 =	vld [tilespmem:s2+$0xCE40];
	v8 =	vadd.f32 v20, v8;
	v14 =	vadd.f32 v14, v32  }
0x150: {  	v32 =	vld [tilespmem:s2+$0xCE20]  }
0x151: {  	v21 =	vadd.f32 v9, v0;
	v0 =	vmul.f32 v55, v6;
	v20 =	vadd.f32 v14, v8;
	v14 =	vld [tilespmem:s2+$0xCE60]  }
0x152: {  	(xrf2) =	vadd.scan.msk.f32 $0xffff, v56;
	v56 =	vmul.f32 v43, v7;
	v43 =	vld [tilespmem:s2+$0xCE70]  }
0x153: {  	v42 =	vmul.f32 v42, v1;
	v0 =	vadd.f32 v59, v0;
	v59 =	vmul.f32 v26, v2;
	v26 =	vld [tilespmem:s2+$0xCE90]  }
0x154: {  	v30 =	vmul.f32 v30, v6;
	v8 =	vmul.f32 v48, v4;
	v48 =	vld [tilespmem:$0x1FFA0]  }
0x155: {  	v23 =	vmul.f32 v23, v63;
	(xrf2) =	vadd.scan.msk.f32 $0xffff, v58;
	v58 =	vmul.f32 v45, v5;
	v45 =	vld [tilespmem:s2+$0xCE80]  }
0x156: {  	v54 =	vmul.f32 v28, v3;
	v61, _, _ =	vpop (xrf2);
	v8 =	vadd.f32 v60, v8;
	v60 =	vmul.f32 v29, v3;
	v29 =	vld [tilespmem:s2+$0xCEA0]  }
0x157: {  	v62, _, _ =	vpop (xrf2);
	v15 =	vbroadcast v61, $0xF;
	v61 =	vmul.f32 v49, v2;
	v49 =	vld [tilespmem:s2+$0xCE50]  }
0x158: {  	v34 =	vbroadcast v62, $0xF;
	v0 =	vadd.f32 v8, v0;
	v8 =	vmul.f32 v24, v1;
	v24 =	vld [tilespmem:s2+$0xCEC0]  }
0x159: {  	v57, _, _ =	vpop (xrf2);
	v62 =	vmul.f32 v25, v63;
	v23 =	vadd.f32 v60, v23;
	v60 =	vmul.f32 v32, v4;
	v32 =	vld [tilespmem:s2+$0xCF60]  }
0x15a: {  	v53 =	vbroadcast v57, $0xF;
	v57 =	vmul.f32 v35, v4;
	v35 =	vld [tilespmem:s2+$0xCEB0]  }
0x15b: {  	v9 =	vadd.f32 v54, v62;
	v15 =	vsel vm0, v15, v34;
	v54 =	vmul.f32 v44, v7;
	v44 =	vld [tilespmem:s2+$0xCEE0]  }
0x15c: {  	v55 =	vadd.f32 v61, v42;
	v42 =	vsel vm1, v15, v53;
	v53 =	vmul.f32 v33, v6;
	v33 =	vld [tilespmem:s2+$0xCF10]  }
0x15d: {  	v30 =	vadd.f32 v56, v30;
	v25 =	vadd.f32 v58, v57;
	v58 =	vmul.f32 v50, v6;
	v50 =	vld [tilespmem:s2+$0xCF20]  }
0x15e: {  	v8 =	vadd.f32 v59, v8;
	v9 =	vadd.f32 v9, v55;
	v55 =	vmul.f32 v36, v5;
	v36 =	vld [tilespmem:s2+$0xCEF0]  }
0x15f: {  	v38 =	vmul.f32 v38, v3;
	v37 =	vmul.f32 v37, v1;
	v25 =	vadd.f32 v25, v30;
	v30 =	vld [tilespmem:s2+$0xCED0]  }
0x160: {  	v57 =	vmul.f32 v51, v63;
	v8 =	vadd.f32 v23, v8;
	v23 =	vadd.f32 v54, v53;
	v53 =	vld [tilespmem:s2+$0xCF50]  }
0x161: {  	v56 =	vmul.f32 v46, v2;
	v59 =	vmul.f32 v52, v7;
	v54 =	vld [tilespmem:$0x1FFB0]  }
0x162: {  	v14 =	vmul.f32 v14, v63;
	v26 =	vmul.f32 v26, v7;
	v38 =	vadd.f32 v38, v57;
	v57 =	vld [tilespmem:$0x1FFC0]  }
0x163: {  	(xrf2) =	vadd.scan.msk.f32 $0xffff, v48;
	v15 =	vadd.f32 v9, v0;
	v0 =	vmul.f32 v27, v4;
	v27 =	vadd.f32 v59, v58;
	v59 =	vld [tilespmem:$0x1FFD0]  }
0x164: {  	v52 =	vmul.f32 v43, v3;
	v61, _, _ =	vpop (xrf2);
	v9 =	vadd.f32 v8, v25;
	v8 =	vmul.f32 v40, v1;
	v40 =	vld [tilespmem:s2+$0xCF00]  }
0x165: {  	v62, _, _ =	vpop (xrf2);
	v28 =	vbroadcast v61, $0xF;
	v61 =	vmul.f32 v39, v5;
	v39 =	vld [tilespmem:s2+$0xCF30]  }
0x166: {  	v34 =	vbroadcast v62, $0xF;
	v62 =	vmul.f32 v49, v2;
	v49 =	vld [tilespmem:s2+$0xCF40]  }
0x167: {  	v0 =	vadd.f32 v55, v0;
	v25 =	vadd.f32 v61, v60;
	v60 =	vmul.f32 v35, v5;
	v35 =	vld [tilespmem:s2+$0xCFA0]  }
0x168: {  	v14 =	vadd.f32 v52, v14;
	v24 =	vmul.f32 v24, v1;
	v58 =	vmul.f32 v45, v6;
	v61 =	vld [tilespmem:$0x1FFE0]  }
0x169: {  	v45 =	vmul.f32 v44, v63;
	v8 =	vadd.f32 v56, v8;
	v0 =	vadd.f32 v0, v23;
	(xrf2) =	vadd.scan.msk.f32 $0xffff, v54;
	v23 =	vld [tilespmem:s2+$0xCF70]  }
0x16a: {  	v28 =	vsel vm2, v42, v28;
	v55 =	vadd.f32 v62, v37;
	v62 =	vmul.f32 v30, v2;
	v30 =	vld [tilespmem:s2+$0xCFB0]  }
0x16b: {  	v26 =	vadd.f32 v26, v58;
	v36 =	vmul.f32 v36, v3;
	v28 =	vsel vm3, v28, v34;
	v34 =	vld [tilespmem:s2+$0xCFC0];
	(xrf2) =	vadd.scan.msk.f32 $0xffff, v57  }
0x16c: {  	v33 =	vmul.f32 v33, v7;
	v48 =	vmul.f32 v50, v4;
	v54 =	vld [tilespmem:s2+$0xCFF0];
	v8 =	vadd.f32 v38, v8;
	(xrf2) =	vadd.scan.msk.f32 $0xffff, v59  }
0x16d: {  	v53 =	vmul.f32 v53, v2;
	v56, _, _ =	vpop (xrf2);
	v25 =	vadd.f32 v25, v27;
	v27 =	vld [tilespmem:s2+$0xCF80];
	v51 =	vadd.f32 v36, v45;
	(xrf2) =	vadd.scan.msk.f32 $0xffff, v61  }
0x16e: {  	v38 =	vld [tilespmem:s2+$0xCF90];
	v37 =	vbroadcast v56, $0xF;
	v14 =	vadd.f32 v14, v55;
	v46 =	vmul.f32 v40, v6;
	(xrf2) =	vadd.scan.msk.f32 $0xffff, v47  }
0x16f: {  	v40 =	vld [tilespmem:s2+$0xCFD0];
	v50 =	vmul.f32 v39, v5;
	v0 =	vadd.f32 v8, v0;
	v8 =	vmul.f32 v29, v4;
	(xrf2) =	vadd.scan.msk.f32 $0xffff, v41  }
0x170: {  	v39 =	vld [tilespmem:s2+$0xCFE0];
	v56 =	vmul.f32 v32, v63;
	v52 =	vmul.f32 v49, v1;
	v14 =	vadd.f32 v14, v25;
	(xrf2) =	vadd.scan.msk.f32 $0xffff, v22  }
0x171: {  	v32 =	vld [tilespmem:s2+$0xD000];
	v57 =	vadd.f32 v33, v46;
	v45 =	vmul.f32 v35, v4;
	v8 =	vadd.f32 v60, v8;
	(xrf2) =	vadd.scan.msk.f32 $0xffff, v31  }
0x172: {  	v25 =	vld [tilespmem:s2+$0xD010];
	v47 =	vadd.f32 v62, v24;
	v23 =	vmul.f32 v23, v3;
	v24 =	vadd.f32 v50, v48;
	(xrf2) =	vadd.scan.msk.f32 $0xffff, v18  }
0x173: {  	v46 =	vld [tilespmem:s2+$0xD050];
	v58 =	vadd.f32 v53, v52;
	v30 =	vmul.f32 v30, v5;
	v48 =	vmul.f32 v34, v1;
	v55, _, _ =	vpop (xrf2);
	(xrf2) =	vadd.scan.msk.f32 $0xffff, v16  }
0x174: {  	v62 =	vld [tilespmem:s2+$0xD030];
	v53 =	vmul.f32 v54, v3;
	v41 =	vmul.f32 v27, v6;
	v8 =	vadd.f32 v8, v26;
	(xrf2) =	vadd.scan.msk.f32 $0xffff, v11  }
0x175: {  	v50 =	vld [tilespmem:s2+$0xD060];
	v43 =	vmul.f32 v38, v7;
	v23 =	vadd.f32 v23, v56;
	v61 =	vadd.f32 v51, v47;
	v60, _, _ =	vpop (xrf2);
	(xrf2) =	vadd.scan.msk.f32 $0xffff, v10  }
0x176: {  	v54 =	vld [tilespmem:s2+$0xD070];
	v49 =	vmul.f32 v40, v2;
	v52 =	vmul.f32 v39, v63;
	v16 =	vadd.f32 v24, v57;
	v24, _, _ =	vpop (xrf2);
	(xrf2) =	vadd.scan.msk.f32 $0xffff, v13  }
0x177: {  	v44 =	vld [tilespmem:s2+$0xD040];
	v32 =	vmul.f32 v32, v6;
	v8 =	vadd.f32 v61, v8;
	v11 =	vadd.f32 v23, v58;
	v29, _, _ =	vpop (xrf2);
	(xrf2) =	vadd.scan.msk.f32 $0xffff, v12  }
0x178: {  	v59 =	vld [tilespmem:s2+$0xD020];
	v25 =	vmul.f32 v25, v7;
	v57 =	vadd.f32 v53, v52;
	v13 =	vadd.f32 v43, v41;
	v47, _, _ =	vpop (xrf2);
	(xrf2) =	vadd.scan.msk.f32 $0xffff, v19  }
0x179: {  	v61 =	vmul.f32 v46, v2;
	v11 =	vadd.f32 v11, v16;
	v16 =	vadd.f32 v49, v48;
	v51, _, _ =	vpop (xrf2);
	(xrf2) =	vadd.scan.msk.f32 $0xffff, v17  }
0x17a: {  	v22 =	vmul.f32 v62, v5;
	v18 =	vbroadcast v55, $0xF;
	v10 =	vadd.f32 v30, v45;
	v56, _, _ =	vpop (xrf2);
	(xrf2) =	vadd.scan.msk.f32 $0xffff, v21  }
0x17b: {  	v62 =	vadd.f32 v25, v32;
	v32 =	vmul.f32 v50, v63;
	v23 =	vmul.f32 v54, v3;
	v30, _, _ =	vpop (xrf2);
	(xrf2) =	vadd.scan.msk.f32 $0xffff, v20  }
0x17c: {  	v55 =	vbroadcast v60, $0xF;
	v60 =	vmul.f32 v44, v1;
	v10 =	vadd.f32 v10, v13;
	v13, _, _ =	vpop (xrf2);
	(xrf2) =	vadd.scan.msk.f32 $0xffff, v15  }
0x17d: {  	v58 =	vmul.f32 v59, v4;
	v59 =	vadd.f32 v57, v16;
	v16, _, _ =	vpop (xrf2);
	(xrf2) =	vadd.scan.msk.f32 $0xffff, v9  }
0x17e: {  	v36 =	vadd.f32 v23, v32;
	v33 =	vadd.f32 v61, v60;
	v31, _, _ =	vpop (xrf2);
	(xrf2) =	vadd.scan.msk.f32 $0xffff, v0  }
0x17f: {  	v0 =	vadd.f32 v22, v58;
	v34, _, _ =	vpop (xrf2);
	(xrf2) =	vadd.scan.msk.f32 $0xffff, v14  }
0x180: {  	v28 =	vsel vm4, v28, v37;
	v41 =	vadd.f32 v36, v33;
	v37, _, _ =	vpop (xrf2);
	(xrf2) =	vadd.scan.msk.f32 $0xffff, v8;
	v8 =	vadd.f32 v59, v10  }
0x181: {  	v35 =	vbroadcast v31, $0xF;
	v20 =	vbroadcast v34, $0xF;
	v0 =	vadd.f32 v0, v62  }
0x182: {  	v39 =	vbroadcast v37, $0xF;
	v40, _, _ =	vpop (xrf2);
	(xrf2) =	vadd.scan.msk.f32 $0xffff, v11  }
0x183: {  	v14 =	vsel vm0, v35, v20;
	v43 =	vbroadcast v40, $0xF;
	v44, _, _ =	vpop (xrf2);
	(xrf2) =	vadd.scan.msk.f32 $0xffff, v8;
	v0 =	vadd.f32 v41, v0  }
0x184: {  	v18 =	vsel vm5, v28, v18;
	v42 =	vsel vm1, v14, v39;
	v15 =	vbroadcast v44, $0xF;
	v8, _, _ =	vpop (xrf2)  }
0x185: {  	v38 =	vbroadcast v24, $0xF;
	v11 =	vsel vm2, v42, v43;
	v46, _, _ =	vpop (xrf2);
	v8 =	vbroadcast v8, $0xF  }
0x186: {  	v12 =	vbroadcast v47, $0xF;
	v11 =	vsel vm3, v11, v15;
	v9 =	vbroadcast v46, $0xF;
	v47, _, _ =	vpop (xrf2)  }
0x187: {  	v45 =	vbroadcast v29, $0xF;
	(xrf2) =	vadd.scan.msk.f32 $0xffff, v0;
	v0, _, _ =	vpop (xrf2);
	v8 =	vsel vm4, v11, v8;
	v48 =	vbroadcast v47, $0xF  }
0x188: {  	v17 =	vsel vm6, v18, v55;
	v49, _, _ =	vpop (xrf2);
	v8 =	vsel vm5, v8, v9;
	v0 =	vbroadcast v0, $0xF  }
0x189: {  	v50 =	vbroadcast v51, $0xF;
	v51, _, _ =	vpop (xrf2);
	v8 =	vsel vm6, v8, v48;
	v53 =	vbroadcast v49, $0xF  }
0x18a: {  	v52 =	vbroadcast v56, $0xF;
	v54, _, _ =	vpop (xrf2);
	v0 =	vsel vm7, v8, v0;
	v8 =	vbroadcast v51, $0xF  }
0x18b: {  	v10 =	vsel vm7, v17, v38;
	v62 =	vld [tilespmem:$0x1FFF0];
	v55, _, _ =	vpop (xrf2);
	v0 =	vsel vm8, v0, v53;
	v56 =	vbroadcast v54, $0xF  }
0x18c: {  	v10 =	vsel vm8, v10, v45;
	v57, _, _ =	vpop (xrf2);
	v0 =	vsel vm9, v0, v8;
	v8 =	vbroadcast v55, $0xF  }
0x18d: {  	v58 =	vbroadcast v30, $0xF;
	v10 =	vsel vm9, v10, v12;
	v59, _, _ =	vpop (xrf2);
	v0 =	vsel vm10, v0, v56  }
0x18e: {  	v10 =	vsel vm10, v10, v50;
	v0 =	vsel vm11, v0, v8;
	v8 =	vbroadcast v59, $0xF  }
0x18f: {  	p0 =	slt.u32 s5, $0x4;
	v13 =	vbroadcast v13, $0xF;
	v10 =	vsel vm11, v10, v52;
	v60 =	vbroadcast v57, $0xF  }
.Ltmp0:
0x190: {  	v10 =	vsel vm12, v10, v58;
	(pc) =	sbr.rel @p0 .LBB2_4-.Ltmp0, $4  }
0x191: {  	v61 =	vsel vm13, v10, v13;
	v0 =	vsel vm12, v0, v60  }
0x192: {  	s2 =	sand.u32 $0x3FFFFFF0, s25;
	v9 =	vsel vm14, v61, v16;
	v0 =	vsel vm13, v0, v8;
	v8, _, _ =	vpop (xrf2)  }
0x193: {  	s25 =	sadd.s32 $0x2, s5;
	[tilespmem:v62+s2+$0x0 ss:$0x1] =	vst.idx.msk $0xffff, v9;
	v0 =	vsel vm14, v0, v8  }
0x194: {  	s5 =	smov.u32 s25;
	[tilespmem:v62+s10+$0x0 ss:$0x1] =	vst.idx.msk $0xffff, v0  }
0x195: {  	v0 =	vld [tilespmem:$0xF080]  }
0x196: {  	v8 =	vld [tilespmem:$0xF090]  }
0x197: {  	v9 =	vld [tilespmem:$0xF0A0]  }
0x198: {  	v10 =	vld [tilespmem:$0xF0B0]  }
0x199: {  	v11 =	vld [tilespmem:$0xF0C0]  }
0x19a: {  	v12 =	vld [tilespmem:$0xF0D0]  }
0x19b: {  	v13 =	vld [tilespmem:$0xF0E0]  }
0x19c: {  	v14 =	vld [tilespmem:$0xF0F0]  }
0x19d: {  	v15 =	vld [tilespmem:$0xF100]  }
0x19e: {  	v16 =	vld [tilespmem:$0xF110]  }
0x19f: {  	v17 =	vld [tilespmem:$0xF120]  }
0x1a0: {  	v18 =	vld [tilespmem:$0xF130]  }
0x1a1: {  	v19 =	vld [tilespmem:$0xF140]  }
0x1a2: {  	v20 =	vld [tilespmem:$0xF150]  }
0x1a3: {  	v21 =	vld [tilespmem:$0xF160]  }
0x1a4: {  	v22 =	vld [tilespmem:$0xF170]  }
0x1a5: {  	v23 =	vld [tilespmem:$0xF180]  }
0x1a6: {  	v24 =	vld [tilespmem:$0xF190]  }
0x1a7: {  	v25 =	vld [tilespmem:$0xF1A0]  }
0x1a8: {  	v26 =	vld [tilespmem:$0xF1B0]  }
0x1a9: {  	v27 =	vld [tilespmem:$0xF1C0]  }
0x1aa: {  	v28 =	vld [tilespmem:$0xF1D0]  }
0x1ab: {  	v29 =	vld [tilespmem:$0xF1E0]  }
0x1ac: {  	v30 =	vld [tilespmem:$0xF1F0]  }
0x1ad: {  	v31 =	vld [tilespmem:$0xF200]  }
0x1ae: {  	v32 =	vld [tilespmem:$0xF210]  }
0x1af: {  	v33 =	vld [tilespmem:$0xF220]  }
0x1b0: {  	v34 =	vld [tilespmem:$0xF230]  }
0x1b1: {  	v35 =	vld [tilespmem:$0xF240]  }
0x1b2: {  	v36 =	vld [tilespmem:$0xF250]  }
0x1b3: {  	v37 =	vld [tilespmem:$0xF260]  }
0x1b4: {  	v38 =	vld [tilespmem:$0xF270]  }
0x1b5: {  	v39 =	vld [tilespmem:$0xF280]  }
0x1b6: {  	v40 =	vld [tilespmem:$0xF290]  }
0x1b7: {  	v41 =	vld [tilespmem:$0xF2A0]  }
0x1b8: {  	v42 =	vld [tilespmem:$0xF2B0]  }
0x1b9: {  	v43 =	vld [tilespmem:$0xF2C0]  }
0x1ba: {  	v44 =	vld [tilespmem:$0xF2D0]  }
0x1bb: {  	v45 =	vld [tilespmem:$0xF2E0]  }
0x1bc: {  	v46 =	vld [tilespmem:$0xF2F0]  }
0x1bd: {  	v47 =	vld [tilespmem:$0xF300]  }
0x1be: {  	v48 =	vld [tilespmem:$0xF310]  }
0x1bf: {  	v49 =	vld [tilespmem:$0xF320]  }
0x1c0: {  	v50 =	vld [tilespmem:$0xF330]  }
0x1c1: {  	v51 =	vld [tilespmem:$0xF340]  }
0x1c2: {  	v52 =	vld [tilespmem:$0xF350]  }
0x1c3: {  	v53 =	vld [tilespmem:$0xF360]  }
0x1c4: {  	v54 =	vld [tilespmem:$0xF370]  }
0x1c5: {  	v55 =	vld [tilespmem:$0xF380]  }
0x1c6: {  	v56 =	vld [tilespmem:$0xF390];
	v0 =	vmul.f32 v0, v6  }
0x1c7: {  	v57 =	vld [tilespmem:$0xF3A0];
	v8 =	vmul.f32 v8, v7;
	v9 =	vmul.f32 v9, v4  }
0x1c8: {  	v10 =	vmul.f32 v10, v5;
	v61 =	vmul.f32 v18, v5;
	v18 =	vld [tilespmem:$0xF3C0]  }
0x1c9: {  	v11 =	vmul.f32 v11, v1;
	v58 =	vmul.f32 v20, v2;
	v20 =	vld [tilespmem:$0xF3D0]  }
0x1ca: {  	v12 =	vmul.f32 v12, v2;
	v60 =	vmul.f32 v22, v3;
	v22 =	vld [tilespmem:$0xF3E0]  }
0x1cb: {  	v13 =	vmul.f32 v13, v63;
	v62 =	vmul.f32 v19, v1;
	v19 =	vld [tilespmem:$0xF410]  }
0x1cc: {  	v14 =	vmul.f32 v14, v3;
	v59 =	vmul.f32 v21, v63;
	v21 =	vld [tilespmem:$0xF430]  }
0x1cd: {  	v0 =	vadd.f32 v8, v0;
	v8 =	vmul.f32 v15, v6;
	v15 =	vmul.f32 v16, v7;
	v16 =	vld [tilespmem:$0xF3B0]  }
0x1ce: {  	v9 =	vadd.f32 v10, v9;
	v10 =	vmul.f32 v17, v4;
	v11 =	vadd.f32 v12, v11;
	v17 =	vld [tilespmem:$0xF400]  }
0x1cf: {  	v13 =	vadd.f32 v14, v13;
	v14 =	vadd.f32 v60, v59;
	v60 =	vmul.f32 v27, v1;
	v27 =	vld [tilespmem:$0xF460]  }
0x1d0: {  	v12 =	vadd.f32 v58, v62;
	v58 =	vmul.f32 v24, v7;
	v24 =	vmul.f32 v32, v7;
	v32 =	vld [tilespmem:$0xF490]  }
0x1d1: {  	v59 =	vmul.f32 v26, v5;
	v26 =	vld [tilespmem:$0xF4B0];
	v8 =	vadd.f32 v15, v8;
	v10 =	vadd.f32 v61, v10  }
0x1d2: {  	v15 =	vld [tilespmem:$0xF3F0];
	v0 =	vadd.f32 v9, v0;
	v61 =	vadd.f32 v13, v11  }
0x1d3: {  	v62 =	vadd.f32 v14, v12;
	v14 =	vld [tilespmem:$0xF420];
	v13 =	vmul.f32 v31, v6;
	v31 =	vmul.f32 v40, v7  }
0x1d4: {  	v40 =	vld [tilespmem:$0xF500];
	v18 =	vmul.f32 v18, v1;
	v20 =	vmul.f32 v20, v2  }
0x1d5: {  	v10 =	vadd.f32 v10, v8;
	v8 =	vadd.f32 v61, v0;
	v0 =	vmul.f32 v23, v6;
	v23 =	vld [tilespmem:$0xF440]  }
0x1d6: {  	v61 =	vmul.f32 v28, v2;
	v28 =	vld [tilespmem:$0xF470]  }
0x1d7: {  	v36 =	vmul.f32 v36, v2;
	v18 =	vadd.f32 v20, v18;
	v20 =	vld [tilespmem:$0xF5D0]  }
0x1d8: {  	v19 =	vmul.f32 v19, v7;
	v9 =	vadd.f32 v62, v10;
	v10 =	vmul.f32 v25, v4;
	v25 =	vld [tilespmem:$0xF450]  }
0x1d9: {  	v17 =	vmul.f32 v17, v6;
	v0 =	vadd.f32 v58, v0;
	v58 =	vmul.f32 v30, v3;
	v30 =	vld [tilespmem:$0xF480]  }
0x1da: {  	v22 =	vmul.f32 v22, v63;
	v62 =	vmul.f32 v29, v63;
	v29 =	vld [tilespmem:$0xF4C0]  }
0x1db: {  	v21 =	vmul.f32 v21, v5;
	v15 =	vmul.f32 v15, v3;
	v17 =	vadd.f32 v19, v17;
	v19 =	vld [tilespmem:$0xF610]  }
0x1dc: {  	v10 =	vadd.f32 v59, v10;
	v59 =	vadd.f32 v61, v60;
	v61 =	vmul.f32 v34, v5;
	v34 =	vld [tilespmem:$0xF4A0]  }
0x1dd: {  	v14 =	vmul.f32 v14, v4;
	v60 =	vmul.f32 v33, v4;
	v33 =	vld [tilespmem:$0xF4D0]  }
0x1de: {  	v12 =	vadd.f32 v58, v62;
	v62 =	vmul.f32 v35, v1;
	v15 =	vadd.f32 v15, v22;
	v22 =	vld [tilespmem:$0xF5E0]  }
0x1df: {  	v13 =	vadd.f32 v24, v13;
	v14 =	vadd.f32 v21, v14;
	v21 =	vld [tilespmem:$0xF620]  }
0x1e0: {  	v24 =	vmul.f32 v39, v6;
	v0 =	vadd.f32 v10, v0;
	v10 =	vadd.f32 v36, v62;
	v36 =	vld [tilespmem:$0xF4E0]  }
0x1e1: {  	v11 =	vadd.f32 v12, v59;
	v59 =	vmul.f32 v38, v3;
	v38 =	vld [tilespmem:$0xF4F0]  }
0x1e2: {  	v24 =	vadd.f32 v31, v24;
	v58 =	vmul.f32 v37, v63;
	v62 =	vmul.f32 v42, v5;
	v42 =	vld [tilespmem:$0xF510]  }
0x1e3: {  	v60 =	vadd.f32 v61, v60;
	v61 =	vmul.f32 v41, v4;
	v41 =	vmul.f32 v48, v7;
	v48 =	vld [tilespmem:$0xF540]  }
0x1e4: {  	v31 =	vmul.f32 v47, v6;
	v12 =	vadd.f32 v59, v58;
	v58 =	vmul.f32 v44, v2;
	v44 =	vld [tilespmem:$0xF520]  }
0x1e5: {  	v13 =	vadd.f32 v60, v13;
	v60 =	vmul.f32 v46, v3;
	v46 =	vld [tilespmem:$0xF530]  }
0x1e6: {  	v35 =	vmul.f32 v49, v4;
	v31 =	vadd.f32 v41, v31;
	v41 =	vld [tilespmem:$0xF550]  }
0x1e7: {  	v49 =	vmul.f32 v57, v4;
	v11 =	vadd.f32 v11, v0;
	v0 =	vmul.f32 v43, v1;
	v43 =	vld [tilespmem:$0xF560]  }
0x1e8: {  	v59 =	vmul.f32 v45, v63;
	v45 =	vld [tilespmem:$0xF590];
	v57 =	vmul.f32 v33, v2  }
0x1e9: {  	v33 =	vld [tilespmem:$0xF650];
	v10 =	vadd.f32 v12, v10;
	v12 =	vadd.f32 v62, v61;
	v61 =	vmul.f32 v50, v5  }
0x1ea: {  	v0 =	vadd.f32 v58, v0;
	v62 =	vmul.f32 v51, v1;
	v51 =	vmul.f32 v25, v2;
	v25 =	vld [tilespmem:$0xF5F0]  }
0x1eb: {  	v58 =	vmul.f32 v52, v2;
	v10 =	vadd.f32 v10, v13;
	v12 =	vadd.f32 v12, v24;
	v24 =	vld [tilespmem:$0xF570]  }
0x1ec: {  	v13 =	vadd.f32 v60, v59;
	v59 =	vmul.f32 v53, v63;
	v53 =	vmul.f32 v28, v3;
	v28 =	vld [tilespmem:$0xF600]  }
0x1ed: {  	v60 =	vmul.f32 v54, v3;
	v35 =	vadd.f32 v61, v35;
	v54 =	vmul.f32 v30, v6;
	v30 =	vld [tilespmem:$0xF630]  }
0x1ee: {  	v37 =	vadd.f32 v58, v62;
	v62 =	vmul.f32 v56, v7;
	v56 =	vmul.f32 v34, v4;
	v34 =	vld [tilespmem:$0xF660]  }
0x1ef: {  	v16 =	vmul.f32 v16, v5;
	v52 =	vmul.f32 v27, v63;
	v31 =	vadd.f32 v35, v31;
	v35 =	vld [tilespmem:$0xF5A0]  }
0x1f0: {  	v26 =	vmul.f32 v26, v5;
	v39 =	vadd.f32 v60, v59;
	v59 =	vmul.f32 v38, v3;
	v38 =	vld [tilespmem:$0xF670]  }
0x1f1: {  	v20 =	vmul.f32 v20, v2;
	v15 =	vadd.f32 v15, v18;
	v18 =	vadd.f32 v53, v52;
	v53 =	vld [tilespmem:$0xF6A0]  }
0x1f2: {  	v19 =	vmul.f32 v19, v7;
	v0 =	vadd.f32 v13, v0;
	v61 =	vadd.f32 v39, v37;
	v37 =	vld [tilespmem:$0xF580]  }
0x1f3: {  	v16 =	vadd.f32 v16, v49;
	v50 =	vmul.f32 v23, v1;
	v22 =	vmul.f32 v22, v63;
	v39 =	vld [tilespmem:$0xF5B0]  }
0x1f4: {  	v13 =	vadd.f32 v0, v12;
	v0 =	vmul.f32 v55, v6;
	v55 =	vmul.f32 v32, v7;
	v32 =	vld [tilespmem:$0xF640]  }
0x1f5: {  	v21 =	vmul.f32 v21, v4;
	v58 =	vmul.f32 v36, v63;
	v12 =	vadd.f32 v61, v31;
	v31 =	vld [tilespmem:$0xF5C0]  }
0x1f6: {  	v17 =	vadd.f32 v14, v17;
	v49 =	vmul.f32 v46, v5;
	v61 =	vmul.f32 v42, v7;
	v42 =	vld [tilespmem:$0xF680]  }
0x1f7: {  	v41 =	vmul.f32 v41, v2;
	v28 =	vmul.f32 v28, v6;
	v23 =	vadd.f32 v55, v54;
	v54 =	vld [tilespmem:$0xF6B0]  }
0x1f8: {  	v60 =	vmul.f32 v40, v6;
	v0 =	vadd.f32 v62, v0;
	v62 =	vmul.f32 v44, v4;
	v44 =	vld [tilespmem:$0xF800]  }
0x1f9: {  	v52 =	vmul.f32 v43, v63;
	v25 =	vmul.f32 v25, v3;
	v19 =	vadd.f32 v19, v28;
	v28 =	vld [tilespmem:$0xF780]  }
0x1fa: {  	v24 =	vmul.f32 v24, v3;
	v0 =	vadd.f32 v16, v0;
	v16 =	vadd.f32 v51, v50;
	v51 =	vld [tilespmem:$0xF690]  }
0x1fb: {  	v46 =	vmul.f32 v34, v63;
	v47 =	vmul.f32 v38, v3;
	v27 =	vadd.f32 v61, v60;
	v60 =	vld [tilespmem:$0xF700]  }
0x1fc: {  	v22 =	vadd.f32 v25, v22;
	v53 =	vmul.f32 v53, v4;
	v50 =	vmul.f32 v48, v1;
	v61 =	vld [tilespmem:$0xF710]  }
0x1fd: {  	v48 =	vld [tilespmem:$0xF760];
	v40 =	vmul.f32 v32, v1;
	v16 =	vadd.f32 v18, v16;
	v14 =	vadd.f32 v15, v0  }
0x1fe: {  	v18 =	vadd.f32 v26, v56;
	v26 =	vadd.f32 v49, v62;
	v62 =	vmul.f32 v30, v5;
	v30 =	vld [tilespmem:$0xF740]  }
0x1ff: {  	v0 =	vmul.f32 v29, v1;
	v29 =	vadd.f32 v41, v50;
	v56 =	vmul.f32 v37, v6;
	v49 =	vld [tilespmem:$0xF770]  }
0x200: {  	v41 =	vmul.f32 v33, v2;
	v36 =	vmul.f32 v54, v5;
	v54 =	vld [tilespmem:$0xF7A0];
	v15 =	vadd.f32 v16, v17  }
0x201: {  	v50 =	vmul.f32 v42, v6;
	v42 =	vld [tilespmem:$0xF7F0];
	v0 =	vadd.f32 v57, v0;
	v16 =	vadd.f32 v59, v58  }
0x202: {  	v31 =	vmul.f32 v31, v1;
	v17 =	vadd.f32 v24, v52;
	v24 =	vld [tilespmem:$0xF6C0];
	v18 =	vadd.f32 v18, v23  }
0x203: {  	v55 =	vadd.f32 v26, v27;
	v26 =	vld [tilespmem:$0xF6E0];
	v57 =	vmul.f32 v45, v7;
	v58 =	vmul.f32 v35, v4  }
0x204: {  	v59 =	vmul.f32 v39, v5;
	v35 =	vld [tilespmem:$0xF720];
	v21 =	vadd.f32 v62, v21;
	v20 =	vadd.f32 v20, v31  }
0x205: {  	v45 =	vld [tilespmem:$0xF750];
	v51 =	vmul.f32 v51, v7;
	v60 =	vmul.f32 v60, v6;
	v0 =	vadd.f32 v16, v0  }
0x206: {  	v52 =	vld [tilespmem:$0xF790];
	v27 =	vmul.f32 v61, v7;
	v17 =	vadd.f32 v17, v29;
	v23 =	vadd.f32 v59, v58  }
0x207: {  	v62 =	vld [tilespmem:$0xF7E0];
	v43 =	vmul.f32 v48, v63;
	v19 =	vadd.f32 v21, v19;
	v20 =	vadd.f32 v22, v20  }
0x208: {  	v31 =	vld [tilespmem:$0xF730];
	v22 =	vadd.f32 v47, v46;
	v21 =	vadd.f32 v51, v50;
	v25 =	vmul.f32 v49, v3  }
0x209: {  	v16 =	vld [tilespmem:$0xF6D0];
	v27 =	vadd.f32 v27, v60;
	v50 =	vmul.f32 v28, v6;
	v6 =	vmul.f32 v44, v6  }
0x20a: {  	v29 =	vld [tilespmem:$0xF6F0];
	v0 =	vadd.f32 v0, v18;
	v17 =	vadd.f32 v17, v55;
	v60 =	vmul.f32 v42, v3  }
0x20b: {  	v59 =	vld [tilespmem:$0xF7C0];
	v18 =	vadd.f32 v57, v56;
	v55 =	vmul.f32 v24, v1;
	v57 =	vmul.f32 v26, v63  }
0x20c: {  	(xrf2) =	vadd.scan.msk.f32 $0xffff, v8;
	v46 =	vld [tilespmem:$0xF820];
	v35 =	vmul.f32 v35, v4;
	v25 =	vadd.f32 v25, v43;
	v51 =	vmul.f32 v52, v7  }
0x20d: {  	(xrf2) =	vadd.scan.msk.f32 $0xffff, v9;
	v56 =	vld [tilespmem:$0xF7B0];
	v18 =	vadd.f32 v23, v18;
	v23 =	vadd.f32 v41, v40;
	v31 =	vmul.f32 v31, v5  }
0x20e: {  	(xrf2) =	vadd.scan.msk.f32 $0xffff, v11;
	v47 =	vld [tilespmem:$0xF830];
	v40 =	vmul.f32 v30, v1;
	v41 =	vmul.f32 v45, v2;
	v11 =	vadd.f32 v51, v50  }
0x20f: {  	v49 =	vld [tilespmem:$0xF840];
	v16 =	vmul.f32 v16, v2;
	v22 =	vadd.f32 v22, v23;
	v18 =	vadd.f32 v20, v18  }
0x210: {  	v61 =	vld [tilespmem:$0xF7D0];
	v58 =	vmul.f32 v29, v3;
	v23 =	vadd.f32 v36, v53;
	v31 =	vadd.f32 v31, v35  }
0x211: {  	v52 =	vld [tilespmem:$0xF850];
	v20 =	vadd.f32 v41, v40;
	v53 =	vmul.f32 v54, v4;
	v4 =	vmul.f32 v46, v4  }
0x212: {  	v45 =	vld [tilespmem:$0xF810];
	v16 =	vadd.f32 v16, v55;
	v54 =	vmul.f32 v56, v5;
	v56 =	vmul.f32 v59, v1  }
0x213: {  	(xrf2) =	vadd.scan.msk.f32 $0xffff, v10;
	v55 =	vld [tilespmem:$0xF860];
	v59 =	vmul.f32 v62, v63;
	v5 =	vmul.f32 v47, v5;
	v19 =	vadd.f32 v22, v19  }
0x214: {  	(xrf2) =	vadd.scan.msk.f32 $0xffff, v13;
	v1 =	vmul.f32 v49, v1;
	v22 =	vadd.f32 v58, v57;
	v8 =	vadd.f32 v23, v21;
	v58 =	vld [tilespmem:$0xF870]  }
0x215: {  	(xrf2) =	vadd.scan.msk.f32 $0xffff, v12;
	v48 =	vadd.f32 v31, v27;
	v20 =	vadd.f32 v25, v20;
	v57 =	vmul.f32 v61, v2  }
0x216: {  	(xrf2) =	vadd.scan.msk.f32 $0xffff, v14;
	v2 =	vmul.f32 v52, v2;
	v10 =	vadd.f32 v54, v53;
	v12 =	vadd.f32 v60, v59  }
0x217: {  	(xrf2) =	vadd.scan.msk.f32 $0xffff, v15;
	v7 =	vmul.f32 v45, v7;
	v16 =	vadd.f32 v22, v16;
	v13 =	vadd.f32 v57, v56  }
0x218: {  	(xrf2) =	vadd.scan.msk.f32 $0xffff, v0;
	v4 =	vadd.f32 v5, v4;
	v0 =	vadd.f32 v10, v11;
	v62 =	vmul.f32 v55, v63;
	v63, _, _ =	vpop (xrf2)  }
0x219: {  	v8 =	vadd.f32 v16, v8;
	v61 =	vadd.f32 v12, v13;
	v3 =	vmul.f32 v58, v3;
	v5, _, _ =	vpop (xrf2)  }
0x21a: {  	(xrf2) =	vadd.scan.msk.f32 $0xffff, v17;
	v1 =	vadd.f32 v2, v1;
	v6 =	vadd.f32 v7, v6;
	v5 =	vbroadcast v5, $0xF  }
0x21b: {  	(xrf2) =	vadd.scan.msk.f32 $0xffff, v18;
	v0 =	vadd.f32 v61, v0;
	v2 =	vadd.f32 v3, v62  }
0x21c: {  	v9 =	vadd.f32 v20, v48;
	(xrf2) =	vadd.scan.msk.f32 $0xffff, v19;
	v4 =	vadd.f32 v4, v6;
	v7, _, _ =	vpop (xrf2);
	v3 =	vbroadcast v63, $0xF  }
0x21d: {  	(xrf2) =	vadd.scan.msk.f32 $0xffff, v8;
	v8, _, _ =	vpop (xrf2);
	v1 =	vadd.f32 v2, v1  }
0x21e: {  	v7 =	vbroadcast v7, $0xF;
	(xrf2) =	vadd.scan.msk.f32 $0xffff, v9;
	v2 =	vsel vm0, v3, v5;
	v5, _, _ =	vpop (xrf2)  }
0x21f: {  	v3 =	vbroadcast v8, $0xF;
	(xrf2) =	vadd.scan.msk.f32 $0xffff, v0;
	v0, _, _ =	vpop (xrf2);
	v1 =	vadd.f32 v1, v4  }
0x220: {  	v2 =	vsel vm1, v2, v7;
	v5 =	vbroadcast v5, $0xF;
	v4, _, _ =	vpop (xrf2)  }
0x221: {  	v2 =	vsel vm2, v2, v3;
	v0 =	vbroadcast v0, $0xF;
	v3 =	vbroadcast v4, $0xF  }
0x222: {  	v2 =	vsel vm3, v2, v5;
	v4, _, _ =	vpop (xrf2)  }
0x223: {  	(xrf2) =	vadd.scan.msk.f32 $0xffff, v1;
	v0 =	vsel vm4, v2, v0;
	v2 =	vbroadcast v4, $0xF;
	v1, _, _ =	vpop (xrf2)  }
0x224: {  	v0 =	vsel vm5, v0, v3;
	v4, _, _ =	vpop (xrf2);
	v1 =	vbroadcast v1, $0xF  }
0x225: {  	v0 =	vsel vm6, v0, v2;
	v3, _, _ =	vpop (xrf2);
	v2 =	vbroadcast v4, $0xF  }
0x226: {  	v4, _, _ =	vpop (xrf2);
	v0 =	vsel vm7, v0, v1;
	v1 =	vbroadcast v3, $0xF  }
0x227: {  	v3, _, _ =	vpop (xrf2);
	v0 =	vsel vm8, v0, v2;
	v2 =	vbroadcast v4, $0xF  }
0x228: {  	v4, _, _ =	vpop (xrf2);
	v0 =	vsel vm9, v0, v1;
	v1 =	vbroadcast v3, $0xF  }
0x229: {  	v3, _, _ =	vpop (xrf2);
	v0 =	vsel vm10, v0, v2  }
0x22a: {  	v0 =	vsel vm11, v0, v1;
	v1 =	vbroadcast v3, $0xF  }
0x22b: {  	v2 =	vbroadcast v4, $0xF;
	_ =	sdelay $0x1  }
0x22c: {  	v0 =	vsel vm12, v0, v2  }
0x22d: {  	v0 =	vsel vm13, v0, v1;
	v1, _, _ =	vpop (xrf2)  }
0x22e: {  	p0 =	seq.s32 s29, $0x3F;
	v0 =	vsel vm14, v0, v1  }
0x22f: {  	s1 =	simm.s32 @!p0 $0x32;
	s2 =	simm.s32 @!p0 $0xC080;
	[tilespmem:s0+$0x13080] =	vst v0;
	s0 =	sadd.s32 @!p0 $0x100, s30  }
0x230: {  	[tilespmem:s2], [sflag:$0x1] =	stream.indirect.gather @!p0 [hbm4b:s3+s1], $0x80, s0, s1, $0xb8;
	[tilespmem:$0x17080] =	vst v63  }
0x231: {  	s0 =	sadd.s32 @!p0 $0x4100, s30;
	s2 =	simm.s32 @!p0 $0xD980  }
0x232: {  	[tilespmem:s2], [sflag:$0x1] =	stream.indirect.gather @!p0 [hbm4b:s3+s1], $0x80, s0, s1, $0xb8;
	[tilespmem:$0x17080] =	vst v63  }
0x233: {  	_ =	swait.ge [sflag:s23], $0x1900  }
0x234: {  	[sflag:s23] =	ssyncset.done $0x0  }
0x235: {  	[sflag:s23] =	ssyncadd.s32 $0xFFFFE700  }
0x236: {  	_ =	swait.ge [sflag:s23], $0x1900  }
0x237: {  	[sflag:s23] =	ssyncset.done $0x0  }
0x238: {  	[sflag:s23] =	ssyncadd.s32 $0xFFFFE700  }
0x239: {  	v6 =	vld [tilespmem:s31+$0x8080]  }
0x23a: {  	v7 =	vld [tilespmem:s31+$0x8090]  }
0x23b: {  	v4 =	vld [tilespmem:s31+$0x80A0]  }
0x23c: {  	v5 =	vld [tilespmem:s31+$0x80B0]  }
0x23d: {  	v1 =	vld [tilespmem:s31+$0x80C0]  }
0x23e: {  	s25 =	sadd.s32 $0x13080, s31;
	v2 =	vld [tilespmem:s31+$0x80D0]  }
0x23f: {  	v0 =	vmov s25;
	v63 =	vld [tilespmem:s30+$0x8160]  }
0x240: {  	s0 =	simm.s32 $0x0;
	[tilespmem:$0x1FCC0] =	vst v0;
	s30 =	sor.u32 $0xE0, s30;
	v3 =	vld [tilespmem:s31+$0x80F0]  }
.LBB2_6:
0x241: {  	s2 =	sshll.u32 s0, $0xB  }
0x242: {  	s2 =	sand.u32 $0x3FFFF800, s2  }
0x243: {  	v38 =	vld [tilespmem:s2+$0xF880]  }
0x244: {  	v39 =	vld [tilespmem:s2+$0xF890]  }
0x245: {  	v42 =	vld [tilespmem:s2+$0xF8A0]  }
0x246: {  	v43 =	vld [tilespmem:s2+$0xF8B0]  }
0x247: {  	v46 =	vld [tilespmem:s2+$0xF8C0]  }
0x248: {  	v48 =	vld [tilespmem:s2+$0xF8D0]  }
0x249: {  	v50 =	vld [tilespmem:s2+$0xF8E0]  }
0x24a: {  	v51 =	vld [tilespmem:s2+$0xF8F0]  }
0x24b: {  	v52 =	vld [tilespmem:s2+$0xF900]  }
0x24c: {  	v53 =	vld [tilespmem:s2+$0xF910]  }
0x24d: {  	s10 =	sshll.u32 s0, $0x4;
	v54 =	vld [tilespmem:s2+$0xF920]  }
0x24e: {  	s5 =	sor.u32 $0x10, s10;
	v55 =	vld [tilespmem:s2+$0xF930]  }
0x24f: {  	s1 =	sshll.u32 s5, $0x7;
	v56 =	vld [tilespmem:s2+$0xF940]  }
0x250: {  	v57 =	vld [tilespmem:s2+$0xF950];
	s1 =	sand.u32 $0x3FFFF800, s1  }
0x251: {  	v0 =	vld [tilespmem:s1+$0xF880]  }
0x252: {  	v58 =	vld [tilespmem:s2+$0xF960]  }
0x253: {  	v60 =	vld [tilespmem:s2+$0xF980]  }
0x254: {  	v8 =	vld [tilespmem:s2+$0xF990]  }
0x255: {  	v9 =	vld [tilespmem:s2+$0xF9A0]  }
0x256: {  	[tilespmem:$0x1FBA0] =	vst v0;
	v0 =	vld [tilespmem:s1+$0xF890]  }
0x257: {  	v10 =	vld [tilespmem:s2+$0xF9B0]  }
0x258: {  	v11 =	vld [tilespmem:s2+$0xF9C0]  }
0x259: {  	v12 =	vld [tilespmem:s2+$0xF9D0]  }
0x25a: {  	v13 =	vld [tilespmem:s2+$0xF9E0]  }
0x25b: {  	[tilespmem:$0x1FBB0] =	vst v0;
	v0 =	vld [tilespmem:s1+$0xF8A0]  }
0x25c: {  	v14 =	vld [tilespmem:s2+$0xF9F0]  }
0x25d: {  	v15 =	vld [tilespmem:s2+$0xFA00]  }
0x25e: {  	v16 =	vld [tilespmem:s2+$0xFA10]  }
0x25f: {  	v17 =	vld [tilespmem:s2+$0xFA20]  }
0x260: {  	[tilespmem:$0x1FBC0] =	vst v0;
	v0 =	vld [tilespmem:s1+$0xF8B0]  }
0x261: {  	v18 =	vld [tilespmem:s2+$0xFA30]  }
0x262: {  	v19 =	vld [tilespmem:s2+$0xFA40]  }
0x263: {  	v20 =	vld [tilespmem:s2+$0xFA50]  }
0x264: {  	v21 =	vld [tilespmem:s2+$0xFA60];
	v38 =	vmul.f32 v38, v6;
	v39 =	vmul.f32 v39, v7  }
0x265: {  	v42 =	vmul.f32 v42, v4;
	v43 =	vmul.f32 v43, v5;
	[tilespmem:$0x1FBD0] =	vst v0;
	v0 =	vld [tilespmem:s1+$0xF8C0]  }
0x266: {  	v22 =	vld [tilespmem:s2+$0xFA70];
	v46 =	vmul.f32 v46, v1;
	v48 =	vmul.f32 v48, v2  }
0x267: {  	v23 =	vld [tilespmem:s2+$0xFA80];
	v8 =	vmul.f32 v8, v7;
	v9 =	vmul.f32 v9, v4  }
0x268: {  	v24 =	vld [tilespmem:s2+$0xFA90];
	v10 =	vmul.f32 v10, v5;
	v11 =	vmul.f32 v11, v1  }
0x269: {  	v12 =	vmul.f32 v12, v2;
	v42 =	vadd.f32 v43, v42;
	v43 =	vmul.f32 v52, v6;
	v52 =	vld [tilespmem:s2+$0xFDA0]  }
0x26a: {  	v13 =	vmul.f32 v13, v63;
	v14 =	vmul.f32 v14, v3;
	[tilespmem:$0x1FBE0] =	vst v0;
	v0 =	vld [tilespmem:s1+$0xF8D0]  }
0x26b: {  	v25 =	vld [tilespmem:s2+$0xFAA0];
	v38 =	vadd.f32 v39, v38;
	v39 =	vmul.f32 v50, v63;
	v50 =	vmul.f32 v51, v3  }
0x26c: {  	v51 =	vmul.f32 v53, v7;
	v46 =	vadd.f32 v48, v46;
	v48 =	vmul.f32 v54, v4;
	v53 =	vld [tilespmem:s2+$0xFDB0]  }
0x26d: {  	v26 =	vld [tilespmem:s2+$0xFAB0];
	v9 =	vadd.f32 v10, v9;
	v10 =	vmul.f32 v15, v6;
	v11 =	vadd.f32 v12, v11  }
0x26e: {  	v54 =	vadd.f32 v42, v38;
	v42 =	vmul.f32 v58, v63;
	v58 =	vld [tilespmem:s2+$0xFDE0];
	[tilespmem:$0x1FB40] =	vst v52;
	v52 =	vmul.f32 v55, v5  }
0x26f: {  	v13 =	vadd.f32 v14, v13;
	v39 =	vadd.f32 v50, v39;
	v50 =	vmul.f32 v56, v1;
	[tilespmem:$0x1FBF0] =	vst v0;
	v0 =	vld [tilespmem:s1+$0xF8E0]  }
0x270: {  	v61 =	vld [tilespmem:s2+$0xFAC0];
	v43 =	vadd.f32 v51, v43;
	v51 =	vmul.f32 v16, v7;
	v48 =	vadd.f32 v52, v48  }
0x271: {  	v27 =	vld [tilespmem:s2+$0xFAD0];
	v56 =	vmul.f32 v21, v63;
	v39 =	vadd.f32 v39, v46;
	[tilespmem:$0x1FB50] =	vst v53;
	v53 =	vmul.f32 v57, v2  }
0x272: {  	v28 =	vld [tilespmem:s2+$0xFAE0];
	v11 =	vadd.f32 v13, v11;
	v52 =	vadd.f32 v48, v43;
	v43 =	vmul.f32 v60, v6  }
0x273: {  	v35 =	vld [tilespmem:s2+$0xFAF0];
	v39 =	vadd.f32 v39, v54;
	v54 =	vmul.f32 v18, v5;
	[tilespmem:$0x1FB80] =	vst v58;
	v50 =	vadd.f32 v53, v50  }
0x274: {  	v53 =	vmul.f32 v17, v4;
	v58 =	vmul.f32 v22, v3;
	v8 =	vadd.f32 v8, v43;
	[tilespmem:$0x1FC00] =	vst v0;
	v0 =	vld [tilespmem:s1+$0xF8F0]  }
0x275: {  	v29 =	vld [tilespmem:s2+$0xFB00];
	v10 =	vadd.f32 v51, v10;
	[tilespmem:$0x1FC20] =	vst v39;
	v39 =	vmul.f32 v19, v1;
	v43 =	vmul.f32 v20, v2  }
0x276: {  	v31 =	vld [tilespmem:s2+$0xFB20];
	v12 =	vadd.f32 v54, v53;
	v8 =	vadd.f32 v9, v8  }
0x277: {  	v49 =	vld [tilespmem:s2+$0xFBE0];
	v21 =	vmul.f32 v27, v2;
	v14 =	vadd.f32 v43, v39;
	v9 =	vadd.f32 v58, v56  }
0x278: {  	v41 =	vld [tilespmem:s2+$0xFB80];
	v18 =	vmul.f32 v24, v7;
	v17 =	vmul.f32 v23, v6;
	v10 =	vadd.f32 v12, v10  }
0x279: {  	v22 =	vmul.f32 v28, v63;
	v9 =	vadd.f32 v9, v14;
	v8 =	vadd.f32 v11, v8;
	[tilespmem:$0x1FC10] =	vst v0;
	v0 =	vld [tilespmem:s2+$0xFBD0]  }
0x27a: {  	v36 =	vld [tilespmem:s2+$0xFB60];
	v23 =	vmul.f32 v35, v3;
	v19 =	vmul.f32 v26, v5  }
0x27b: {  	v37 =	vld [tilespmem:s2+$0xFB70];
	v20 =	vmul.f32 v61, v1;
	[tilespmem:$0x1FC40] =	vst v8;
	v8 =	vmul.f32 v25, v4;
	v9 =	vadd.f32 v9, v10  }
0x27c: {  	v45 =	vld [tilespmem:s2+$0xFBA0];
	[tilespmem:$0x1F9A0] =	vst v49;
	v13 =	vadd.f32 v23, v22;
	v12 =	vadd.f32 v18, v17  }
0x27d: {  	v49 =	vld [tilespmem:s2+$0xFC00];
	v26 =	vmul.f32 v31, v4;
	[tilespmem:$0x1FC50] =	vst v9;
	v8 =	vadd.f32 v19, v8;
	v9 =	vadd.f32 v21, v20  }
0x27e: {  	v31 =	vmul.f32 v41, v6;
	v41 =	vmul.f32 v0, v2;
	v0 =	vld [tilespmem:$0x1F9A0]  }
0x27f: {  	v40 =	vld [tilespmem:s2+$0xFB90];
	v8 =	vadd.f32 v8, v12;
	v13 =	vadd.f32 v13, v9  }
0x280: {  	v47 =	vld [tilespmem:s2+$0xFBC0]  }
0x281: {  	v62 =	vld [tilespmem:s2+$0xFBF0];
	v8 =	vadd.f32 v13, v8  }
0x282: {  	[tilespmem:$0x1F9B0] =	vst v49;
	v49 =	vld [tilespmem:s2+$0xFC10]  }
0x283: {  	[tilespmem:$0x1FC60] =	vst v8;
	v8 =	vmul.f32 v45, v4;
	v45 =	vmul.f32 v0, v63;
	v0 =	vld [tilespmem:$0x1F9B0];
	_ =	sdelay $0x1  }
0x284: {  	v33 =	vld [tilespmem:s2+$0xFB40];
	v36 =	vmul.f32 v36, v63;
	v37 =	vmul.f32 v37, v3  }
0x285: {  	v34 =	vld [tilespmem:s2+$0xFB50];
	v24 =	vmul.f32 v29, v6  }
0x286: {  	v29 =	vadd.f32 v37, v36;
	v36 =	vmul.f32 v40, v7;
	v40 =	vmul.f32 v47, v1;
	[tilespmem:$0x1F9C0] =	vst v49;
	v49 =	vld [tilespmem:s2+$0xFC20]  }
0x287: {  	v47 =	vmul.f32 v62, v3;
	v62 =	vmul.f32 v0, v6;
	v0 =	vld [tilespmem:$0x1F9C0];
	_ =	sdelay $0x2  }
0x288: {  	v33 =	vmul.f32 v33, v1;
	v35 =	vmul.f32 v34, v2  }
0x289: {  	[tilespmem:$0x1F9D0] =	vst v49;
	v49 =	vld [tilespmem:s2+$0xFC30]  }
0x28a: {  	v27 =	vadd.f32 v35, v33;
	v33 =	vmul.f32 v0, v7;
	v0 =	vld [tilespmem:$0x1F9D0];
	_ =	sdelay $0x2  }
0x28b: {  	v44 =	vld [tilespmem:s2+$0xFBB0]  }
0x28c: {  	[tilespmem:$0x1F9E0] =	vst v49;
	v49 =	vld [tilespmem:s2+$0xFC40]  }
0x28d: {  	v34 =	vmul.f32 v0, v4;
	v0 =	vld [tilespmem:$0x1F9E0]  }
0x28e: {  	v30 =	vld [tilespmem:s2+$0xFB10]  }
0x28f: {  	v32 =	vld [tilespmem:s2+$0xFB30];
	_ =	sdelay $0x1  }
0x290: {  	[tilespmem:$0x1F9F0] =	vst v49;
	v49 =	vld [tilespmem:s2+$0xFC50]  }
0x291: {  	v37 =	vmul.f32 v44, v5;
	v44 =	vadd.f32 v36, v31;
	v36 =	vmul.f32 v0, v5;
	v0 =	vld [tilespmem:$0x1F9F0];
	_ =	sdelay $0x1  }
0x292: {  	v32 =	vmul.f32 v32, v5;
	v25 =	vmul.f32 v30, v7;
	_ =	sdelay $0x1  }
0x293: {  	v10 =	vadd.f32 v32, v26;
	v11 =	vadd.f32 v25, v24;
	[tilespmem:$0x1FA00] =	vst v49;
	v49 =	vld [tilespmem:s2+$0xFC60]  }
0x294: {  	v8 =	vadd.f32 v37, v8;
	v37 =	vmul.f32 v0, v1;
	v0 =	vld [tilespmem:$0x1FA00]  }
0x295: {  	v30 =	vadd.f32 v29, v27;
	v10 =	vadd.f32 v10, v11;
	_ =	sdelay $0x1  }
0x296: {  	v10 =	vadd.f32 v30, v10  }
0x297: {  	[tilespmem:$0x1FA10] =	vst v49;
	v49 =	vld [tilespmem:s2+$0xFC70]  }
0x298: {  	[tilespmem:$0x1FC70] =	vst v10;
	v10 =	vadd.f32 v41, v40;
	v40 =	vmul.f32 v0, v2;
	v0 =	vld [tilespmem:$0x1FA10];
	_ =	sdelay $0x3  }
0x299: {  	[tilespmem:$0x1FA20] =	vst v49;
	v49 =	vld [tilespmem:s2+$0xFC80]  }
0x29a: {  	v41 =	vmul.f32 v0, v63;
	v0 =	vld [tilespmem:$0x1FA20];
	_ =	sdelay $0x3  }
0x29b: {  	[tilespmem:$0x1FA30] =	vst v49;
	v49 =	vld [tilespmem:s2+$0xFC90]  }
0x29c: {  	v8 =	vadd.f32 v8, v44;
	v44 =	vmul.f32 v0, v3;
	v0 =	vld [tilespmem:$0x1FA30];
	_ =	sdelay $0x3  }
0x29d: {  	[tilespmem:$0x1FA40] =	vst v49  }
0x29e: {  	v13 =	vadd.f32 v33, v62;
	v62 =	vmul.f32 v0, v6;
	v0 =	vld [tilespmem:$0x1FA40]  }
0x29f: {  	v24 =	vadd.f32 v47, v45;
	v49 =	vld [tilespmem:s2+$0xFCA0];
	_ =	sdelay $0x1  }
0x2a0: {  	v10 =	vadd.f32 v24, v10;
	_ =	sdelay $0x1  }
0x2a1: {  	v19 =	vadd.f32 v36, v34;
	v36 =	vmul.f32 v0, v7;
	v0 =	vadd.f32 v10, v8  }
0x2a2: {  	[tilespmem:$0x1FA50] =	vst v49;
	v49 =	vld [tilespmem:s2+$0xFCB0]  }
0x2a3: {  	[tilespmem:$0x1FC80] =	vst v0;
	v0 =	vld [tilespmem:$0x1FA50];
	_ =	sdelay $0x3  }
0x2a4: {  	[tilespmem:$0x1FA60] =	vst v49  }
0x2a5: {  	v8 =	vmul.f32 v0, v4;
	v0 =	vld [tilespmem:$0x1FA60]  }
0x2a6: {  	v49 =	vld [tilespmem:s2+$0xFCC0];
	v45 =	vadd.f32 v40, v37;
	v21 =	vadd.f32 v44, v41;
	_ =	sdelay $0x1  }
0x2a7: {  	v13 =	vadd.f32 v19, v13;
	v47 =	vadd.f32 v21, v45;
	_ =	sdelay $0x1  }
0x2a8: {  	v37 =	vmul.f32 v0, v5;
	v0 =	vadd.f32 v47, v13  }
0x2a9: {  	[tilespmem:$0x1FA70] =	vst v49;
	v49 =	vld [tilespmem:s2+$0xFCD0]  }
0x2aa: {  	[tilespmem:$0x1FC90] =	vst v0;
	v0 =	vld [tilespmem:$0x1FA70];
	_ =	sdelay $0x3  }
0x2ab: {  	[tilespmem:$0x1FA80] =	vst v49;
	v49 =	vld [tilespmem:s2+$0xFCE0]  }
0x2ac: {  	v40 =	vmul.f32 v0, v1;
	v0 =	vld [tilespmem:$0x1FA80];
	_ =	sdelay $0x2  }
0x2ad: {  	v59 =	vld [tilespmem:s2+$0xF970]  }
0x2ae: {  	[tilespmem:$0x1FA90] =	vst v49;
	v49 =	vld [tilespmem:s2+$0xFCF0]  }
0x2af: {  	v41 =	vmul.f32 v0, v2;
	v0 =	vld [tilespmem:$0x1FA90]  }
0x2b0: {  	v15 =	vld [tilespmem:s2+$0xFFA0]  }
0x2b1: {  	v38 =	vld [tilespmem:s2+$0xFE00]  }
0x2b2: {  	v16 =	vld [tilespmem:s2+$0xFF60]  }
0x2b3: {  	v59 =	vmul.f32 v59, v3;
	[tilespmem:$0x1FAA0] =	vst v49;
	v49 =	vld [tilespmem:s2+$0xFD00]  }
0x2b4: {  	v31 =	vmul.f32 v0, v63;
	v0 =	vld [tilespmem:$0x1FAA0]  }
0x2b5: {  	v59 =	vadd.f32 v59, v42;
	v42 =	vld [tilespmem:s2+$0xFDF0]  }
0x2b6: {  	v46 =	vld [tilespmem:s2+$0xFE10]  }
0x2b7: {  	v51 =	vld [tilespmem:s2+$0xFEA0]  }
0x2b8: {  	[tilespmem:$0x1FAB0] =	vst v49;
	v49 =	vld [tilespmem:s2+$0xFD10]  }
0x2b9: {  	v33 =	vmul.f32 v0, v3;
	v0 =	vld [tilespmem:$0x1FAB0]  }
0x2ba: {  	v57 =	vld [tilespmem:s2+$0xFDC0]  }
0x2bb: {  	v55 =	vld [tilespmem:s2+$0xFE50]  }
0x2bc: {  	v28 =	vld [tilespmem:s2+$0xFF10]  }
0x2bd: {  	[tilespmem:$0x1FAC0] =	vst v49;
	v49 =	vld [tilespmem:s2+$0xFD20]  }
0x2be: {  	v34 =	vmul.f32 v0, v6;
	v0 =	vld [tilespmem:$0x1FAC0]  }
0x2bf: {  	v48 =	vld [tilespmem:s2+$0xFE20]  }
0x2c0: {  	v50 =	vadd.f32 v59, v50;
	v59 =	vld [tilespmem:s2+$0xFE70]  }
0x2c1: {  	v60 =	vld [tilespmem:s2+$0xFE80]  }
0x2c2: {  	[tilespmem:$0x1FAD0] =	vst v49;
	v49 =	vld [tilespmem:s2+$0xFD30]  }
0x2c3: {  	v21 =	vadd.f32 v36, v62;
	v36 =	vmul.f32 v0, v7;
	v0 =	vld [tilespmem:$0x1FAD0]  }
0x2c4: {  	v53 =	vld [tilespmem:s2+$0xFE90]  }
0x2c5: {  	v54 =	vld [tilespmem:s2+$0xFF00]  }
0x2c6: {  	v35 =	vld [tilespmem:s2+$0xFF80]  }
0x2c7: {  	[tilespmem:$0x1FAE0] =	vst v49;
	v49 =	vld [tilespmem:s2+$0xFD40]  }
0x2c8: {  	v32 =	vadd.f32 v37, v8;
	v37 =	vadd.f32 v41, v40;
	v40 =	vmul.f32 v0, v4;
	v0 =	vld [tilespmem:$0x1FAE0]  }
0x2c9: {  	v22 =	vld [tilespmem:s2+$0xFF90]  }
0x2ca: {  	v23 =	vld [tilespmem:s2+$0x10000]  }
0x2cb: {  	[tilespmem:$0x1FB60] =	vst v57;
	v57 =	vld [tilespmem:s2+$0xFDD0]  }
0x2cc: {  	[tilespmem:$0x1FAF0] =	vst v49;
	v49 =	vld [tilespmem:s2+$0xFD50]  }
0x2cd: {  	v62 =	vmul.f32 v0, v5;
	v0 =	vld [tilespmem:$0x1FAF0]  }
0x2ce: {  	v50 =	vadd.f32 v50, v52;
	v52 =	vld [tilespmem:s2+$0xFE40]  }
0x2cf: {  	v61 =	vld [tilespmem:s2+$0xFEE0]  }
0x2d0: {  	v17 =	vld [tilespmem:s2+$0xFFB0]  }
0x2d1: {  	v38 =	vmul.f32 v38, v6;
	[tilespmem:$0x1FB00] =	vst v49;
	v49 =	vld [tilespmem:s2+$0xFD60]  }
0x2d2: {  	v46 =	vmul.f32 v46, v7;
	v31 =	vadd.f32 v33, v31;
	v33 =	vmul.f32 v0, v1;
	v0 =	vld [tilespmem:$0x1FB00]  }
0x2d3: {  	v18 =	vld [tilespmem:s2+$0xFFC0]  }
0x2d4: {  	v46 =	vadd.f32 v46, v38;
	v38 =	vld [tilespmem:s2+$0x101D0]  }
0x2d5: {  	[tilespmem:$0x1FC30] =	vst v50;
	v50 =	vld [tilespmem:s2+$0xFE30]  }
0x2d6: {  	[tilespmem:$0x1FB10] =	vst v49;
	v49 =	vld [tilespmem:s2+$0xFD70]  }
0x2d7: {  	v44 =	vmul.f32 v0, v2;
	v0 =	vld [tilespmem:$0x1FB10]  }
0x2d8: {  	v56 =	vld [tilespmem:s2+$0xFEB0]  }
0x2d9: {  	v58 =	vld [tilespmem:s2+$0xFEC0]  }
0x2da: {  	v39 =	vld [tilespmem:s2+$0xFEF0]  }
0x2db: {  	v43 =	vld [tilespmem:s2+$0xFF20];
	[tilespmem:$0x1FB20] =	vst v49  }
0x2dc: {  	v47 =	vmul.f32 v0, v63;
	v0 =	vld [tilespmem:$0x1FB20]  }
0x2dd: {  	[tilespmem:$0x1FB90] =	vst v60;
	v60 =	vld [tilespmem:s2+$0xFED0]  }
0x2de: {  	[tilespmem:$0x1FB70] =	vst v57;
	v57 =	vld [tilespmem:s2+$0xFE60]  }
0x2df: {  	v14 =	vld [tilespmem:s2+$0xFFE0]  }
0x2e0: {  	v49 =	vld [tilespmem:s2+$0xFD80]  }
0x2e1: {  	v26 =	vld [tilespmem:s2+$0xFF40];
	v0 =	vmul.f32 v0, v3  }
0x2e2: {  	v27 =	vld [tilespmem:s2+$0x10010];
	v34 =	vadd.f32 v36, v34;
	v62 =	vadd.f32 v62, v40  }
0x2e3: {  	v29 =	vld [tilespmem:s2+$0x10030];
	v44 =	vadd.f32 v44, v33;
	v0 =	vadd.f32 v0, v47  }
0x2e4: {  	v20 =	vld [tilespmem:s2+$0xFF30];
	v31 =	vadd.f32 v31, v37  }
0x2e5: {  	[tilespmem:$0x1FB30] =	vst v49;
	v49 =	vld [tilespmem:s2+$0xFD90];
	v37 =	vadd.f32 v62, v34;
	v0 =	vadd.f32 v0, v44  }
0x2e6: {  	v48 =	vmul.f32 v48, v4;
	v50 =	vmul.f32 v50, v5;
	v47 =	vld [tilespmem:$0x1FB30]  }
0x2e7: {  	v25 =	vld [tilespmem:s2+$0xFFD0];
	v0 =	vadd.f32 v0, v37  }
0x2e8: {  	v48 =	vadd.f32 v50, v48;
	v50 =	vld [tilespmem:s2+$0x10200]  }
0x2e9: {  	[tilespmem:$0x1FCB0] =	vst v0;
	v0 =	vld [tilespmem:$0x1FB60]  }
0x2ea: {  	v15 =	vmul.f32 v15, v4;
	v42 =	vmul.f32 v42, v3;
	v12 =	vld [tilespmem:s2+$0xFF50]  }
0x2eb: {  	v41 =	vld [tilespmem:$0x1FB40];
	v49 =	vmul.f32 v49, v7;
	v62 =	vmul.f32 v47, v6  }
0x2ec: {  	v59 =	vmul.f32 v59, v3;
	v17 =	vmul.f32 v17, v5;
	v44 =	vld [tilespmem:$0x1FB50]  }
0x2ed: {  	v43 =	vmul.f32 v43, v4;
	v32 =	vadd.f32 v32, v21;
	v47 =	vadd.f32 v49, v62;
	v62 =	vld [tilespmem:$0x1FB80]  }
0x2ee: {  	v15 =	vadd.f32 v17, v15;
	v17 =	vmul.f32 v23, v6;
	v37 =	vmul.f32 v0, v1;
	v0 =	vld [tilespmem:$0x1FB70]  }
0x2ef: {  	v9 =	vld [tilespmem:s2+$0xFF70];
	v26 =	vmul.f32 v26, v1;
	v23 =	vmul.f32 v27, v7;
	v31 =	vadd.f32 v31, v32  }
0x2f0: {  	v11 =	vld [tilespmem:s2+$0xFFF0];
	v46 =	vadd.f32 v48, v46;
	v20 =	vmul.f32 v20, v5;
	v12 =	vmul.f32 v12, v2  }
0x2f1: {  	v48 =	vld [tilespmem:s2+$0x101F0];
	v17 =	vadd.f32 v23, v17;
	v32 =	vmul.f32 v41, v4;
	[tilespmem:$0x1FCA0] =	vst v31;
	v31 =	vmul.f32 v44, v5  }
0x2f2: {  	v27 =	vld [tilespmem:s2+$0x102F0];
	v20 =	vadd.f32 v20, v43;
	v26 =	vadd.f32 v12, v26;
	v62 =	vmul.f32 v62, v63  }
0x2f3: {  	v30 =	vld [tilespmem:s2+$0x10040];
	v41 =	vmul.f32 v57, v63;
	v31 =	vadd.f32 v31, v32;
	v0 =	vmul.f32 v0, v2  }
0x2f4: {  	v23 =	vld [tilespmem:s2+$0x10330];
	v62 =	vadd.f32 v42, v62;
	v42 =	vmul.f32 v52, v1;
	v52 =	vmul.f32 v55, v2  }
0x2f5: {  	v14 =	vmul.f32 v14, v63;
	v43 =	vld [tilespmem:s2+$0x102C0];
	v31 =	vadd.f32 v31, v47;
	v0 =	vadd.f32 v0, v37  }
0x2f6: {  	v11 =	vmul.f32 v11, v3;
	v12 =	vld [tilespmem:s2+$0x10290];
	v47 =	vadd.f32 v59, v41;
	v52 =	vadd.f32 v52, v42  }
0x2f7: {  	v0 =	vadd.f32 v62, v0;
	v62 =	vld [tilespmem:$0x1FB90]  }
0x2f8: {  	v11 =	vadd.f32 v11, v14;
	v14 =	vld [tilespmem:s2+$0x10340];
	v52 =	vadd.f32 v47, v52  }
0x2f9: {  	v16 =	vmul.f32 v16, v63;
	v54 =	vmul.f32 v54, v6;
	v24 =	vld [tilespmem:s2+$0x10020]  }
0x2fa: {  	v56 =	vmul.f32 v56, v5;
	v19 =	vld [tilespmem:s2+$0x10110];
	v41 =	vadd.f32 v52, v46;
	v46 =	vmul.f32 v58, v1  }
0x2fb: {  	v36 =	vld [tilespmem:s2+$0x10150];
	v52 =	vmul.f32 v60, v2;
	v47 =	vadd.f32 v0, v31;
	v0 =	vmul.f32 v51, v4  }
0x2fc: {  	v34 =	vld [tilespmem:s2+$0x10140];
	v59 =	vmul.f32 v62, v6;
	v62 =	vmul.f32 v53, v7  }
0x2fd: {  	v45 =	vld [tilespmem:s2+$0x10060];
	v60 =	vmul.f32 v39, v3;
	v31 =	vmul.f32 v9, v3;
	v0 =	vadd.f32 v56, v0  }
0x2fe: {  	v10 =	vld [tilespmem:s2+$0x10050];
	v56 =	vmul.f32 v28, v7;
	v58 =	vadd.f32 v62, v59;
	v59 =	vmul.f32 v61, v63  }
0x2ff: {  	v13 =	vld [tilespmem:s2+$0x10100];
	v46 =	vadd.f32 v52, v46;
	v16 =	vadd.f32 v31, v16  }
0x300: {  	v8 =	vld [tilespmem:s2+$0x10070];
	v36 =	vmul.f32 v36, v2;
	v54 =	vadd.f32 v56, v54;
	v59 =	vadd.f32 v60, v59  }
0x301: {  	v21 =	vld [tilespmem:s2+$0x10120];
	v34 =	vmul.f32 v34, v1;
	v16 =	vadd.f32 v16, v26;
	v0 =	vadd.f32 v0, v58  }
0x302: {  	v57 =	vld [tilespmem:s2+$0x101C0];
	v58 =	vadd.f32 v20, v54;
	v31 =	vadd.f32 v59, v46  }
0x303: {  	v40 =	vld [tilespmem:s2+$0x10160];
	v36 =	vadd.f32 v36, v34;
	v56 =	vmul.f32 v18, v1;
	v62 =	vmul.f32 v22, v7  }
0x304: {  	v34 =	vld [tilespmem:s2+$0x103F0];
	v22 =	vadd.f32 v31, v0;
	v31 =	vadd.f32 v16, v58;
	v58 =	vmul.f32 v25, v2  }
0x305: {  	v10 =	vmul.f32 v10, v2;
	v8 =	vmul.f32 v8, v3;
	v0 =	vld [tilespmem:$0x1FBA0]  }
0x306: {  	v33 =	vld [tilespmem:s2+$0x10130];
	v16 =	vadd.f32 v58, v56;
	v56 =	vmul.f32 v30, v1;
	v58 =	vmul.f32 v45, v63  }
0x307: {  	v44 =	vld [tilespmem:s2+$0x10170]  }
0x308: {  	v49 =	vld [tilespmem:s2+$0x10180];
	v10 =	vadd.f32 v10, v56;
	v8 =	vadd.f32 v8, v58  }
0x309: {  	v32 =	vld [tilespmem:s2+$0x10190]  }
0x30a: {  	v8 =	vadd.f32 v8, v10;
	v10 =	vmul.f32 v0, v6;
	v0 =	vld [tilespmem:$0x1FBB0]  }
0x30b: {  	v55 =	vld [tilespmem:s2+$0x101B0];
	v59 =	vmul.f32 v35, v6  }
0x30c: {  	v42 =	vld [tilespmem:s2+$0x101E0]  }
0x30d: {  	v37 =	vld [tilespmem:s2+$0x101A0];
	v26 =	vadd.f32 v62, v59;
	v59 =	vmul.f32 v24, v4;
	v62 =	vmul.f32 v29, v5  }
0x30e: {  	v39 =	vld [tilespmem:s2+$0x10230]  }
0x30f: {  	v18 =	vadd.f32 v62, v59;
	v62 =	vmul.f32 v0, v7;
	v0 =	vld [tilespmem:$0x1FBC0]  }
0x310: {  	v51 =	vld [tilespmem:s2+$0x10210]  }
0x311: {  	v52 =	vld [tilespmem:s2+$0x10250]  }
0x312: {  	v9 =	vld [tilespmem:s2+$0x10280];
	v15 =	vadd.f32 v15, v26;
	v11 =	vadd.f32 v11, v16  }
0x313: {  	v28 =	vld [tilespmem:s2+$0x10240]  }
0x314: {  	v59 =	vadd.f32 v18, v17;
	v18 =	vadd.f32 v11, v15;
	v11 =	vmul.f32 v0, v4;
	v0 =	vld [tilespmem:$0x1FBD0]  }
0x315: {  	v48 =	vmul.f32 v48, v3;
	v42 =	vmul.f32 v42, v63;
	v53 =	vld [tilespmem:s2+$0x10220]  }
0x316: {  	v61 =	vld [tilespmem:s2+$0x10270]  }
0x317: {  	v42 =	vadd.f32 v48, v42;
	v48 =	vmul.f32 v52, v2;
	v52 =	vld [tilespmem:s2+$0x10470]  }
0x318: {  	v60 =	vld [tilespmem:s2+$0x10260]  }
0x319: {  	v15 =	vmul.f32 v0, v5;
	v0 =	vld [tilespmem:$0x1FBE0]  }
0x31a: {  	v20 =	vld [tilespmem:s2+$0x102A0]  }
0x31b: {  	v54 =	vld [tilespmem:s2+$0x102B0]  }
0x31c: {  	v35 =	vld [tilespmem:s2+$0x102E0]  }
0x31d: {  	v28 =	vmul.f32 v28, v1;
	v46 =	vld [tilespmem:s2+$0x10370]  }
0x31e: {  	v16 =	vadd.f32 v8, v59;
	v8 =	vmul.f32 v0, v1;
	v0 =	vld [tilespmem:$0x1FBF0]  }
0x31f: {  	v28 =	vadd.f32 v48, v28;
	v48 =	vld [tilespmem:s2+$0x104A0]  }
0x320: {  	v25 =	vld [tilespmem:s2+$0x102D0]  }
0x321: {  	v29 =	vld [tilespmem:s2+$0x10300]  }
0x322: {  	v30 =	vld [tilespmem:s2+$0x10310]  }
0x323: {  	v56 =	vmul.f32 v0, v2;
	v0 =	vld [tilespmem:$0x1FC00]  }
0x324: {  	v45 =	vld [tilespmem:s2+$0x10320]  }
0x325: {  	v26 =	vld [tilespmem:s2+$0x10360]  }
0x326: {  	v17 =	vld [tilespmem:s2+$0x10350]  }
0x327: {  	v27 =	vmul.f32 v27, v3;
	v35 =	vmul.f32 v35, v63;
	v58 =	vld [tilespmem:s2+$0x10380]  }
0x328: {  	v24 =	vmul.f32 v0, v63;
	v0 =	vld [tilespmem:$0x1FC10]  }
0x329: {  	v13 =	vmul.f32 v13, v6;
	v27 =	vadd.f32 v27, v35;
	v35 =	vld [tilespmem:s2+$0x10520]  }
0x32a: {  	v10 =	vadd.f32 v62, v10;
	v62 =	vld [tilespmem:s2+$0x10390];
	v11 =	vadd.f32 v15, v11;
	v15 =	vmul.f32 v19, v7  }
0x32b: {  	v19 =	vmul.f32 v21, v4;
	v21 =	vmul.f32 v33, v5;
	v33 =	vld [tilespmem:s2+$0x103B0]  }
0x32c: {  	v10 =	vadd.f32 v11, v10;
	v11 =	vmul.f32 v40, v63;
	v40 =	vmul.f32 v44, v3;
	v44 =	vld [tilespmem:s2+$0x103D0]  }
0x32d: {  	v13 =	vadd.f32 v15, v13;
	v15 =	vld [tilespmem:s2+$0x10400];
	v59 =	vmul.f32 v0, v3  }
0x32e: {  	v11 =	vadd.f32 v40, v11;
	v40 =	vld [tilespmem:s2+$0x10420]  }
0x32f: {  	v8 =	vadd.f32 v56, v8;
	v56 =	vld [tilespmem:s2+$0x103C0];
	v24 =	vadd.f32 v59, v24  }
0x330: {  	v32 =	vmul.f32 v32, v7;
	v0 =	vld [tilespmem:s2+$0x103A0];
	v59 =	vadd.f32 v21, v19  }
0x331: {  	v9 =	vmul.f32 v9, v6;
	v21 =	vld [tilespmem:s2+$0x103E0];
	v19 =	vadd.f32 v11, v36;
	v8 =	vadd.f32 v24, v8  }
0x332: {  	v36 =	vld [tilespmem:s2+$0x10410];
	v13 =	vadd.f32 v59, v13;
	v24 =	vmul.f32 v49, v6;
	v59 =	vmul.f32 v57, v1  }
0x333: {  	v49 =	vmul.f32 v51, v7;
	v51 =	vld [tilespmem:s2+$0x10460];
	v11 =	vadd.f32 v8, v10;
	v8 =	vmul.f32 v37, v4  }
0x334: {  	v37 =	vmul.f32 v55, v5;
	v55 =	vmul.f32 v38, v2;
	v38 =	vld [tilespmem:s2+$0x10430]  }
0x335: {  	v57 =	vmul.f32 v60, v63;
	v60 =	vmul.f32 v12, v7;
	v24 =	vadd.f32 v32, v24;
	v32 =	vld [tilespmem:s2+$0x10440]  }
0x336: {  	v10 =	vadd.f32 v19, v13;
	v19 =	vmul.f32 v53, v4;
	v53 =	vmul.f32 v43, v1;
	v43 =	vld [tilespmem:s2+$0x10510]  }
0x337: {  	v9 =	vadd.f32 v60, v9;
	v60 =	vmul.f32 v45, v4;
	v45 =	vld [tilespmem:s2+$0x10530]  }
0x338: {  	v39 =	vmul.f32 v39, v5;
	v8 =	vadd.f32 v37, v8;
	v37 =	vmul.f32 v50, v6;
	v50 =	vld [tilespmem:s2+$0x10450]  }
0x339: {  	v13 =	vadd.f32 v55, v59;
	v55 =	vld [tilespmem:s2+$0x10480]  }
0x33a: {  	v23 =	vmul.f32 v23, v5;
	v59 =	vmul.f32 v61, v3;
	v19 =	vadd.f32 v39, v19;
	v39 =	vld [tilespmem:s2+$0x10490]  }
0x33b: {  	v61 =	vmul.f32 v54, v5;
	v54 =	vmul.f32 v25, v2;
	v25 =	vld [tilespmem:s2+$0x104E0]  }
0x33c: {  	v23 =	vadd.f32 v23, v60;
	v60 =	vld [tilespmem:$0x1FC40]  }
0x33d: {  	v13 =	vadd.f32 v42, v13;
	v42 =	vld [tilespmem:s2+$0x104C0]  }
0x33e: {  	v37 =	vadd.f32 v49, v37;
	v49 =	vld [tilespmem:s2+$0x104D0]  }
0x33f: {  	v8 =	vadd.f32 v8, v24;
	v24 =	vadd.f32 v59, v57;
	v59 =	vmul.f32 v30, v7;
	v30 =	vld [tilespmem:s2+$0x10500]  }
0x340: {  	v57 =	vmul.f32 v29, v6;
	v29 =	vld [tilespmem:s2+$0x10570]  }
0x341: {  	v19 =	vadd.f32 v19, v37;
	v37 =	vld [tilespmem:s2+$0x104B0]  }
0x342: {  	v24 =	vadd.f32 v24, v28;
	v28 =	vld [tilespmem:s2+$0x104F0]  }
0x343: {  	v13 =	vadd.f32 v13, v8;
	v8 =	vmul.f32 v20, v4;
	v20 =	vadd.f32 v59, v57;
	v57 =	vld [tilespmem:$0x1FC30]  }
0x344: {  	v12 =	vadd.f32 v24, v19;
	v24 =	vld [tilespmem:s2+$0x10540]  }
0x345: {  	v19 =	vadd.f32 v54, v53;
	v54 =	vld [tilespmem:$0x1FC20]  }
0x346: {  	v8 =	vadd.f32 v61, v8;
	v61 =	vmul.f32 v26, v63;
	v26 =	vld [tilespmem:s2+$0x10550]  }
0x347: {  	v14 =	vmul.f32 v14, v1;
	v34 =	vmul.f32 v34, v3;
	v20 =	vadd.f32 v23, v20;
	v23 =	vld [tilespmem:s2+$0x10560]  }
0x348: {  	v17 =	vmul.f32 v17, v2;
	v53 =	vmul.f32 v46, v3;
	v46 =	vld [tilespmem:s2+$0x105D0]  }
0x349: {  	v21 =	vmul.f32 v21, v63;
	v8 =	vadd.f32 v8, v9;
	v59 =	vadd.f32 v27, v19;
	v27 =	vld [tilespmem:s2+$0x105A0]  }
0x34a: {  	v9 =	vadd.f32 v53, v61;
	v53 =	vmul.f32 v56, v1;
	v56 =	vmul.f32 v36, v7;
	v36 =	vld [tilespmem:s2+$0x105B0]  }
0x34b: {  	v14 =	vadd.f32 v17, v14;
	v61 =	vmul.f32 v58, v6;
	v58 =	vmul.f32 v50, v2;
	v50 =	vld [tilespmem:s2+$0x10600]  }
0x34c: {  	v32 =	vmul.f32 v32, v1;
	v19 =	vadd.f32 v59, v8;
	v8 =	vmul.f32 v33, v5;
	v33 =	vld [tilespmem:s2+$0x10580]  }
0x34d: {  	v62 =	vmul.f32 v62, v7;
	v21 =	vadd.f32 v34, v21;
	v59 =	vmul.f32 v51, v63;
	v51 =	vld [tilespmem:s2+$0x105E0]  }
0x34e: {  	v0 =	vmul.f32 v0, v4;
	v9 =	vadd.f32 v9, v14;
	v32 =	vadd.f32 v58, v32;
	v58 =	vld [tilespmem:$0x1FC60]  }
0x34f: {  	v38 =	vmul.f32 v38, v5;
	v14 =	vadd.f32 v62, v61;
	(xrf2) =	vadd.scan.msk.f32 $0xffff, v54;
	v54 =	vmul.f32 v44, v2;
	v44 =	vld [tilespmem:s2+$0x10590]  }
0x350: {  	(xrf2) =	vadd.scan.msk.f32 $0xffff, v57;
	v17 =	vadd.f32 v9, v20;
	v0 =	vadd.f32 v8, v0;
	v57 =	vmul.f32 v40, v4;
	v40 =	vld [tilespmem:s2+$0x105C0]  }
0x351: {  	v8 =	vmul.f32 v15, v6;
	(xrf2) =	vadd.scan.msk.f32 $0xffff, v60;
	v9 =	vadd.f32 v54, v53;
	v60 =	vmul.f32 v52, v3;
	v52 =	vld [tilespmem:s2+$0x10610]  }
0x352: {  	v0 =	vadd.f32 v0, v14;
	v20 =	vadd.f32 v38, v57;
	v38 =	vld [tilespmem:s2+$0x105F0]  }
0x353: {  	v8 =	vadd.f32 v56, v8;
	v56 =	vld [tilespmem:$0x1FC50];
	v14 =	vadd.f32 v60, v59  }
0x354: {  	v9 =	vadd.f32 v21, v9;
	v59 =	vmul.f32 v39, v7;
	v39 =	vld [tilespmem:s2+$0x10630]  }
0x355: {  	v60 =	vmul.f32 v37, v5;
	v37 =	vld [tilespmem:s2+$0x10640];
	v8 =	vadd.f32 v20, v8;
	v14 =	vadd.f32 v14, v32  }
0x356: {  	v32 =	vld [tilespmem:s2+$0x10620]  }
0x357: {  	v21 =	vadd.f32 v9, v0;
	v0 =	vmul.f32 v55, v6;
	v20 =	vadd.f32 v14, v8;
	v14 =	vld [tilespmem:s2+$0x10660]  }
0x358: {  	(xrf2) =	vadd.scan.msk.f32 $0xffff, v56;
	v56 =	vmul.f32 v43, v7;
	v43 =	vld [tilespmem:s2+$0x10670]  }
0x359: {  	v42 =	vmul.f32 v42, v1;
	v0 =	vadd.f32 v59, v0;
	v59 =	vmul.f32 v26, v2;
	v26 =	vld [tilespmem:s2+$0x10690]  }
0x35a: {  	v30 =	vmul.f32 v30, v6;
	v8 =	vmul.f32 v48, v4;
	v48 =	vld [tilespmem:$0x1FC70]  }
0x35b: {  	v23 =	vmul.f32 v23, v63;
	(xrf2) =	vadd.scan.msk.f32 $0xffff, v58;
	v58 =	vmul.f32 v45, v5;
	v45 =	vld [tilespmem:s2+$0x10680]  }
0x35c: {  	v54 =	vmul.f32 v28, v3;
	v61, _, _ =	vpop (xrf2);
	v8 =	vadd.f32 v60, v8;
	v60 =	vmul.f32 v29, v3;
	v29 =	vld [tilespmem:s2+$0x106A0]  }
0x35d: {  	v62, _, _ =	vpop (xrf2);
	v15 =	vbroadcast v61, $0xF;
	v61 =	vmul.f32 v49, v2;
	v49 =	vld [tilespmem:s2+$0x10650]  }
0x35e: {  	v34 =	vbroadcast v62, $0xF;
	v0 =	vadd.f32 v8, v0;
	v8 =	vmul.f32 v24, v1;
	v24 =	vld [tilespmem:s2+$0x106C0]  }
0x35f: {  	v57, _, _ =	vpop (xrf2);
	v62 =	vmul.f32 v25, v63;
	v23 =	vadd.f32 v60, v23;
	v60 =	vmul.f32 v32, v4;
	v32 =	vld [tilespmem:s2+$0x10760]  }
0x360: {  	v53 =	vbroadcast v57, $0xF;
	v57 =	vmul.f32 v35, v4;
	v35 =	vld [tilespmem:s2+$0x106B0]  }
0x361: {  	v9 =	vadd.f32 v54, v62;
	v15 =	vsel vm0, v15, v34;
	v54 =	vmul.f32 v44, v7;
	v44 =	vld [tilespmem:s2+$0x106E0]  }
0x362: {  	v55 =	vadd.f32 v61, v42;
	v42 =	vsel vm1, v15, v53;
	v53 =	vmul.f32 v33, v6;
	v33 =	vld [tilespmem:s2+$0x10710]  }
0x363: {  	v30 =	vadd.f32 v56, v30;
	v25 =	vadd.f32 v58, v57;
	v58 =	vmul.f32 v50, v6;
	v50 =	vld [tilespmem:s2+$0x10720]  }
0x364: {  	v8 =	vadd.f32 v59, v8;
	v9 =	vadd.f32 v9, v55;
	v55 =	vmul.f32 v36, v5;
	v36 =	vld [tilespmem:s2+$0x106F0]  }
0x365: {  	v38 =	vmul.f32 v38, v3;
	v37 =	vmul.f32 v37, v1;
	v25 =	vadd.f32 v25, v30;
	v30 =	vld [tilespmem:s2+$0x106D0]  }
0x366: {  	v57 =	vmul.f32 v51, v63;
	v8 =	vadd.f32 v23, v8;
	v23 =	vadd.f32 v54, v53;
	v53 =	vld [tilespmem:s2+$0x10750]  }
0x367: {  	v56 =	vmul.f32 v46, v2;
	v59 =	vmul.f32 v52, v7;
	v54 =	vld [tilespmem:$0x1FC80]  }
0x368: {  	v14 =	vmul.f32 v14, v63;
	v26 =	vmul.f32 v26, v7;
	v38 =	vadd.f32 v38, v57;
	v57 =	vld [tilespmem:$0x1FC90]  }
0x369: {  	(xrf2) =	vadd.scan.msk.f32 $0xffff, v48;
	v15 =	vadd.f32 v9, v0;
	v0 =	vmul.f32 v27, v4;
	v27 =	vadd.f32 v59, v58;
	v59 =	vld [tilespmem:$0x1FCA0]  }
0x36a: {  	v52 =	vmul.f32 v43, v3;
	v61, _, _ =	vpop (xrf2);
	v9 =	vadd.f32 v8, v25;
	v8 =	vmul.f32 v40, v1;
	v40 =	vld [tilespmem:s2+$0x10700]  }
0x36b: {  	v62, _, _ =	vpop (xrf2);
	v28 =	vbroadcast v61, $0xF;
	v61 =	vmul.f32 v39, v5;
	v39 =	vld [tilespmem:s2+$0x10730]  }
0x36c: {  	v34 =	vbroadcast v62, $0xF;
	v62 =	vmul.f32 v49, v2;
	v49 =	vld [tilespmem:s2+$0x10740]  }
0x36d: {  	v0 =	vadd.f32 v55, v0;
	v25 =	vadd.f32 v61, v60;
	v60 =	vmul.f32 v35, v5;
	v35 =	vld [tilespmem:s2+$0x107A0]  }
0x36e: {  	v14 =	vadd.f32 v52, v14;
	v24 =	vmul.f32 v24, v1;
	v58 =	vmul.f32 v45, v6;
	v61 =	vld [tilespmem:$0x1FCB0]  }
0x36f: {  	v45 =	vmul.f32 v44, v63;
	v8 =	vadd.f32 v56, v8;
	v0 =	vadd.f32 v0, v23;
	(xrf2) =	vadd.scan.msk.f32 $0xffff, v54;
	v23 =	vld [tilespmem:s2+$0x10770]  }
0x370: {  	v28 =	vsel vm2, v42, v28;
	v55 =	vadd.f32 v62, v37;
	v62 =	vmul.f32 v30, v2;
	v30 =	vld [tilespmem:s2+$0x107B0]  }
0x371: {  	v26 =	vadd.f32 v26, v58;
	v36 =	vmul.f32 v36, v3;
	v28 =	vsel vm3, v28, v34;
	v34 =	vld [tilespmem:s2+$0x107C0];
	(xrf2) =	vadd.scan.msk.f32 $0xffff, v57  }
0x372: {  	v33 =	vmul.f32 v33, v7;
	v48 =	vmul.f32 v50, v4;
	v54 =	vld [tilespmem:s2+$0x107F0];
	v8 =	vadd.f32 v38, v8;
	(xrf2) =	vadd.scan.msk.f32 $0xffff, v59  }
0x373: {  	v53 =	vmul.f32 v53, v2;
	v56, _, _ =	vpop (xrf2);
	v25 =	vadd.f32 v25, v27;
	v27 =	vld [tilespmem:s2+$0x10780];
	v51 =	vadd.f32 v36, v45;
	(xrf2) =	vadd.scan.msk.f32 $0xffff, v61  }
0x374: {  	v38 =	vld [tilespmem:s2+$0x10790];
	v37 =	vbroadcast v56, $0xF;
	v14 =	vadd.f32 v14, v55;
	v46 =	vmul.f32 v40, v6;
	(xrf2) =	vadd.scan.msk.f32 $0xffff, v47  }
0x375: {  	v40 =	vld [tilespmem:s2+$0x107D0];
	v50 =	vmul.f32 v39, v5;
	v0 =	vadd.f32 v8, v0;
	v8 =	vmul.f32 v29, v4;
	(xrf2) =	vadd.scan.msk.f32 $0xffff, v41  }
0x376: {  	v39 =	vld [tilespmem:s2+$0x107E0];
	v56 =	vmul.f32 v32, v63;
	v52 =	vmul.f32 v49, v1;
	v14 =	vadd.f32 v14, v25;
	(xrf2) =	vadd.scan.msk.f32 $0xffff, v22  }
0x377: {  	v32 =	vld [tilespmem:s2+$0x10800];
	v57 =	vadd.f32 v33, v46;
	v45 =	vmul.f32 v35, v4;
	v8 =	vadd.f32 v60, v8;
	(xrf2) =	vadd.scan.msk.f32 $0xffff, v31  }
0x378: {  	v25 =	vld [tilespmem:s2+$0x10810];
	v47 =	vadd.f32 v62, v24;
	v23 =	vmul.f32 v23, v3;
	v24 =	vadd.f32 v50, v48;
	(xrf2) =	vadd.scan.msk.f32 $0xffff, v18  }
0x379: {  	v46 =	vld [tilespmem:s2+$0x10850];
	v58 =	vadd.f32 v53, v52;
	v30 =	vmul.f32 v30, v5;
	v48 =	vmul.f32 v34, v1;
	v55, _, _ =	vpop (xrf2);
	(xrf2) =	vadd.scan.msk.f32 $0xffff, v16  }
0x37a: {  	v62 =	vld [tilespmem:s2+$0x10830];
	v53 =	vmul.f32 v54, v3;
	v41 =	vmul.f32 v27, v6;
	v8 =	vadd.f32 v8, v26;
	(xrf2) =	vadd.scan.msk.f32 $0xffff, v11  }
0x37b: {  	v50 =	vld [tilespmem:s2+$0x10860];
	v43 =	vmul.f32 v38, v7;
	v23 =	vadd.f32 v23, v56;
	v61 =	vadd.f32 v51, v47;
	v60, _, _ =	vpop (xrf2);
	(xrf2) =	vadd.scan.msk.f32 $0xffff, v10  }
0x37c: {  	v54 =	vld [tilespmem:s2+$0x10870];
	v49 =	vmul.f32 v40, v2;
	v52 =	vmul.f32 v39, v63;
	v16 =	vadd.f32 v24, v57;
	v24, _, _ =	vpop (xrf2);
	(xrf2) =	vadd.scan.msk.f32 $0xffff, v13  }
0x37d: {  	v44 =	vld [tilespmem:s2+$0x10840];
	v32 =	vmul.f32 v32, v6;
	v8 =	vadd.f32 v61, v8;
	v11 =	vadd.f32 v23, v58;
	v29, _, _ =	vpop (xrf2);
	(xrf2) =	vadd.scan.msk.f32 $0xffff, v12  }
0x37e: {  	v59 =	vld [tilespmem:s2+$0x10820];
	v25 =	vmul.f32 v25, v7;
	v57 =	vadd.f32 v53, v52;
	v13 =	vadd.f32 v43, v41;
	v47, _, _ =	vpop (xrf2);
	(xrf2) =	vadd.scan.msk.f32 $0xffff, v19  }
0x37f: {  	v61 =	vmul.f32 v46, v2;
	v11 =	vadd.f32 v11, v16;
	v16 =	vadd.f32 v49, v48;
	v51, _, _ =	vpop (xrf2);
	(xrf2) =	vadd.scan.msk.f32 $0xffff, v17  }
0x380: {  	v22 =	vmul.f32 v62, v5;
	v18 =	vbroadcast v55, $0xF;
	v10 =	vadd.f32 v30, v45;
	v56, _, _ =	vpop (xrf2);
	(xrf2) =	vadd.scan.msk.f32 $0xffff, v21  }
0x381: {  	v62 =	vadd.f32 v25, v32;
	v32 =	vmul.f32 v50, v63;
	v23 =	vmul.f32 v54, v3;
	v30, _, _ =	vpop (xrf2);
	(xrf2) =	vadd.scan.msk.f32 $0xffff, v20  }
0x382: {  	v55 =	vbroadcast v60, $0xF;
	v60 =	vmul.f32 v44, v1;
	v10 =	vadd.f32 v10, v13;
	v13, _, _ =	vpop (xrf2);
	(xrf2) =	vadd.scan.msk.f32 $0xffff, v15  }
0x383: {  	v58 =	vmul.f32 v59, v4;
	v59 =	vadd.f32 v57, v16;
	v16, _, _ =	vpop (xrf2);
	(xrf2) =	vadd.scan.msk.f32 $0xffff, v9  }
0x384: {  	v36 =	vadd.f32 v23, v32;
	v33 =	vadd.f32 v61, v60;
	v31, _, _ =	vpop (xrf2);
	(xrf2) =	vadd.scan.msk.f32 $0xffff, v0  }
0x385: {  	v0 =	vadd.f32 v22, v58;
	v34, _, _ =	vpop (xrf2);
	(xrf2) =	vadd.scan.msk.f32 $0xffff, v14  }
0x386: {  	v28 =	vsel vm4, v28, v37;
	v41 =	vadd.f32 v36, v33;
	v37, _, _ =	vpop (xrf2);
	(xrf2) =	vadd.scan.msk.f32 $0xffff, v8;
	v8 =	vadd.f32 v59, v10  }
0x387: {  	v35 =	vbroadcast v31, $0xF;
	v20 =	vbroadcast v34, $0xF;
	v0 =	vadd.f32 v0, v62  }
0x388: {  	v39 =	vbroadcast v37, $0xF;
	v40, _, _ =	vpop (xrf2);
	(xrf2) =	vadd.scan.msk.f32 $0xffff, v11  }
0x389: {  	v14 =	vsel vm0, v35, v20;
	v43 =	vbroadcast v40, $0xF;
	v44, _, _ =	vpop (xrf2);
	(xrf2) =	vadd.scan.msk.f32 $0xffff, v8;
	v0 =	vadd.f32 v41, v0  }
0x38a: {  	v18 =	vsel vm5, v28, v18;
	v42 =	vsel vm1, v14, v39;
	v15 =	vbroadcast v44, $0xF;
	v8, _, _ =	vpop (xrf2)  }
0x38b: {  	v38 =	vbroadcast v24, $0xF;
	v11 =	vsel vm2, v42, v43;
	v46, _, _ =	vpop (xrf2);
	v8 =	vbroadcast v8, $0xF  }
0x38c: {  	v12 =	vbroadcast v47, $0xF;
	v11 =	vsel vm3, v11, v15;
	v9 =	vbroadcast v46, $0xF;
	v47, _, _ =	vpop (xrf2)  }
0x38d: {  	v45 =	vbroadcast v29, $0xF;
	(xrf2) =	vadd.scan.msk.f32 $0xffff, v0;
	v0, _, _ =	vpop (xrf2);
	v8 =	vsel vm4, v11, v8;
	v48 =	vbroadcast v47, $0xF  }
0x38e: {  	v17 =	vsel vm6, v18, v55;
	v49, _, _ =	vpop (xrf2);
	v8 =	vsel vm5, v8, v9;
	v0 =	vbroadcast v0, $0xF  }
0x38f: {  	v50 =	vbroadcast v51, $0xF;
	v51, _, _ =	vpop (xrf2);
	v8 =	vsel vm6, v8, v48;
	v53 =	vbroadcast v49, $0xF  }
0x390: {  	v52 =	vbroadcast v56, $0xF;
	v54, _, _ =	vpop (xrf2);
	v0 =	vsel vm7, v8, v0;
	v8 =	vbroadcast v51, $0xF  }
0x391: {  	v10 =	vsel vm7, v17, v38;
	v62 =	vld [tilespmem:$0x1FCC0];
	v55, _, _ =	vpop (xrf2);
	v0 =	vsel vm8, v0, v53;
	v56 =	vbroadcast v54, $0xF  }
0x392: {  	v10 =	vsel vm8, v10, v45;
	v57, _, _ =	vpop (xrf2);
	v0 =	vsel vm9, v0, v8;
	v8 =	vbroadcast v55, $0xF  }
0x393: {  	v58 =	vbroadcast v30, $0xF;
	v10 =	vsel vm9, v10, v12;
	v59, _, _ =	vpop (xrf2);
	v0 =	vsel vm10, v0, v56  }
0x394: {  	v10 =	vsel vm10, v10, v50;
	v0 =	vsel vm11, v0, v8;
	v8 =	vbroadcast v59, $0xF  }
0x395: {  	p0 =	slt.u32 s0, $0x4;
	v13 =	vbroadcast v13, $0xF;
	v10 =	vsel vm11, v10, v52;
	v60 =	vbroadcast v57, $0xF  }
.Ltmp1:
0x396: {  	v10 =	vsel vm12, v10, v58;
	(pc) =	sbr.rel @p0 .LBB2_6-.Ltmp1, $4  }
0x397: {  	v61 =	vsel vm13, v10, v13;
	v0 =	vsel vm12, v0, v60  }
0x398: {  	s25 =	sand.u32 $0x3FFFFFF0, s10;
	v9 =	vsel vm14, v61, v16;
	v0 =	vsel vm13, v0, v8;
	v8, _, _ =	vpop (xrf2)  }
0x399: {  	s31 =	sadd.s32 $0x2, s0;
	[tilespmem:v62+s25+$0x0 ss:$0x1] =	vst.idx.msk $0xffff, v9;
	v0 =	vsel vm14, v0, v8  }
0x39a: {  	s0 =	smov.u32 s31;
	[tilespmem:v62+s5+$0x0 ss:$0x1] =	vst.idx.msk $0xffff, v0  }
0x39b: {  	v0 =	vld [tilespmem:$0x12880]  }
0x39c: {  	v8 =	vld [tilespmem:$0x12890]  }
0x39d: {  	v9 =	vld [tilespmem:$0x128A0]  }
0x39e: {  	v10 =	vld [tilespmem:$0x128B0]  }
0x39f: {  	v11 =	vld [tilespmem:$0x128C0]  }
0x3a0: {  	v12 =	vld [tilespmem:$0x128D0]  }
0x3a1: {  	v13 =	vld [tilespmem:$0x128E0]  }
0x3a2: {  	v14 =	vld [tilespmem:$0x128F0]  }
0x3a3: {  	v15 =	vld [tilespmem:$0x12900]  }
0x3a4: {  	v16 =	vld [tilespmem:$0x12910]  }
0x3a5: {  	v17 =	vld [tilespmem:$0x12920]  }
0x3a6: {  	v18 =	vld [tilespmem:$0x12930]  }
0x3a7: {  	v19 =	vld [tilespmem:$0x12940]  }
0x3a8: {  	v20 =	vld [tilespmem:$0x12950]  }
0x3a9: {  	v21 =	vld [tilespmem:$0x12960]  }
0x3aa: {  	v22 =	vld [tilespmem:$0x12970]  }
0x3ab: {  	v23 =	vld [tilespmem:$0x12980]  }
0x3ac: {  	v24 =	vld [tilespmem:$0x12990]  }
0x3ad: {  	v25 =	vld [tilespmem:$0x129A0]  }
0x3ae: {  	v26 =	vld [tilespmem:$0x129B0]  }
0x3af: {  	v27 =	vld [tilespmem:$0x129C0]  }
0x3b0: {  	v28 =	vld [tilespmem:$0x129D0]  }
0x3b1: {  	v29 =	vld [tilespmem:$0x129E0]  }
0x3b2: {  	v30 =	vld [tilespmem:$0x129F0]  }
0x3b3: {  	v31 =	vld [tilespmem:$0x12A00]  }
0x3b4: {  	v32 =	vld [tilespmem:$0x12A10]  }
0x3b5: {  	v33 =	vld [tilespmem:$0x12A20]  }
0x3b6: {  	v34 =	vld [tilespmem:$0x12A30]  }
0x3b7: {  	v35 =	vld [tilespmem:$0x12A40]  }
0x3b8: {  	v36 =	vld [tilespmem:$0x12A50]  }
0x3b9: {  	v37 =	vld [tilespmem:$0x12A60]  }
0x3ba: {  	v38 =	vld [tilespmem:$0x12A70]  }
0x3bb: {  	v39 =	vld [tilespmem:$0x12A80]  }
0x3bc: {  	v40 =	vld [tilespmem:$0x12A90]  }
0x3bd: {  	v41 =	vld [tilespmem:$0x12AA0]  }
0x3be: {  	v42 =	vld [tilespmem:$0x12AB0]  }
0x3bf: {  	v43 =	vld [tilespmem:$0x12AC0]  }
0x3c0: {  	v44 =	vld [tilespmem:$0x12AD0]  }
0x3c1: {  	v45 =	vld [tilespmem:$0x12AE0]  }
0x3c2: {  	v46 =	vld [tilespmem:$0x12AF0]  }
0x3c3: {  	v47 =	vld [tilespmem:$0x12B00]  }
0x3c4: {  	v48 =	vld [tilespmem:$0x12B10]  }
0x3c5: {  	v49 =	vld [tilespmem:$0x12B20]  }
0x3c6: {  	v50 =	vld [tilespmem:$0x12B30]  }
0x3c7: {  	v51 =	vld [tilespmem:$0x12B40]  }
0x3c8: {  	v52 =	vld [tilespmem:$0x12B50]  }
0x3c9: {  	v53 =	vld [tilespmem:$0x12B60]  }
0x3ca: {  	v54 =	vld [tilespmem:$0x12B70]  }
0x3cb: {  	v55 =	vld [tilespmem:$0x12B80]  }
0x3cc: {  	v56 =	vld [tilespmem:$0x12B90];
	v0 =	vmul.f32 v0, v6  }
0x3cd: {  	v57 =	vld [tilespmem:$0x12BA0];
	v8 =	vmul.f32 v8, v7;
	v9 =	vmul.f32 v9, v4  }
0x3ce: {  	v10 =	vmul.f32 v10, v5;
	v59 =	vmul.f32 v18, v5;
	v18 =	vld [tilespmem:$0x12BC0]  }
0x3cf: {  	v11 =	vmul.f32 v11, v1;
	v61 =	vmul.f32 v20, v2;
	v20 =	vld [tilespmem:$0x12BD0]  }
0x3d0: {  	v12 =	vmul.f32 v12, v2;
	v58 =	vmul.f32 v22, v3;
	v22 =	vld [tilespmem:$0x12BE0]  }
0x3d1: {  	v13 =	vmul.f32 v13, v63;
	v60 =	vmul.f32 v19, v1;
	v19 =	vld [tilespmem:$0x12C10]  }
0x3d2: {  	v14 =	vmul.f32 v14, v3;
	v62 =	vmul.f32 v21, v63;
	v21 =	vld [tilespmem:$0x12C30]  }
0x3d3: {  	v0 =	vadd.f32 v8, v0;
	v8 =	vmul.f32 v15, v6;
	v15 =	vmul.f32 v16, v7;
	v16 =	vld [tilespmem:$0x12BB0]  }
0x3d4: {  	v9 =	vadd.f32 v10, v9;
	v10 =	vmul.f32 v17, v4;
	v11 =	vadd.f32 v12, v11;
	v17 =	vld [tilespmem:$0x12C00]  }
0x3d5: {  	v13 =	vadd.f32 v14, v13;
	v12 =	vadd.f32 v61, v60;
	v61 =	vmul.f32 v23, v6;
	v23 =	vld [tilespmem:$0x12C40]  }
0x3d6: {  	v14 =	vadd.f32 v58, v62;
	v58 =	vmul.f32 v26, v5;
	v26 =	vld [tilespmem:$0x12CB0];
	v8 =	vadd.f32 v15, v8  }
0x3d7: {  	v62 =	vmul.f32 v24, v7;
	v10 =	vadd.f32 v59, v10;
	v15 =	vld [tilespmem:$0x12BF0];
	v0 =	vadd.f32 v9, v0  }
0x3d8: {  	v59 =	vadd.f32 v13, v11;
	v60 =	vadd.f32 v14, v12;
	v14 =	vld [tilespmem:$0x12C20];
	v13 =	vmul.f32 v31, v6  }
0x3d9: {  	v31 =	vmul.f32 v40, v7;
	v40 =	vld [tilespmem:$0x12D00];
	v18 =	vmul.f32 v18, v1  }
0x3da: {  	v10 =	vadd.f32 v10, v8;
	v8 =	vadd.f32 v59, v0;
	v59 =	vmul.f32 v27, v1;
	v27 =	vld [tilespmem:$0x12C60]  }
0x3db: {  	v20 =	vmul.f32 v20, v2;
	v0 =	vadd.f32 v62, v61;
	v62 =	vmul.f32 v30, v3;
	v30 =	vld [tilespmem:$0x12C80]  }
0x3dc: {  	v61 =	vmul.f32 v29, v63;
	v29 =	vld [tilespmem:$0x12CC0]  }
0x3dd: {  	v18 =	vadd.f32 v20, v18;
	v20 =	vld [tilespmem:$0x12DD0]  }
0x3de: {  	v19 =	vmul.f32 v19, v7;
	v9 =	vadd.f32 v60, v10;
	v10 =	vmul.f32 v25, v4;
	v25 =	vld [tilespmem:$0x12C50]  }
0x3df: {  	v17 =	vmul.f32 v17, v6;
	v60 =	vmul.f32 v28, v2;
	v28 =	vld [tilespmem:$0x12C70]  }
0x3e0: {  	v22 =	vmul.f32 v22, v63;
	v12 =	vadd.f32 v62, v61;
	v61 =	vmul.f32 v34, v5;
	v34 =	vld [tilespmem:$0x12CA0]  }
0x3e1: {  	v21 =	vmul.f32 v21, v5;
	v15 =	vmul.f32 v15, v3;
	v17 =	vadd.f32 v19, v17;
	v19 =	vld [tilespmem:$0x12E10]  }
0x3e2: {  	v10 =	vadd.f32 v58, v10;
	v58 =	vadd.f32 v60, v59;
	v59 =	vmul.f32 v32, v7;
	v32 =	vld [tilespmem:$0x12C90]  }
0x3e3: {  	v14 =	vmul.f32 v14, v4;
	v60 =	vmul.f32 v33, v4;
	v33 =	vld [tilespmem:$0x12CD0]  }
0x3e4: {  	v36 =	vmul.f32 v36, v2;
	v62 =	vmul.f32 v35, v1;
	v15 =	vadd.f32 v15, v22;
	v22 =	vld [tilespmem:$0x12DE0]  }
0x3e5: {  	v37 =	vmul.f32 v37, v63;
	v14 =	vadd.f32 v21, v14;
	v21 =	vld [tilespmem:$0x12E20]  }
0x3e6: {  	v52 =	vmul.f32 v52, v2;
	v0 =	vadd.f32 v10, v0;
	v10 =	vadd.f32 v36, v62;
	v36 =	vld [tilespmem:$0x12CE0]  }
0x3e7: {  	v24 =	vmul.f32 v39, v6;
	v11 =	vadd.f32 v12, v58;
	v58 =	vmul.f32 v38, v3;
	v38 =	vld [tilespmem:$0x12CF0]  }
0x3e8: {  	v13 =	vadd.f32 v59, v13;
	v59 =	vadd.f32 v61, v60;
	v61 =	vmul.f32 v42, v5;
	v42 =	vld [tilespmem:$0x12D10]  }
0x3e9: {  	v24 =	vadd.f32 v31, v24;
	v31 =	vmul.f32 v47, v6;
	v62 =	vmul.f32 v44, v2;
	v44 =	vld [tilespmem:$0x12D20]  }
0x3ea: {  	v60 =	vmul.f32 v41, v4;
	v41 =	vmul.f32 v48, v7;
	v48 =	vld [tilespmem:$0x12D40]  }
0x3eb: {  	v16 =	vmul.f32 v16, v5;
	v13 =	vadd.f32 v59, v13;
	v59 =	vmul.f32 v46, v3;
	v46 =	vld [tilespmem:$0x12D30]  }
0x3ec: {  	v26 =	vmul.f32 v26, v5;
	v12 =	vadd.f32 v58, v37;
	v31 =	vadd.f32 v41, v31;
	v41 =	vld [tilespmem:$0x12D50]  }
0x3ed: {  	v11 =	vadd.f32 v11, v0;
	v0 =	vmul.f32 v43, v1;
	v58 =	vmul.f32 v45, v63;
	v43 =	vld [tilespmem:$0x12D60]  }
0x3ee: {  	v45 =	vld [tilespmem:$0x12D90];
	v10 =	vadd.f32 v12, v10;
	v12 =	vadd.f32 v61, v60;
	v60 =	vmul.f32 v49, v4  }
0x3ef: {  	v0 =	vadd.f32 v62, v0;
	v62 =	vmul.f32 v51, v1;
	v51 =	vmul.f32 v25, v2;
	v25 =	vld [tilespmem:$0x12DF0]  }
0x3f0: {  	v61 =	vmul.f32 v50, v5;
	v10 =	vadd.f32 v10, v13;
	v12 =	vadd.f32 v12, v24;
	v24 =	vld [tilespmem:$0x12D70]  }
0x3f1: {  	v13 =	vadd.f32 v59, v58;
	v58 =	vmul.f32 v53, v63;
	v53 =	vmul.f32 v28, v3;
	v28 =	vld [tilespmem:$0x12E00]  }
0x3f2: {  	v59 =	vmul.f32 v54, v3;
	v54 =	vmul.f32 v30, v6;
	v30 =	vld [tilespmem:$0x12E30]  }
0x3f3: {  	v35 =	vadd.f32 v61, v60;
	v61 =	vmul.f32 v55, v6;
	v55 =	vmul.f32 v32, v7;
	v32 =	vld [tilespmem:$0x12E40]  }
0x3f4: {  	v37 =	vadd.f32 v52, v62;
	v62 =	vmul.f32 v56, v7;
	v56 =	vmul.f32 v34, v4;
	v34 =	vld [tilespmem:$0x12E60]  }
0x3f5: {  	v20 =	vmul.f32 v20, v2;
	v52 =	vmul.f32 v27, v63;
	v31 =	vadd.f32 v35, v31;
	v35 =	vld [tilespmem:$0x12DA0]  }
0x3f6: {  	v15 =	vadd.f32 v15, v18;
	v39 =	vadd.f32 v59, v58;
	v58 =	vmul.f32 v33, v2;
	v33 =	vld [tilespmem:$0x12E50]  }
0x3f7: {  	v19 =	vmul.f32 v19, v7;
	v49 =	vmul.f32 v57, v4;
	v18 =	vadd.f32 v53, v52;
	v52 =	vld [tilespmem:$0x12E90]  }
0x3f8: {  	v50 =	vmul.f32 v23, v1;
	v57 =	vmul.f32 v29, v1;
	v23 =	vadd.f32 v55, v54;
	v54 =	vld [tilespmem:$0x12EA0]  }
0x3f9: {  	v22 =	vmul.f32 v22, v63;
	v21 =	vmul.f32 v21, v4;
	v55 =	vld [tilespmem:$0x12EB0]  }
0x3fa: {  	v16 =	vadd.f32 v16, v49;
	v49 =	vmul.f32 v44, v4;
	v53 =	vmul.f32 v43, v63;
	v43 =	vld [tilespmem:$0x12FF0]  }
0x3fb: {  	v41 =	vmul.f32 v41, v2;
	v0 =	vadd.f32 v13, v0;
	v60 =	vadd.f32 v39, v37;
	v37 =	vld [tilespmem:$0x12D80]  }
0x3fc: {  	v59 =	vmul.f32 v36, v63;
	v25 =	vmul.f32 v25, v3;
	v39 =	vld [tilespmem:$0x12DB0]  }
0x3fd: {  	v13 =	vadd.f32 v0, v12;
	v0 =	vadd.f32 v62, v61;
	v62 =	vmul.f32 v42, v7;
	v42 =	vld [tilespmem:$0x12E80]  }
0x3fe: {  	v17 =	vadd.f32 v14, v17;
	v61 =	vmul.f32 v40, v6;
	v40 =	vmul.f32 v30, v5;
	v30 =	vld [tilespmem:$0x12F40]  }
0x3ff: {  	v24 =	vmul.f32 v24, v3;
	v28 =	vmul.f32 v28, v6;
	v12 =	vadd.f32 v60, v31;
	v31 =	vld [tilespmem:$0x12DC0]  }
0x400: {  	v22 =	vadd.f32 v25, v22;
	v0 =	vadd.f32 v16, v0;
	v60 =	vmul.f32 v38, v3;
	v38 =	vld [tilespmem:$0x12E70]  }
0x401: {  	v47 =	vmul.f32 v34, v63;
	v16 =	vadd.f32 v51, v50;
	v27 =	vadd.f32 v62, v61;
	v61 =	vld [tilespmem:$0x12F00]  }
0x402: {  	v50 =	vmul.f32 v46, v5;
	v51 =	vmul.f32 v48, v1;
	v62 =	vld [tilespmem:$0x12F10];
	v19 =	vadd.f32 v19, v28  }
0x403: {  	v46 =	vld [tilespmem:$0x12F50];
	v21 =	vadd.f32 v40, v21;
	v52 =	vmul.f32 v52, v7;
	v16 =	vadd.f32 v18, v16  }
0x404: {  	v28 =	vld [tilespmem:$0x12F80];
	v54 =	vmul.f32 v54, v4;
	v14 =	vadd.f32 v15, v0;
	v18 =	vadd.f32 v26, v56  }
0x405: {  	v36 =	vmul.f32 v55, v5;
	v55 =	vld [tilespmem:$0x12FA0];
	v0 =	vadd.f32 v58, v57;
	v26 =	vadd.f32 v50, v49  }
0x406: {  	v40 =	vld [tilespmem:$0x12FE0];
	v29 =	vadd.f32 v41, v51;
	v58 =	vmul.f32 v45, v7;
	v41 =	vmul.f32 v32, v1  }
0x407: {  	v45 =	vmul.f32 v33, v2;
	v49 =	vld [tilespmem:$0x12F60];
	v57 =	vmul.f32 v37, v6;
	v19 =	vadd.f32 v21, v19  }
0x408: {  	v50 =	vld [tilespmem:$0x12F70];
	v51 =	vmul.f32 v42, v6;
	v15 =	vadd.f32 v16, v17;
	v16 =	vadd.f32 v60, v59  }
0x409: {  	v17 =	vadd.f32 v24, v53;
	v24 =	vld [tilespmem:$0x12EC0];
	v18 =	vadd.f32 v18, v23;
	v59 =	vmul.f32 v35, v4  }
0x40a: {  	v56 =	vadd.f32 v26, v27;
	v26 =	vld [tilespmem:$0x12EE0];
	v60 =	vmul.f32 v39, v5;
	v31 =	vmul.f32 v31, v1  }
0x40b: {  	v35 =	vld [tilespmem:$0x12F20];
	v48 =	vmul.f32 v38, v3;
	v21 =	vadd.f32 v52, v51;
	v61 =	vmul.f32 v61, v6  }
0x40c: {  	v53 =	vld [tilespmem:$0x12F90];
	v27 =	vmul.f32 v62, v7;
	v42 =	vmul.f32 v46, v2;
	v0 =	vadd.f32 v16, v0  }
0x40d: {  	v62 =	vld [tilespmem:$0x12FD0];
	v17 =	vadd.f32 v17, v29;
	v23 =	vadd.f32 v60, v59;
	v52 =	vmul.f32 v28, v6  }
0x40e: {  	v46 =	vld [tilespmem:$0x13010];
	v55 =	vmul.f32 v55, v4;
	v20 =	vadd.f32 v20, v31;
	v44 =	vmul.f32 v49, v63  }
0x40f: {  	v16 =	vld [tilespmem:$0x12ED0];
	v25 =	vmul.f32 v50, v3;
	v27 =	vadd.f32 v27, v61;
	v0 =	vadd.f32 v0, v18  }
0x410: {  	v29 =	vld [tilespmem:$0x12EF0];
	v61 =	vmul.f32 v40, v63;
	v17 =	vadd.f32 v17, v56;
	v18 =	vadd.f32 v58, v57  }
0x411: {  	v31 =	vld [tilespmem:$0x12F30];
	v20 =	vadd.f32 v22, v20;
	v22 =	vadd.f32 v48, v47;
	v56 =	vmul.f32 v24, v1  }
0x412: {  	(xrf2) =	vadd.scan.msk.f32 $0xffff, v8;
	v49 =	vld [tilespmem:$0x13030];
	v58 =	vmul.f32 v26, v63;
	v25 =	vadd.f32 v25, v44;
	v53 =	vmul.f32 v53, v7  }
0x413: {  	(xrf2) =	vadd.scan.msk.f32 $0xffff, v9;
	v57 =	vld [tilespmem:$0x12FB0];
	v35 =	vmul.f32 v35, v4;
	v18 =	vadd.f32 v23, v18;
	v23 =	vadd.f32 v45, v41  }
0x414: {  	(xrf2) =	vadd.scan.msk.f32 $0xffff, v11;
	v60 =	vld [tilespmem:$0x12FC0];
	v41 =	vmul.f32 v30, v1;
	v16 =	vmul.f32 v16, v2;
	v11 =	vadd.f32 v53, v52  }
0x415: {  	v47 =	vld [tilespmem:$0x13020];
	v59 =	vmul.f32 v29, v3;
	v22 =	vadd.f32 v22, v23;
	v18 =	vadd.f32 v20, v18  }
0x416: {  	v45 =	vld [tilespmem:$0x13000];
	v23 =	vadd.f32 v36, v54;
	v31 =	vmul.f32 v31, v5;
	v20 =	vadd.f32 v42, v41  }
0x417: {  	v51 =	vld [tilespmem:$0x13040];
	v29 =	vmul.f32 v49, v5;
	v16 =	vadd.f32 v16, v56;
	v19 =	vadd.f32 v22, v19  }
0x418: {  	v54 =	vld [tilespmem:$0x13050];
	v56 =	vmul.f32 v57, v5;
	v22 =	vadd.f32 v59, v58;
	v31 =	vadd.f32 v31, v35  }
0x419: {  	(xrf2) =	vadd.scan.msk.f32 $0xffff, v10;
	v57 =	vld [tilespmem:$0x13060];
	v48 =	vadd.f32 v23, v21;
	v58 =	vmul.f32 v60, v1;
	v59 =	vmul.f32 v62, v2  }
0x41a: {  	(xrf2) =	vadd.scan.msk.f32 $0xffff, v13;
	v20 =	vadd.f32 v25, v20;
	v60 =	vld [tilespmem:$0x13070];
	v62 =	vmul.f32 v43, v3;
	v28 =	vmul.f32 v47, v4  }
0x41b: {  	(xrf2) =	vadd.scan.msk.f32 $0xffff, v12;
	v10 =	vadd.f32 v56, v55;
	v25 =	vmul.f32 v45, v6;
	v16 =	vadd.f32 v22, v16  }
0x41c: {  	(xrf2) =	vadd.scan.msk.f32 $0xffff, v14;
	v50 =	vadd.f32 v31, v27;
	v13 =	vadd.f32 v59, v58;
	v27 =	vmul.f32 v46, v7  }
0x41d: {  	(xrf2) =	vadd.scan.msk.f32 $0xffff, v15;
	v12 =	vadd.f32 v62, v61;
	v31 =	vmul.f32 v51, v1;
	v4 =	vadd.f32 v29, v28  }
0x41e: {  	(xrf2) =	vadd.scan.msk.f32 $0xffff, v0;
	v30 =	vadd.f32 v10, v11;
	v32 =	vmul.f32 v54, v2;
	v8 =	vadd.f32 v16, v48  }
0x41f: {  	(xrf2) =	vadd.scan.msk.f32 $0xffff, v17;
	v9 =	vadd.f32 v20, v50;
	v34 =	vmul.f32 v57, v63;
	v35 =	vmul.f32 v60, v3  }
0x420: {  	v36, _, _ =	vpop (xrf2);
	(xrf2) =	vadd.scan.msk.f32 $0xffff, v18;
	v33 =	vadd.f32 v12, v13;
	v6 =	vadd.f32 v27, v25  }
0x421: {  	v37, _, _ =	vpop (xrf2);
	(xrf2) =	vadd.scan.msk.f32 $0xffff, v19;
	v1 =	vadd.f32 v32, v31;
	v38 =	vadd.f32 v35, v34  }
0x422: {  	v39 =	vbroadcast v36, $0xF;
	v5 =	vbroadcast v37, $0xF;
	v40, _, _ =	vpop (xrf2);
	(xrf2) =	vadd.scan.msk.f32 $0xffff, v8;
	v0 =	vadd.f32 v33, v30  }
0x423: {  	v41, _, _ =	vpop (xrf2);
	v7 =	vbroadcast v40, $0xF;
	v4 =	vadd.f32 v4, v6;
	(xrf2) =	vadd.scan.msk.f32 $0xffff, v9;
	v1 =	vadd.f32 v38, v1  }
0x424: {  	v42 =	vsel vm0, v39, v5;
	v43 =	vbroadcast v41, $0xF;
	v44, _, _ =	vpop (xrf2);
	(xrf2) =	vadd.scan.msk.f32 $0xffff, v0  }
0x425: {  	v45, _, _ =	vpop (xrf2);
	v5 =	vbroadcast v44, $0xF;
	v2 =	vsel vm1, v42, v7;
	v1 =	vadd.f32 v1, v4  }
0x426: {  	v46, _, _ =	vpop (xrf2);
	v2 =	vsel vm2, v2, v43;
	v0 =	vbroadcast v45, $0xF  }
0x427: {  	v47 =	vbroadcast v46, $0xF;
	v48, _, _ =	vpop (xrf2);
	v2 =	vsel vm3, v2, v5;
	(xrf2) =	vadd.scan.msk.f32 $0xffff, v1  }
0x428: {  	v49, _, _ =	vpop (xrf2);
	v50 =	vbroadcast v48, $0xF;
	v0 =	vsel vm4, v2, v0  }
0x429: {  	v51, _, _ =	vpop (xrf2);
	v0 =	vsel vm5, v0, v47;
	v1 =	vbroadcast v49, $0xF  }
0x42a: {  	v53 =	vbroadcast v51, $0xF;
	v52, _, _ =	vpop (xrf2);
	v0 =	vsel vm6, v0, v50  }
0x42b: {  	v55 =	vbroadcast v52, $0xF;
	v54, _, _ =	vpop (xrf2);
	v0 =	vsel vm7, v0, v1  }
0x42c: {  	v57 =	vbroadcast v54, $0xF;
	v56, _, _ =	vpop (xrf2);
	v0 =	vsel vm8, v0, v53  }
0x42d: {  	s29 =	sadd.s32 $0x1, s29;
	v58, _, _ =	vpop (xrf2);
	v0 =	vsel vm9, v0, v55;
	v59 =	vbroadcast v56, $0xF  }
0x42e: {  	p0 =	sne.s32 s29, $0x40;
	v60, _, _ =	vpop (xrf2);
	v0 =	vsel vm10, v0, v57;
	v61 =	vbroadcast v58, $0xF  }
.Ltmp2:
0x42f: {  	v0 =	vsel vm11, v0, v59;
	v62 =	vbroadcast v60, $0xF;
	(pc) =	sbr.rel @p0 .LBB2_3-.Ltmp2, $4  }
0x430: {  	v0 =	vsel vm12, v0, v61  }
0x431: {  	v0 =	vsel vm13, v0, v62;
	v63, _, _ =	vpop (xrf2)  }
0x432: {  	v0 =	vsel vm14, v0, v63  }
0x433: {  	[tilespmem:s30+$0x13080] =	vst v0  }
0x434: {  	s26 =	sadd.s32 $0x1, s26  }
0x435: {  	p0 =	sne.s32 s26, $0x4  }
.Ltmp3:
0x436: {  	s0 =	sadd.s32 s8, s28;
	(pc) =	sbr.rel @p0 .LBB2_2-.Ltmp3, $4  }
0x437: {  	[hbm4b:s0+s4] =	stream.linear.scatter [tilespmem:s24], [sflag:$0x4], $0x4000, $0x38;
	[tilespmem:$0x17080] =	vst v63  }
0x438: {  	_ =	swait.ge [sflag:s11], $0x4000  }
0x439: {  	[sflag:s11] =	ssyncset.done $0x0  }
0x43a: {  	[sflag:s11] =	ssyncadd.s32 $0xFFFFC000  }
0x43b: {  	s1 =	rddreg [dreg:$0x6]  }
0x43c: {  	s0 =	rddreg [dreg:$0x5];
	s1 =	sadd.s32 $0x1, s1  }
0x43d: {  	p0 =	sne.s32 s1, s0  }
.Ltmp4:
0x43e: {  	_ = 	snop;
	(pc) =	sbr.rel @p0 .LBB2_1-.Ltmp4, $1  }
0x43f: {  	_ =	sdelay $0x3  }
0x440: {  	_ =	sfence.sel $0x180000  }
0x441: {  	[bflag:$0x0] =	sbarrier.arrive $0xFFFF  }
0x442: {  	_ =	strace $0x90000047  }
0x443: {  	s0 =	stileid.u32;
	[bflag:$0x2] =	sbarrier.arrive $0xFFFF  }
0x444: {  	p0 =	sne.s32 s0, $0x0;
	s0 =	rddreg [dreg:$0x4]  }
0x445: {  	s0 =	sadd.s32 @!p0 $0x100000, s0  }
0x446: {  	[sflag:s0] =	ssyncadd.tile.s32 @!p0 $0x1;
	_ =	shalt  }
.Lfunc_end2:
_tile_overlayer_lowered:
.L_overlay_start_2:
0x447: {  	(tag) =	ssettag $0x2  }
0x448: {  	s0 =	rddreg [dreg:$0x0];
	s2 =	stileid.u32  }
0x449: {  	s1 =	rddreg [dreg:$0x1];
	p0 =	sne.s32 s2, $0x0  }
0x44a: {  	s3 =	rddreg [dreg:$0x2];
	[bflag:$0x3] =	sbarrier.arrive $0xFFFF;
	s2 =	simm.s32 @!p0 $0x1C04  }
0x44b: {  	[timem:s3], [sflag:s2] =	dma.local @!p0 [hbm:s0], s1  }
0x44c: {  	s0 =	simm.s32 @!p0 $0x4  }
0x44d: {  	_ =	swait.ge @!p0 [sflag:s0], s1  }
0x44e: {  	s1 =	ssub.s32 @!p0 $0x0, s1;
	[sflag:s0] =	ssyncset.done @!p0 $0x0  }
0x44f: {  	[sflag:s0] =	ssyncadd.s32 @!p0 s1  }
0x450: {  	[bflag:$0x3] =	sbarrier.arrive $0xFFFF  }
0x451: {  	_ =	shalt  }

</sc_bundles>
